<compile_context>
chip_gen: v7x
topology: tpu7x:2x2x1
jax: 0.10.2.dev20260603
libtpu: 0.0.44.dev20260713+nightly
codegen_flags: <defaults>
</compile_context>

<pallas_src>
import functools

import jax
import jax.numpy as jnp
from jax import lax
from jax.experimental import pallas as pl
from jax.experimental.pallas import tpu as pltpu
from jax.experimental.pallas import tpu_sc as plsc

N_I = 50000
N_J = 50000
N_EDGES = 1600000
D = 16
S_I = 2048
S_J = 2048

NC = 2
NS = 16
NW = NC * NS
EW = N_EDGES // NW
CH = 10000
NCH = EW // CH
VPC = CH // 16
MW = 1568
SURV_CAP = 1024
SROW = S_I // NW
EPS = 1e-6


def _sqrt_vec(x):
    xi = plsc.bitcast(x, jnp.int32)
    yi = (xi >> 1) + jnp.int32(0x1FBD1DF5)
    y = plsc.bitcast(yi, jnp.float32)
    for _ in range(3):
        y = 0.5 * (y + x / y)
    return y


def _sc_gather_body(beta_hbm, gamma_hbm, zi_hbm, zj_hbm, smi_hbm, smj_hbm,
                    zis_out, zjs_out, betas_out, gammas_out,
                    sidx, d64r, d64s):
    wid = lax.axis_index("s") * NC + lax.axis_index("c")
    sb = wid * SROW
    pltpu.sync_copy(smi_hbm.at[pl.ds(sb, SROW)], sidx)
    pltpu.sync_copy(zi_hbm.at[sidx], d64r)
    pltpu.sync_copy(d64r, zis_out.at[pl.ds(sb, SROW)])
    pltpu.sync_copy(beta_hbm.at[sidx], d64s)
    pltpu.sync_copy(d64s, betas_out.at[pl.ds(sb, SROW)])
    pltpu.sync_copy(smj_hbm.at[pl.ds(sb, SROW)], sidx)
    pltpu.sync_copy(zj_hbm.at[sidx], d64r)
    pltpu.sync_copy(d64r, zjs_out.at[pl.ds(sb, SROW)])
    pltpu.sync_copy(gamma_hbm.at[sidx], d64s)
    pltpu.sync_copy(d64s, gammas_out.at[pl.ds(sb, SROW)])


def _sc_params():
    return dict(
        mesh=plsc.VectorSubcoreMesh(core_axis_name="c", subcore_axis_name="s",
                                    num_cores=NC, num_subcores=NS),
        compiler_params=pltpu.CompilerParams(needs_layout_passes=False,
                                             use_tc_tiling_on_sc=False),
    )


@functools.cache
def _sc_gather_call():
    return pl.kernel(
        _sc_gather_body,
        out_type=[
            jax.ShapeDtypeStruct((S_I, D), jnp.float32),
            jax.ShapeDtypeStruct((S_J, D), jnp.float32),
            jax.ShapeDtypeStruct((S_I,), jnp.float32),
            jax.ShapeDtypeStruct((S_J,), jnp.float32),
        ],
        scratch_types=[
            pltpu.VMEM((SROW,), jnp.int32),
            pltpu.VMEM((SROW, D), jnp.float32),
            pltpu.VMEM((SROW,), jnp.float32),
        ],
        **_sc_params(),
    )


def _sc_body(beta_hbm, gamma_hbm, zi_hbm, zj_hbm, count_hbm, si_hbm, sj_hbm,
             smi_hbm, smj_hbm,
             link_out,
             mask_i, mask_j, cb_i0, cb_j0, cb_i1, cb_j1, sbuf, surv,
             ivals, jvals, cvals, bvals, gvals, zrows_i, zrows_j, accv,
             sem_e0, sem_e1, sem_c):
    wid = lax.axis_index("s") * NC + lax.axis_index("c")

    zf = jnp.zeros((16,), jnp.float32)
    zi0 = jnp.zeros((16,), jnp.int32)
    ones_f = jnp.ones((16,), jnp.float32)
    ones_i = jnp.ones((16,), jnp.int32)

    dsmp = pltpu.async_copy(smi_hbm, sbuf, sem_c)

    @plsc.parallel_loop(0, MW // 16, unroll=8)
    def _zero(z):
        mask_i[pl.ds(z * 16, 16)] = zi0
        mask_j[pl.ds(z * 16, 16)] = zi0

    @plsc.parallel_loop(0, SURV_CAP // 16, unroll=4)
    def _zero_surv(z):
        surv[pl.ds(z * 16, 16)] = zi0

    dsmp.wait()

    @plsc.parallel_loop(0, S_I // 16, unroll=4)
    def _scatter_ones_i(k):
        iv = sbuf[pl.ds(k * 16, 16)]
        plsc.addupdate_scatter(mask_i, [iv >> 5],
                               lax.shift_left(ones_i, iv & 31))

    pltpu.sync_copy(smj_hbm, sbuf)

    @plsc.parallel_loop(0, S_J // 16, unroll=4)
    def _scatter_ones_j(k):
        jv = sbuf[pl.ds(k * 16, 16)]
        plsc.addupdate_scatter(mask_j, [jv >> 5],
                               lax.shift_left(ones_i, jv & 31))

    ebase = wid * EW
    bufs = ((cb_i0, cb_j0, sem_e0), (cb_i1, cb_j1, sem_e1))

    def _fetch(c):
        bi, bj, sem = bufs[c % 2]
        base = ebase + c * CH
        return (pltpu.async_copy(si_hbm.at[pl.ds(base, CH)], bi, sem),
                pltpu.async_copy(sj_hbm.at[pl.ds(base, CH)], bj, sem))

    ns = jnp.int32(0)
    pend = _fetch(0)
    for c in range(NCH):
        bi, bj, _ = bufs[c % 2]
        nxt = _fetch(c + 1) if c + 1 < NCH else None
        pend[0].wait()
        pend[1].wait()
        base = ebase + c * CH

        @plsc.parallel_loop(0, VPC, unroll=4, carry=ns)
        def _vec(k, ns_):
            iv = bi[pl.ds(k * 16, 16)]
            jv = bj[pl.ds(k * 16, 16)]
            wi = plsc.load_gather(mask_i, [iv >> 5])
            wj = plsc.load_gather(mask_j, [jv >> 5])
            ti = lax.shift_right_logical(wi, iv & 31)
            tj = lax.shift_right_logical(wj, jv & 31)
            m = (ti & tj & 1) > 0
            cnt = plsc.all_reduce_population_count(m)[0]
            msel = jnp.where(m, ones_i, zi0)
            pos = plsc.cumsum(msel)
            dest = jnp.minimum(pos - 1 + ns_, SURV_CAP - 1)
            eg = (base + k * 16) + lax.iota(jnp.int32, 16)
            plsc.store_scatter(surv, [dest], eg, mask=m)
            return ns_ + cnt

        ns = _vec
        pend = nxt

    n_surv = jnp.minimum(ns, SURV_CAP)

    nblk = (n_surv + 255) // 256
    lanes = lax.iota(jnp.int32, 16)

    def _blk(blk, acc):
        b0 = blk * 256
        wave1 = []
        for c2 in range(2):
            ssl = surv.at[pl.ds(b0 + c2 * 128, 128)]
            dst = pl.ds(c2 * 128, 128)
            wave1 += [pltpu.async_copy(si_hbm.at[ssl], ivals.at[dst], sem_c),
                      pltpu.async_copy(sj_hbm.at[ssl], jvals.at[dst], sem_c),
                      pltpu.async_copy(count_hbm.at[ssl], cvals.at[dst], sem_c)]
        for dd in wave1:
            dd.wait()
        wave2 = []
        for c2 in range(2):
            isl = ivals.at[pl.ds(c2 * 128, 128)]
            jsl = jvals.at[pl.ds(c2 * 128, 128)]
            dst = pl.ds(c2 * 128, 128)
            wave2 += [pltpu.async_copy(beta_hbm.at[isl], bvals.at[dst], sem_c),
                      pltpu.async_copy(gamma_hbm.at[jsl], gvals.at[dst], sem_c),
                      pltpu.async_copy(zi_hbm.at[isl], zrows_i.at[dst], sem_c),
                      pltpu.async_copy(zj_hbm.at[jsl], zrows_j.at[dst], sem_c)]
        for dd in wave2:
            dd.wait()

        @plsc.parallel_loop(0, 16, unroll=4, carry=acc)
        def _cv(k, a):
            rows = k * 16 + lanes
            d2v = zf
            for d in range(D):
                dcol = jnp.full((16,), d, jnp.int32)
                av = plsc.load_gather(zrows_i, [rows, dcol])
                bvv = plsc.load_gather(zrows_j, [rows, dcol])
                diff = av - bvv + EPS
                d2v = d2v + diff * diff
            distv = _sqrt_vec(d2v)
            bv = bvals[pl.ds(k * 16, 16)]
            gv = gvals[pl.ds(k * 16, 16)]
            cv = cvals[pl.ds(k * 16, 16)]
            wv = jnp.where(b0 + k * 16 + lanes < n_surv, ones_f, zf)
            return a + (bv + gv - distv) * cv * wv

        return _cv

    acc = lax.fori_loop(0, nblk, _blk, zf)

    accv[...] = acc
    pltpu.sync_copy(accv, link_out.at[wid])


@functools.cache
def _sc_call():
    return pl.kernel(
        _sc_body,
        out_type=[
            jax.ShapeDtypeStruct((NW, 16), jnp.float32),
        ],
        scratch_types=[
            pltpu.VMEM((MW,), jnp.int32),
            pltpu.VMEM((MW,), jnp.int32),
            pltpu.VMEM((CH,), jnp.int32),
            pltpu.VMEM((CH,), jnp.int32),
            pltpu.VMEM((CH,), jnp.int32),
            pltpu.VMEM((CH,), jnp.int32),
            pltpu.VMEM((S_I,), jnp.int32),
            pltpu.VMEM((SURV_CAP,), jnp.int32),
            pltpu.VMEM((256,), jnp.int32),
            pltpu.VMEM((256,), jnp.int32),
            pltpu.VMEM((256,), jnp.float32),
            pltpu.VMEM((256,), jnp.float32),
            pltpu.VMEM((256,), jnp.float32),
            pltpu.VMEM((256, D), jnp.float32),
            pltpu.VMEM((256, D), jnp.float32),
            pltpu.VMEM((16,), jnp.float32),
            pltpu.SemaphoreType.DMA,
            pltpu.SemaphoreType.DMA,
            pltpu.SemaphoreType.DMA,
        ],
        **_sc_params(),
    )


def _dense_body(zi_ref, zjt_ref, bcol_ref, grow_ref, out_ref):
    a = zi_ref[...]
    bt = zjt_ref[...]
    ab = lax.dot_general(a, bt, (((1,), (0,)), ((), ())),
                         preferred_element_type=jnp.float32,
                         precision=lax.Precision.HIGHEST)
    na = jnp.sum(a * a, axis=1, keepdims=True)
    sa = jnp.sum(a, axis=1, keepdims=True)
    nb = jnp.sum(bt * bt, axis=0, keepdims=True)
    sb = jnp.sum(bt, axis=0, keepdims=True)
    d2 = na + nb - 2.0 * ab + (2.0 * EPS) * (sa - sb) + (D * EPS * EPS)
    lam = bcol_ref[...] + grow_ref[...] - jnp.sqrt(jnp.maximum(d2, 0.0))
    part = jnp.sum(jnp.exp(lam))

    @pl.when(pl.program_id(0) == 0)
    def _init():
        out_ref[...] = jnp.zeros_like(out_ref)

    out_ref[...] = out_ref[...] + jnp.reshape(part, (1, 1))


_BM = 256
_dense_call = pl.pallas_call(
    _dense_body,
    grid=(S_I // _BM,),
    in_specs=[
        pl.BlockSpec((_BM, D), lambda i: (i, 0)),
        pl.BlockSpec((D, S_J), lambda i: (0, 0)),
        pl.BlockSpec((_BM, 1), lambda i: (i, 0)),
        pl.BlockSpec((1, S_J), lambda i: (0, 0)),
    ],
    out_specs=pl.BlockSpec((1, 1), lambda i: (0, 0)),
    out_shape=jax.ShapeDtypeStruct((1, 1), jnp.float32),
)


def kernel(beta, gamma, latent_zi, latent_zj, count, sparse_i_idx,
           sparse_j_idx, sample_i_idx, sample_j_idx):
    si = sparse_i_idx.astype(jnp.int32)
    sj = sparse_j_idx.astype(jnp.int32)
    smi = sample_i_idx.astype(jnp.int32)
    smj = sample_j_idx.astype(jnp.int32)

    zi_s, zj_s, beta_s, gamma_s = _sc_gather_call()(
        beta, gamma, latent_zi, latent_zj, smi, smj)

    (link_parts,) = _sc_call()(
        beta, gamma, latent_zi, latent_zj, count, si, sj, smi, smj)

    dense = _dense_call(zi_s, zj_s.T,
                        beta_s.reshape(S_I, 1), gamma_s.reshape(1, S_J))

    return jnp.sum(link_parts) - dense[0, 0]

# --- scband reference (transcript-rebuilt; emitter-appended) ---
"""Pipeline reference for scband-lsm-33578054320574 (READ-ONLY COPY).

The authoritative reference and input builder live on the scoring server;
editing this copy changes nothing except your own understanding.
"""

import jax, jax.numpy as jnp
import numpy as np

N_I = 50000
N_J = 50000
N_EDGES = 1600000
LATENT_DIM = 16
SAMPLE_I = 2048
SAMPLE_J = 2048


def setup_inputs(seed: int = 0) -> dict:
    key = jax.random.key(seed)
    ks = jax.random.split(key, 10)
    beta = jax.random.normal(ks[0], (N_I,), dtype=jnp.float32)
    gamma = jax.random.normal(ks[1], (N_J,), dtype=jnp.float32)
    latent_zi = jax.random.normal(ks[2], (N_I, LATENT_DIM), dtype=jnp.float32)
    latent_zj = jax.random.normal(ks[3], (N_J, LATENT_DIM), dtype=jnp.float32)
    count = jax.random.uniform(ks[4], (N_EDGES,), dtype=jnp.float32)
    sparse_i_idx = jax.random.randint(ks[5], (N_EDGES,), 0, N_I, dtype=jnp.int64 if jax.config.jax_enable_x64 else jnp.int32)
    sparse_j_idx = jax.random.randint(ks[6], (N_EDGES,), 0, N_J, dtype=jnp.int64 if jax.config.jax_enable_x64 else jnp.int32)
    # multinomial(ones, k, replacement=False) == uniform sample without replacement
    sample_i_idx = jax.random.permutation(ks[7], N_I)[:SAMPLE_I]
    sample_j_idx = jax.random.permutation(ks[8], N_J)[:SAMPLE_J]
    return {
        "beta": beta,
        "gamma": gamma,
        "latent_zi": latent_zi,
        "latent_zj": latent_zj,
        "count": count,
        "sparse_i_idx": sparse_i_idx,
        "sparse_j_idx": sparse_j_idx,
        "sample_i_idx": sample_i_idx,
        "sample_j_idx": sample_j_idx,
    }


def reference(beta, gamma, latent_zi, latent_zj, count, sparse_i_idx, sparse_j_idx, sample_i_idx, sample_j_idx):
    # sample_network: the two spspmm calls with diagonal translator matrices restrict the
    # sparse adjacency (sparse_i_idx, sparse_j_idx, count) to rows in sample_i_idx and
    # columns in sample_j_idx. Equivalent: mask edges whose endpoints are both sampled.
    n_i = beta.shape[0]
    n_j = gamma.shape[0]
    mask_i = jnp.zeros((n_i,), dtype=bool).at[sample_i_idx].set(True)
    mask_j = jnp.zeros((n_j,), dtype=bool).at[sample_j_idx].set(True)
    edge_mask = mask_i[sparse_i_idx] & mask_j[sparse_j_idx]
    valueC = count * edge_mask.astype(count.dtype)

    # Dense sampled block term
    zi_s = jnp.take(latent_zi, sample_i_idx, axis=0)  # [Si, D]
    zj_s = jnp.take(latent_zj, sample_j_idx, axis=0)  # [Sj, D]
    z_dist = (((zi_s[:, None, :] - zj_s[None, :, :] + 1e-06) ** 2).sum(-1)) ** 0.5  # [Si, Sj]
    bias_matrix = jnp.take(beta, sample_i_idx)[:, None] + jnp.take(gamma, sample_j_idx)[None, :]
    Lambda = bias_matrix - z_dist

    # Link (edge) term over the full edge list; non-sampled edges contribute 0 via valueC mask
    zi_e = jnp.take(latent_zi, sparse_i_idx, axis=0)  # [E, D]
    zj_e = jnp.take(latent_zj, sparse_j_idx, axis=0)  # [E, D]
    z_dist_links = (((zi_e - zj_e + 1e-06) ** 2).sum(-1)) ** 0.5  # [E]
    bias_links = jnp.take(beta, sparse_i_idx) + jnp.take(gamma, sparse_j_idx)
    log_Lambda_links = (bias_links - z_dist_links) * valueC

    LL = log_Lambda_links.sum() - jnp.sum(jnp.exp(Lambda))
    return LL

if __name__ == "__main__":
    import jax
    _d = setup_inputs()
    print(jax.jit(kernel)(*tuple(_d.values())))

</pallas_src>

<mosaic_0001>
#map = affine_map<(d0, d1) -> (0)>
#map1 = affine_map<(d0, d1) -> (0, 0)>
module attributes {stable_mosaic.version = 14 : i64} {
  func.func @_sc_body(%arg0: i32, %arg1: i32, %arg2: memref<50000xf32, #tpu.memory_space<hbm>>, %arg3: memref<50000xf32, #tpu.memory_space<hbm>>, %arg4: memref<50000x16xf32, #tpu.memory_space<hbm>>, %arg5: memref<50000x16xf32, #tpu.memory_space<hbm>>, %arg6: memref<1600000xf32, #tpu.memory_space<hbm>>, %arg7: memref<1600000xi32, #tpu.memory_space<hbm>>, %arg8: memref<1600000xi32, #tpu.memory_space<hbm>>, %arg9: memref<2048xi32, #tpu.memory_space<hbm>>, %arg10: memref<2048xi32, #tpu.memory_space<hbm>>, %arg11: memref<32x16xf32, #tpu.memory_space<hbm>>, %arg12: memref<1568xi32, #tpu.memory_space<vmem>>, %arg13: memref<1568xi32, #tpu.memory_space<vmem>>, %arg14: memref<10000xi32, #tpu.memory_space<vmem>>, %arg15: memref<10000xi32, #tpu.memory_space<vmem>>, %arg16: memref<10000xi32, #tpu.memory_space<vmem>>, %arg17: memref<10000xi32, #tpu.memory_space<vmem>>, %arg18: memref<2048xi32, #tpu.memory_space<vmem>>, %arg19: memref<1024xi32, #tpu.memory_space<vmem>>, %arg20: memref<256xi32, #tpu.memory_space<vmem>>, %arg21: memref<256xi32, #tpu.memory_space<vmem>>, %arg22: memref<256xf32, #tpu.memory_space<vmem>>, %arg23: memref<256xf32, #tpu.memory_space<vmem>>, %arg24: memref<256xf32, #tpu.memory_space<vmem>>, %arg25: memref<256x16xf32, #tpu.memory_space<vmem>>, %arg26: memref<256x16xf32, #tpu.memory_space<vmem>>, %arg27: memref<16xf32, #tpu.memory_space<vmem>>, %arg28: memref<!tpu.dma_semaphore, #tpu.memory_space<semaphore_mem>>, %arg29: memref<!tpu.dma_semaphore, #tpu.memory_space<semaphore_mem>>, %arg30: memref<!tpu.dma_semaphore, #tpu.memory_space<semaphore_mem>>) attributes {dimension_semantics = [#tpu.dimension_semantics<core_parallel>, #tpu.dimension_semantics<subcore_parallel>], iteration_bounds = array<i64: 2, 16>, scalar_prefetch = 0 : i64, scratch_operands = 19 : i64, tpu.core_type = #tpu.core_type<sc_vector_subcore>, window_params = [{transform_indices = #map}, {transform_indices = #map}, {transform_indices = #map1}, {transform_indices = #map1}, {transform_indices = #map}, {transform_indices = #map}, {transform_indices = #map}, {transform_indices = #map}, {transform_indices = #map}, {transform_indices = #map1}]} {
    %mul3A = arith.constant 2 : i32
    %mul3A_0 = arith.muli %arg1, %mul3A : i32
    %add3A = arith.addi %mul3A_0, %arg0 : i32
    %broadcast_in_dim3A = arith.constant 0.000000e+00 : f32
    %broadcast_in_dim3A_1 = vector.broadcast %broadcast_in_dim3A : f32 to vector<16xf32>
    %broadcast_in_dim3A_2 = arith.constant 0 : i32
    %broadcast_in_dim3A_3 = vector.broadcast %broadcast_in_dim3A_2 : i32 to vector<16xi32>
    %broadcast_in_dim3A_4 = arith.constant 1.000000e+00 : f32
    %broadcast_in_dim3A_5 = vector.broadcast %broadcast_in_dim3A_4 : f32 to vector<16xf32>
    %broadcast_in_dim3A_6 = arith.constant 1 : i32
    %broadcast_in_dim3A_7 = vector.broadcast %broadcast_in_dim3A_6 : i32 to vector<16xi32>
    tpu.enqueue_dma source(%arg9 : memref<2048xi32, #tpu.memory_space<hbm>>) target(%arg18 : memref<2048xi32, #tpu.memory_space<vmem>>) target_semaphore(%arg30 : memref<!tpu.dma_semaphore, #tpu.memory_space<semaphore_mem>>)
    %parallel_loop3A = arith.constant 0 : i32
    %parallel_loop3A_8 = arith.constant 98 : i32
    %parallel_loop3A_9 = arith.constant 1 : i32
    scf.for %parallel_loop3A_130 = %parallel_loop3A to %parallel_loop3A_8 step %parallel_loop3A_9  : i32 {
      %parallel_loop3A_131 = arith.constant 16 : i32
      %parallel_loop3A_132 = arith.muli %parallel_loop3A_130, %parallel_loop3A_131 : i32
      %parallel_loop3A_133 = arith.index_cast %parallel_loop3A_132 : i32 to index
      %parallel_loop3A_134 = tpu.vector_load %arg12[%parallel_loop3A_133] {strides = array<i32>} : memref<1568xi32, #tpu.memory_space<vmem>>, vector<16xi32>,
      tpu.vector_store %arg12[%parallel_loop3A_133], %broadcast_in_dim3A_3 {strides = array<i32>} : memref<1568xi32, #tpu.memory_space<vmem>>, vector<16xi32>,
      %parallel_loop3A_135 = arith.constant 16 : i32
      %parallel_loop3A_136 = arith.muli %parallel_loop3A_130, %parallel_loop3A_135 : i32
      %parallel_loop3A_137 = arith.index_cast %parallel_loop3A_136 : i32 to index
      %parallel_loop3A_138 = tpu.vector_load %arg13[%parallel_loop3A_137] {strides = array<i32>} : memref<1568xi32, #tpu.memory_space<vmem>>, vector<16xi32>,
      tpu.vector_store %arg13[%parallel_loop3A_137], %broadcast_in_dim3A_3 {strides = array<i32>} : memref<1568xi32, #tpu.memory_space<vmem>>, vector<16xi32>,
    } {sc.loop_unroll_factor = 8 : i64, sc.parallel_access}
    %parallel_loop3A_10 = arith.constant 0 : i32
    %parallel_loop3A_11 = arith.constant 64 : i32
    %parallel_loop3A_12 = arith.constant 1 : i32
    scf.for %parallel_loop3A_130 = %parallel_loop3A_10 to %parallel_loop3A_11 step %parallel_loop3A_12  : i32 {
      %parallel_loop3A_131 = arith.constant 16 : i32
      %parallel_loop3A_132 = arith.muli %parallel_loop3A_130, %parallel_loop3A_131 : i32
      %parallel_loop3A_133 = arith.index_cast %parallel_loop3A_132 : i32 to index
      %parallel_loop3A_134 = tpu.vector_load %arg19[%parallel_loop3A_133] {strides = array<i32>} : memref<1024xi32, #tpu.memory_space<vmem>>, vector<16xi32>,
      tpu.vector_store %arg19[%parallel_loop3A_133], %broadcast_in_dim3A_3 {strides = array<i32>} : memref<1024xi32, #tpu.memory_space<vmem>>, vector<16xi32>,
    } {sc.loop_unroll_factor = 4 : i64, sc.parallel_access}
    tpu.wait_dma2 semaphore(%arg30 : memref<!tpu.dma_semaphore, #tpu.memory_space<semaphore_mem>>) src(%arg9 : memref<2048xi32, #tpu.memory_space<hbm>>) dst(%arg18 : memref<2048xi32, #tpu.memory_space<vmem>>)
    %parallel_loop3A_13 = arith.constant 0 : i32
    %parallel_loop3A_14 = arith.constant 128 : i32
    %parallel_loop3A_15 = arith.constant 1 : i32
    scf.for %parallel_loop3A_130 = %parallel_loop3A_13 to %parallel_loop3A_14 step %parallel_loop3A_15  : i32 {
      %parallel_loop3A_131 = arith.constant 16 : i32
      %parallel_loop3A_132 = arith.muli %parallel_loop3A_130, %parallel_loop3A_131 : i32
      %parallel_loop3A_133 = arith.index_cast %parallel_loop3A_132 : i32 to index
      %parallel_loop3A_134 = tpu.vector_load %arg18[%parallel_loop3A_133] {strides = array<i32>} : memref<2048xi32, #tpu.memory_space<vmem>>, vector<16xi32>,
      %parallel_loop3A_135 = arith.constant 5 : i32
      %parallel_loop3A_136 = vector.broadcast %parallel_loop3A_135 : i32 to vector<16xi32>
      %parallel_loop3A_137 = arith.shrsi %parallel_loop3A_134, %parallel_loop3A_136 : vector<16xi32>
      %parallel_loop3A_138 = arith.constant 31 : i32
      %parallel_loop3A_139 = vector.broadcast %parallel_loop3A_138 : i32 to vector<16xi32>
      %parallel_loop3A_140 = arith.andi %parallel_loop3A_134, %parallel_loop3A_139 : vector<16xi32>
      %parallel_loop3A_141 = arith.shli %broadcast_in_dim3A_7, %parallel_loop3A_140 : vector<16xi32>
      tpu.vector_store_idx %arg12[%parallel_loop3A_137], %parallel_loop3A_141 {add = true} : memref<1568xi32, #tpu.memory_space<vmem>>[vector<16xi32>], vector<16xi32>,
    } {sc.loop_unroll_factor = 4 : i64, sc.parallel_access}
    "tpu.region"() ({
      %run_scoped3A = tpu.sem_alloc : memref<!tpu.dma_semaphore, #tpu.memory_space<semaphore_mem>>
      tpu.enqueue_dma source(%arg10 : memref<2048xi32, #tpu.memory_space<hbm>>) target(%arg18 : memref<2048xi32, #tpu.memory_space<vmem>>) target_semaphore(%run_scoped3A : memref<!tpu.dma_semaphore, #tpu.memory_space<semaphore_mem>>)
      tpu.wait_dma2 semaphore(%run_scoped3A : memref<!tpu.dma_semaphore, #tpu.memory_space<semaphore_mem>>) src(%arg10 : memref<2048xi32, #tpu.memory_space<hbm>>) dst(%arg18 : memref<2048xi32, #tpu.memory_space<vmem>>)
      tpu.yield
    }) : () -> ()
    %parallel_loop3A_16 = arith.constant 0 : i32
    %parallel_loop3A_17 = arith.constant 128 : i32
    %parallel_loop3A_18 = arith.constant 1 : i32
    scf.for %parallel_loop3A_130 = %parallel_loop3A_16 to %parallel_loop3A_17 step %parallel_loop3A_18  : i32 {
      %parallel_loop3A_131 = arith.constant 16 : i32
      %parallel_loop3A_132 = arith.muli %parallel_loop3A_130, %parallel_loop3A_131 : i32
      %parallel_loop3A_133 = arith.index_cast %parallel_loop3A_132 : i32 to index
      %parallel_loop3A_134 = tpu.vector_load %arg18[%parallel_loop3A_133] {strides = array<i32>} : memref<2048xi32, #tpu.memory_space<vmem>>, vector<16xi32>,
      %parallel_loop3A_135 = arith.constant 5 : i32
      %parallel_loop3A_136 = vector.broadcast %parallel_loop3A_135 : i32 to vector<16xi32>
      %parallel_loop3A_137 = arith.shrsi %parallel_loop3A_134, %parallel_loop3A_136 : vector<16xi32>
      %parallel_loop3A_138 = arith.constant 31 : i32
      %parallel_loop3A_139 = vector.broadcast %parallel_loop3A_138 : i32 to vector<16xi32>
      %parallel_loop3A_140 = arith.andi %parallel_loop3A_134, %parallel_loop3A_139 : vector<16xi32>
      %parallel_loop3A_141 = arith.shli %broadcast_in_dim3A_7, %parallel_loop3A_140 : vector<16xi32>
      tpu.vector_store_idx %arg13[%parallel_loop3A_137], %parallel_loop3A_141 {add = true} : memref<1568xi32, #tpu.memory_space<vmem>>[vector<16xi32>], vector<16xi32>,
    } {sc.loop_unroll_factor = 4 : i64, sc.parallel_access}
    %mul3A_19 = arith.constant 50000 : i32
    %mul3A_20 = arith.muli %add3A, %mul3A_19 : i32
    %add3A_21 = arith.constant 0 : i32
    %add3A_22 = arith.addi %mul3A_20, %add3A_21 : i32
    %dma_start3A = tpu.memref_slice %arg7[%add3A_22] : memref<1600000xi32, #tpu.memory_space<hbm>> -> memref<10000xi32, #tpu.memory_space<hbm>>
    %dma_start3A_23 = tpu.memref_slice %arg7[%add3A_22] : memref<1600000xi32, #tpu.memory_space<hbm>> -> memref<10000xi32, #tpu.memory_space<hbm>>
    tpu.enqueue_dma source(%dma_start3A_23 : memref<10000xi32, #tpu.memory_space<hbm>>) target(%arg14 : memref<10000xi32, #tpu.memory_space<vmem>>) target_semaphore(%arg28 : memref<!tpu.dma_semaphore, #tpu.memory_space<semaphore_mem>>)
    %dma_start3A_24 = tpu.memref_slice %arg8[%add3A_22] : memref<1600000xi32, #tpu.memory_space<hbm>> -> memref<10000xi32, #tpu.memory_space<hbm>>
    %dma_start3A_25 = tpu.memref_slice %arg8[%add3A_22] : memref<1600000xi32, #tpu.memory_space<hbm>> -> memref<10000xi32, #tpu.memory_space<hbm>>
    tpu.enqueue_dma source(%dma_start3A_25 : memref<10000xi32, #tpu.memory_space<hbm>>) target(%arg15 : memref<10000xi32, #tpu.memory_space<vmem>>) target_semaphore(%arg28 : memref<!tpu.dma_semaphore, #tpu.memory_space<semaphore_mem>>)
    %add3A_26 = arith.constant 10000 : i32
    %add3A_27 = arith.addi %mul3A_20, %add3A_26 : i32
    %dma_start3A_28 = tpu.memref_slice %arg7[%add3A_27] : memref<1600000xi32, #tpu.memory_space<hbm>> -> memref<10000xi32, #tpu.memory_space<hbm>>
    %dma_start3A_29 = tpu.memref_slice %arg7[%add3A_27] : memref<1600000xi32, #tpu.memory_space<hbm>> -> memref<10000xi32, #tpu.memory_space<hbm>>
    tpu.enqueue_dma source(%dma_start3A_29 : memref<10000xi32, #tpu.memory_space<hbm>>) target(%arg16 : memref<10000xi32, #tpu.memory_space<vmem>>) target_semaphore(%arg29 : memref<!tpu.dma_semaphore, #tpu.memory_space<semaphore_mem>>)
    %dma_start3A_30 = tpu.memref_slice %arg8[%add3A_27] : memref<1600000xi32, #tpu.memory_space<hbm>> -> memref<10000xi32, #tpu.memory_space<hbm>>
    %dma_start3A_31 = tpu.memref_slice %arg8[%add3A_27] : memref<1600000xi32, #tpu.memory_space<hbm>> -> memref<10000xi32, #tpu.memory_space<hbm>>
    tpu.enqueue_dma source(%dma_start3A_31 : memref<10000xi32, #tpu.memory_space<hbm>>) target(%arg17 : memref<10000xi32, #tpu.memory_space<vmem>>) target_semaphore(%arg29 : memref<!tpu.dma_semaphore, #tpu.memory_space<semaphore_mem>>)
    %dma_wait3A = tpu.memref_slice %arg7[%add3A_22] : memref<1600000xi32, #tpu.memory_space<hbm>> -> memref<10000xi32, #tpu.memory_space<hbm>>
    %dma_wait3A_32 = tpu.memref_slice %arg7[%add3A_22] : memref<1600000xi32, #tpu.memory_space<hbm>> -> memref<10000xi32, #tpu.memory_space<hbm>>
    tpu.wait_dma2 semaphore(%arg28 : memref<!tpu.dma_semaphore, #tpu.memory_space<semaphore_mem>>) src(%dma_wait3A_32 : memref<10000xi32, #tpu.memory_space<hbm>>) dst(%arg14 : memref<10000xi32, #tpu.memory_space<vmem>>)
    %dma_wait3A_33 = tpu.memref_slice %arg8[%add3A_22] : memref<1600000xi32, #tpu.memory_space<hbm>> -> memref<10000xi32, #tpu.memory_space<hbm>>
    %dma_wait3A_34 = tpu.memref_slice %arg8[%add3A_22] : memref<1600000xi32, #tpu.memory_space<hbm>> -> memref<10000xi32, #tpu.memory_space<hbm>>
    tpu.wait_dma2 semaphore(%arg28 : memref<!tpu.dma_semaphore, #tpu.memory_space<semaphore_mem>>) src(%dma_wait3A_34 : memref<10000xi32, #tpu.memory_space<hbm>>) dst(%arg15 : memref<10000xi32, #tpu.memory_space<vmem>>)
    %add3A_35 = arith.constant 0 : i32
    %add3A_36 = arith.addi %mul3A_20, %add3A_35 : i32
    %parallel_loop3A_37 = arith.constant 0 : i32
    %parallel_loop3A_38 = arith.constant 625 : i32
    %parallel_loop3A_39 = arith.constant 1 : i32
    %parallel_loop3A_40 = arith.constant 0 : i32
    %parallel_loop3A_41 = scf.for %parallel_loop3A_130 = %parallel_loop3A_37 to %parallel_loop3A_38 step %parallel_loop3A_39 iter_args(%parallel_loop3A_131 = %parallel_loop3A_40) -> (i32)  : i32 {
      %parallel_loop3A_132 = arith.constant 16 : i32
      %parallel_loop3A_133 = arith.muli %parallel_loop3A_130, %parallel_loop3A_132 : i32
      %parallel_loop3A_134 = arith.index_cast %parallel_loop3A_133 : i32 to index
      %parallel_loop3A_135 = tpu.vector_load %arg14[%parallel_loop3A_134] {strides = array<i32>} : memref<10000xi32, #tpu.memory_space<vmem>>, vector<16xi32>,
      %parallel_loop3A_136 = arith.constant 16 : i32
      %parallel_loop3A_137 = arith.muli %parallel_loop3A_130, %parallel_loop3A_136 : i32
      %parallel_loop3A_138 = arith.index_cast %parallel_loop3A_137 : i32 to index
      %parallel_loop3A_139 = tpu.vector_load %arg15[%parallel_loop3A_138] {strides = array<i32>} : memref<10000xi32, #tpu.memory_space<vmem>>, vector<16xi32>,
      %parallel_loop3A_140 = arith.constant 5 : i32
      %parallel_loop3A_141 = vector.broadcast %parallel_loop3A_140 : i32 to vector<16xi32>
      %parallel_loop3A_142 = arith.shrsi %parallel_loop3A_135, %parallel_loop3A_141 : vector<16xi32>
      %parallel_loop3A_143 = tpu.vector_load_idx %arg12[%parallel_loop3A_142] : memref<1568xi32, #tpu.memory_space<vmem>>[vector<16xi32>], vector<16xi32>,
      %parallel_loop3A_144 = arith.constant 5 : i32
      %parallel_loop3A_145 = vector.broadcast %parallel_loop3A_144 : i32 to vector<16xi32>
      %parallel_loop3A_146 = arith.shrsi %parallel_loop3A_139, %parallel_loop3A_145 : vector<16xi32>
      %parallel_loop3A_147 = tpu.vector_load_idx %arg13[%parallel_loop3A_146] : memref<1568xi32, #tpu.memory_space<vmem>>[vector<16xi32>], vector<16xi32>,
      %parallel_loop3A_148 = arith.constant 31 : i32
      %parallel_loop3A_149 = vector.broadcast %parallel_loop3A_148 : i32 to vector<16xi32>
      %parallel_loop3A_150 = arith.andi %parallel_loop3A_135, %parallel_loop3A_149 : vector<16xi32>
      %parallel_loop3A_151 = arith.shrui %parallel_loop3A_143, %parallel_loop3A_150 : vector<16xi32>
      %parallel_loop3A_152 = arith.constant 31 : i32
      %parallel_loop3A_153 = vector.broadcast %parallel_loop3A_152 : i32 to vector<16xi32>
      %parallel_loop3A_154 = arith.andi %parallel_loop3A_139, %parallel_loop3A_153 : vector<16xi32>
      %parallel_loop3A_155 = arith.shrui %parallel_loop3A_147, %parallel_loop3A_154 : vector<16xi32>
      %parallel_loop3A_156 = arith.andi %parallel_loop3A_151, %parallel_loop3A_155 : vector<16xi32>
      %parallel_loop3A_157 = arith.constant 1 : i32
      %parallel_loop3A_158 = vector.broadcast %parallel_loop3A_157 : i32 to vector<16xi32>
      %parallel_loop3A_159 = arith.andi %parallel_loop3A_156, %parallel_loop3A_158 : vector<16xi32>
      %parallel_loop3A_160 = arith.constant 0 : i32
      %parallel_loop3A_161 = vector.broadcast %parallel_loop3A_160 : i32 to vector<16xi32>
      %parallel_loop3A_162 = arith.cmpi sgt, %parallel_loop3A_159, %parallel_loop3A_161 : vector<16xi32>
      %parallel_loop3A_163 = tpu.all_reduce %parallel_loop3A_162 {dim = 0 : i64, kind = #tpu.reduction_kind<sum>} : vector<16xi1> -> vector<16xi32>
      %parallel_loop3A_164 = vector.extract_strided_slice %parallel_loop3A_163 {offsets = [0], sizes = [1], strides = [1]} : vector<16xi32> to vector<1xi32>
      %parallel_loop3A_165 = vector.extract %parallel_loop3A_164[0] : i32 from vector<1xi32>
      %parallel_loop3A_166 = arith.select %parallel_loop3A_162, %broadcast_in_dim3A_7, %broadcast_in_dim3A_3 : vector<16xi1>, vector<16xi32>
      %parallel_loop3A_167 = arith.constant true
      %parallel_loop3A_168 = vector.broadcast %parallel_loop3A_167 : i1 to vector<16xi1>
      %parallel_loop3A_169 = tpu.scan <sum>, %parallel_loop3A_166 masked %parallel_loop3A_168 : vector<16xi32>, vector<16xi1> -> vector<16xi32>
      %parallel_loop3A_170 = arith.constant 1 : i32
      %parallel_loop3A_171 = vector.broadcast %parallel_loop3A_170 : i32 to vector<16xi32>
      %parallel_loop3A_172 = arith.subi %parallel_loop3A_169, %parallel_loop3A_171 : vector<16xi32>
      %parallel_loop3A_173 = vector.broadcast %parallel_loop3A_131 : i32 to vector<16xi32>
      %parallel_loop3A_174 = arith.addi %parallel_loop3A_172, %parallel_loop3A_173 : vector<16xi32>
      %parallel_loop3A_175 = arith.constant 1023 : i32
      %parallel_loop3A_176 = vector.broadcast %parallel_loop3A_175 : i32 to vector<16xi32>
      %parallel_loop3A_177 = arith.minsi %parallel_loop3A_174, %parallel_loop3A_176 : vector<16xi32>
      %parallel_loop3A_178 = arith.constant 16 : i32
      %parallel_loop3A_179 = arith.muli %parallel_loop3A_130, %parallel_loop3A_178 : i32
      %parallel_loop3A_180 = arith.addi %add3A_36, %parallel_loop3A_179 : i32
      %parallel_loop3A_181 = tpu.iota {dimensions = array<i32: 0>} : vector<16xi32>
      %parallel_loop3A_182 = vector.broadcast %parallel_loop3A_180 : i32 to vector<16xi32>
      %parallel_loop3A_183 = arith.addi %parallel_loop3A_182, %parallel_loop3A_181 : vector<16xi32>
      tpu.vector_store_idx %arg19[%parallel_loop3A_177], %parallel_loop3A_183 masked %parallel_loop3A_162 : memref<1024xi32, #tpu.memory_space<vmem>>[vector<16xi32>], vector<16xi32>, vector<16xi1>
      %parallel_loop3A_184 = arith.addi %parallel_loop3A_131, %parallel_loop3A_165 : i32
      scf.yield %parallel_loop3A_184 : i32
    } {sc.loop_unroll_factor = 4 : i64, sc.parallel_access}
    %add3A_42 = arith.constant 20000 : i32
    %add3A_43 = arith.addi %mul3A_20, %add3A_42 : i32
    %dma_start3A_44 = tpu.memref_slice %arg7[%add3A_43] : memref<1600000xi32, #tpu.memory_space<hbm>> -> memref<10000xi32, #tpu.memory_space<hbm>>
    %dma_start3A_45 = tpu.memref_slice %arg7[%add3A_43] : memref<1600000xi32, #tpu.memory_space<hbm>> -> memref<10000xi32, #tpu.memory_space<hbm>>
    tpu.enqueue_dma source(%dma_start3A_45 : memref<10000xi32, #tpu.memory_space<hbm>>) target(%arg14 : memref<10000xi32, #tpu.memory_space<vmem>>) target_semaphore(%arg28 : memref<!tpu.dma_semaphore, #tpu.memory_space<semaphore_mem>>)
    %dma_start3A_46 = tpu.memref_slice %arg8[%add3A_43] : memref<1600000xi32, #tpu.memory_space<hbm>> -> memref<10000xi32, #tpu.memory_space<hbm>>
    %dma_start3A_47 = tpu.memref_slice %arg8[%add3A_43] : memref<1600000xi32, #tpu.memory_space<hbm>> -> memref<10000xi32, #tpu.memory_space<hbm>>
    tpu.enqueue_dma source(%dma_start3A_47 : memref<10000xi32, #tpu.memory_space<hbm>>) target(%arg15 : memref<10000xi32, #tpu.memory_space<vmem>>) target_semaphore(%arg28 : memref<!tpu.dma_semaphore, #tpu.memory_space<semaphore_mem>>)
    %dma_wait3A_48 = tpu.memref_slice %arg7[%add3A_27] : memref<1600000xi32, #tpu.memory_space<hbm>> -> memref<10000xi32, #tpu.memory_space<hbm>>
    %dma_wait3A_49 = tpu.memref_slice %arg7[%add3A_27] : memref<1600000xi32, #tpu.memory_space<hbm>> -> memref<10000xi32, #tpu.memory_space<hbm>>
    tpu.wait_dma2 semaphore(%arg29 : memref<!tpu.dma_semaphore, #tpu.memory_space<semaphore_mem>>) src(%dma_wait3A_49 : memref<10000xi32, #tpu.memory_space<hbm>>) dst(%arg16 : memref<10000xi32, #tpu.memory_space<vmem>>)
    %dma_wait3A_50 = tpu.memref_slice %arg8[%add3A_27] : memref<1600000xi32, #tpu.memory_space<hbm>> -> memref<10000xi32, #tpu.memory_space<hbm>>
    %dma_wait3A_51 = tpu.memref_slice %arg8[%add3A_27] : memref<1600000xi32, #tpu.memory_space<hbm>> -> memref<10000xi32, #tpu.memory_space<hbm>>
    tpu.wait_dma2 semaphore(%arg29 : memref<!tpu.dma_semaphore, #tpu.memory_space<semaphore_mem>>) src(%dma_wait3A_51 : memref<10000xi32, #tpu.memory_space<hbm>>) dst(%arg17 : memref<10000xi32, #tpu.memory_space<vmem>>)
    %add3A_52 = arith.constant 10000 : i32
    %add3A_53 = arith.addi %mul3A_20, %add3A_52 : i32
    %parallel_loop3A_54 = arith.constant 0 : i32
    %parallel_loop3A_55 = arith.constant 625 : i32
    %parallel_loop3A_56 = arith.constant 1 : i32
    %parallel_loop3A_57 = scf.for %parallel_loop3A_130 = %parallel_loop3A_54 to %parallel_loop3A_55 step %parallel_loop3A_56 iter_args(%parallel_loop3A_131 = %parallel_loop3A_41) -> (i32)  : i32 {
      %parallel_loop3A_132 = arith.constant 16 : i32
      %parallel_loop3A_133 = arith.muli %parallel_loop3A_130, %parallel_loop3A_132 : i32
      %parallel_loop3A_134 = arith.index_cast %parallel_loop3A_133 : i32 to index
      %parallel_loop3A_135 = tpu.vector_load %arg16[%parallel_loop3A_134] {strides = array<i32>} : memref<10000xi32, #tpu.memory_space<vmem>>, vector<16xi32>,
      %parallel_loop3A_136 = arith.constant 16 : i32
      %parallel_loop3A_137 = arith.muli %parallel_loop3A_130, %parallel_loop3A_136 : i32
      %parallel_loop3A_138 = arith.index_cast %parallel_loop3A_137 : i32 to index
      %parallel_loop3A_139 = tpu.vector_load %arg17[%parallel_loop3A_138] {strides = array<i32>} : memref<10000xi32, #tpu.memory_space<vmem>>, vector<16xi32>,
      %parallel_loop3A_140 = arith.constant 5 : i32
      %parallel_loop3A_141 = vector.broadcast %parallel_loop3A_140 : i32 to vector<16xi32>
      %parallel_loop3A_142 = arith.shrsi %parallel_loop3A_135, %parallel_loop3A_141 : vector<16xi32>
      %parallel_loop3A_143 = tpu.vector_load_idx %arg12[%parallel_loop3A_142] : memref<1568xi32, #tpu.memory_space<vmem>>[vector<16xi32>], vector<16xi32>,
      %parallel_loop3A_144 = arith.constant 5 : i32
      %parallel_loop3A_145 = vector.broadcast %parallel_loop3A_144 : i32 to vector<16xi32>
      %parallel_loop3A_146 = arith.shrsi %parallel_loop3A_139, %parallel_loop3A_145 : vector<16xi32>
      %parallel_loop3A_147 = tpu.vector_load_idx %arg13[%parallel_loop3A_146] : memref<1568xi32, #tpu.memory_space<vmem>>[vector<16xi32>], vector<16xi32>,
      %parallel_loop3A_148 = arith.constant 31 : i32
      %parallel_loop3A_149 = vector.broadcast %parallel_loop3A_148 : i32 to vector<16xi32>
      %parallel_loop3A_150 = arith.andi %parallel_loop3A_135, %parallel_loop3A_149 : vector<16xi32>
      %parallel_loop3A_151 = arith.shrui %parallel_loop3A_143, %parallel_loop3A_150 : vector<16xi32>
      %parallel_loop3A_152 = arith.constant 31 : i32
      %parallel_loop3A_153 = vector.broadcast %parallel_loop3A_152 : i32 to vector<16xi32>
      %parallel_loop3A_154 = arith.andi %parallel_loop3A_139, %parallel_loop3A_153 : vector<16xi32>
      %parallel_loop3A_155 = arith.shrui %parallel_loop3A_147, %parallel_loop3A_154 : vector<16xi32>
      %parallel_loop3A_156 = arith.andi %parallel_loop3A_151, %parallel_loop3A_155 : vector<16xi32>
      %parallel_loop3A_157 = arith.constant 1 : i32
      %parallel_loop3A_158 = vector.broadcast %parallel_loop3A_157 : i32 to vector<16xi32>
      %parallel_loop3A_159 = arith.andi %parallel_loop3A_156, %parallel_loop3A_158 : vector<16xi32>
      %parallel_loop3A_160 = arith.constant 0 : i32
      %parallel_loop3A_161 = vector.broadcast %parallel_loop3A_160 : i32 to vector<16xi32>
      %parallel_loop3A_162 = arith.cmpi sgt, %parallel_loop3A_159, %parallel_loop3A_161 : vector<16xi32>
      %parallel_loop3A_163 = tpu.all_reduce %parallel_loop3A_162 {dim = 0 : i64, kind = #tpu.reduction_kind<sum>} : vector<16xi1> -> vector<16xi32>
      %parallel_loop3A_164 = vector.extract_strided_slice %parallel_loop3A_163 {offsets = [0], sizes = [1], strides = [1]} : vector<16xi32> to vector<1xi32>
      %parallel_loop3A_165 = vector.extract %parallel_loop3A_164[0] : i32 from vector<1xi32>
      %parallel_loop3A_166 = arith.select %parallel_loop3A_162, %broadcast_in_dim3A_7, %broadcast_in_dim3A_3 : vector<16xi1>, vector<16xi32>
      %parallel_loop3A_167 = arith.constant true
      %parallel_loop3A_168 = vector.broadcast %parallel_loop3A_167 : i1 to vector<16xi1>
      %parallel_loop3A_169 = tpu.scan <sum>, %parallel_loop3A_166 masked %parallel_loop3A_168 : vector<16xi32>, vector<16xi1> -> vector<16xi32>
      %parallel_loop3A_170 = arith.constant 1 : i32
      %parallel_loop3A_171 = vector.broadcast %parallel_loop3A_170 : i32 to vector<16xi32>
      %parallel_loop3A_172 = arith.subi %parallel_loop3A_169, %parallel_loop3A_171 : vector<16xi32>
      %parallel_loop3A_173 = vector.broadcast %parallel_loop3A_131 : i32 to vector<16xi32>
      %parallel_loop3A_174 = arith.addi %parallel_loop3A_172, %parallel_loop3A_173 : vector<16xi32>
      %parallel_loop3A_175 = arith.constant 1023 : i32
      %parallel_loop3A_176 = vector.broadcast %parallel_loop3A_175 : i32 to vector<16xi32>
      %parallel_loop3A_177 = arith.minsi %parallel_loop3A_174, %parallel_loop3A_176 : vector<16xi32>
      %parallel_loop3A_178 = arith.constant 16 : i32
      %parallel_loop3A_179 = arith.muli %parallel_loop3A_130, %parallel_loop3A_178 : i32
      %parallel_loop3A_180 = arith.addi %add3A_53, %parallel_loop3A_179 : i32
      %parallel_loop3A_181 = tpu.iota {dimensions = array<i32: 0>} : vector<16xi32>
      %parallel_loop3A_182 = vector.broadcast %parallel_loop3A_180 : i32 to vector<16xi32>
      %parallel_loop3A_183 = arith.addi %parallel_loop3A_182, %parallel_loop3A_181 : vector<16xi32>
      tpu.vector_store_idx %arg19[%parallel_loop3A_177], %parallel_loop3A_183 masked %parallel_loop3A_162 : memref<1024xi32, #tpu.memory_space<vmem>>[vector<16xi32>], vector<16xi32>, vector<16xi1>
      %parallel_loop3A_184 = arith.addi %parallel_loop3A_131, %parallel_loop3A_165 : i32
      scf.yield %parallel_loop3A_184 : i32
    } {sc.loop_unroll_factor = 4 : i64, sc.parallel_access}
    %add3A_58 = arith.constant 30000 : i32
    %add3A_59 = arith.addi %mul3A_20, %add3A_58 : i32
    %dma_start3A_60 = tpu.memref_slice %arg7[%add3A_59] : memref<1600000xi32, #tpu.memory_space<hbm>> -> memref<10000xi32, #tpu.memory_space<hbm>>
    %dma_start3A_61 = tpu.memref_slice %arg7[%add3A_59] : memref<1600000xi32, #tpu.memory_space<hbm>> -> memref<10000xi32, #tpu.memory_space<hbm>>
    tpu.enqueue_dma source(%dma_start3A_61 : memref<10000xi32, #tpu.memory_space<hbm>>) target(%arg16 : memref<10000xi32, #tpu.memory_space<vmem>>) target_semaphore(%arg29 : memref<!tpu.dma_semaphore, #tpu.memory_space<semaphore_mem>>)
    %dma_start3A_62 = tpu.memref_slice %arg8[%add3A_59] : memref<1600000xi32, #tpu.memory_space<hbm>> -> memref<10000xi32, #tpu.memory_space<hbm>>
    %dma_start3A_63 = tpu.memref_slice %arg8[%add3A_59] : memref<1600000xi32, #tpu.memory_space<hbm>> -> memref<10000xi32, #tpu.memory_space<hbm>>
    tpu.enqueue_dma source(%dma_start3A_63 : memref<10000xi32, #tpu.memory_space<hbm>>) target(%arg17 : memref<10000xi32, #tpu.memory_space<vmem>>) target_semaphore(%arg29 : memref<!tpu.dma_semaphore, #tpu.memory_space<semaphore_mem>>)
    %dma_wait3A_64 = tpu.memref_slice %arg7[%add3A_43] : memref<1600000xi32, #tpu.memory_space<hbm>> -> memref<10000xi32, #tpu.memory_space<hbm>>
    %dma_wait3A_65 = tpu.memref_slice %arg7[%add3A_43] : memref<1600000xi32, #tpu.memory_space<hbm>> -> memref<10000xi32, #tpu.memory_space<hbm>>
    tpu.wait_dma2 semaphore(%arg28 : memref<!tpu.dma_semaphore, #tpu.memory_space<semaphore_mem>>) src(%dma_wait3A_65 : memref<10000xi32, #tpu.memory_space<hbm>>) dst(%arg14 : memref<10000xi32, #tpu.memory_space<vmem>>)
    %dma_wait3A_66 = tpu.memref_slice %arg8[%add3A_43] : memref<1600000xi32, #tpu.memory_space<hbm>> -> memref<10000xi32, #tpu.memory_space<hbm>>
    %dma_wait3A_67 = tpu.memref_slice %arg8[%add3A_43] : memref<1600000xi32, #tpu.memory_space<hbm>> -> memref<10000xi32, #tpu.memory_space<hbm>>
    tpu.wait_dma2 semaphore(%arg28 : memref<!tpu.dma_semaphore, #tpu.memory_space<semaphore_mem>>) src(%dma_wait3A_67 : memref<10000xi32, #tpu.memory_space<hbm>>) dst(%arg15 : memref<10000xi32, #tpu.memory_space<vmem>>)
    %add3A_68 = arith.constant 20000 : i32
    %add3A_69 = arith.addi %mul3A_20, %add3A_68 : i32
    %parallel_loop3A_70 = arith.constant 0 : i32
    %parallel_loop3A_71 = arith.constant 625 : i32
    %parallel_loop3A_72 = arith.constant 1 : i32
    %parallel_loop3A_73 = scf.for %parallel_loop3A_130 = %parallel_loop3A_70 to %parallel_loop3A_71 step %parallel_loop3A_72 iter_args(%parallel_loop3A_131 = %parallel_loop3A_57) -> (i32)  : i32 {
      %parallel_loop3A_132 = arith.constant 16 : i32
      %parallel_loop3A_133 = arith.muli %parallel_loop3A_130, %parallel_loop3A_132 : i32
      %parallel_loop3A_134 = arith.index_cast %parallel_loop3A_133 : i32 to index
      %parallel_loop3A_135 = tpu.vector_load %arg14[%parallel_loop3A_134] {strides = array<i32>} : memref<10000xi32, #tpu.memory_space<vmem>>, vector<16xi32>,
      %parallel_loop3A_136 = arith.constant 16 : i32
      %parallel_loop3A_137 = arith.muli %parallel_loop3A_130, %parallel_loop3A_136 : i32
      %parallel_loop3A_138 = arith.index_cast %parallel_loop3A_137 : i32 to index
      %parallel_loop3A_139 = tpu.vector_load %arg15[%parallel_loop3A_138] {strides = array<i32>} : memref<10000xi32, #tpu.memory_space<vmem>>, vector<16xi32>,
      %parallel_loop3A_140 = arith.constant 5 : i32
      %parallel_loop3A_141 = vector.broadcast %parallel_loop3A_140 : i32 to vector<16xi32>
      %parallel_loop3A_142 = arith.shrsi %parallel_loop3A_135, %parallel_loop3A_141 : vector<16xi32>
      %parallel_loop3A_143 = tpu.vector_load_idx %arg12[%parallel_loop3A_142] : memref<1568xi32, #tpu.memory_space<vmem>>[vector<16xi32>], vector<16xi32>,
      %parallel_loop3A_144 = arith.constant 5 : i32
      %parallel_loop3A_145 = vector.broadcast %parallel_loop3A_144 : i32 to vector<16xi32>
      %parallel_loop3A_146 = arith.shrsi %parallel_loop3A_139, %parallel_loop3A_145 : vector<16xi32>
      %parallel_loop3A_147 = tpu.vector_load_idx %arg13[%parallel_loop3A_146] : memref<1568xi32, #tpu.memory_space<vmem>>[vector<16xi32>], vector<16xi32>,
      %parallel_loop3A_148 = arith.constant 31 : i32
      %parallel_loop3A_149 = vector.broadcast %parallel_loop3A_148 : i32 to vector<16xi32>
      %parallel_loop3A_150 = arith.andi %parallel_loop3A_135, %parallel_loop3A_149 : vector<16xi32>
      %parallel_loop3A_151 = arith.shrui %parallel_loop3A_143, %parallel_loop3A_150 : vector<16xi32>
      %parallel_loop3A_152 = arith.constant 31 : i32
      %parallel_loop3A_153 = vector.broadcast %parallel_loop3A_152 : i32 to vector<16xi32>
      %parallel_loop3A_154 = arith.andi %parallel_loop3A_139, %parallel_loop3A_153 : vector<16xi32>
      %parallel_loop3A_155 = arith.shrui %parallel_loop3A_147, %parallel_loop3A_154 : vector<16xi32>
      %parallel_loop3A_156 = arith.andi %parallel_loop3A_151, %parallel_loop3A_155 : vector<16xi32>
      %parallel_loop3A_157 = arith.constant 1 : i32
      %parallel_loop3A_158 = vector.broadcast %parallel_loop3A_157 : i32 to vector<16xi32>
      %parallel_loop3A_159 = arith.andi %parallel_loop3A_156, %parallel_loop3A_158 : vector<16xi32>
      %parallel_loop3A_160 = arith.constant 0 : i32
      %parallel_loop3A_161 = vector.broadcast %parallel_loop3A_160 : i32 to vector<16xi32>
      %parallel_loop3A_162 = arith.cmpi sgt, %parallel_loop3A_159, %parallel_loop3A_161 : vector<16xi32>
      %parallel_loop3A_163 = tpu.all_reduce %parallel_loop3A_162 {dim = 0 : i64, kind = #tpu.reduction_kind<sum>} : vector<16xi1> -> vector<16xi32>
      %parallel_loop3A_164 = vector.extract_strided_slice %parallel_loop3A_163 {offsets = [0], sizes = [1], strides = [1]} : vector<16xi32> to vector<1xi32>
      %parallel_loop3A_165 = vector.extract %parallel_loop3A_164[0] : i32 from vector<1xi32>
      %parallel_loop3A_166 = arith.select %parallel_loop3A_162, %broadcast_in_dim3A_7, %broadcast_in_dim3A_3 : vector<16xi1>, vector<16xi32>
      %parallel_loop3A_167 = arith.constant true
      %parallel_loop3A_168 = vector.broadcast %parallel_loop3A_167 : i1 to vector<16xi1>
      %parallel_loop3A_169 = tpu.scan <sum>, %parallel_loop3A_166 masked %parallel_loop3A_168 : vector<16xi32>, vector<16xi1> -> vector<16xi32>
      %parallel_loop3A_170 = arith.constant 1 : i32
      %parallel_loop3A_171 = vector.broadcast %parallel_loop3A_170 : i32 to vector<16xi32>
      %parallel_loop3A_172 = arith.subi %parallel_loop3A_169, %parallel_loop3A_171 : vector<16xi32>
      %parallel_loop3A_173 = vector.broadcast %parallel_loop3A_131 : i32 to vector<16xi32>
      %parallel_loop3A_174 = arith.addi %parallel_loop3A_172, %parallel_loop3A_173 : vector<16xi32>
      %parallel_loop3A_175 = arith.constant 1023 : i32
      %parallel_loop3A_176 = vector.broadcast %parallel_loop3A_175 : i32 to vector<16xi32>
      %parallel_loop3A_177 = arith.minsi %parallel_loop3A_174, %parallel_loop3A_176 : vector<16xi32>
      %parallel_loop3A_178 = arith.constant 16 : i32
      %parallel_loop3A_179 = arith.muli %parallel_loop3A_130, %parallel_loop3A_178 : i32
      %parallel_loop3A_180 = arith.addi %add3A_69, %parallel_loop3A_179 : i32
      %parallel_loop3A_181 = tpu.iota {dimensions = array<i32: 0>} : vector<16xi32>
      %parallel_loop3A_182 = vector.broadcast %parallel_loop3A_180 : i32 to vector<16xi32>
      %parallel_loop3A_183 = arith.addi %parallel_loop3A_182, %parallel_loop3A_181 : vector<16xi32>
      tpu.vector_store_idx %arg19[%parallel_loop3A_177], %parallel_loop3A_183 masked %parallel_loop3A_162 : memref<1024xi32, #tpu.memory_space<vmem>>[vector<16xi32>], vector<16xi32>, vector<16xi1>
      %parallel_loop3A_184 = arith.addi %parallel_loop3A_131, %parallel_loop3A_165 : i32
      scf.yield %parallel_loop3A_184 : i32
    } {sc.loop_unroll_factor = 4 : i64, sc.parallel_access}
    %add3A_74 = arith.constant 40000 : i32
    %add3A_75 = arith.addi %mul3A_20, %add3A_74 : i32
    %dma_start3A_76 = tpu.memref_slice %arg7[%add3A_75] : memref<1600000xi32, #tpu.memory_space<hbm>> -> memref<10000xi32, #tpu.memory_space<hbm>>
    %dma_start3A_77 = tpu.memref_slice %arg7[%add3A_75] : memref<1600000xi32, #tpu.memory_space<hbm>> -> memref<10000xi32, #tpu.memory_space<hbm>>
    tpu.enqueue_dma source(%dma_start3A_77 : memref<10000xi32, #tpu.memory_space<hbm>>) target(%arg14 : memref<10000xi32, #tpu.memory_space<vmem>>) target_semaphore(%arg28 : memref<!tpu.dma_semaphore, #tpu.memory_space<semaphore_mem>>)
    %dma_start3A_78 = tpu.memref_slice %arg8[%add3A_75] : memref<1600000xi32, #tpu.memory_space<hbm>> -> memref<10000xi32, #tpu.memory_space<hbm>>
    %dma_start3A_79 = tpu.memref_slice %arg8[%add3A_75] : memref<1600000xi32, #tpu.memory_space<hbm>> -> memref<10000xi32, #tpu.memory_space<hbm>>
    tpu.enqueue_dma source(%dma_start3A_79 : memref<10000xi32, #tpu.memory_space<hbm>>) target(%arg15 : memref<10000xi32, #tpu.memory_space<vmem>>) target_semaphore(%arg28 : memref<!tpu.dma_semaphore, #tpu.memory_space<semaphore_mem>>)
    %dma_wait3A_80 = tpu.memref_slice %arg7[%add3A_59] : memref<1600000xi32, #tpu.memory_space<hbm>> -> memref<10000xi32, #tpu.memory_space<hbm>>
    %dma_wait3A_81 = tpu.memref_slice %arg7[%add3A_59] : memref<1600000xi32, #tpu.memory_space<hbm>> -> memref<10000xi32, #tpu.memory_space<hbm>>
    tpu.wait_dma2 semaphore(%arg29 : memref<!tpu.dma_semaphore, #tpu.memory_space<semaphore_mem>>) src(%dma_wait3A_81 : memref<10000xi32, #tpu.memory_space<hbm>>) dst(%arg16 : memref<10000xi32, #tpu.memory_space<vmem>>)
    %dma_wait3A_82 = tpu.memref_slice %arg8[%add3A_59] : memref<1600000xi32, #tpu.memory_space<hbm>> -> memref<10000xi32, #tpu.memory_space<hbm>>
    %dma_wait3A_83 = tpu.memref_slice %arg8[%add3A_59] : memref<1600000xi32, #tpu.memory_space<hbm>> -> memref<10000xi32, #tpu.memory_space<hbm>>
    tpu.wait_dma2 semaphore(%arg29 : memref<!tpu.dma_semaphore, #tpu.memory_space<semaphore_mem>>) src(%dma_wait3A_83 : memref<10000xi32, #tpu.memory_space<hbm>>) dst(%arg17 : memref<10000xi32, #tpu.memory_space<vmem>>)
    %add3A_84 = arith.constant 30000 : i32
    %add3A_85 = arith.addi %mul3A_20, %add3A_84 : i32
    %parallel_loop3A_86 = arith.constant 0 : i32
    %parallel_loop3A_87 = arith.constant 625 : i32
    %parallel_loop3A_88 = arith.constant 1 : i32
    %parallel_loop3A_89 = scf.for %parallel_loop3A_130 = %parallel_loop3A_86 to %parallel_loop3A_87 step %parallel_loop3A_88 iter_args(%parallel_loop3A_131 = %parallel_loop3A_73) -> (i32)  : i32 {
      %parallel_loop3A_132 = arith.constant 16 : i32
      %parallel_loop3A_133 = arith.muli %parallel_loop3A_130, %parallel_loop3A_132 : i32
      %parallel_loop3A_134 = arith.index_cast %parallel_loop3A_133 : i32 to index
      %parallel_loop3A_135 = tpu.vector_load %arg16[%parallel_loop3A_134] {strides = array<i32>} : memref<10000xi32, #tpu.memory_space<vmem>>, vector<16xi32>,
      %parallel_loop3A_136 = arith.constant 16 : i32
      %parallel_loop3A_137 = arith.muli %parallel_loop3A_130, %parallel_loop3A_136 : i32
      %parallel_loop3A_138 = arith.index_cast %parallel_loop3A_137 : i32 to index
      %parallel_loop3A_139 = tpu.vector_load %arg17[%parallel_loop3A_138] {strides = array<i32>} : memref<10000xi32, #tpu.memory_space<vmem>>, vector<16xi32>,
      %parallel_loop3A_140 = arith.constant 5 : i32
      %parallel_loop3A_141 = vector.broadcast %parallel_loop3A_140 : i32 to vector<16xi32>
      %parallel_loop3A_142 = arith.shrsi %parallel_loop3A_135, %parallel_loop3A_141 : vector<16xi32>
      %parallel_loop3A_143 = tpu.vector_load_idx %arg12[%parallel_loop3A_142] : memref<1568xi32, #tpu.memory_space<vmem>>[vector<16xi32>], vector<16xi32>,
      %parallel_loop3A_144 = arith.constant 5 : i32
      %parallel_loop3A_145 = vector.broadcast %parallel_loop3A_144 : i32 to vector<16xi32>
      %parallel_loop3A_146 = arith.shrsi %parallel_loop3A_139, %parallel_loop3A_145 : vector<16xi32>
      %parallel_loop3A_147 = tpu.vector_load_idx %arg13[%parallel_loop3A_146] : memref<1568xi32, #tpu.memory_space<vmem>>[vector<16xi32>], vector<16xi32>,
      %parallel_loop3A_148 = arith.constant 31 : i32
      %parallel_loop3A_149 = vector.broadcast %parallel_loop3A_148 : i32 to vector<16xi32>
      %parallel_loop3A_150 = arith.andi %parallel_loop3A_135, %parallel_loop3A_149 : vector<16xi32>
      %parallel_loop3A_151 = arith.shrui %parallel_loop3A_143, %parallel_loop3A_150 : vector<16xi32>
      %parallel_loop3A_152 = arith.constant 31 : i32
      %parallel_loop3A_153 = vector.broadcast %parallel_loop3A_152 : i32 to vector<16xi32>
      %parallel_loop3A_154 = arith.andi %parallel_loop3A_139, %parallel_loop3A_153 : vector<16xi32>
      %parallel_loop3A_155 = arith.shrui %parallel_loop3A_147, %parallel_loop3A_154 : vector<16xi32>
      %parallel_loop3A_156 = arith.andi %parallel_loop3A_151, %parallel_loop3A_155 : vector<16xi32>
      %parallel_loop3A_157 = arith.constant 1 : i32
      %parallel_loop3A_158 = vector.broadcast %parallel_loop3A_157 : i32 to vector<16xi32>
      %parallel_loop3A_159 = arith.andi %parallel_loop3A_156, %parallel_loop3A_158 : vector<16xi32>
      %parallel_loop3A_160 = arith.constant 0 : i32
      %parallel_loop3A_161 = vector.broadcast %parallel_loop3A_160 : i32 to vector<16xi32>
      %parallel_loop3A_162 = arith.cmpi sgt, %parallel_loop3A_159, %parallel_loop3A_161 : vector<16xi32>
      %parallel_loop3A_163 = tpu.all_reduce %parallel_loop3A_162 {dim = 0 : i64, kind = #tpu.reduction_kind<sum>} : vector<16xi1> -> vector<16xi32>
      %parallel_loop3A_164 = vector.extract_strided_slice %parallel_loop3A_163 {offsets = [0], sizes = [1], strides = [1]} : vector<16xi32> to vector<1xi32>
      %parallel_loop3A_165 = vector.extract %parallel_loop3A_164[0] : i32 from vector<1xi32>
      %parallel_loop3A_166 = arith.select %parallel_loop3A_162, %broadcast_in_dim3A_7, %broadcast_in_dim3A_3 : vector<16xi1>, vector<16xi32>
      %parallel_loop3A_167 = arith.constant true
      %parallel_loop3A_168 = vector.broadcast %parallel_loop3A_167 : i1 to vector<16xi1>
      %parallel_loop3A_169 = tpu.scan <sum>, %parallel_loop3A_166 masked %parallel_loop3A_168 : vector<16xi32>, vector<16xi1> -> vector<16xi32>
      %parallel_loop3A_170 = arith.constant 1 : i32
      %parallel_loop3A_171 = vector.broadcast %parallel_loop3A_170 : i32 to vector<16xi32>
      %parallel_loop3A_172 = arith.subi %parallel_loop3A_169, %parallel_loop3A_171 : vector<16xi32>
      %parallel_loop3A_173 = vector.broadcast %parallel_loop3A_131 : i32 to vector<16xi32>
      %parallel_loop3A_174 = arith.addi %parallel_loop3A_172, %parallel_loop3A_173 : vector<16xi32>
      %parallel_loop3A_175 = arith.constant 1023 : i32
      %parallel_loop3A_176 = vector.broadcast %parallel_loop3A_175 : i32 to vector<16xi32>
      %parallel_loop3A_177 = arith.minsi %parallel_loop3A_174, %parallel_loop3A_176 : vector<16xi32>
      %parallel_loop3A_178 = arith.constant 16 : i32
      %parallel_loop3A_179 = arith.muli %parallel_loop3A_130, %parallel_loop3A_178 : i32
      %parallel_loop3A_180 = arith.addi %add3A_85, %parallel_loop3A_179 : i32
      %parallel_loop3A_181 = tpu.iota {dimensions = array<i32: 0>} : vector<16xi32>
      %parallel_loop3A_182 = vector.broadcast %parallel_loop3A_180 : i32 to vector<16xi32>
      %parallel_loop3A_183 = arith.addi %parallel_loop3A_182, %parallel_loop3A_181 : vector<16xi32>
      tpu.vector_store_idx %arg19[%parallel_loop3A_177], %parallel_loop3A_183 masked %parallel_loop3A_162 : memref<1024xi32, #tpu.memory_space<vmem>>[vector<16xi32>], vector<16xi32>, vector<16xi1>
      %parallel_loop3A_184 = arith.addi %parallel_loop3A_131, %parallel_loop3A_165 : i32
      scf.yield %parallel_loop3A_184 : i32
    } {sc.loop_unroll_factor = 4 : i64, sc.parallel_access}
    %dma_wait3A_90 = tpu.memref_slice %arg7[%add3A_75] : memref<1600000xi32, #tpu.memory_space<hbm>> -> memref<10000xi32, #tpu.memory_space<hbm>>
    %dma_wait3A_91 = tpu.memref_slice %arg7[%add3A_75] : memref<1600000xi32, #tpu.memory_space<hbm>> -> memref<10000xi32, #tpu.memory_space<hbm>>
    tpu.wait_dma2 semaphore(%arg28 : memref<!tpu.dma_semaphore, #tpu.memory_space<semaphore_mem>>) src(%dma_wait3A_91 : memref<10000xi32, #tpu.memory_space<hbm>>) dst(%arg14 : memref<10000xi32, #tpu.memory_space<vmem>>)
    %dma_wait3A_92 = tpu.memref_slice %arg8[%add3A_75] : memref<1600000xi32, #tpu.memory_space<hbm>> -> memref<10000xi32, #tpu.memory_space<hbm>>
    %dma_wait3A_93 = tpu.memref_slice %arg8[%add3A_75] : memref<1600000xi32, #tpu.memory_space<hbm>> -> memref<10000xi32, #tpu.memory_space<hbm>>
    tpu.wait_dma2 semaphore(%arg28 : memref<!tpu.dma_semaphore, #tpu.memory_space<semaphore_mem>>) src(%dma_wait3A_93 : memref<10000xi32, #tpu.memory_space<hbm>>) dst(%arg15 : memref<10000xi32, #tpu.memory_space<vmem>>)
    %add3A_94 = arith.constant 40000 : i32
    %add3A_95 = arith.addi %mul3A_20, %add3A_94 : i32
    %parallel_loop3A_96 = arith.constant 0 : i32
    %parallel_loop3A_97 = arith.constant 625 : i32
    %parallel_loop3A_98 = arith.constant 1 : i32
    %parallel_loop3A_99 = scf.for %parallel_loop3A_130 = %parallel_loop3A_96 to %parallel_loop3A_97 step %parallel_loop3A_98 iter_args(%parallel_loop3A_131 = %parallel_loop3A_89) -> (i32)  : i32 {
      %parallel_loop3A_132 = arith.constant 16 : i32
      %parallel_loop3A_133 = arith.muli %parallel_loop3A_130, %parallel_loop3A_132 : i32
      %parallel_loop3A_134 = arith.index_cast %parallel_loop3A_133 : i32 to index
      %parallel_loop3A_135 = tpu.vector_load %arg14[%parallel_loop3A_134] {strides = array<i32>} : memref<10000xi32, #tpu.memory_space<vmem>>, vector<16xi32>,
      %parallel_loop3A_136 = arith.constant 16 : i32
      %parallel_loop3A_137 = arith.muli %parallel_loop3A_130, %parallel_loop3A_136 : i32
      %parallel_loop3A_138 = arith.index_cast %parallel_loop3A_137 : i32 to index
      %parallel_loop3A_139 = tpu.vector_load %arg15[%parallel_loop3A_138] {strides = array<i32>} : memref<10000xi32, #tpu.memory_space<vmem>>, vector<16xi32>,
      %parallel_loop3A_140 = arith.constant 5 : i32
      %parallel_loop3A_141 = vector.broadcast %parallel_loop3A_140 : i32 to vector<16xi32>
      %parallel_loop3A_142 = arith.shrsi %parallel_loop3A_135, %parallel_loop3A_141 : vector<16xi32>
      %parallel_loop3A_143 = tpu.vector_load_idx %arg12[%parallel_loop3A_142] : memref<1568xi32, #tpu.memory_space<vmem>>[vector<16xi32>], vector<16xi32>,
      %parallel_loop3A_144 = arith.constant 5 : i32
      %parallel_loop3A_145 = vector.broadcast %parallel_loop3A_144 : i32 to vector<16xi32>
      %parallel_loop3A_146 = arith.shrsi %parallel_loop3A_139, %parallel_loop3A_145 : vector<16xi32>
      %parallel_loop3A_147 = tpu.vector_load_idx %arg13[%parallel_loop3A_146] : memref<1568xi32, #tpu.memory_space<vmem>>[vector<16xi32>], vector<16xi32>,
      %parallel_loop3A_148 = arith.constant 31 : i32
      %parallel_loop3A_149 = vector.broadcast %parallel_loop3A_148 : i32 to vector<16xi32>
      %parallel_loop3A_150 = arith.andi %parallel_loop3A_135, %parallel_loop3A_149 : vector<16xi32>
      %parallel_loop3A_151 = arith.shrui %parallel_loop3A_143, %parallel_loop3A_150 : vector<16xi32>
      %parallel_loop3A_152 = arith.constant 31 : i32
      %parallel_loop3A_153 = vector.broadcast %parallel_loop3A_152 : i32 to vector<16xi32>
      %parallel_loop3A_154 = arith.andi %parallel_loop3A_139, %parallel_loop3A_153 : vector<16xi32>
      %parallel_loop3A_155 = arith.shrui %parallel_loop3A_147, %parallel_loop3A_154 : vector<16xi32>
      %parallel_loop3A_156 = arith.andi %parallel_loop3A_151, %parallel_loop3A_155 : vector<16xi32>
      %parallel_loop3A_157 = arith.constant 1 : i32
      %parallel_loop3A_158 = vector.broadcast %parallel_loop3A_157 : i32 to vector<16xi32>
      %parallel_loop3A_159 = arith.andi %parallel_loop3A_156, %parallel_loop3A_158 : vector<16xi32>
      %parallel_loop3A_160 = arith.constant 0 : i32
      %parallel_loop3A_161 = vector.broadcast %parallel_loop3A_160 : i32 to vector<16xi32>
      %parallel_loop3A_162 = arith.cmpi sgt, %parallel_loop3A_159, %parallel_loop3A_161 : vector<16xi32>
      %parallel_loop3A_163 = tpu.all_reduce %parallel_loop3A_162 {dim = 0 : i64, kind = #tpu.reduction_kind<sum>} : vector<16xi1> -> vector<16xi32>
      %parallel_loop3A_164 = vector.extract_strided_slice %parallel_loop3A_163 {offsets = [0], sizes = [1], strides = [1]} : vector<16xi32> to vector<1xi32>
      %parallel_loop3A_165 = vector.extract %parallel_loop3A_164[0] : i32 from vector<1xi32>
      %parallel_loop3A_166 = arith.select %parallel_loop3A_162, %broadcast_in_dim3A_7, %broadcast_in_dim3A_3 : vector<16xi1>, vector<16xi32>
      %parallel_loop3A_167 = arith.constant true
      %parallel_loop3A_168 = vector.broadcast %parallel_loop3A_167 : i1 to vector<16xi1>
      %parallel_loop3A_169 = tpu.scan <sum>, %parallel_loop3A_166 masked %parallel_loop3A_168 : vector<16xi32>, vector<16xi1> -> vector<16xi32>
      %parallel_loop3A_170 = arith.constant 1 : i32
      %parallel_loop3A_171 = vector.broadcast %parallel_loop3A_170 : i32 to vector<16xi32>
      %parallel_loop3A_172 = arith.subi %parallel_loop3A_169, %parallel_loop3A_171 : vector<16xi32>
      %parallel_loop3A_173 = vector.broadcast %parallel_loop3A_131 : i32 to vector<16xi32>
      %parallel_loop3A_174 = arith.addi %parallel_loop3A_172, %parallel_loop3A_173 : vector<16xi32>
      %parallel_loop3A_175 = arith.constant 1023 : i32
      %parallel_loop3A_176 = vector.broadcast %parallel_loop3A_175 : i32 to vector<16xi32>
      %parallel_loop3A_177 = arith.minsi %parallel_loop3A_174, %parallel_loop3A_176 : vector<16xi32>
      %parallel_loop3A_178 = arith.constant 16 : i32
      %parallel_loop3A_179 = arith.muli %parallel_loop3A_130, %parallel_loop3A_178 : i32
      %parallel_loop3A_180 = arith.addi %add3A_95, %parallel_loop3A_179 : i32
      %parallel_loop3A_181 = tpu.iota {dimensions = array<i32: 0>} : vector<16xi32>
      %parallel_loop3A_182 = vector.broadcast %parallel_loop3A_180 : i32 to vector<16xi32>
      %parallel_loop3A_183 = arith.addi %parallel_loop3A_182, %parallel_loop3A_181 : vector<16xi32>
      tpu.vector_store_idx %arg19[%parallel_loop3A_177], %parallel_loop3A_183 masked %parallel_loop3A_162 : memref<1024xi32, #tpu.memory_space<vmem>>[vector<16xi32>], vector<16xi32>, vector<16xi1>
      %parallel_loop3A_184 = arith.addi %parallel_loop3A_131, %parallel_loop3A_165 : i32
      scf.yield %parallel_loop3A_184 : i32
    } {sc.loop_unroll_factor = 4 : i64, sc.parallel_access}
    %min3A = arith.constant 1024 : i32
    %min3A_100 = arith.minsi %parallel_loop3A_99, %min3A : i32
    %add3A_101 = arith.constant 255 : i32
    %add3A_102 = arith.addi %min3A_100, %add3A_101 : i32
    %jit3A = arith.constant 256 : i32
    %div3A = arith.divsi %add3A_102, %jit3A : i32
    %sign3A = arith.constant 0 : i32
    %sign3A_103 = arith.cmpi sgt, %add3A_102, %sign3A : i32
    %sign3A_104 = arith.extui %sign3A_103 : i1 to i32
    %sign3A_105 = arith.constant 0 : i32
    %sign3A_106 = arith.cmpi slt, %add3A_102, %sign3A_105 : i32
    %sign3A_107 = arith.extui %sign3A_106 : i1 to i32
    %sign3A_108 = arith.subi %sign3A_104, %sign3A_107 : i32
    %sign3A_109 = arith.constant 0 : i32
    %sign3A_110 = arith.cmpi sgt, %jit3A, %sign3A_109 : i32
    %sign3A_111 = arith.extui %sign3A_110 : i1 to i32
    %sign3A_112 = arith.constant 0 : i32
    %sign3A_113 = arith.cmpi slt, %jit3A, %sign3A_112 : i32
    %sign3A_114 = arith.extui %sign3A_113 : i1 to i32
    %sign3A_115 = arith.subi %sign3A_111, %sign3A_114 : i32
    %ne3A = arith.cmpi ne, %sign3A_108, %sign3A_115 : i32
    %rem3A = arith.remsi %add3A_102, %jit3A : i32
    %ne3A_116 = arith.constant 0 : i32
    %ne3A_117 = arith.cmpi ne, %rem3A, %ne3A_116 : i32
    %and3A = arith.andi %ne3A, %ne3A_117 : i1
    %sub3A = arith.constant 1 : i32
    %sub3A_118 = arith.subi %div3A, %sub3A : i32
    %select_n3A = arith.select %and3A, %sub3A_118, %div3A : i32
    %iota3A = tpu.iota {dimensions = array<i32: 0>} : vector<16xi32>
    %while3A = arith.constant 0 : i32
    %while3A_119 = arith.subi %select_n3A, %while3A : i32
    %while3A_120 = arith.addi %while3A, %while3A_119 : i32
    %while3A_121 = arith.constant 1 : i32
    %while3A_122 = arith.divsi %while3A_119, %while3A_121 : i32
    %while3A_123 = arith.muli %while3A_122, %while3A_121 : i32
    %while3A_124 = arith.addi %while3A, %while3A_123 : i32
    %while3A_125 = arith.constant 1 : i32
    %while3A_126 = scf.for %while3A_130 = %while3A to %while3A_124 step %while3A_125 iter_args(%while3A_131 = %broadcast_in_dim3A_1) -> (vector<16xf32>)  : i32 {
      %mul3A_132 = arith.constant 256 : i32
      %mul3A_133 = arith.muli %while3A_130, %mul3A_132 : i32
      %add3A_134 = arith.constant 0 : i32
      %add3A_135 = arith.addi %mul3A_133, %add3A_134 : i32
      %dma_start3A_136 = arith.constant 0 : i32
      %dma_start3A_137 = tpu.memref_slice %arg20[%dma_start3A_136] : memref<256xi32, #tpu.memory_space<vmem>> -> memref<128xi32, #tpu.memory_space<vmem>>
      %dma_start3A_138 = tpu.memref_slice %arg19[%add3A_135] : memref<1024xi32, #tpu.memory_space<vmem>> -> memref<128xi32, #tpu.memory_space<vmem>>
      %dma_start3A_139 = arith.constant 0 : i32
      %dma_start3A_140 = tpu.memref_slice %arg7[%dma_start3A_139] : memref<1600000xi32, #tpu.memory_space<hbm>> -> memref<1600000xi32, #tpu.memory_space<hbm>>
      tpu.enqueue_indirect_dma source(%dma_start3A_140 : memref<1600000xi32, #tpu.memory_space<hbm>>) target(%dma_start3A_137 : memref<128xi32, #tpu.memory_space<vmem>>) offsets(%dma_start3A_138 : memref<128xi32, #tpu.memory_space<vmem>>) semaphore(%arg30 : memref<!tpu.dma_semaphore, #tpu.memory_space<semaphore_mem>>)
      %dma_start3A_141 = arith.constant 0 : i32
      %dma_start3A_142 = tpu.memref_slice %arg21[%dma_start3A_141] : memref<256xi32, #tpu.memory_space<vmem>> -> memref<128xi32, #tpu.memory_space<vmem>>
      %dma_start3A_143 = tpu.memref_slice %arg19[%add3A_135] : memref<1024xi32, #tpu.memory_space<vmem>> -> memref<128xi32, #tpu.memory_space<vmem>>
      %dma_start3A_144 = arith.constant 0 : i32
      %dma_start3A_145 = tpu.memref_slice %arg8[%dma_start3A_144] : memref<1600000xi32, #tpu.memory_space<hbm>> -> memref<1600000xi32, #tpu.memory_space<hbm>>
      tpu.enqueue_indirect_dma source(%dma_start3A_145 : memref<1600000xi32, #tpu.memory_space<hbm>>) target(%dma_start3A_142 : memref<128xi32, #tpu.memory_space<vmem>>) offsets(%dma_start3A_143 : memref<128xi32, #tpu.memory_space<vmem>>) semaphore(%arg30 : memref<!tpu.dma_semaphore, #tpu.memory_space<semaphore_mem>>)
      %dma_start3A_146 = arith.constant 0 : i32
      %dma_start3A_147 = tpu.memref_slice %arg22[%dma_start3A_146] : memref<256xf32, #tpu.memory_space<vmem>> -> memref<128xf32, #tpu.memory_space<vmem>>
      %dma_start3A_148 = tpu.memref_slice %arg19[%add3A_135] : memref<1024xi32, #tpu.memory_space<vmem>> -> memref<128xi32, #tpu.memory_space<vmem>>
      %dma_start3A_149 = arith.constant 0 : i32
      %dma_start3A_150 = tpu.memref_slice %arg6[%dma_start3A_149] : memref<1600000xf32, #tpu.memory_space<hbm>> -> memref<1600000xf32, #tpu.memory_space<hbm>>
      tpu.enqueue_indirect_dma source(%dma_start3A_150 : memref<1600000xf32, #tpu.memory_space<hbm>>) target(%dma_start3A_147 : memref<128xf32, #tpu.memory_space<vmem>>) offsets(%dma_start3A_148 : memref<128xi32, #tpu.memory_space<vmem>>) semaphore(%arg30 : memref<!tpu.dma_semaphore, #tpu.memory_space<semaphore_mem>>)
      %add3A_151 = arith.constant 128 : i32
      %add3A_152 = arith.addi %mul3A_133, %add3A_151 : i32
      %dma_start3A_153 = arith.constant 128 : i32
      %dma_start3A_154 = tpu.memref_slice %arg20[%dma_start3A_153] : memref<256xi32, #tpu.memory_space<vmem>> -> memref<128xi32, #tpu.memory_space<vmem>>
      %dma_start3A_155 = tpu.memref_slice %arg19[%add3A_152] : memref<1024xi32, #tpu.memory_space<vmem>> -> memref<128xi32, #tpu.memory_space<vmem>>
      %dma_start3A_156 = arith.constant 0 : i32
      %dma_start3A_157 = tpu.memref_slice %arg7[%dma_start3A_156] : memref<1600000xi32, #tpu.memory_space<hbm>> -> memref<1600000xi32, #tpu.memory_space<hbm>>
      tpu.enqueue_indirect_dma source(%dma_start3A_157 : memref<1600000xi32, #tpu.memory_space<hbm>>) target(%dma_start3A_154 : memref<128xi32, #tpu.memory_space<vmem>>) offsets(%dma_start3A_155 : memref<128xi32, #tpu.memory_space<vmem>>) semaphore(%arg30 : memref<!tpu.dma_semaphore, #tpu.memory_space<semaphore_mem>>)
      %dma_start3A_158 = arith.constant 128 : i32
      %dma_start3A_159 = tpu.memref_slice %arg21[%dma_start3A_158] : memref<256xi32, #tpu.memory_space<vmem>> -> memref<128xi32, #tpu.memory_space<vmem>>
      %dma_start3A_160 = tpu.memref_slice %arg19[%add3A_152] : memref<1024xi32, #tpu.memory_space<vmem>> -> memref<128xi32, #tpu.memory_space<vmem>>
      %dma_start3A_161 = arith.constant 0 : i32
      %dma_start3A_162 = tpu.memref_slice %arg8[%dma_start3A_161] : memref<1600000xi32, #tpu.memory_space<hbm>> -> memref<1600000xi32, #tpu.memory_space<hbm>>
      tpu.enqueue_indirect_dma source(%dma_start3A_162 : memref<1600000xi32, #tpu.memory_space<hbm>>) target(%dma_start3A_159 : memref<128xi32, #tpu.memory_space<vmem>>) offsets(%dma_start3A_160 : memref<128xi32, #tpu.memory_space<vmem>>) semaphore(%arg30 : memref<!tpu.dma_semaphore, #tpu.memory_space<semaphore_mem>>)
      %dma_start3A_163 = arith.constant 128 : i32
      %dma_start3A_164 = tpu.memref_slice %arg22[%dma_start3A_163] : memref<256xf32, #tpu.memory_space<vmem>> -> memref<128xf32, #tpu.memory_space<vmem>>
      %dma_start3A_165 = tpu.memref_slice %arg19[%add3A_152] : memref<1024xi32, #tpu.memory_space<vmem>> -> memref<128xi32, #tpu.memory_space<vmem>>
      %dma_start3A_166 = arith.constant 0 : i32
      %dma_start3A_167 = tpu.memref_slice %arg6[%dma_start3A_166] : memref<1600000xf32, #tpu.memory_space<hbm>> -> memref<1600000xf32, #tpu.memory_space<hbm>>
      tpu.enqueue_indirect_dma source(%dma_start3A_167 : memref<1600000xf32, #tpu.memory_space<hbm>>) target(%dma_start3A_164 : memref<128xf32, #tpu.memory_space<vmem>>) offsets(%dma_start3A_165 : memref<128xi32, #tpu.memory_space<vmem>>) semaphore(%arg30 : memref<!tpu.dma_semaphore, #tpu.memory_space<semaphore_mem>>)
      %dma_wait3A_168 = arith.constant 0 : i32
      %dma_wait3A_169 = tpu.memref_slice %arg20[%dma_wait3A_168] : memref<256xi32, #tpu.memory_space<vmem>> -> memref<128xi32, #tpu.memory_space<vmem>>
      %dma_wait3A_170 = tpu.memref_slice %arg19[%add3A_135] : memref<1024xi32, #tpu.memory_space<vmem>> -> memref<128xi32, #tpu.memory_space<vmem>>
      %dma_wait3A_171 = arith.constant 0 : i32
      %dma_wait3A_172 = tpu.memref_slice %arg7[%dma_wait3A_171] : memref<1600000xi32, #tpu.memory_space<hbm>> -> memref<1600000xi32, #tpu.memory_space<hbm>>
      tpu.wait_indirect_dma semaphore(%arg30 : memref<!tpu.dma_semaphore, #tpu.memory_space<semaphore_mem>>) src(%dma_wait3A_172 : memref<1600000xi32, #tpu.memory_space<hbm>>) dst(%dma_wait3A_169 : memref<128xi32, #tpu.memory_space<vmem>>)
      %dma_wait3A_173 = arith.constant 0 : i32
      %dma_wait3A_174 = tpu.memref_slice %arg21[%dma_wait3A_173] : memref<256xi32, #tpu.memory_space<vmem>> -> memref<128xi32, #tpu.memory_space<vmem>>
      %dma_wait3A_175 = tpu.memref_slice %arg19[%add3A_135] : memref<1024xi32, #tpu.memory_space<vmem>> -> memref<128xi32, #tpu.memory_space<vmem>>
      %dma_wait3A_176 = arith.constant 0 : i32
      %dma_wait3A_177 = tpu.memref_slice %arg8[%dma_wait3A_176] : memref<1600000xi32, #tpu.memory_space<hbm>> -> memref<1600000xi32, #tpu.memory_space<hbm>>
      tpu.wait_indirect_dma semaphore(%arg30 : memref<!tpu.dma_semaphore, #tpu.memory_space<semaphore_mem>>) src(%dma_wait3A_177 : memref<1600000xi32, #tpu.memory_space<hbm>>) dst(%dma_wait3A_174 : memref<128xi32, #tpu.memory_space<vmem>>)
      %dma_wait3A_178 = arith.constant 0 : i32
      %dma_wait3A_179 = tpu.memref_slice %arg22[%dma_wait3A_178] : memref<256xf32, #tpu.memory_space<vmem>> -> memref<128xf32, #tpu.memory_space<vmem>>
      %dma_wait3A_180 = tpu.memref_slice %arg19[%add3A_135] : memref<1024xi32, #tpu.memory_space<vmem>> -> memref<128xi32, #tpu.memory_space<vmem>>
      %dma_wait3A_181 = arith.constant 0 : i32
      %dma_wait3A_182 = tpu.memref_slice %arg6[%dma_wait3A_181] : memref<1600000xf32, #tpu.memory_space<hbm>> -> memref<1600000xf32, #tpu.memory_space<hbm>>
      tpu.wait_indirect_dma semaphore(%arg30 : memref<!tpu.dma_semaphore, #tpu.memory_space<semaphore_mem>>) src(%dma_wait3A_182 : memref<1600000xf32, #tpu.memory_space<hbm>>) dst(%dma_wait3A_179 : memref<128xf32, #tpu.memory_space<vmem>>)
      %dma_wait3A_183 = arith.constant 128 : i32
      %dma_wait3A_184 = tpu.memref_slice %arg20[%dma_wait3A_183] : memref<256xi32, #tpu.memory_space<vmem>> -> memref<128xi32, #tpu.memory_space<vmem>>
      %dma_wait3A_185 = tpu.memref_slice %arg19[%add3A_152] : memref<1024xi32, #tpu.memory_space<vmem>> -> memref<128xi32, #tpu.memory_space<vmem>>
      %dma_wait3A_186 = arith.constant 0 : i32
      %dma_wait3A_187 = tpu.memref_slice %arg7[%dma_wait3A_186] : memref<1600000xi32, #tpu.memory_space<hbm>> -> memref<1600000xi32, #tpu.memory_space<hbm>>
      tpu.wait_indirect_dma semaphore(%arg30 : memref<!tpu.dma_semaphore, #tpu.memory_space<semaphore_mem>>) src(%dma_wait3A_187 : memref<1600000xi32, #tpu.memory_space<hbm>>) dst(%dma_wait3A_184 : memref<128xi32, #tpu.memory_space<vmem>>)
      %dma_wait3A_188 = arith.constant 128 : i32
      %dma_wait3A_189 = tpu.memref_slice %arg21[%dma_wait3A_188] : memref<256xi32, #tpu.memory_space<vmem>> -> memref<128xi32, #tpu.memory_space<vmem>>
      %dma_wait3A_190 = tpu.memref_slice %arg19[%add3A_152] : memref<1024xi32, #tpu.memory_space<vmem>> -> memref<128xi32, #tpu.memory_space<vmem>>
      %dma_wait3A_191 = arith.constant 0 : i32
      %dma_wait3A_192 = tpu.memref_slice %arg8[%dma_wait3A_191] : memref<1600000xi32, #tpu.memory_space<hbm>> -> memref<1600000xi32, #tpu.memory_space<hbm>>
      tpu.wait_indirect_dma semaphore(%arg30 : memref<!tpu.dma_semaphore, #tpu.memory_space<semaphore_mem>>) src(%dma_wait3A_192 : memref<1600000xi32, #tpu.memory_space<hbm>>) dst(%dma_wait3A_189 : memref<128xi32, #tpu.memory_space<vmem>>)
      %dma_wait3A_193 = arith.constant 128 : i32
      %dma_wait3A_194 = tpu.memref_slice %arg22[%dma_wait3A_193] : memref<256xf32, #tpu.memory_space<vmem>> -> memref<128xf32, #tpu.memory_space<vmem>>
      %dma_wait3A_195 = tpu.memref_slice %arg19[%add3A_152] : memref<1024xi32, #tpu.memory_space<vmem>> -> memref<128xi32, #tpu.memory_space<vmem>>
      %dma_wait3A_196 = arith.constant 0 : i32
      %dma_wait3A_197 = tpu.memref_slice %arg6[%dma_wait3A_196] : memref<1600000xf32, #tpu.memory_space<hbm>> -> memref<1600000xf32, #tpu.memory_space<hbm>>
      tpu.wait_indirect_dma semaphore(%arg30 : memref<!tpu.dma_semaphore, #tpu.memory_space<semaphore_mem>>) src(%dma_wait3A_197 : memref<1600000xf32, #tpu.memory_space<hbm>>) dst(%dma_wait3A_194 : memref<128xf32, #tpu.memory_space<vmem>>)
      %dma_start3A_198 = arith.constant 0 : i32
      %dma_start3A_199 = tpu.memref_slice %arg23[%dma_start3A_198] : memref<256xf32, #tpu.memory_space<vmem>> -> memref<128xf32, #tpu.memory_space<vmem>>
      %dma_start3A_200 = arith.constant 0 : i32
      %dma_start3A_201 = tpu.memref_slice %arg20[%dma_start3A_200] : memref<256xi32, #tpu.memory_space<vmem>> -> memref<128xi32, #tpu.memory_space<vmem>>
      %dma_start3A_202 = arith.constant 0 : i32
      %dma_start3A_203 = tpu.memref_slice %arg2[%dma_start3A_202] : memref<50000xf32, #tpu.memory_space<hbm>> -> memref<50000xf32, #tpu.memory_space<hbm>>
      tpu.enqueue_indirect_dma source(%dma_start3A_203 : memref<50000xf32, #tpu.memory_space<hbm>>) target(%dma_start3A_199 : memref<128xf32, #tpu.memory_space<vmem>>) offsets(%dma_start3A_201 : memref<128xi32, #tpu.memory_space<vmem>>) semaphore(%arg30 : memref<!tpu.dma_semaphore, #tpu.memory_space<semaphore_mem>>)
      %dma_start3A_204 = arith.constant 0 : i32
      %dma_start3A_205 = tpu.memref_slice %arg24[%dma_start3A_204] : memref<256xf32, #tpu.memory_space<vmem>> -> memref<128xf32, #tpu.memory_space<vmem>>
      %dma_start3A_206 = arith.constant 0 : i32
      %dma_start3A_207 = tpu.memref_slice %arg21[%dma_start3A_206] : memref<256xi32, #tpu.memory_space<vmem>> -> memref<128xi32, #tpu.memory_space<vmem>>
      %dma_start3A_208 = arith.constant 0 : i32
      %dma_start3A_209 = tpu.memref_slice %arg3[%dma_start3A_208] : memref<50000xf32, #tpu.memory_space<hbm>> -> memref<50000xf32, #tpu.memory_space<hbm>>
      tpu.enqueue_indirect_dma source(%dma_start3A_209 : memref<50000xf32, #tpu.memory_space<hbm>>) target(%dma_start3A_205 : memref<128xf32, #tpu.memory_space<vmem>>) offsets(%dma_start3A_207 : memref<128xi32, #tpu.memory_space<vmem>>) semaphore(%arg30 : memref<!tpu.dma_semaphore, #tpu.memory_space<semaphore_mem>>)
      %dma_start3A_210 = arith.constant 0 : i32
      %dma_start3A_211 = arith.constant 0 : i32
      %dma_start3A_212 = tpu.memref_slice %arg25[%dma_start3A_210, %dma_start3A_211] : memref<256x16xf32, #tpu.memory_space<vmem>> -> memref<128x16xf32, #tpu.memory_space<vmem>>
      %dma_start3A_213 = arith.constant 0 : i32
      %dma_start3A_214 = tpu.memref_slice %arg20[%dma_start3A_213] : memref<256xi32, #tpu.memory_space<vmem>> -> memref<128xi32, #tpu.memory_space<vmem>>
      %dma_start3A_215 = arith.constant 0 : i32
      %dma_start3A_216 = arith.constant 0 : i32
      %dma_start3A_217 = tpu.memref_slice %arg4[%dma_start3A_215, %dma_start3A_216] : memref<50000x16xf32, #tpu.memory_space<hbm>> -> memref<50000x16xf32, #tpu.memory_space<hbm>>
      tpu.enqueue_indirect_dma source(%dma_start3A_217 : memref<50000x16xf32, #tpu.memory_space<hbm>>) target(%dma_start3A_212 : memref<128x16xf32, #tpu.memory_space<vmem>>) offsets(%dma_start3A_214 : memref<128xi32, #tpu.memory_space<vmem>>) semaphore(%arg30 : memref<!tpu.dma_semaphore, #tpu.memory_space<semaphore_mem>>)
      %dma_start3A_218 = arith.constant 0 : i32
      %dma_start3A_219 = arith.constant 0 : i32
      %dma_start3A_220 = tpu.memref_slice %arg26[%dma_start3A_218, %dma_start3A_219] : memref<256x16xf32, #tpu.memory_space<vmem>> -> memref<128x16xf32, #tpu.memory_space<vmem>>
      %dma_start3A_221 = arith.constant 0 : i32
      %dma_start3A_222 = tpu.memref_slice %arg21[%dma_start3A_221] : memref<256xi32, #tpu.memory_space<vmem>> -> memref<128xi32, #tpu.memory_space<vmem>>
      %dma_start3A_223 = arith.constant 0 : i32
      %dma_start3A_224 = arith.constant 0 : i32
      %dma_start3A_225 = tpu.memref_slice %arg5[%dma_start3A_223, %dma_start3A_224] : memref<50000x16xf32, #tpu.memory_space<hbm>> -> memref<50000x16xf32, #tpu.memory_space<hbm>>
      tpu.enqueue_indirect_dma source(%dma_start3A_225 : memref<50000x16xf32, #tpu.memory_space<hbm>>) target(%dma_start3A_220 : memref<128x16xf32, #tpu.memory_space<vmem>>) offsets(%dma_start3A_222 : memref<128xi32, #tpu.memory_space<vmem>>) semaphore(%arg30 : memref<!tpu.dma_semaphore, #tpu.memory_space<semaphore_mem>>)
      %dma_start3A_226 = arith.constant 128 : i32
      %dma_start3A_227 = tpu.memref_slice %arg23[%dma_start3A_226] : memref<256xf32, #tpu.memory_space<vmem>> -> memref<128xf32, #tpu.memory_space<vmem>>
      %dma_start3A_228 = arith.constant 128 : i32
      %dma_start3A_229 = tpu.memref_slice %arg20[%dma_start3A_228] : memref<256xi32, #tpu.memory_space<vmem>> -> memref<128xi32, #tpu.memory_space<vmem>>
      %dma_start3A_230 = arith.constant 0 : i32
      %dma_start3A_231 = tpu.memref_slice %arg2[%dma_start3A_230] : memref<50000xf32, #tpu.memory_space<hbm>> -> memref<50000xf32, #tpu.memory_space<hbm>>
      tpu.enqueue_indirect_dma source(%dma_start3A_231 : memref<50000xf32, #tpu.memory_space<hbm>>) target(%dma_start3A_227 : memref<128xf32, #tpu.memory_space<vmem>>) offsets(%dma_start3A_229 : memref<128xi32, #tpu.memory_space<vmem>>) semaphore(%arg30 : memref<!tpu.dma_semaphore, #tpu.memory_space<semaphore_mem>>)
      %dma_start3A_232 = arith.constant 128 : i32
      %dma_start3A_233 = tpu.memref_slice %arg24[%dma_start3A_232] : memref<256xf32, #tpu.memory_space<vmem>> -> memref<128xf32, #tpu.memory_space<vmem>>
      %dma_start3A_234 = arith.constant 128 : i32
      %dma_start3A_235 = tpu.memref_slice %arg21[%dma_start3A_234] : memref<256xi32, #tpu.memory_space<vmem>> -> memref<128xi32, #tpu.memory_space<vmem>>
      %dma_start3A_236 = arith.constant 0 : i32
      %dma_start3A_237 = tpu.memref_slice %arg3[%dma_start3A_236] : memref<50000xf32, #tpu.memory_space<hbm>> -> memref<50000xf32, #tpu.memory_space<hbm>>
      tpu.enqueue_indirect_dma source(%dma_start3A_237 : memref<50000xf32, #tpu.memory_space<hbm>>) target(%dma_start3A_233 : memref<128xf32, #tpu.memory_space<vmem>>) offsets(%dma_start3A_235 : memref<128xi32, #tpu.memory_space<vmem>>) semaphore(%arg30 : memref<!tpu.dma_semaphore, #tpu.memory_space<semaphore_mem>>)
      %dma_start3A_238 = arith.constant 128 : i32
      %dma_start3A_239 = arith.constant 0 : i32
      %dma_start3A_240 = tpu.memref_slice %arg25[%dma_start3A_238, %dma_start3A_239] : memref<256x16xf32, #tpu.memory_space<vmem>> -> memref<128x16xf32, #tpu.memory_space<vmem>>
      %dma_start3A_241 = arith.constant 128 : i32
      %dma_start3A_242 = tpu.memref_slice %arg20[%dma_start3A_241] : memref<256xi32, #tpu.memory_space<vmem>> -> memref<128xi32, #tpu.memory_space<vmem>>
      %dma_start3A_243 = arith.constant 0 : i32
      %dma_start3A_244 = arith.constant 0 : i32
      %dma_start3A_245 = tpu.memref_slice %arg4[%dma_start3A_243, %dma_start3A_244] : memref<50000x16xf32, #tpu.memory_space<hbm>> -> memref<50000x16xf32, #tpu.memory_space<hbm>>
      tpu.enqueue_indirect_dma source(%dma_start3A_245 : memref<50000x16xf32, #tpu.memory_space<hbm>>) target(%dma_start3A_240 : memref<128x16xf32, #tpu.memory_space<vmem>>) offsets(%dma_start3A_242 : memref<128xi32, #tpu.memory_space<vmem>>) semaphore(%arg30 : memref<!tpu.dma_semaphore, #tpu.memory_space<semaphore_mem>>)
      %dma_start3A_246 = arith.constant 128 : i32
      %dma_start3A_247 = arith.constant 0 : i32
      %dma_start3A_248 = tpu.memref_slice %arg26[%dma_start3A_246, %dma_start3A_247] : memref<256x16xf32, #tpu.memory_space<vmem>> -> memref<128x16xf32, #tpu.memory_space<vmem>>
      %dma_start3A_249 = arith.constant 128 : i32
      %dma_start3A_250 = tpu.memref_slice %arg21[%dma_start3A_249] : memref<256xi32, #tpu.memory_space<vmem>> -> memref<128xi32, #tpu.memory_space<vmem>>
      %dma_start3A_251 = arith.constant 0 : i32
      %dma_start3A_252 = arith.constant 0 : i32
      %dma_start3A_253 = tpu.memref_slice %arg5[%dma_start3A_251, %dma_start3A_252] : memref<50000x16xf32, #tpu.memory_space<hbm>> -> memref<50000x16xf32, #tpu.memory_space<hbm>>
      tpu.enqueue_indirect_dma source(%dma_start3A_253 : memref<50000x16xf32, #tpu.memory_space<hbm>>) target(%dma_start3A_248 : memref<128x16xf32, #tpu.memory_space<vmem>>) offsets(%dma_start3A_250 : memref<128xi32, #tpu.memory_space<vmem>>) semaphore(%arg30 : memref<!tpu.dma_semaphore, #tpu.memory_space<semaphore_mem>>)
      %dma_wait3A_254 = arith.constant 0 : i32
      %dma_wait3A_255 = tpu.memref_slice %arg23[%dma_wait3A_254] : memref<256xf32, #tpu.memory_space<vmem>> -> memref<128xf32, #tpu.memory_space<vmem>>
      %dma_wait3A_256 = arith.constant 0 : i32
      %dma_wait3A_257 = tpu.memref_slice %arg20[%dma_wait3A_256] : memref<256xi32, #tpu.memory_space<vmem>> -> memref<128xi32, #tpu.memory_space<vmem>>
      %dma_wait3A_258 = arith.constant 0 : i32
      %dma_wait3A_259 = tpu.memref_slice %arg2[%dma_wait3A_258] : memref<50000xf32, #tpu.memory_space<hbm>> -> memref<50000xf32, #tpu.memory_space<hbm>>
      tpu.wait_indirect_dma semaphore(%arg30 : memref<!tpu.dma_semaphore, #tpu.memory_space<semaphore_mem>>) src(%dma_wait3A_259 : memref<50000xf32, #tpu.memory_space<hbm>>) dst(%dma_wait3A_255 : memref<128xf32, #tpu.memory_space<vmem>>)
      %dma_wait3A_260 = arith.constant 0 : i32
      %dma_wait3A_261 = tpu.memref_slice %arg24[%dma_wait3A_260] : memref<256xf32, #tpu.memory_space<vmem>> -> memref<128xf32, #tpu.memory_space<vmem>>
      %dma_wait3A_262 = arith.constant 0 : i32
      %dma_wait3A_263 = tpu.memref_slice %arg21[%dma_wait3A_262] : memref<256xi32, #tpu.memory_space<vmem>> -> memref<128xi32, #tpu.memory_space<vmem>>
      %dma_wait3A_264 = arith.constant 0 : i32
      %dma_wait3A_265 = tpu.memref_slice %arg3[%dma_wait3A_264] : memref<50000xf32, #tpu.memory_space<hbm>> -> memref<50000xf32, #tpu.memory_space<hbm>>
      tpu.wait_indirect_dma semaphore(%arg30 : memref<!tpu.dma_semaphore, #tpu.memory_space<semaphore_mem>>) src(%dma_wait3A_265 : memref<50000xf32, #tpu.memory_space<hbm>>) dst(%dma_wait3A_261 : memref<128xf32, #tpu.memory_space<vmem>>)
      %dma_wait3A_266 = arith.constant 0 : i32
      %dma_wait3A_267 = arith.constant 0 : i32
      %dma_wait3A_268 = tpu.memref_slice %arg25[%dma_wait3A_266, %dma_wait3A_267] : memref<256x16xf32, #tpu.memory_space<vmem>> -> memref<128x16xf32, #tpu.memory_space<vmem>>
      %dma_wait3A_269 = arith.constant 0 : i32
      %dma_wait3A_270 = tpu.memref_slice %arg20[%dma_wait3A_269] : memref<256xi32, #tpu.memory_space<vmem>> -> memref<128xi32, #tpu.memory_space<vmem>>
      %dma_wait3A_271 = arith.constant 0 : i32
      %dma_wait3A_272 = arith.constant 0 : i32
      %dma_wait3A_273 = tpu.memref_slice %arg4[%dma_wait3A_271, %dma_wait3A_272] : memref<50000x16xf32, #tpu.memory_space<hbm>> -> memref<50000x16xf32, #tpu.memory_space<hbm>>
      tpu.wait_indirect_dma semaphore(%arg30 : memref<!tpu.dma_semaphore, #tpu.memory_space<semaphore_mem>>) src(%dma_wait3A_273 : memref<50000x16xf32, #tpu.memory_space<hbm>>) dst(%dma_wait3A_268 : memref<128x16xf32, #tpu.memory_space<vmem>>)
      %dma_wait3A_274 = arith.constant 0 : i32
      %dma_wait3A_275 = arith.constant 0 : i32
      %dma_wait3A_276 = tpu.memref_slice %arg26[%dma_wait3A_274, %dma_wait3A_275] : memref<256x16xf32, #tpu.memory_space<vmem>> -> memref<128x16xf32, #tpu.memory_space<vmem>>
      %dma_wait3A_277 = arith.constant 0 : i32
      %dma_wait3A_278 = tpu.memref_slice %arg21[%dma_wait3A_277] : memref<256xi32, #tpu.memory_space<vmem>> -> memref<128xi32, #tpu.memory_space<vmem>>
      %dma_wait3A_279 = arith.constant 0 : i32
      %dma_wait3A_280 = arith.constant 0 : i32
      %dma_wait3A_281 = tpu.memref_slice %arg5[%dma_wait3A_279, %dma_wait3A_280] : memref<50000x16xf32, #tpu.memory_space<hbm>> -> memref<50000x16xf32, #tpu.memory_space<hbm>>
      tpu.wait_indirect_dma semaphore(%arg30 : memref<!tpu.dma_semaphore, #tpu.memory_space<semaphore_mem>>) src(%dma_wait3A_281 : memref<50000x16xf32, #tpu.memory_space<hbm>>) dst(%dma_wait3A_276 : memref<128x16xf32, #tpu.memory_space<vmem>>)
      %dma_wait3A_282 = arith.constant 128 : i32
      %dma_wait3A_283 = tpu.memref_slice %arg23[%dma_wait3A_282] : memref<256xf32, #tpu.memory_space<vmem>> -> memref<128xf32, #tpu.memory_space<vmem>>
      %dma_wait3A_284 = arith.constant 128 : i32
      %dma_wait3A_285 = tpu.memref_slice %arg20[%dma_wait3A_284] : memref<256xi32, #tpu.memory_space<vmem>> -> memref<128xi32, #tpu.memory_space<vmem>>
      %dma_wait3A_286 = arith.constant 0 : i32
      %dma_wait3A_287 = tpu.memref_slice %arg2[%dma_wait3A_286] : memref<50000xf32, #tpu.memory_space<hbm>> -> memref<50000xf32, #tpu.memory_space<hbm>>
      tpu.wait_indirect_dma semaphore(%arg30 : memref<!tpu.dma_semaphore, #tpu.memory_space<semaphore_mem>>) src(%dma_wait3A_287 : memref<50000xf32, #tpu.memory_space<hbm>>) dst(%dma_wait3A_283 : memref<128xf32, #tpu.memory_space<vmem>>)
      %dma_wait3A_288 = arith.constant 128 : i32
      %dma_wait3A_289 = tpu.memref_slice %arg24[%dma_wait3A_288] : memref<256xf32, #tpu.memory_space<vmem>> -> memref<128xf32, #tpu.memory_space<vmem>>
      %dma_wait3A_290 = arith.constant 128 : i32
      %dma_wait3A_291 = tpu.memref_slice %arg21[%dma_wait3A_290] : memref<256xi32, #tpu.memory_space<vmem>> -> memref<128xi32, #tpu.memory_space<vmem>>
      %dma_wait3A_292 = arith.constant 0 : i32
      %dma_wait3A_293 = tpu.memref_slice %arg3[%dma_wait3A_292] : memref<50000xf32, #tpu.memory_space<hbm>> -> memref<50000xf32, #tpu.memory_space<hbm>>
      tpu.wait_indirect_dma semaphore(%arg30 : memref<!tpu.dma_semaphore, #tpu.memory_space<semaphore_mem>>) src(%dma_wait3A_293 : memref<50000xf32, #tpu.memory_space<hbm>>) dst(%dma_wait3A_289 : memref<128xf32, #tpu.memory_space<vmem>>)
      %dma_wait3A_294 = arith.constant 128 : i32
      %dma_wait3A_295 = arith.constant 0 : i32
      %dma_wait3A_296 = tpu.memref_slice %arg25[%dma_wait3A_294, %dma_wait3A_295] : memref<256x16xf32, #tpu.memory_space<vmem>> -> memref<128x16xf32, #tpu.memory_space<vmem>>
      %dma_wait3A_297 = arith.constant 128 : i32
      %dma_wait3A_298 = tpu.memref_slice %arg20[%dma_wait3A_297] : memref<256xi32, #tpu.memory_space<vmem>> -> memref<128xi32, #tpu.memory_space<vmem>>
      %dma_wait3A_299 = arith.constant 0 : i32
      %dma_wait3A_300 = arith.constant 0 : i32
      %dma_wait3A_301 = tpu.memref_slice %arg4[%dma_wait3A_299, %dma_wait3A_300] : memref<50000x16xf32, #tpu.memory_space<hbm>> -> memref<50000x16xf32, #tpu.memory_space<hbm>>
      tpu.wait_indirect_dma semaphore(%arg30 : memref<!tpu.dma_semaphore, #tpu.memory_space<semaphore_mem>>) src(%dma_wait3A_301 : memref<50000x16xf32, #tpu.memory_space<hbm>>) dst(%dma_wait3A_296 : memref<128x16xf32, #tpu.memory_space<vmem>>)
      %dma_wait3A_302 = arith.constant 128 : i32
      %dma_wait3A_303 = arith.constant 0 : i32
      %dma_wait3A_304 = tpu.memref_slice %arg26[%dma_wait3A_302, %dma_wait3A_303] : memref<256x16xf32, #tpu.memory_space<vmem>> -> memref<128x16xf32, #tpu.memory_space<vmem>>
      %dma_wait3A_305 = arith.constant 128 : i32
      %dma_wait3A_306 = tpu.memref_slice %arg21[%dma_wait3A_305] : memref<256xi32, #tpu.memory_space<vmem>> -> memref<128xi32, #tpu.memory_space<vmem>>
      %dma_wait3A_307 = arith.constant 0 : i32
      %dma_wait3A_308 = arith.constant 0 : i32
      %dma_wait3A_309 = tpu.memref_slice %arg5[%dma_wait3A_307, %dma_wait3A_308] : memref<50000x16xf32, #tpu.memory_space<hbm>> -> memref<50000x16xf32, #tpu.memory_space<hbm>>
      tpu.wait_indirect_dma semaphore(%arg30 : memref<!tpu.dma_semaphore, #tpu.memory_space<semaphore_mem>>) src(%dma_wait3A_309 : memref<50000x16xf32, #tpu.memory_space<hbm>>) dst(%dma_wait3A_304 : memref<128x16xf32, #tpu.memory_space<vmem>>)
      %parallel_loop3A_310 = arith.constant 0 : i32
      %parallel_loop3A_311 = arith.constant 16 : i32
      %parallel_loop3A_312 = arith.constant 1 : i32
      %parallel_loop3A_313 = scf.for %parallel_loop3A_314 = %parallel_loop3A_310 to %parallel_loop3A_311 step %parallel_loop3A_312 iter_args(%parallel_loop3A_315 = %while3A_131) -> (vector<16xf32>)  : i32 {
        %parallel_loop3A_316 = arith.constant 16 : i32
        %parallel_loop3A_317 = arith.muli %parallel_loop3A_314, %parallel_loop3A_316 : i32
        %parallel_loop3A_318 = vector.broadcast %parallel_loop3A_317 : i32 to vector<16xi32>
        %parallel_loop3A_319 = arith.addi %parallel_loop3A_318, %iota3A : vector<16xi32>
        %parallel_loop3A_320 = arith.constant 0 : i32
        %parallel_loop3A_321 = vector.broadcast %parallel_loop3A_320 : i32 to vector<16xi32>
        %parallel_loop3A_322 = tpu.vector_load_idx %arg25[%parallel_loop3A_319, %parallel_loop3A_321] : memref<256x16xf32, #tpu.memory_space<vmem>>[vector<16xi32>, vector<16xi32>], vector<16xf32>,
        %parallel_loop3A_323 = tpu.vector_load_idx %arg26[%parallel_loop3A_319, %parallel_loop3A_321] : memref<256x16xf32, #tpu.memory_space<vmem>>[vector<16xi32>, vector<16xi32>], vector<16xf32>,
        %parallel_loop3A_324 = arith.subf %parallel_loop3A_322, %parallel_loop3A_323 : vector<16xf32>
        %parallel_loop3A_325 = arith.constant 9.99999997E-7 : f32
        %parallel_loop3A_326 = vector.broadcast %parallel_loop3A_325 : f32 to vector<16xf32>
        %parallel_loop3A_327 = arith.addf %parallel_loop3A_324, %parallel_loop3A_326 : vector<16xf32>
        %parallel_loop3A_328 = arith.mulf %parallel_loop3A_327, %parallel_loop3A_327 : vector<16xf32>
        %parallel_loop3A_329 = arith.addf %broadcast_in_dim3A_1, %parallel_loop3A_328 : vector<16xf32>
        %parallel_loop3A_330 = arith.constant 1 : i32
        %parallel_loop3A_331 = vector.broadcast %parallel_loop3A_330 : i32 to vector<16xi32>
        %parallel_loop3A_332 = tpu.vector_load_idx %arg25[%parallel_loop3A_319, %parallel_loop3A_331] : memref<256x16xf32, #tpu.memory_space<vmem>>[vector<16xi32>, vector<16xi32>], vector<16xf32>,
        %parallel_loop3A_333 = tpu.vector_load_idx %arg26[%parallel_loop3A_319, %parallel_loop3A_331] : memref<256x16xf32, #tpu.memory_space<vmem>>[vector<16xi32>, vector<16xi32>], vector<16xf32>,
        %parallel_loop3A_334 = arith.subf %parallel_loop3A_332, %parallel_loop3A_333 : vector<16xf32>
        %parallel_loop3A_335 = arith.constant 9.99999997E-7 : f32
        %parallel_loop3A_336 = vector.broadcast %parallel_loop3A_335 : f32 to vector<16xf32>
        %parallel_loop3A_337 = arith.addf %parallel_loop3A_334, %parallel_loop3A_336 : vector<16xf32>
        %parallel_loop3A_338 = arith.mulf %parallel_loop3A_337, %parallel_loop3A_337 : vector<16xf32>
        %parallel_loop3A_339 = arith.addf %parallel_loop3A_329, %parallel_loop3A_338 : vector<16xf32>
        %parallel_loop3A_340 = arith.constant 2 : i32
        %parallel_loop3A_341 = vector.broadcast %parallel_loop3A_340 : i32 to vector<16xi32>
        %parallel_loop3A_342 = tpu.vector_load_idx %arg25[%parallel_loop3A_319, %parallel_loop3A_341] : memref<256x16xf32, #tpu.memory_space<vmem>>[vector<16xi32>, vector<16xi32>], vector<16xf32>,
        %parallel_loop3A_343 = tpu.vector_load_idx %arg26[%parallel_loop3A_319, %parallel_loop3A_341] : memref<256x16xf32, #tpu.memory_space<vmem>>[vector<16xi32>, vector<16xi32>], vector<16xf32>,
        %parallel_loop3A_344 = arith.subf %parallel_loop3A_342, %parallel_loop3A_343 : vector<16xf32>
        %parallel_loop3A_345 = arith.constant 9.99999997E-7 : f32
        %parallel_loop3A_346 = vector.broadcast %parallel_loop3A_345 : f32 to vector<16xf32>
        %parallel_loop3A_347 = arith.addf %parallel_loop3A_344, %parallel_loop3A_346 : vector<16xf32>
        %parallel_loop3A_348 = arith.mulf %parallel_loop3A_347, %parallel_loop3A_347 : vector<16xf32>
        %parallel_loop3A_349 = arith.addf %parallel_loop3A_339, %parallel_loop3A_348 : vector<16xf32>
        %parallel_loop3A_350 = arith.constant 3 : i32
        %parallel_loop3A_351 = vector.broadcast %parallel_loop3A_350 : i32 to vector<16xi32>
        %parallel_loop3A_352 = tpu.vector_load_idx %arg25[%parallel_loop3A_319, %parallel_loop3A_351] : memref<256x16xf32, #tpu.memory_space<vmem>>[vector<16xi32>, vector<16xi32>], vector<16xf32>,
        %parallel_loop3A_353 = tpu.vector_load_idx %arg26[%parallel_loop3A_319, %parallel_loop3A_351] : memref<256x16xf32, #tpu.memory_space<vmem>>[vector<16xi32>, vector<16xi32>], vector<16xf32>,
        %parallel_loop3A_354 = arith.subf %parallel_loop3A_352, %parallel_loop3A_353 : vector<16xf32>
        %parallel_loop3A_355 = arith.constant 9.99999997E-7 : f32
        %parallel_loop3A_356 = vector.broadcast %parallel_loop3A_355 : f32 to vector<16xf32>
        %parallel_loop3A_357 = arith.addf %parallel_loop3A_354, %parallel_loop3A_356 : vector<16xf32>
        %parallel_loop3A_358 = arith.mulf %parallel_loop3A_357, %parallel_loop3A_357 : vector<16xf32>
        %parallel_loop3A_359 = arith.addf %parallel_loop3A_349, %parallel_loop3A_358 : vector<16xf32>
        %parallel_loop3A_360 = arith.constant 4 : i32
        %parallel_loop3A_361 = vector.broadcast %parallel_loop3A_360 : i32 to vector<16xi32>
        %parallel_loop3A_362 = tpu.vector_load_idx %arg25[%parallel_loop3A_319, %parallel_loop3A_361] : memref<256x16xf32, #tpu.memory_space<vmem>>[vector<16xi32>, vector<16xi32>], vector<16xf32>,
        %parallel_loop3A_363 = tpu.vector_load_idx %arg26[%parallel_loop3A_319, %parallel_loop3A_361] : memref<256x16xf32, #tpu.memory_space<vmem>>[vector<16xi32>, vector<16xi32>], vector<16xf32>,
        %parallel_loop3A_364 = arith.subf %parallel_loop3A_362, %parallel_loop3A_363 : vector<16xf32>
        %parallel_loop3A_365 = arith.constant 9.99999997E-7 : f32
        %parallel_loop3A_366 = vector.broadcast %parallel_loop3A_365 : f32 to vector<16xf32>
        %parallel_loop3A_367 = arith.addf %parallel_loop3A_364, %parallel_loop3A_366 : vector<16xf32>
        %parallel_loop3A_368 = arith.mulf %parallel_loop3A_367, %parallel_loop3A_367 : vector<16xf32>
        %parallel_loop3A_369 = arith.addf %parallel_loop3A_359, %parallel_loop3A_368 : vector<16xf32>
        %parallel_loop3A_370 = arith.constant 5 : i32
        %parallel_loop3A_371 = vector.broadcast %parallel_loop3A_370 : i32 to vector<16xi32>
        %parallel_loop3A_372 = tpu.vector_load_idx %arg25[%parallel_loop3A_319, %parallel_loop3A_371] : memref<256x16xf32, #tpu.memory_space<vmem>>[vector<16xi32>, vector<16xi32>], vector<16xf32>,
        %parallel_loop3A_373 = tpu.vector_load_idx %arg26[%parallel_loop3A_319, %parallel_loop3A_371] : memref<256x16xf32, #tpu.memory_space<vmem>>[vector<16xi32>, vector<16xi32>], vector<16xf32>,
        %parallel_loop3A_374 = arith.subf %parallel_loop3A_372, %parallel_loop3A_373 : vector<16xf32>
        %parallel_loop3A_375 = arith.constant 9.99999997E-7 : f32
        %parallel_loop3A_376 = vector.broadcast %parallel_loop3A_375 : f32 to vector<16xf32>
        %parallel_loop3A_377 = arith.addf %parallel_loop3A_374, %parallel_loop3A_376 : vector<16xf32>
        %parallel_loop3A_378 = arith.mulf %parallel_loop3A_377, %parallel_loop3A_377 : vector<16xf32>
        %parallel_loop3A_379 = arith.addf %parallel_loop3A_369, %parallel_loop3A_378 : vector<16xf32>
        %parallel_loop3A_380 = arith.constant 6 : i32
        %parallel_loop3A_381 = vector.broadcast %parallel_loop3A_380 : i32 to vector<16xi32>
        %parallel_loop3A_382 = tpu.vector_load_idx %arg25[%parallel_loop3A_319, %parallel_loop3A_381] : memref<256x16xf32, #tpu.memory_space<vmem>>[vector<16xi32>, vector<16xi32>], vector<16xf32>,
        %parallel_loop3A_383 = tpu.vector_load_idx %arg26[%parallel_loop3A_319, %parallel_loop3A_381] : memref<256x16xf32, #tpu.memory_space<vmem>>[vector<16xi32>, vector<16xi32>], vector<16xf32>,
        %parallel_loop3A_384 = arith.subf %parallel_loop3A_382, %parallel_loop3A_383 : vector<16xf32>
        %parallel_loop3A_385 = arith.constant 9.99999997E-7 : f32
        %parallel_loop3A_386 = vector.broadcast %parallel_loop3A_385 : f32 to vector<16xf32>
        %parallel_loop3A_387 = arith.addf %parallel_loop3A_384, %parallel_loop3A_386 : vector<16xf32>
        %parallel_loop3A_388 = arith.mulf %parallel_loop3A_387, %parallel_loop3A_387 : vector<16xf32>
        %parallel_loop3A_389 = arith.addf %parallel_loop3A_379, %parallel_loop3A_388 : vector<16xf32>
        %parallel_loop3A_390 = arith.constant 7 : i32
        %parallel_loop3A_391 = vector.broadcast %parallel_loop3A_390 : i32 to vector<16xi32>
        %parallel_loop3A_392 = tpu.vector_load_idx %arg25[%parallel_loop3A_319, %parallel_loop3A_391] : memref<256x16xf32, #tpu.memory_space<vmem>>[vector<16xi32>, vector<16xi32>], vector<16xf32>,
        %parallel_loop3A_393 = tpu.vector_load_idx %arg26[%parallel_loop3A_319, %parallel_loop3A_391] : memref<256x16xf32, #tpu.memory_space<vmem>>[vector<16xi32>, vector<16xi32>], vector<16xf32>,
        %parallel_loop3A_394 = arith.subf %parallel_loop3A_392, %parallel_loop3A_393 : vector<16xf32>
        %parallel_loop3A_395 = arith.constant 9.99999997E-7 : f32
        %parallel_loop3A_396 = vector.broadcast %parallel_loop3A_395 : f32 to vector<16xf32>
        %parallel_loop3A_397 = arith.addf %parallel_loop3A_394, %parallel_loop3A_396 : vector<16xf32>
        %parallel_loop3A_398 = arith.mulf %parallel_loop3A_397, %parallel_loop3A_397 : vector<16xf32>
        %parallel_loop3A_399 = arith.addf %parallel_loop3A_389, %parallel_loop3A_398 : vector<16xf32>
        %parallel_loop3A_400 = arith.constant 8 : i32
        %parallel_loop3A_401 = vector.broadcast %parallel_loop3A_400 : i32 to vector<16xi32>
        %parallel_loop3A_402 = tpu.vector_load_idx %arg25[%parallel_loop3A_319, %parallel_loop3A_401] : memref<256x16xf32, #tpu.memory_space<vmem>>[vector<16xi32>, vector<16xi32>], vector<16xf32>,
        %parallel_loop3A_403 = tpu.vector_load_idx %arg26[%parallel_loop3A_319, %parallel_loop3A_401] : memref<256x16xf32, #tpu.memory_space<vmem>>[vector<16xi32>, vector<16xi32>], vector<16xf32>,
        %parallel_loop3A_404 = arith.subf %parallel_loop3A_402, %parallel_loop3A_403 : vector<16xf32>
        %parallel_loop3A_405 = arith.constant 9.99999997E-7 : f32
        %parallel_loop3A_406 = vector.broadcast %parallel_loop3A_405 : f32 to vector<16xf32>
        %parallel_loop3A_407 = arith.addf %parallel_loop3A_404, %parallel_loop3A_406 : vector<16xf32>
        %parallel_loop3A_408 = arith.mulf %parallel_loop3A_407, %parallel_loop3A_407 : vector<16xf32>
        %parallel_loop3A_409 = arith.addf %parallel_loop3A_399, %parallel_loop3A_408 : vector<16xf32>
        %parallel_loop3A_410 = arith.constant 9 : i32
        %parallel_loop3A_411 = vector.broadcast %parallel_loop3A_410 : i32 to vector<16xi32>
        %parallel_loop3A_412 = tpu.vector_load_idx %arg25[%parallel_loop3A_319, %parallel_loop3A_411] : memref<256x16xf32, #tpu.memory_space<vmem>>[vector<16xi32>, vector<16xi32>], vector<16xf32>,
        %parallel_loop3A_413 = tpu.vector_load_idx %arg26[%parallel_loop3A_319, %parallel_loop3A_411] : memref<256x16xf32, #tpu.memory_space<vmem>>[vector<16xi32>, vector<16xi32>], vector<16xf32>,
        %parallel_loop3A_414 = arith.subf %parallel_loop3A_412, %parallel_loop3A_413 : vector<16xf32>
        %parallel_loop3A_415 = arith.constant 9.99999997E-7 : f32
        %parallel_loop3A_416 = vector.broadcast %parallel_loop3A_415 : f32 to vector<16xf32>
        %parallel_loop3A_417 = arith.addf %parallel_loop3A_414, %parallel_loop3A_416 : vector<16xf32>
        %parallel_loop3A_418 = arith.mulf %parallel_loop3A_417, %parallel_loop3A_417 : vector<16xf32>
        %parallel_loop3A_419 = arith.addf %parallel_loop3A_409, %parallel_loop3A_418 : vector<16xf32>
        %parallel_loop3A_420 = arith.constant 10 : i32
        %parallel_loop3A_421 = vector.broadcast %parallel_loop3A_420 : i32 to vector<16xi32>
        %parallel_loop3A_422 = tpu.vector_load_idx %arg25[%parallel_loop3A_319, %parallel_loop3A_421] : memref<256x16xf32, #tpu.memory_space<vmem>>[vector<16xi32>, vector<16xi32>], vector<16xf32>,
        %parallel_loop3A_423 = tpu.vector_load_idx %arg26[%parallel_loop3A_319, %parallel_loop3A_421] : memref<256x16xf32, #tpu.memory_space<vmem>>[vector<16xi32>, vector<16xi32>], vector<16xf32>,
        %parallel_loop3A_424 = arith.subf %parallel_loop3A_422, %parallel_loop3A_423 : vector<16xf32>
        %parallel_loop3A_425 = arith.constant 9.99999997E-7 : f32
        %parallel_loop3A_426 = vector.broadcast %parallel_loop3A_425 : f32 to vector<16xf32>
        %parallel_loop3A_427 = arith.addf %parallel_loop3A_424, %parallel_loop3A_426 : vector<16xf32>
        %parallel_loop3A_428 = arith.mulf %parallel_loop3A_427, %parallel_loop3A_427 : vector<16xf32>
        %parallel_loop3A_429 = arith.addf %parallel_loop3A_419, %parallel_loop3A_428 : vector<16xf32>
        %parallel_loop3A_430 = arith.constant 11 : i32
        %parallel_loop3A_431 = vector.broadcast %parallel_loop3A_430 : i32 to vector<16xi32>
        %parallel_loop3A_432 = tpu.vector_load_idx %arg25[%parallel_loop3A_319, %parallel_loop3A_431] : memref<256x16xf32, #tpu.memory_space<vmem>>[vector<16xi32>, vector<16xi32>], vector<16xf32>,
        %parallel_loop3A_433 = tpu.vector_load_idx %arg26[%parallel_loop3A_319, %parallel_loop3A_431] : memref<256x16xf32, #tpu.memory_space<vmem>>[vector<16xi32>, vector<16xi32>], vector<16xf32>,
        %parallel_loop3A_434 = arith.subf %parallel_loop3A_432, %parallel_loop3A_433 : vector<16xf32>
        %parallel_loop3A_435 = arith.constant 9.99999997E-7 : f32
        %parallel_loop3A_436 = vector.broadcast %parallel_loop3A_435 : f32 to vector<16xf32>
        %parallel_loop3A_437 = arith.addf %parallel_loop3A_434, %parallel_loop3A_436 : vector<16xf32>
        %parallel_loop3A_438 = arith.mulf %parallel_loop3A_437, %parallel_loop3A_437 : vector<16xf32>
        %parallel_loop3A_439 = arith.addf %parallel_loop3A_429, %parallel_loop3A_438 : vector<16xf32>
        %parallel_loop3A_440 = arith.constant 12 : i32
        %parallel_loop3A_441 = vector.broadcast %parallel_loop3A_440 : i32 to vector<16xi32>
        %parallel_loop3A_442 = tpu.vector_load_idx %arg25[%parallel_loop3A_319, %parallel_loop3A_441] : memref<256x16xf32, #tpu.memory_space<vmem>>[vector<16xi32>, vector<16xi32>], vector<16xf32>,
        %parallel_loop3A_443 = tpu.vector_load_idx %arg26[%parallel_loop3A_319, %parallel_loop3A_441] : memref<256x16xf32, #tpu.memory_space<vmem>>[vector<16xi32>, vector<16xi32>], vector<16xf32>,
        %parallel_loop3A_444 = arith.subf %parallel_loop3A_442, %parallel_loop3A_443 : vector<16xf32>
        %parallel_loop3A_445 = arith.constant 9.99999997E-7 : f32
        %parallel_loop3A_446 = vector.broadcast %parallel_loop3A_445 : f32 to vector<16xf32>
        %parallel_loop3A_447 = arith.addf %parallel_loop3A_444, %parallel_loop3A_446 : vector<16xf32>
        %parallel_loop3A_448 = arith.mulf %parallel_loop3A_447, %parallel_loop3A_447 : vector<16xf32>
        %parallel_loop3A_449 = arith.addf %parallel_loop3A_439, %parallel_loop3A_448 : vector<16xf32>
        %parallel_loop3A_450 = arith.constant 13 : i32
        %parallel_loop3A_451 = vector.broadcast %parallel_loop3A_450 : i32 to vector<16xi32>
        %parallel_loop3A_452 = tpu.vector_load_idx %arg25[%parallel_loop3A_319, %parallel_loop3A_451] : memref<256x16xf32, #tpu.memory_space<vmem>>[vector<16xi32>, vector<16xi32>], vector<16xf32>,
        %parallel_loop3A_453 = tpu.vector_load_idx %arg26[%parallel_loop3A_319, %parallel_loop3A_451] : memref<256x16xf32, #tpu.memory_space<vmem>>[vector<16xi32>, vector<16xi32>], vector<16xf32>,
        %parallel_loop3A_454 = arith.subf %parallel_loop3A_452, %parallel_loop3A_453 : vector<16xf32>
        %parallel_loop3A_455 = arith.constant 9.99999997E-7 : f32
        %parallel_loop3A_456 = vector.broadcast %parallel_loop3A_455 : f32 to vector<16xf32>
        %parallel_loop3A_457 = arith.addf %parallel_loop3A_454, %parallel_loop3A_456 : vector<16xf32>
        %parallel_loop3A_458 = arith.mulf %parallel_loop3A_457, %parallel_loop3A_457 : vector<16xf32>
        %parallel_loop3A_459 = arith.addf %parallel_loop3A_449, %parallel_loop3A_458 : vector<16xf32>
        %parallel_loop3A_460 = arith.constant 14 : i32
        %parallel_loop3A_461 = vector.broadcast %parallel_loop3A_460 : i32 to vector<16xi32>
        %parallel_loop3A_462 = tpu.vector_load_idx %arg25[%parallel_loop3A_319, %parallel_loop3A_461] : memref<256x16xf32, #tpu.memory_space<vmem>>[vector<16xi32>, vector<16xi32>], vector<16xf32>,
        %parallel_loop3A_463 = tpu.vector_load_idx %arg26[%parallel_loop3A_319, %parallel_loop3A_461] : memref<256x16xf32, #tpu.memory_space<vmem>>[vector<16xi32>, vector<16xi32>], vector<16xf32>,
        %parallel_loop3A_464 = arith.subf %parallel_loop3A_462, %parallel_loop3A_463 : vector<16xf32>
        %parallel_loop3A_465 = arith.constant 9.99999997E-7 : f32
        %parallel_loop3A_466 = vector.broadcast %parallel_loop3A_465 : f32 to vector<16xf32>
        %parallel_loop3A_467 = arith.addf %parallel_loop3A_464, %parallel_loop3A_466 : vector<16xf32>
        %parallel_loop3A_468 = arith.mulf %parallel_loop3A_467, %parallel_loop3A_467 : vector<16xf32>
        %parallel_loop3A_469 = arith.addf %parallel_loop3A_459, %parallel_loop3A_468 : vector<16xf32>
        %parallel_loop3A_470 = arith.constant 15 : i32
        %parallel_loop3A_471 = vector.broadcast %parallel_loop3A_470 : i32 to vector<16xi32>
        %parallel_loop3A_472 = tpu.vector_load_idx %arg25[%parallel_loop3A_319, %parallel_loop3A_471] : memref<256x16xf32, #tpu.memory_space<vmem>>[vector<16xi32>, vector<16xi32>], vector<16xf32>,
        %parallel_loop3A_473 = tpu.vector_load_idx %arg26[%parallel_loop3A_319, %parallel_loop3A_471] : memref<256x16xf32, #tpu.memory_space<vmem>>[vector<16xi32>, vector<16xi32>], vector<16xf32>,
        %parallel_loop3A_474 = arith.subf %parallel_loop3A_472, %parallel_loop3A_473 : vector<16xf32>
        %parallel_loop3A_475 = arith.constant 9.99999997E-7 : f32
        %parallel_loop3A_476 = vector.broadcast %parallel_loop3A_475 : f32 to vector<16xf32>
        %parallel_loop3A_477 = arith.addf %parallel_loop3A_474, %parallel_loop3A_476 : vector<16xf32>
        %parallel_loop3A_478 = arith.mulf %parallel_loop3A_477, %parallel_loop3A_477 : vector<16xf32>
        %parallel_loop3A_479 = arith.addf %parallel_loop3A_469, %parallel_loop3A_478 : vector<16xf32>
        %parallel_loop3A_480 = vector.bitcast %parallel_loop3A_479 : vector<16xf32> to vector<16xi32>
        %parallel_loop3A_481 = arith.constant 1 : i32
        %parallel_loop3A_482 = vector.broadcast %parallel_loop3A_481 : i32 to vector<16xi32>
        %parallel_loop3A_483 = arith.shrsi %parallel_loop3A_480, %parallel_loop3A_482 : vector<16xi32>
        %parallel_loop3A_484 = arith.constant 532487669 : i32
        %parallel_loop3A_485 = vector.broadcast %parallel_loop3A_484 : i32 to vector<16xi32>
        %parallel_loop3A_486 = arith.addi %parallel_loop3A_483, %parallel_loop3A_485 : vector<16xi32>
        %parallel_loop3A_487 = vector.bitcast %parallel_loop3A_486 : vector<16xi32> to vector<16xf32>
        %parallel_loop3A_488 = arith.divf %parallel_loop3A_479, %parallel_loop3A_487 : vector<16xf32>
        %parallel_loop3A_489 = arith.addf %parallel_loop3A_487, %parallel_loop3A_488 : vector<16xf32>
        %parallel_loop3A_490 = arith.constant 5.000000e-01 : f32
        %parallel_loop3A_491 = vector.broadcast %parallel_loop3A_490 : f32 to vector<16xf32>
        %parallel_loop3A_492 = arith.mulf %parallel_loop3A_491, %parallel_loop3A_489 : vector<16xf32>
        %parallel_loop3A_493 = arith.divf %parallel_loop3A_479, %parallel_loop3A_492 : vector<16xf32>
        %parallel_loop3A_494 = arith.addf %parallel_loop3A_492, %parallel_loop3A_493 : vector<16xf32>
        %parallel_loop3A_495 = arith.constant 5.000000e-01 : f32
        %parallel_loop3A_496 = vector.broadcast %parallel_loop3A_495 : f32 to vector<16xf32>
        %parallel_loop3A_497 = arith.mulf %parallel_loop3A_496, %parallel_loop3A_494 : vector<16xf32>
        %parallel_loop3A_498 = arith.divf %parallel_loop3A_479, %parallel_loop3A_497 : vector<16xf32>
        %parallel_loop3A_499 = arith.addf %parallel_loop3A_497, %parallel_loop3A_498 : vector<16xf32>
        %parallel_loop3A_500 = arith.constant 5.000000e-01 : f32
        %parallel_loop3A_501 = vector.broadcast %parallel_loop3A_500 : f32 to vector<16xf32>
        %parallel_loop3A_502 = arith.mulf %parallel_loop3A_501, %parallel_loop3A_499 : vector<16xf32>
        %parallel_loop3A_503 = arith.constant 16 : i32
        %parallel_loop3A_504 = arith.muli %parallel_loop3A_314, %parallel_loop3A_503 : i32
        %parallel_loop3A_505 = arith.index_cast %parallel_loop3A_504 : i32 to index
        %parallel_loop3A_506 = tpu.vector_load %arg23[%parallel_loop3A_505] {strides = array<i32>} : memref<256xf32, #tpu.memory_space<vmem>>, vector<16xf32>,
        %parallel_loop3A_507 = arith.constant 16 : i32
        %parallel_loop3A_508 = arith.muli %parallel_loop3A_314, %parallel_loop3A_507 : i32
        %parallel_loop3A_509 = arith.index_cast %parallel_loop3A_508 : i32 to index
        %parallel_loop3A_510 = tpu.vector_load %arg24[%parallel_loop3A_509] {strides = array<i32>} : memref<256xf32, #tpu.memory_space<vmem>>, vector<16xf32>,
        %parallel_loop3A_511 = arith.constant 16 : i32
        %parallel_loop3A_512 = arith.muli %parallel_loop3A_314, %parallel_loop3A_511 : i32
        %parallel_loop3A_513 = arith.index_cast %parallel_loop3A_512 : i32 to index
        %parallel_loop3A_514 = tpu.vector_load %arg22[%parallel_loop3A_513] {strides = array<i32>} : memref<256xf32, #tpu.memory_space<vmem>>, vector<16xf32>,
        %parallel_loop3A_515 = arith.constant 16 : i32
        %parallel_loop3A_516 = arith.muli %parallel_loop3A_314, %parallel_loop3A_515 : i32
        %parallel_loop3A_517 = arith.addi %mul3A_133, %parallel_loop3A_516 : i32
        %parallel_loop3A_518 = vector.broadcast %parallel_loop3A_517 : i32 to vector<16xi32>
        %parallel_loop3A_519 = arith.addi %parallel_loop3A_518, %iota3A : vector<16xi32>
        %parallel_loop3A_520 = vector.broadcast %min3A_100 : i32 to vector<16xi32>
        %parallel_loop3A_521 = arith.cmpi slt, %parallel_loop3A_519, %parallel_loop3A_520 : vector<16xi32>
        %parallel_loop3A_522 = arith.select %parallel_loop3A_521, %broadcast_in_dim3A_5, %broadcast_in_dim3A_1 : vector<16xi1>, vector<16xf32>
        %parallel_loop3A_523 = arith.addf %parallel_loop3A_506, %parallel_loop3A_510 : vector<16xf32>
        %parallel_loop3A_524 = arith.subf %parallel_loop3A_523, %parallel_loop3A_502 : vector<16xf32>
        %parallel_loop3A_525 = arith.mulf %parallel_loop3A_524, %parallel_loop3A_514 : vector<16xf32>
        %parallel_loop3A_526 = arith.mulf %parallel_loop3A_525, %parallel_loop3A_522 : vector<16xf32>
        %parallel_loop3A_527 = arith.addf %parallel_loop3A_315, %parallel_loop3A_526 : vector<16xf32>
        scf.yield %parallel_loop3A_527 : vector<16xf32>
      } {sc.loop_unroll_factor = 4 : i64, sc.parallel_access}
      scf.yield %parallel_loop3A_313 : vector<16xf32>
    }
    %while3A_127 = arith.constant 1 : i32
    %while3A_128 = scf.for %while3A_130 = %while3A_124 to %while3A_120 step %while3A_127 iter_args(%while3A_131 = %while3A_126) -> (vector<16xf32>)  : i32 {
      %mul3A_132 = arith.constant 256 : i32
      %mul3A_133 = arith.muli %while3A_130, %mul3A_132 : i32
      %add3A_134 = arith.constant 0 : i32
      %add3A_135 = arith.addi %mul3A_133, %add3A_134 : i32
      %dma_start3A_136 = arith.constant 0 : i32
      %dma_start3A_137 = tpu.memref_slice %arg20[%dma_start3A_136] : memref<256xi32, #tpu.memory_space<vmem>> -> memref<128xi32, #tpu.memory_space<vmem>>
      %dma_start3A_138 = tpu.memref_slice %arg19[%add3A_135] : memref<1024xi32, #tpu.memory_space<vmem>> -> memref<128xi32, #tpu.memory_space<vmem>>
      %dma_start3A_139 = arith.constant 0 : i32
      %dma_start3A_140 = tpu.memref_slice %arg7[%dma_start3A_139] : memref<1600000xi32, #tpu.memory_space<hbm>> -> memref<1600000xi32, #tpu.memory_space<hbm>>
      tpu.enqueue_indirect_dma source(%dma_start3A_140 : memref<1600000xi32, #tpu.memory_space<hbm>>) target(%dma_start3A_137 : memref<128xi32, #tpu.memory_space<vmem>>) offsets(%dma_start3A_138 : memref<128xi32, #tpu.memory_space<vmem>>) semaphore(%arg30 : memref<!tpu.dma_semaphore, #tpu.memory_space<semaphore_mem>>)
      %dma_start3A_141 = arith.constant 0 : i32
      %dma_start3A_142 = tpu.memref_slice %arg21[%dma_start3A_141] : memref<256xi32, #tpu.memory_space<vmem>> -> memref<128xi32, #tpu.memory_space<vmem>>
      %dma_start3A_143 = tpu.memref_slice %arg19[%add3A_135] : memref<1024xi32, #tpu.memory_space<vmem>> -> memref<128xi32, #tpu.memory_space<vmem>>
      %dma_start3A_144 = arith.constant 0 : i32
      %dma_start3A_145 = tpu.memref_slice %arg8[%dma_start3A_144] : memref<1600000xi32, #tpu.memory_space<hbm>> -> memref<1600000xi32, #tpu.memory_space<hbm>>
      tpu.enqueue_indirect_dma source(%dma_start3A_145 : memref<1600000xi32, #tpu.memory_space<hbm>>) target(%dma_start3A_142 : memref<128xi32, #tpu.memory_space<vmem>>) offsets(%dma_start3A_143 : memref<128xi32, #tpu.memory_space<vmem>>) semaphore(%arg30 : memref<!tpu.dma_semaphore, #tpu.memory_space<semaphore_mem>>)
      %dma_start3A_146 = arith.constant 0 : i32
      %dma_start3A_147 = tpu.memref_slice %arg22[%dma_start3A_146] : memref<256xf32, #tpu.memory_space<vmem>> -> memref<128xf32, #tpu.memory_space<vmem>>
      %dma_start3A_148 = tpu.memref_slice %arg19[%add3A_135] : memref<1024xi32, #tpu.memory_space<vmem>> -> memref<128xi32, #tpu.memory_space<vmem>>
      %dma_start3A_149 = arith.constant 0 : i32
      %dma_start3A_150 = tpu.memref_slice %arg6[%dma_start3A_149] : memref<1600000xf32, #tpu.memory_space<hbm>> -> memref<1600000xf32, #tpu.memory_space<hbm>>
      tpu.enqueue_indirect_dma source(%dma_start3A_150 : memref<1600000xf32, #tpu.memory_space<hbm>>) target(%dma_start3A_147 : memref<128xf32, #tpu.memory_space<vmem>>) offsets(%dma_start3A_148 : memref<128xi32, #tpu.memory_space<vmem>>) semaphore(%arg30 : memref<!tpu.dma_semaphore, #tpu.memory_space<semaphore_mem>>)
      %add3A_151 = arith.constant 128 : i32
      %add3A_152 = arith.addi %mul3A_133, %add3A_151 : i32
      %dma_start3A_153 = arith.constant 128 : i32
      %dma_start3A_154 = tpu.memref_slice %arg20[%dma_start3A_153] : memref<256xi32, #tpu.memory_space<vmem>> -> memref<128xi32, #tpu.memory_space<vmem>>
      %dma_start3A_155 = tpu.memref_slice %arg19[%add3A_152] : memref<1024xi32, #tpu.memory_space<vmem>> -> memref<128xi32, #tpu.memory_space<vmem>>
      %dma_start3A_156 = arith.constant 0 : i32
      %dma_start3A_157 = tpu.memref_slice %arg7[%dma_start3A_156] : memref<1600000xi32, #tpu.memory_space<hbm>> -> memref<1600000xi32, #tpu.memory_space<hbm>>
      tpu.enqueue_indirect_dma source(%dma_start3A_157 : memref<1600000xi32, #tpu.memory_space<hbm>>) target(%dma_start3A_154 : memref<128xi32, #tpu.memory_space<vmem>>) offsets(%dma_start3A_155 : memref<128xi32, #tpu.memory_space<vmem>>) semaphore(%arg30 : memref<!tpu.dma_semaphore, #tpu.memory_space<semaphore_mem>>)
      %dma_start3A_158 = arith.constant 128 : i32
      %dma_start3A_159 = tpu.memref_slice %arg21[%dma_start3A_158] : memref<256xi32, #tpu.memory_space<vmem>> -> memref<128xi32, #tpu.memory_space<vmem>>
      %dma_start3A_160 = tpu.memref_slice %arg19[%add3A_152] : memref<1024xi32, #tpu.memory_space<vmem>> -> memref<128xi32, #tpu.memory_space<vmem>>
      %dma_start3A_161 = arith.constant 0 : i32
      %dma_start3A_162 = tpu.memref_slice %arg8[%dma_start3A_161] : memref<1600000xi32, #tpu.memory_space<hbm>> -> memref<1600000xi32, #tpu.memory_space<hbm>>
      tpu.enqueue_indirect_dma source(%dma_start3A_162 : memref<1600000xi32, #tpu.memory_space<hbm>>) target(%dma_start3A_159 : memref<128xi32, #tpu.memory_space<vmem>>) offsets(%dma_start3A_160 : memref<128xi32, #tpu.memory_space<vmem>>) semaphore(%arg30 : memref<!tpu.dma_semaphore, #tpu.memory_space<semaphore_mem>>)
      %dma_start3A_163 = arith.constant 128 : i32
      %dma_start3A_164 = tpu.memref_slice %arg22[%dma_start3A_163] : memref<256xf32, #tpu.memory_space<vmem>> -> memref<128xf32, #tpu.memory_space<vmem>>
      %dma_start3A_165 = tpu.memref_slice %arg19[%add3A_152] : memref<1024xi32, #tpu.memory_space<vmem>> -> memref<128xi32, #tpu.memory_space<vmem>>
      %dma_start3A_166 = arith.constant 0 : i32
      %dma_start3A_167 = tpu.memref_slice %arg6[%dma_start3A_166] : memref<1600000xf32, #tpu.memory_space<hbm>> -> memref<1600000xf32, #tpu.memory_space<hbm>>
      tpu.enqueue_indirect_dma source(%dma_start3A_167 : memref<1600000xf32, #tpu.memory_space<hbm>>) target(%dma_start3A_164 : memref<128xf32, #tpu.memory_space<vmem>>) offsets(%dma_start3A_165 : memref<128xi32, #tpu.memory_space<vmem>>) semaphore(%arg30 : memref<!tpu.dma_semaphore, #tpu.memory_space<semaphore_mem>>)
      %dma_wait3A_168 = arith.constant 0 : i32
      %dma_wait3A_169 = tpu.memref_slice %arg20[%dma_wait3A_168] : memref<256xi32, #tpu.memory_space<vmem>> -> memref<128xi32, #tpu.memory_space<vmem>>
      %dma_wait3A_170 = tpu.memref_slice %arg19[%add3A_135] : memref<1024xi32, #tpu.memory_space<vmem>> -> memref<128xi32, #tpu.memory_space<vmem>>
      %dma_wait3A_171 = arith.constant 0 : i32
      %dma_wait3A_172 = tpu.memref_slice %arg7[%dma_wait3A_171] : memref<1600000xi32, #tpu.memory_space<hbm>> -> memref<1600000xi32, #tpu.memory_space<hbm>>
      tpu.wait_indirect_dma semaphore(%arg30 : memref<!tpu.dma_semaphore, #tpu.memory_space<semaphore_mem>>) src(%dma_wait3A_172 : memref<1600000xi32, #tpu.memory_space<hbm>>) dst(%dma_wait3A_169 : memref<128xi32, #tpu.memory_space<vmem>>)
      %dma_wait3A_173 = arith.constant 0 : i32
      %dma_wait3A_174 = tpu.memref_slice %arg21[%dma_wait3A_173] : memref<256xi32, #tpu.memory_space<vmem>> -> memref<128xi32, #tpu.memory_space<vmem>>
      %dma_wait3A_175 = tpu.memref_slice %arg19[%add3A_135] : memref<1024xi32, #tpu.memory_space<vmem>> -> memref<128xi32, #tpu.memory_space<vmem>>
      %dma_wait3A_176 = arith.constant 0 : i32
      %dma_wait3A_177 = tpu.memref_slice %arg8[%dma_wait3A_176] : memref<1600000xi32, #tpu.memory_space<hbm>> -> memref<1600000xi32, #tpu.memory_space<hbm>>
      tpu.wait_indirect_dma semaphore(%arg30 : memref<!tpu.dma_semaphore, #tpu.memory_space<semaphore_mem>>) src(%dma_wait3A_177 : memref<1600000xi32, #tpu.memory_space<hbm>>) dst(%dma_wait3A_174 : memref<128xi32, #tpu.memory_space<vmem>>)
      %dma_wait3A_178 = arith.constant 0 : i32
      %dma_wait3A_179 = tpu.memref_slice %arg22[%dma_wait3A_178] : memref<256xf32, #tpu.memory_space<vmem>> -> memref<128xf32, #tpu.memory_space<vmem>>
      %dma_wait3A_180 = tpu.memref_slice %arg19[%add3A_135] : memref<1024xi32, #tpu.memory_space<vmem>> -> memref<128xi32, #tpu.memory_space<vmem>>
      %dma_wait3A_181 = arith.constant 0 : i32
      %dma_wait3A_182 = tpu.memref_slice %arg6[%dma_wait3A_181] : memref<1600000xf32, #tpu.memory_space<hbm>> -> memref<1600000xf32, #tpu.memory_space<hbm>>
      tpu.wait_indirect_dma semaphore(%arg30 : memref<!tpu.dma_semaphore, #tpu.memory_space<semaphore_mem>>) src(%dma_wait3A_182 : memref<1600000xf32, #tpu.memory_space<hbm>>) dst(%dma_wait3A_179 : memref<128xf32, #tpu.memory_space<vmem>>)
      %dma_wait3A_183 = arith.constant 128 : i32
      %dma_wait3A_184 = tpu.memref_slice %arg20[%dma_wait3A_183] : memref<256xi32, #tpu.memory_space<vmem>> -> memref<128xi32, #tpu.memory_space<vmem>>
      %dma_wait3A_185 = tpu.memref_slice %arg19[%add3A_152] : memref<1024xi32, #tpu.memory_space<vmem>> -> memref<128xi32, #tpu.memory_space<vmem>>
      %dma_wait3A_186 = arith.constant 0 : i32
      %dma_wait3A_187 = tpu.memref_slice %arg7[%dma_wait3A_186] : memref<1600000xi32, #tpu.memory_space<hbm>> -> memref<1600000xi32, #tpu.memory_space<hbm>>
      tpu.wait_indirect_dma semaphore(%arg30 : memref<!tpu.dma_semaphore, #tpu.memory_space<semaphore_mem>>) src(%dma_wait3A_187 : memref<1600000xi32, #tpu.memory_space<hbm>>) dst(%dma_wait3A_184 : memref<128xi32, #tpu.memory_space<vmem>>)
      %dma_wait3A_188 = arith.constant 128 : i32
      %dma_wait3A_189 = tpu.memref_slice %arg21[%dma_wait3A_188] : memref<256xi32, #tpu.memory_space<vmem>> -> memref<128xi32, #tpu.memory_space<vmem>>
      %dma_wait3A_190 = tpu.memref_slice %arg19[%add3A_152] : memref<1024xi32, #tpu.memory_space<vmem>> -> memref<128xi32, #tpu.memory_space<vmem>>
      %dma_wait3A_191 = arith.constant 0 : i32
      %dma_wait3A_192 = tpu.memref_slice %arg8[%dma_wait3A_191] : memref<1600000xi32, #tpu.memory_space<hbm>> -> memref<1600000xi32, #tpu.memory_space<hbm>>
      tpu.wait_indirect_dma semaphore(%arg30 : memref<!tpu.dma_semaphore, #tpu.memory_space<semaphore_mem>>) src(%dma_wait3A_192 : memref<1600000xi32, #tpu.memory_space<hbm>>) dst(%dma_wait3A_189 : memref<128xi32, #tpu.memory_space<vmem>>)
      %dma_wait3A_193 = arith.constant 128 : i32
      %dma_wait3A_194 = tpu.memref_slice %arg22[%dma_wait3A_193] : memref<256xf32, #tpu.memory_space<vmem>> -> memref<128xf32, #tpu.memory_space<vmem>>
      %dma_wait3A_195 = tpu.memref_slice %arg19[%add3A_152] : memref<1024xi32, #tpu.memory_space<vmem>> -> memref<128xi32, #tpu.memory_space<vmem>>
      %dma_wait3A_196 = arith.constant 0 : i32
      %dma_wait3A_197 = tpu.memref_slice %arg6[%dma_wait3A_196] : memref<1600000xf32, #tpu.memory_space<hbm>> -> memref<1600000xf32, #tpu.memory_space<hbm>>
      tpu.wait_indirect_dma semaphore(%arg30 : memref<!tpu.dma_semaphore, #tpu.memory_space<semaphore_mem>>) src(%dma_wait3A_197 : memref<1600000xf32, #tpu.memory_space<hbm>>) dst(%dma_wait3A_194 : memref<128xf32, #tpu.memory_space<vmem>>)
      %dma_start3A_198 = arith.constant 0 : i32
      %dma_start3A_199 = tpu.memref_slice %arg23[%dma_start3A_198] : memref<256xf32, #tpu.memory_space<vmem>> -> memref<128xf32, #tpu.memory_space<vmem>>
      %dma_start3A_200 = arith.constant 0 : i32
      %dma_start3A_201 = tpu.memref_slice %arg20[%dma_start3A_200] : memref<256xi32, #tpu.memory_space<vmem>> -> memref<128xi32, #tpu.memory_space<vmem>>
      %dma_start3A_202 = arith.constant 0 : i32
      %dma_start3A_203 = tpu.memref_slice %arg2[%dma_start3A_202] : memref<50000xf32, #tpu.memory_space<hbm>> -> memref<50000xf32, #tpu.memory_space<hbm>>
      tpu.enqueue_indirect_dma source(%dma_start3A_203 : memref<50000xf32, #tpu.memory_space<hbm>>) target(%dma_start3A_199 : memref<128xf32, #tpu.memory_space<vmem>>) offsets(%dma_start3A_201 : memref<128xi32, #tpu.memory_space<vmem>>) semaphore(%arg30 : memref<!tpu.dma_semaphore, #tpu.memory_space<semaphore_mem>>)
      %dma_start3A_204 = arith.constant 0 : i32
      %dma_start3A_205 = tpu.memref_slice %arg24[%dma_start3A_204] : memref<256xf32, #tpu.memory_space<vmem>> -> memref<128xf32, #tpu.memory_space<vmem>>
      %dma_start3A_206 = arith.constant 0 : i32
      %dma_start3A_207 = tpu.memref_slice %arg21[%dma_start3A_206] : memref<256xi32, #tpu.memory_space<vmem>> -> memref<128xi32, #tpu.memory_space<vmem>>
      %dma_start3A_208 = arith.constant 0 : i32
      %dma_start3A_209 = tpu.memref_slice %arg3[%dma_start3A_208] : memref<50000xf32, #tpu.memory_space<hbm>> -> memref<50000xf32, #tpu.memory_space<hbm>>
      tpu.enqueue_indirect_dma source(%dma_start3A_209 : memref<50000xf32, #tpu.memory_space<hbm>>) target(%dma_start3A_205 : memref<128xf32, #tpu.memory_space<vmem>>) offsets(%dma_start3A_207 : memref<128xi32, #tpu.memory_space<vmem>>) semaphore(%arg30 : memref<!tpu.dma_semaphore, #tpu.memory_space<semaphore_mem>>)
      %dma_start3A_210 = arith.constant 0 : i32
      %dma_start3A_211 = arith.constant 0 : i32
      %dma_start3A_212 = tpu.memref_slice %arg25[%dma_start3A_210, %dma_start3A_211] : memref<256x16xf32, #tpu.memory_space<vmem>> -> memref<128x16xf32, #tpu.memory_space<vmem>>
      %dma_start3A_213 = arith.constant 0 : i32
      %dma_start3A_214 = tpu.memref_slice %arg20[%dma_start3A_213] : memref<256xi32, #tpu.memory_space<vmem>> -> memref<128xi32, #tpu.memory_space<vmem>>
      %dma_start3A_215 = arith.constant 0 : i32
      %dma_start3A_216 = arith.constant 0 : i32
      %dma_start3A_217 = tpu.memref_slice %arg4[%dma_start3A_215, %dma_start3A_216] : memref<50000x16xf32, #tpu.memory_space<hbm>> -> memref<50000x16xf32, #tpu.memory_space<hbm>>
      tpu.enqueue_indirect_dma source(%dma_start3A_217 : memref<50000x16xf32, #tpu.memory_space<hbm>>) target(%dma_start3A_212 : memref<128x16xf32, #tpu.memory_space<vmem>>) offsets(%dma_start3A_214 : memref<128xi32, #tpu.memory_space<vmem>>) semaphore(%arg30 : memref<!tpu.dma_semaphore, #tpu.memory_space<semaphore_mem>>)
      %dma_start3A_218 = arith.constant 0 : i32
      %dma_start3A_219 = arith.constant 0 : i32
      %dma_start3A_220 = tpu.memref_slice %arg26[%dma_start3A_218, %dma_start3A_219] : memref<256x16xf32, #tpu.memory_space<vmem>> -> memref<128x16xf32, #tpu.memory_space<vmem>>
      %dma_start3A_221 = arith.constant 0 : i32
      %dma_start3A_222 = tpu.memref_slice %arg21[%dma_start3A_221] : memref<256xi32, #tpu.memory_space<vmem>> -> memref<128xi32, #tpu.memory_space<vmem>>
      %dma_start3A_223 = arith.constant 0 : i32
      %dma_start3A_224 = arith.constant 0 : i32
      %dma_start3A_225 = tpu.memref_slice %arg5[%dma_start3A_223, %dma_start3A_224] : memref<50000x16xf32, #tpu.memory_space<hbm>> -> memref<50000x16xf32, #tpu.memory_space<hbm>>
      tpu.enqueue_indirect_dma source(%dma_start3A_225 : memref<50000x16xf32, #tpu.memory_space<hbm>>) target(%dma_start3A_220 : memref<128x16xf32, #tpu.memory_space<vmem>>) offsets(%dma_start3A_222 : memref<128xi32, #tpu.memory_space<vmem>>) semaphore(%arg30 : memref<!tpu.dma_semaphore, #tpu.memory_space<semaphore_mem>>)
      %dma_start3A_226 = arith.constant 128 : i32
      %dma_start3A_227 = tpu.memref_slice %arg23[%dma_start3A_226] : memref<256xf32, #tpu.memory_space<vmem>> -> memref<128xf32, #tpu.memory_space<vmem>>
      %dma_start3A_228 = arith.constant 128 : i32
      %dma_start3A_229 = tpu.memref_slice %arg20[%dma_start3A_228] : memref<256xi32, #tpu.memory_space<vmem>> -> memref<128xi32, #tpu.memory_space<vmem>>
      %dma_start3A_230 = arith.constant 0 : i32
      %dma_start3A_231 = tpu.memref_slice %arg2[%dma_start3A_230] : memref<50000xf32, #tpu.memory_space<hbm>> -> memref<50000xf32, #tpu.memory_space<hbm>>
      tpu.enqueue_indirect_dma source(%dma_start3A_231 : memref<50000xf32, #tpu.memory_space<hbm>>) target(%dma_start3A_227 : memref<128xf32, #tpu.memory_space<vmem>>) offsets(%dma_start3A_229 : memref<128xi32, #tpu.memory_space<vmem>>) semaphore(%arg30 : memref<!tpu.dma_semaphore, #tpu.memory_space<semaphore_mem>>)
      %dma_start3A_232 = arith.constant 128 : i32
      %dma_start3A_233 = tpu.memref_slice %arg24[%dma_start3A_232] : memref<256xf32, #tpu.memory_space<vmem>> -> memref<128xf32, #tpu.memory_space<vmem>>
      %dma_start3A_234 = arith.constant 128 : i32
      %dma_start3A_235 = tpu.memref_slice %arg21[%dma_start3A_234] : memref<256xi32, #tpu.memory_space<vmem>> -> memref<128xi32, #tpu.memory_space<vmem>>
      %dma_start3A_236 = arith.constant 0 : i32
      %dma_start3A_237 = tpu.memref_slice %arg3[%dma_start3A_236] : memref<50000xf32, #tpu.memory_space<hbm>> -> memref<50000xf32, #tpu.memory_space<hbm>>
      tpu.enqueue_indirect_dma source(%dma_start3A_237 : memref<50000xf32, #tpu.memory_space<hbm>>) target(%dma_start3A_233 : memref<128xf32, #tpu.memory_space<vmem>>) offsets(%dma_start3A_235 : memref<128xi32, #tpu.memory_space<vmem>>) semaphore(%arg30 : memref<!tpu.dma_semaphore, #tpu.memory_space<semaphore_mem>>)
      %dma_start3A_238 = arith.constant 128 : i32
      %dma_start3A_239 = arith.constant 0 : i32
      %dma_start3A_240 = tpu.memref_slice %arg25[%dma_start3A_238, %dma_start3A_239] : memref<256x16xf32, #tpu.memory_space<vmem>> -> memref<128x16xf32, #tpu.memory_space<vmem>>
      %dma_start3A_241 = arith.constant 128 : i32
      %dma_start3A_242 = tpu.memref_slice %arg20[%dma_start3A_241] : memref<256xi32, #tpu.memory_space<vmem>> -> memref<128xi32, #tpu.memory_space<vmem>>
      %dma_start3A_243 = arith.constant 0 : i32
      %dma_start3A_244 = arith.constant 0 : i32
      %dma_start3A_245 = tpu.memref_slice %arg4[%dma_start3A_243, %dma_start3A_244] : memref<50000x16xf32, #tpu.memory_space<hbm>> -> memref<50000x16xf32, #tpu.memory_space<hbm>>
      tpu.enqueue_indirect_dma source(%dma_start3A_245 : memref<50000x16xf32, #tpu.memory_space<hbm>>) target(%dma_start3A_240 : memref<128x16xf32, #tpu.memory_space<vmem>>) offsets(%dma_start3A_242 : memref<128xi32, #tpu.memory_space<vmem>>) semaphore(%arg30 : memref<!tpu.dma_semaphore, #tpu.memory_space<semaphore_mem>>)
      %dma_start3A_246 = arith.constant 128 : i32
      %dma_start3A_247 = arith.constant 0 : i32
      %dma_start3A_248 = tpu.memref_slice %arg26[%dma_start3A_246, %dma_start3A_247] : memref<256x16xf32, #tpu.memory_space<vmem>> -> memref<128x16xf32, #tpu.memory_space<vmem>>
      %dma_start3A_249 = arith.constant 128 : i32
      %dma_start3A_250 = tpu.memref_slice %arg21[%dma_start3A_249] : memref<256xi32, #tpu.memory_space<vmem>> -> memref<128xi32, #tpu.memory_space<vmem>>
      %dma_start3A_251 = arith.constant 0 : i32
      %dma_start3A_252 = arith.constant 0 : i32
      %dma_start3A_253 = tpu.memref_slice %arg5[%dma_start3A_251, %dma_start3A_252] : memref<50000x16xf32, #tpu.memory_space<hbm>> -> memref<50000x16xf32, #tpu.memory_space<hbm>>
      tpu.enqueue_indirect_dma source(%dma_start3A_253 : memref<50000x16xf32, #tpu.memory_space<hbm>>) target(%dma_start3A_248 : memref<128x16xf32, #tpu.memory_space<vmem>>) offsets(%dma_start3A_250 : memref<128xi32, #tpu.memory_space<vmem>>) semaphore(%arg30 : memref<!tpu.dma_semaphore, #tpu.memory_space<semaphore_mem>>)
      %dma_wait3A_254 = arith.constant 0 : i32
      %dma_wait3A_255 = tpu.memref_slice %arg23[%dma_wait3A_254] : memref<256xf32, #tpu.memory_space<vmem>> -> memref<128xf32, #tpu.memory_space<vmem>>
      %dma_wait3A_256 = arith.constant 0 : i32
      %dma_wait3A_257 = tpu.memref_slice %arg20[%dma_wait3A_256] : memref<256xi32, #tpu.memory_space<vmem>> -> memref<128xi32, #tpu.memory_space<vmem>>
      %dma_wait3A_258 = arith.constant 0 : i32
      %dma_wait3A_259 = tpu.memref_slice %arg2[%dma_wait3A_258] : memref<50000xf32, #tpu.memory_space<hbm>> -> memref<50000xf32, #tpu.memory_space<hbm>>
      tpu.wait_indirect_dma semaphore(%arg30 : memref<!tpu.dma_semaphore, #tpu.memory_space<semaphore_mem>>) src(%dma_wait3A_259 : memref<50000xf32, #tpu.memory_space<hbm>>) dst(%dma_wait3A_255 : memref<128xf32, #tpu.memory_space<vmem>>)
      %dma_wait3A_260 = arith.constant 0 : i32
      %dma_wait3A_261 = tpu.memref_slice %arg24[%dma_wait3A_260] : memref<256xf32, #tpu.memory_space<vmem>> -> memref<128xf32, #tpu.memory_space<vmem>>
      %dma_wait3A_262 = arith.constant 0 : i32
      %dma_wait3A_263 = tpu.memref_slice %arg21[%dma_wait3A_262] : memref<256xi32, #tpu.memory_space<vmem>> -> memref<128xi32, #tpu.memory_space<vmem>>
      %dma_wait3A_264 = arith.constant 0 : i32
      %dma_wait3A_265 = tpu.memref_slice %arg3[%dma_wait3A_264] : memref<50000xf32, #tpu.memory_space<hbm>> -> memref<50000xf32, #tpu.memory_space<hbm>>
      tpu.wait_indirect_dma semaphore(%arg30 : memref<!tpu.dma_semaphore, #tpu.memory_space<semaphore_mem>>) src(%dma_wait3A_265 : memref<50000xf32, #tpu.memory_space<hbm>>) dst(%dma_wait3A_261 : memref<128xf32, #tpu.memory_space<vmem>>)
      %dma_wait3A_266 = arith.constant 0 : i32
      %dma_wait3A_267 = arith.constant 0 : i32
      %dma_wait3A_268 = tpu.memref_slice %arg25[%dma_wait3A_266, %dma_wait3A_267] : memref<256x16xf32, #tpu.memory_space<vmem>> -> memref<128x16xf32, #tpu.memory_space<vmem>>
      %dma_wait3A_269 = arith.constant 0 : i32
      %dma_wait3A_270 = tpu.memref_slice %arg20[%dma_wait3A_269] : memref<256xi32, #tpu.memory_space<vmem>> -> memref<128xi32, #tpu.memory_space<vmem>>
      %dma_wait3A_271 = arith.constant 0 : i32
      %dma_wait3A_272 = arith.constant 0 : i32
      %dma_wait3A_273 = tpu.memref_slice %arg4[%dma_wait3A_271, %dma_wait3A_272] : memref<50000x16xf32, #tpu.memory_space<hbm>> -> memref<50000x16xf32, #tpu.memory_space<hbm>>
      tpu.wait_indirect_dma semaphore(%arg30 : memref<!tpu.dma_semaphore, #tpu.memory_space<semaphore_mem>>) src(%dma_wait3A_273 : memref<50000x16xf32, #tpu.memory_space<hbm>>) dst(%dma_wait3A_268 : memref<128x16xf32, #tpu.memory_space<vmem>>)
      %dma_wait3A_274 = arith.constant 0 : i32
      %dma_wait3A_275 = arith.constant 0 : i32
      %dma_wait3A_276 = tpu.memref_slice %arg26[%dma_wait3A_274, %dma_wait3A_275] : memref<256x16xf32, #tpu.memory_space<vmem>> -> memref<128x16xf32, #tpu.memory_space<vmem>>
      %dma_wait3A_277 = arith.constant 0 : i32
      %dma_wait3A_278 = tpu.memref_slice %arg21[%dma_wait3A_277] : memref<256xi32, #tpu.memory_space<vmem>> -> memref<128xi32, #tpu.memory_space<vmem>>
      %dma_wait3A_279 = arith.constant 0 : i32
      %dma_wait3A_280 = arith.constant 0 : i32
      %dma_wait3A_281 = tpu.memref_slice %arg5[%dma_wait3A_279, %dma_wait3A_280] : memref<50000x16xf32, #tpu.memory_space<hbm>> -> memref<50000x16xf32, #tpu.memory_space<hbm>>
      tpu.wait_indirect_dma semaphore(%arg30 : memref<!tpu.dma_semaphore, #tpu.memory_space<semaphore_mem>>) src(%dma_wait3A_281 : memref<50000x16xf32, #tpu.memory_space<hbm>>) dst(%dma_wait3A_276 : memref<128x16xf32, #tpu.memory_space<vmem>>)
      %dma_wait3A_282 = arith.constant 128 : i32
      %dma_wait3A_283 = tpu.memref_slice %arg23[%dma_wait3A_282] : memref<256xf32, #tpu.memory_space<vmem>> -> memref<128xf32, #tpu.memory_space<vmem>>
      %dma_wait3A_284 = arith.constant 128 : i32
      %dma_wait3A_285 = tpu.memref_slice %arg20[%dma_wait3A_284] : memref<256xi32, #tpu.memory_space<vmem>> -> memref<128xi32, #tpu.memory_space<vmem>>
      %dma_wait3A_286 = arith.constant 0 : i32
      %dma_wait3A_287 = tpu.memref_slice %arg2[%dma_wait3A_286] : memref<50000xf32, #tpu.memory_space<hbm>> -> memref<50000xf32, #tpu.memory_space<hbm>>
      tpu.wait_indirect_dma semaphore(%arg30 : memref<!tpu.dma_semaphore, #tpu.memory_space<semaphore_mem>>) src(%dma_wait3A_287 : memref<50000xf32, #tpu.memory_space<hbm>>) dst(%dma_wait3A_283 : memref<128xf32, #tpu.memory_space<vmem>>)
      %dma_wait3A_288 = arith.constant 128 : i32
      %dma_wait3A_289 = tpu.memref_slice %arg24[%dma_wait3A_288] : memref<256xf32, #tpu.memory_space<vmem>> -> memref<128xf32, #tpu.memory_space<vmem>>
      %dma_wait3A_290 = arith.constant 128 : i32
      %dma_wait3A_291 = tpu.memref_slice %arg21[%dma_wait3A_290] : memref<256xi32, #tpu.memory_space<vmem>> -> memref<128xi32, #tpu.memory_space<vmem>>
      %dma_wait3A_292 = arith.constant 0 : i32
      %dma_wait3A_293 = tpu.memref_slice %arg3[%dma_wait3A_292] : memref<50000xf32, #tpu.memory_space<hbm>> -> memref<50000xf32, #tpu.memory_space<hbm>>
      tpu.wait_indirect_dma semaphore(%arg30 : memref<!tpu.dma_semaphore, #tpu.memory_space<semaphore_mem>>) src(%dma_wait3A_293 : memref<50000xf32, #tpu.memory_space<hbm>>) dst(%dma_wait3A_289 : memref<128xf32, #tpu.memory_space<vmem>>)
      %dma_wait3A_294 = arith.constant 128 : i32
      %dma_wait3A_295 = arith.constant 0 : i32
      %dma_wait3A_296 = tpu.memref_slice %arg25[%dma_wait3A_294, %dma_wait3A_295] : memref<256x16xf32, #tpu.memory_space<vmem>> -> memref<128x16xf32, #tpu.memory_space<vmem>>
      %dma_wait3A_297 = arith.constant 128 : i32
      %dma_wait3A_298 = tpu.memref_slice %arg20[%dma_wait3A_297] : memref<256xi32, #tpu.memory_space<vmem>> -> memref<128xi32, #tpu.memory_space<vmem>>
      %dma_wait3A_299 = arith.constant 0 : i32
      %dma_wait3A_300 = arith.constant 0 : i32
      %dma_wait3A_301 = tpu.memref_slice %arg4[%dma_wait3A_299, %dma_wait3A_300] : memref<50000x16xf32, #tpu.memory_space<hbm>> -> memref<50000x16xf32, #tpu.memory_space<hbm>>
      tpu.wait_indirect_dma semaphore(%arg30 : memref<!tpu.dma_semaphore, #tpu.memory_space<semaphore_mem>>) src(%dma_wait3A_301 : memref<50000x16xf32, #tpu.memory_space<hbm>>) dst(%dma_wait3A_296 : memref<128x16xf32, #tpu.memory_space<vmem>>)
      %dma_wait3A_302 = arith.constant 128 : i32
      %dma_wait3A_303 = arith.constant 0 : i32
      %dma_wait3A_304 = tpu.memref_slice %arg26[%dma_wait3A_302, %dma_wait3A_303] : memref<256x16xf32, #tpu.memory_space<vmem>> -> memref<128x16xf32, #tpu.memory_space<vmem>>
      %dma_wait3A_305 = arith.constant 128 : i32
      %dma_wait3A_306 = tpu.memref_slice %arg21[%dma_wait3A_305] : memref<256xi32, #tpu.memory_space<vmem>> -> memref<128xi32, #tpu.memory_space<vmem>>
      %dma_wait3A_307 = arith.constant 0 : i32
      %dma_wait3A_308 = arith.constant 0 : i32
      %dma_wait3A_309 = tpu.memref_slice %arg5[%dma_wait3A_307, %dma_wait3A_308] : memref<50000x16xf32, #tpu.memory_space<hbm>> -> memref<50000x16xf32, #tpu.memory_space<hbm>>
      tpu.wait_indirect_dma semaphore(%arg30 : memref<!tpu.dma_semaphore, #tpu.memory_space<semaphore_mem>>) src(%dma_wait3A_309 : memref<50000x16xf32, #tpu.memory_space<hbm>>) dst(%dma_wait3A_304 : memref<128x16xf32, #tpu.memory_space<vmem>>)
      %parallel_loop3A_310 = arith.constant 0 : i32
      %parallel_loop3A_311 = arith.constant 16 : i32
      %parallel_loop3A_312 = arith.constant 1 : i32
      %parallel_loop3A_313 = scf.for %parallel_loop3A_314 = %parallel_loop3A_310 to %parallel_loop3A_311 step %parallel_loop3A_312 iter_args(%parallel_loop3A_315 = %while3A_131) -> (vector<16xf32>)  : i32 {
        %parallel_loop3A_316 = arith.constant 16 : i32
        %parallel_loop3A_317 = arith.muli %parallel_loop3A_314, %parallel_loop3A_316 : i32
        %parallel_loop3A_318 = vector.broadcast %parallel_loop3A_317 : i32 to vector<16xi32>
        %parallel_loop3A_319 = arith.addi %parallel_loop3A_318, %iota3A : vector<16xi32>
        %parallel_loop3A_320 = arith.constant 0 : i32
        %parallel_loop3A_321 = vector.broadcast %parallel_loop3A_320 : i32 to vector<16xi32>
        %parallel_loop3A_322 = tpu.vector_load_idx %arg25[%parallel_loop3A_319, %parallel_loop3A_321] : memref<256x16xf32, #tpu.memory_space<vmem>>[vector<16xi32>, vector<16xi32>], vector<16xf32>,
        %parallel_loop3A_323 = tpu.vector_load_idx %arg26[%parallel_loop3A_319, %parallel_loop3A_321] : memref<256x16xf32, #tpu.memory_space<vmem>>[vector<16xi32>, vector<16xi32>], vector<16xf32>,
        %parallel_loop3A_324 = arith.subf %parallel_loop3A_322, %parallel_loop3A_323 : vector<16xf32>
        %parallel_loop3A_325 = arith.constant 9.99999997E-7 : f32
        %parallel_loop3A_326 = vector.broadcast %parallel_loop3A_325 : f32 to vector<16xf32>
        %parallel_loop3A_327 = arith.addf %parallel_loop3A_324, %parallel_loop3A_326 : vector<16xf32>
        %parallel_loop3A_328 = arith.mulf %parallel_loop3A_327, %parallel_loop3A_327 : vector<16xf32>
        %parallel_loop3A_329 = arith.addf %broadcast_in_dim3A_1, %parallel_loop3A_328 : vector<16xf32>
        %parallel_loop3A_330 = arith.constant 1 : i32
        %parallel_loop3A_331 = vector.broadcast %parallel_loop3A_330 : i32 to vector<16xi32>
        %parallel_loop3A_332 = tpu.vector_load_idx %arg25[%parallel_loop3A_319, %parallel_loop3A_331] : memref<256x16xf32, #tpu.memory_space<vmem>>[vector<16xi32>, vector<16xi32>], vector<16xf32>,
        %parallel_loop3A_333 = tpu.vector_load_idx %arg26[%parallel_loop3A_319, %parallel_loop3A_331] : memref<256x16xf32, #tpu.memory_space<vmem>>[vector<16xi32>, vector<16xi32>], vector<16xf32>,
        %parallel_loop3A_334 = arith.subf %parallel_loop3A_332, %parallel_loop3A_333 : vector<16xf32>
        %parallel_loop3A_335 = arith.constant 9.99999997E-7 : f32
        %parallel_loop3A_336 = vector.broadcast %parallel_loop3A_335 : f32 to vector<16xf32>
        %parallel_loop3A_337 = arith.addf %parallel_loop3A_334, %parallel_loop3A_336 : vector<16xf32>
        %parallel_loop3A_338 = arith.mulf %parallel_loop3A_337, %parallel_loop3A_337 : vector<16xf32>
        %parallel_loop3A_339 = arith.addf %parallel_loop3A_329, %parallel_loop3A_338 : vector<16xf32>
        %parallel_loop3A_340 = arith.constant 2 : i32
        %parallel_loop3A_341 = vector.broadcast %parallel_loop3A_340 : i32 to vector<16xi32>
        %parallel_loop3A_342 = tpu.vector_load_idx %arg25[%parallel_loop3A_319, %parallel_loop3A_341] : memref<256x16xf32, #tpu.memory_space<vmem>>[vector<16xi32>, vector<16xi32>], vector<16xf32>,
        %parallel_loop3A_343 = tpu.vector_load_idx %arg26[%parallel_loop3A_319, %parallel_loop3A_341] : memref<256x16xf32, #tpu.memory_space<vmem>>[vector<16xi32>, vector<16xi32>], vector<16xf32>,
        %parallel_loop3A_344 = arith.subf %parallel_loop3A_342, %parallel_loop3A_343 : vector<16xf32>
        %parallel_loop3A_345 = arith.constant 9.99999997E-7 : f32
        %parallel_loop3A_346 = vector.broadcast %parallel_loop3A_345 : f32 to vector<16xf32>
        %parallel_loop3A_347 = arith.addf %parallel_loop3A_344, %parallel_loop3A_346 : vector<16xf32>
        %parallel_loop3A_348 = arith.mulf %parallel_loop3A_347, %parallel_loop3A_347 : vector<16xf32>
        %parallel_loop3A_349 = arith.addf %parallel_loop3A_339, %parallel_loop3A_348 : vector<16xf32>
        %parallel_loop3A_350 = arith.constant 3 : i32
        %parallel_loop3A_351 = vector.broadcast %parallel_loop3A_350 : i32 to vector<16xi32>
        %parallel_loop3A_352 = tpu.vector_load_idx %arg25[%parallel_loop3A_319, %parallel_loop3A_351] : memref<256x16xf32, #tpu.memory_space<vmem>>[vector<16xi32>, vector<16xi32>], vector<16xf32>,
        %parallel_loop3A_353 = tpu.vector_load_idx %arg26[%parallel_loop3A_319, %parallel_loop3A_351] : memref<256x16xf32, #tpu.memory_space<vmem>>[vector<16xi32>, vector<16xi32>], vector<16xf32>,
        %parallel_loop3A_354 = arith.subf %parallel_loop3A_352, %parallel_loop3A_353 : vector<16xf32>
        %parallel_loop3A_355 = arith.constant 9.99999997E-7 : f32
        %parallel_loop3A_356 = vector.broadcast %parallel_loop3A_355 : f32 to vector<16xf32>
        %parallel_loop3A_357 = arith.addf %parallel_loop3A_354, %parallel_loop3A_356 : vector<16xf32>
        %parallel_loop3A_358 = arith.mulf %parallel_loop3A_357, %parallel_loop3A_357 : vector<16xf32>
        %parallel_loop3A_359 = arith.addf %parallel_loop3A_349, %parallel_loop3A_358 : vector<16xf32>
        %parallel_loop3A_360 = arith.constant 4 : i32
        %parallel_loop3A_361 = vector.broadcast %parallel_loop3A_360 : i32 to vector<16xi32>
        %parallel_loop3A_362 = tpu.vector_load_idx %arg25[%parallel_loop3A_319, %parallel_loop3A_361] : memref<256x16xf32, #tpu.memory_space<vmem>>[vector<16xi32>, vector<16xi32>], vector<16xf32>,
        %parallel_loop3A_363 = tpu.vector_load_idx %arg26[%parallel_loop3A_319, %parallel_loop3A_361] : memref<256x16xf32, #tpu.memory_space<vmem>>[vector<16xi32>, vector<16xi32>], vector<16xf32>,
        %parallel_loop3A_364 = arith.subf %parallel_loop3A_362, %parallel_loop3A_363 : vector<16xf32>
        %parallel_loop3A_365 = arith.constant 9.99999997E-7 : f32
        %parallel_loop3A_366 = vector.broadcast %parallel_loop3A_365 : f32 to vector<16xf32>
        %parallel_loop3A_367 = arith.addf %parallel_loop3A_364, %parallel_loop3A_366 : vector<16xf32>
        %parallel_loop3A_368 = arith.mulf %parallel_loop3A_367, %parallel_loop3A_367 : vector<16xf32>
        %parallel_loop3A_369 = arith.addf %parallel_loop3A_359, %parallel_loop3A_368 : vector<16xf32>
        %parallel_loop3A_370 = arith.constant 5 : i32
        %parallel_loop3A_371 = vector.broadcast %parallel_loop3A_370 : i32 to vector<16xi32>
        %parallel_loop3A_372 = tpu.vector_load_idx %arg25[%parallel_loop3A_319, %parallel_loop3A_371] : memref<256x16xf32, #tpu.memory_space<vmem>>[vector<16xi32>, vector<16xi32>], vector<16xf32>,
        %parallel_loop3A_373 = tpu.vector_load_idx %arg26[%parallel_loop3A_319, %parallel_loop3A_371] : memref<256x16xf32, #tpu.memory_space<vmem>>[vector<16xi32>, vector<16xi32>], vector<16xf32>,
        %parallel_loop3A_374 = arith.subf %parallel_loop3A_372, %parallel_loop3A_373 : vector<16xf32>
        %parallel_loop3A_375 = arith.constant 9.99999997E-7 : f32
        %parallel_loop3A_376 = vector.broadcast %parallel_loop3A_375 : f32 to vector<16xf32>
        %parallel_loop3A_377 = arith.addf %parallel_loop3A_374, %parallel_loop3A_376 : vector<16xf32>
        %parallel_loop3A_378 = arith.mulf %parallel_loop3A_377, %parallel_loop3A_377 : vector<16xf32>
        %parallel_loop3A_379 = arith.addf %parallel_loop3A_369, %parallel_loop3A_378 : vector<16xf32>
        %parallel_loop3A_380 = arith.constant 6 : i32
        %parallel_loop3A_381 = vector.broadcast %parallel_loop3A_380 : i32 to vector<16xi32>
        %parallel_loop3A_382 = tpu.vector_load_idx %arg25[%parallel_loop3A_319, %parallel_loop3A_381] : memref<256x16xf32, #tpu.memory_space<vmem>>[vector<16xi32>, vector<16xi32>], vector<16xf32>,
        %parallel_loop3A_383 = tpu.vector_load_idx %arg26[%parallel_loop3A_319, %parallel_loop3A_381] : memref<256x16xf32, #tpu.memory_space<vmem>>[vector<16xi32>, vector<16xi32>], vector<16xf32>,
        %parallel_loop3A_384 = arith.subf %parallel_loop3A_382, %parallel_loop3A_383 : vector<16xf32>
        %parallel_loop3A_385 = arith.constant 9.99999997E-7 : f32
        %parallel_loop3A_386 = vector.broadcast %parallel_loop3A_385 : f32 to vector<16xf32>
        %parallel_loop3A_387 = arith.addf %parallel_loop3A_384, %parallel_loop3A_386 : vector<16xf32>
        %parallel_loop3A_388 = arith.mulf %parallel_loop3A_387, %parallel_loop3A_387 : vector<16xf32>
        %parallel_loop3A_389 = arith.addf %parallel_loop3A_379, %parallel_loop3A_388 : vector<16xf32>
        %parallel_loop3A_390 = arith.constant 7 : i32
        %parallel_loop3A_391 = vector.broadcast %parallel_loop3A_390 : i32 to vector<16xi32>
        %parallel_loop3A_392 = tpu.vector_load_idx %arg25[%parallel_loop3A_319, %parallel_loop3A_391] : memref<256x16xf32, #tpu.memory_space<vmem>>[vector<16xi32>, vector<16xi32>], vector<16xf32>,
        %parallel_loop3A_393 = tpu.vector_load_idx %arg26[%parallel_loop3A_319, %parallel_loop3A_391] : memref<256x16xf32, #tpu.memory_space<vmem>>[vector<16xi32>, vector<16xi32>], vector<16xf32>,
        %parallel_loop3A_394 = arith.subf %parallel_loop3A_392, %parallel_loop3A_393 : vector<16xf32>
        %parallel_loop3A_395 = arith.constant 9.99999997E-7 : f32
        %parallel_loop3A_396 = vector.broadcast %parallel_loop3A_395 : f32 to vector<16xf32>
        %parallel_loop3A_397 = arith.addf %parallel_loop3A_394, %parallel_loop3A_396 : vector<16xf32>
        %parallel_loop3A_398 = arith.mulf %parallel_loop3A_397, %parallel_loop3A_397 : vector<16xf32>
        %parallel_loop3A_399 = arith.addf %parallel_loop3A_389, %parallel_loop3A_398 : vector<16xf32>
        %parallel_loop3A_400 = arith.constant 8 : i32
        %parallel_loop3A_401 = vector.broadcast %parallel_loop3A_400 : i32 to vector<16xi32>
        %parallel_loop3A_402 = tpu.vector_load_idx %arg25[%parallel_loop3A_319, %parallel_loop3A_401] : memref<256x16xf32, #tpu.memory_space<vmem>>[vector<16xi32>, vector<16xi32>], vector<16xf32>,
        %parallel_loop3A_403 = tpu.vector_load_idx %arg26[%parallel_loop3A_319, %parallel_loop3A_401] : memref<256x16xf32, #tpu.memory_space<vmem>>[vector<16xi32>, vector<16xi32>], vector<16xf32>,
        %parallel_loop3A_404 = arith.subf %parallel_loop3A_402, %parallel_loop3A_403 : vector<16xf32>
        %parallel_loop3A_405 = arith.constant 9.99999997E-7 : f32
        %parallel_loop3A_406 = vector.broadcast %parallel_loop3A_405 : f32 to vector<16xf32>
        %parallel_loop3A_407 = arith.addf %parallel_loop3A_404, %parallel_loop3A_406 : vector<16xf32>
        %parallel_loop3A_408 = arith.mulf %parallel_loop3A_407, %parallel_loop3A_407 : vector<16xf32>
        %parallel_loop3A_409 = arith.addf %parallel_loop3A_399, %parallel_loop3A_408 : vector<16xf32>
        %parallel_loop3A_410 = arith.constant 9 : i32
        %parallel_loop3A_411 = vector.broadcast %parallel_loop3A_410 : i32 to vector<16xi32>
        %parallel_loop3A_412 = tpu.vector_load_idx %arg25[%parallel_loop3A_319, %parallel_loop3A_411] : memref<256x16xf32, #tpu.memory_space<vmem>>[vector<16xi32>, vector<16xi32>], vector<16xf32>,
        %parallel_loop3A_413 = tpu.vector_load_idx %arg26[%parallel_loop3A_319, %parallel_loop3A_411] : memref<256x16xf32, #tpu.memory_space<vmem>>[vector<16xi32>, vector<16xi32>], vector<16xf32>,
        %parallel_loop3A_414 = arith.subf %parallel_loop3A_412, %parallel_loop3A_413 : vector<16xf32>
        %parallel_loop3A_415 = arith.constant 9.99999997E-7 : f32
        %parallel_loop3A_416 = vector.broadcast %parallel_loop3A_415 : f32 to vector<16xf32>
        %parallel_loop3A_417 = arith.addf %parallel_loop3A_414, %parallel_loop3A_416 : vector<16xf32>
        %parallel_loop3A_418 = arith.mulf %parallel_loop3A_417, %parallel_loop3A_417 : vector<16xf32>
        %parallel_loop3A_419 = arith.addf %parallel_loop3A_409, %parallel_loop3A_418 : vector<16xf32>
        %parallel_loop3A_420 = arith.constant 10 : i32
        %parallel_loop3A_421 = vector.broadcast %parallel_loop3A_420 : i32 to vector<16xi32>
        %parallel_loop3A_422 = tpu.vector_load_idx %arg25[%parallel_loop3A_319, %parallel_loop3A_421] : memref<256x16xf32, #tpu.memory_space<vmem>>[vector<16xi32>, vector<16xi32>], vector<16xf32>,
        %parallel_loop3A_423 = tpu.vector_load_idx %arg26[%parallel_loop3A_319, %parallel_loop3A_421] : memref<256x16xf32, #tpu.memory_space<vmem>>[vector<16xi32>, vector<16xi32>], vector<16xf32>,
        %parallel_loop3A_424 = arith.subf %parallel_loop3A_422, %parallel_loop3A_423 : vector<16xf32>
        %parallel_loop3A_425 = arith.constant 9.99999997E-7 : f32
        %parallel_loop3A_426 = vector.broadcast %parallel_loop3A_425 : f32 to vector<16xf32>
        %parallel_loop3A_427 = arith.addf %parallel_loop3A_424, %parallel_loop3A_426 : vector<16xf32>
        %parallel_loop3A_428 = arith.mulf %parallel_loop3A_427, %parallel_loop3A_427 : vector<16xf32>
        %parallel_loop3A_429 = arith.addf %parallel_loop3A_419, %parallel_loop3A_428 : vector<16xf32>
        %parallel_loop3A_430 = arith.constant 11 : i32
        %parallel_loop3A_431 = vector.broadcast %parallel_loop3A_430 : i32 to vector<16xi32>
        %parallel_loop3A_432 = tpu.vector_load_idx %arg25[%parallel_loop3A_319, %parallel_loop3A_431] : memref<256x16xf32, #tpu.memory_space<vmem>>[vector<16xi32>, vector<16xi32>], vector<16xf32>,
        %parallel_loop3A_433 = tpu.vector_load_idx %arg26[%parallel_loop3A_319, %parallel_loop3A_431] : memref<256x16xf32, #tpu.memory_space<vmem>>[vector<16xi32>, vector<16xi32>], vector<16xf32>,
        %parallel_loop3A_434 = arith.subf %parallel_loop3A_432, %parallel_loop3A_433 : vector<16xf32>
        %parallel_loop3A_435 = arith.constant 9.99999997E-7 : f32
        %parallel_loop3A_436 = vector.broadcast %parallel_loop3A_435 : f32 to vector<16xf32>
        %parallel_loop3A_437 = arith.addf %parallel_loop3A_434, %parallel_loop3A_436 : vector<16xf32>
        %parallel_loop3A_438 = arith.mulf %parallel_loop3A_437, %parallel_loop3A_437 : vector<16xf32>
        %parallel_loop3A_439 = arith.addf %parallel_loop3A_429, %parallel_loop3A_438 : vector<16xf32>
        %parallel_loop3A_440 = arith.constant 12 : i32
        %parallel_loop3A_441 = vector.broadcast %parallel_loop3A_440 : i32 to vector<16xi32>
        %parallel_loop3A_442 = tpu.vector_load_idx %arg25[%parallel_loop3A_319, %parallel_loop3A_441] : memref<256x16xf32, #tpu.memory_space<vmem>>[vector<16xi32>, vector<16xi32>], vector<16xf32>,
        %parallel_loop3A_443 = tpu.vector_load_idx %arg26[%parallel_loop3A_319, %parallel_loop3A_441] : memref<256x16xf32, #tpu.memory_space<vmem>>[vector<16xi32>, vector<16xi32>], vector<16xf32>,
        %parallel_loop3A_444 = arith.subf %parallel_loop3A_442, %parallel_loop3A_443 : vector<16xf32>
        %parallel_loop3A_445 = arith.constant 9.99999997E-7 : f32
        %parallel_loop3A_446 = vector.broadcast %parallel_loop3A_445 : f32 to vector<16xf32>
        %parallel_loop3A_447 = arith.addf %parallel_loop3A_444, %parallel_loop3A_446 : vector<16xf32>
        %parallel_loop3A_448 = arith.mulf %parallel_loop3A_447, %parallel_loop3A_447 : vector<16xf32>
        %parallel_loop3A_449 = arith.addf %parallel_loop3A_439, %parallel_loop3A_448 : vector<16xf32>
        %parallel_loop3A_450 = arith.constant 13 : i32
        %parallel_loop3A_451 = vector.broadcast %parallel_loop3A_450 : i32 to vector<16xi32>
        %parallel_loop3A_452 = tpu.vector_load_idx %arg25[%parallel_loop3A_319, %parallel_loop3A_451] : memref<256x16xf32, #tpu.memory_space<vmem>>[vector<16xi32>, vector<16xi32>], vector<16xf32>,
        %parallel_loop3A_453 = tpu.vector_load_idx %arg26[%parallel_loop3A_319, %parallel_loop3A_451] : memref<256x16xf32, #tpu.memory_space<vmem>>[vector<16xi32>, vector<16xi32>], vector<16xf32>,
        %parallel_loop3A_454 = arith.subf %parallel_loop3A_452, %parallel_loop3A_453 : vector<16xf32>
        %parallel_loop3A_455 = arith.constant 9.99999997E-7 : f32
        %parallel_loop3A_456 = vector.broadcast %parallel_loop3A_455 : f32 to vector<16xf32>
        %parallel_loop3A_457 = arith.addf %parallel_loop3A_454, %parallel_loop3A_456 : vector<16xf32>
        %parallel_loop3A_458 = arith.mulf %parallel_loop3A_457, %parallel_loop3A_457 : vector<16xf32>
        %parallel_loop3A_459 = arith.addf %parallel_loop3A_449, %parallel_loop3A_458 : vector<16xf32>
        %parallel_loop3A_460 = arith.constant 14 : i32
        %parallel_loop3A_461 = vector.broadcast %parallel_loop3A_460 : i32 to vector<16xi32>
        %parallel_loop3A_462 = tpu.vector_load_idx %arg25[%parallel_loop3A_319, %parallel_loop3A_461] : memref<256x16xf32, #tpu.memory_space<vmem>>[vector<16xi32>, vector<16xi32>], vector<16xf32>,
        %parallel_loop3A_463 = tpu.vector_load_idx %arg26[%parallel_loop3A_319, %parallel_loop3A_461] : memref<256x16xf32, #tpu.memory_space<vmem>>[vector<16xi32>, vector<16xi32>], vector<16xf32>,
        %parallel_loop3A_464 = arith.subf %parallel_loop3A_462, %parallel_loop3A_463 : vector<16xf32>
        %parallel_loop3A_465 = arith.constant 9.99999997E-7 : f32
        %parallel_loop3A_466 = vector.broadcast %parallel_loop3A_465 : f32 to vector<16xf32>
        %parallel_loop3A_467 = arith.addf %parallel_loop3A_464, %parallel_loop3A_466 : vector<16xf32>
        %parallel_loop3A_468 = arith.mulf %parallel_loop3A_467, %parallel_loop3A_467 : vector<16xf32>
        %parallel_loop3A_469 = arith.addf %parallel_loop3A_459, %parallel_loop3A_468 : vector<16xf32>
        %parallel_loop3A_470 = arith.constant 15 : i32
        %parallel_loop3A_471 = vector.broadcast %parallel_loop3A_470 : i32 to vector<16xi32>
        %parallel_loop3A_472 = tpu.vector_load_idx %arg25[%parallel_loop3A_319, %parallel_loop3A_471] : memref<256x16xf32, #tpu.memory_space<vmem>>[vector<16xi32>, vector<16xi32>], vector<16xf32>,
        %parallel_loop3A_473 = tpu.vector_load_idx %arg26[%parallel_loop3A_319, %parallel_loop3A_471] : memref<256x16xf32, #tpu.memory_space<vmem>>[vector<16xi32>, vector<16xi32>], vector<16xf32>,
        %parallel_loop3A_474 = arith.subf %parallel_loop3A_472, %parallel_loop3A_473 : vector<16xf32>
        %parallel_loop3A_475 = arith.constant 9.99999997E-7 : f32
        %parallel_loop3A_476 = vector.broadcast %parallel_loop3A_475 : f32 to vector<16xf32>
        %parallel_loop3A_477 = arith.addf %parallel_loop3A_474, %parallel_loop3A_476 : vector<16xf32>
        %parallel_loop3A_478 = arith.mulf %parallel_loop3A_477, %parallel_loop3A_477 : vector<16xf32>
        %parallel_loop3A_479 = arith.addf %parallel_loop3A_469, %parallel_loop3A_478 : vector<16xf32>
        %parallel_loop3A_480 = vector.bitcast %parallel_loop3A_479 : vector<16xf32> to vector<16xi32>
        %parallel_loop3A_481 = arith.constant 1 : i32
        %parallel_loop3A_482 = vector.broadcast %parallel_loop3A_481 : i32 to vector<16xi32>
        %parallel_loop3A_483 = arith.shrsi %parallel_loop3A_480, %parallel_loop3A_482 : vector<16xi32>
        %parallel_loop3A_484 = arith.constant 532487669 : i32
        %parallel_loop3A_485 = vector.broadcast %parallel_loop3A_484 : i32 to vector<16xi32>
        %parallel_loop3A_486 = arith.addi %parallel_loop3A_483, %parallel_loop3A_485 : vector<16xi32>
        %parallel_loop3A_487 = vector.bitcast %parallel_loop3A_486 : vector<16xi32> to vector<16xf32>
        %parallel_loop3A_488 = arith.divf %parallel_loop3A_479, %parallel_loop3A_487 : vector<16xf32>
        %parallel_loop3A_489 = arith.addf %parallel_loop3A_487, %parallel_loop3A_488 : vector<16xf32>
        %parallel_loop3A_490 = arith.constant 5.000000e-01 : f32
        %parallel_loop3A_491 = vector.broadcast %parallel_loop3A_490 : f32 to vector<16xf32>
        %parallel_loop3A_492 = arith.mulf %parallel_loop3A_491, %parallel_loop3A_489 : vector<16xf32>
        %parallel_loop3A_493 = arith.divf %parallel_loop3A_479, %parallel_loop3A_492 : vector<16xf32>
        %parallel_loop3A_494 = arith.addf %parallel_loop3A_492, %parallel_loop3A_493 : vector<16xf32>
        %parallel_loop3A_495 = arith.constant 5.000000e-01 : f32
        %parallel_loop3A_496 = vector.broadcast %parallel_loop3A_495 : f32 to vector<16xf32>
        %parallel_loop3A_497 = arith.mulf %parallel_loop3A_496, %parallel_loop3A_494 : vector<16xf32>
        %parallel_loop3A_498 = arith.divf %parallel_loop3A_479, %parallel_loop3A_497 : vector<16xf32>
        %parallel_loop3A_499 = arith.addf %parallel_loop3A_497, %parallel_loop3A_498 : vector<16xf32>
        %parallel_loop3A_500 = arith.constant 5.000000e-01 : f32
        %parallel_loop3A_501 = vector.broadcast %parallel_loop3A_500 : f32 to vector<16xf32>
        %parallel_loop3A_502 = arith.mulf %parallel_loop3A_501, %parallel_loop3A_499 : vector<16xf32>
        %parallel_loop3A_503 = arith.constant 16 : i32
        %parallel_loop3A_504 = arith.muli %parallel_loop3A_314, %parallel_loop3A_503 : i32
        %parallel_loop3A_505 = arith.index_cast %parallel_loop3A_504 : i32 to index
        %parallel_loop3A_506 = tpu.vector_load %arg23[%parallel_loop3A_505] {strides = array<i32>} : memref<256xf32, #tpu.memory_space<vmem>>, vector<16xf32>,
        %parallel_loop3A_507 = arith.constant 16 : i32
        %parallel_loop3A_508 = arith.muli %parallel_loop3A_314, %parallel_loop3A_507 : i32
        %parallel_loop3A_509 = arith.index_cast %parallel_loop3A_508 : i32 to index
        %parallel_loop3A_510 = tpu.vector_load %arg24[%parallel_loop3A_509] {strides = array<i32>} : memref<256xf32, #tpu.memory_space<vmem>>, vector<16xf32>,
        %parallel_loop3A_511 = arith.constant 16 : i32
        %parallel_loop3A_512 = arith.muli %parallel_loop3A_314, %parallel_loop3A_511 : i32
        %parallel_loop3A_513 = arith.index_cast %parallel_loop3A_512 : i32 to index
        %parallel_loop3A_514 = tpu.vector_load %arg22[%parallel_loop3A_513] {strides = array<i32>} : memref<256xf32, #tpu.memory_space<vmem>>, vector<16xf32>,
        %parallel_loop3A_515 = arith.constant 16 : i32
        %parallel_loop3A_516 = arith.muli %parallel_loop3A_314, %parallel_loop3A_515 : i32
        %parallel_loop3A_517 = arith.addi %mul3A_133, %parallel_loop3A_516 : i32
        %parallel_loop3A_518 = vector.broadcast %parallel_loop3A_517 : i32 to vector<16xi32>
        %parallel_loop3A_519 = arith.addi %parallel_loop3A_518, %iota3A : vector<16xi32>
        %parallel_loop3A_520 = vector.broadcast %min3A_100 : i32 to vector<16xi32>
        %parallel_loop3A_521 = arith.cmpi slt, %parallel_loop3A_519, %parallel_loop3A_520 : vector<16xi32>
        %parallel_loop3A_522 = arith.select %parallel_loop3A_521, %broadcast_in_dim3A_5, %broadcast_in_dim3A_1 : vector<16xi1>, vector<16xf32>
        %parallel_loop3A_523 = arith.addf %parallel_loop3A_506, %parallel_loop3A_510 : vector<16xf32>
        %parallel_loop3A_524 = arith.subf %parallel_loop3A_523, %parallel_loop3A_502 : vector<16xf32>
        %parallel_loop3A_525 = arith.mulf %parallel_loop3A_524, %parallel_loop3A_514 : vector<16xf32>
        %parallel_loop3A_526 = arith.mulf %parallel_loop3A_525, %parallel_loop3A_522 : vector<16xf32>
        %parallel_loop3A_527 = arith.addf %parallel_loop3A_315, %parallel_loop3A_526 : vector<16xf32>
        scf.yield %parallel_loop3A_527 : vector<16xf32>
      } {sc.loop_unroll_factor = 4 : i64, sc.parallel_access}
      scf.yield %parallel_loop3A_313 : vector<16xf32>
    }
    %swap3A = arith.constant 0 : index
    %swap3A_129 = tpu.vector_load %arg27[%swap3A] {strides = array<i32>} : memref<16xf32, #tpu.memory_space<vmem>>, vector<16xf32>,
    tpu.vector_store %arg27[%swap3A], %while3A_128 {strides = array<i32>} : memref<16xf32, #tpu.memory_space<vmem>>, vector<16xf32>,
    "tpu.region"() ({
      %run_scoped3A = tpu.sem_alloc : memref<!tpu.dma_semaphore, #tpu.memory_space<semaphore_mem>>
      %dma_start3A_130 = arith.constant 0 : i32
      %dma_start3A_131 = tpu.memref_slice %arg11[%add3A, %dma_start3A_130] : memref<32x16xf32, #tpu.memory_space<hbm>> -> memref<1x16xf32, #tpu.memory_space<hbm>>
      %dma_start3A_132 = tpu.memref_squeeze %dma_start3A_131 : memref<1x16xf32, #tpu.memory_space<hbm>> -> memref<16xf32, #tpu.memory_space<hbm>>
      %dma_start3A_133 = arith.constant 0 : i32
      %dma_start3A_134 = tpu.memref_slice %arg11[%add3A, %dma_start3A_133] : memref<32x16xf32, #tpu.memory_space<hbm>> -> memref<1x16xf32, #tpu.memory_space<hbm>>
      %dma_start3A_135 = tpu.memref_squeeze %dma_start3A_134 : memref<1x16xf32, #tpu.memory_space<hbm>> -> memref<16xf32, #tpu.memory_space<hbm>>
      tpu.enqueue_dma source(%arg27 : memref<16xf32, #tpu.memory_space<vmem>>) target(%dma_start3A_135 : memref<16xf32, #tpu.memory_space<hbm>>) target_semaphore(%run_scoped3A : memref<!tpu.dma_semaphore, #tpu.memory_space<semaphore_mem>>)
      %dma_wait3A_136 = arith.constant 0 : i32
      %dma_wait3A_137 = tpu.memref_slice %arg11[%add3A, %dma_wait3A_136] : memref<32x16xf32, #tpu.memory_space<hbm>> -> memref<1x16xf32, #tpu.memory_space<hbm>>
      %dma_wait3A_138 = tpu.memref_squeeze %dma_wait3A_137 : memref<1x16xf32, #tpu.memory_space<hbm>> -> memref<16xf32, #tpu.memory_space<hbm>>
      %dma_wait3A_139 = arith.constant 0 : i32
      %dma_wait3A_140 = tpu.memref_slice %arg11[%add3A, %dma_wait3A_139] : memref<32x16xf32, #tpu.memory_space<hbm>> -> memref<1x16xf32, #tpu.memory_space<hbm>>
      %dma_wait3A_141 = tpu.memref_squeeze %dma_wait3A_140 : memref<1x16xf32, #tpu.memory_space<hbm>> -> memref<16xf32, #tpu.memory_space<hbm>>
      tpu.wait_dma2 semaphore(%run_scoped3A : memref<!tpu.dma_semaphore, #tpu.memory_space<semaphore_mem>>) src(%arg27 : memref<16xf32, #tpu.memory_space<vmem>>) dst(%dma_wait3A_141 : memref<16xf32, #tpu.memory_space<hbm>>)
      tpu.yield
    }) : () -> ()
    return
  }
}

#map = affine_map<(d0, d1) -> (0)>
#map1 = affine_map<(d0, d1) -> (0, 0)>
module attributes {stable_mosaic.version = 14 : i64} {
  func.func @_sc_gather_body(%arg0: i32, %arg1: i32, %arg2: memref<50000xf32, #tpu.memory_space<hbm>>, %arg3: memref<50000xf32, #tpu.memory_space<hbm>>, %arg4: memref<50000x16xf32, #tpu.memory_space<hbm>>, %arg5: memref<50000x16xf32, #tpu.memory_space<hbm>>, %arg6: memref<2048xi32, #tpu.memory_space<hbm>>, %arg7: memref<2048xi32, #tpu.memory_space<hbm>>, %arg8: memref<2048x16xf32, #tpu.memory_space<hbm>>, %arg9: memref<2048x16xf32, #tpu.memory_space<hbm>>, %arg10: memref<2048xf32, #tpu.memory_space<hbm>>, %arg11: memref<2048xf32, #tpu.memory_space<hbm>>, %arg12: memref<64xi32, #tpu.memory_space<vmem>>, %arg13: memref<64x16xf32, #tpu.memory_space<vmem>>, %arg14: memref<64xf32, #tpu.memory_space<vmem>>) attributes {dimension_semantics = [#tpu.dimension_semantics<core_parallel>, #tpu.dimension_semantics<subcore_parallel>], iteration_bounds = array<i64: 2, 16>, scalar_prefetch = 0 : i64, scratch_operands = 3 : i64, tpu.core_type = #tpu.core_type<sc_vector_subcore>, window_params = [{transform_indices = #map}, {transform_indices = #map}, {transform_indices = #map1}, {transform_indices = #map1}, {transform_indices = #map}, {transform_indices = #map}, {transform_indices = #map1}, {transform_indices = #map1}, {transform_indices = #map}, {transform_indices = #map}]} {
    %mul3A = arith.constant 2 : i32
    %mul3A_0 = arith.muli %arg1, %mul3A : i32
    %add3A = arith.addi %mul3A_0, %arg0 : i32
    %mul3A_1 = arith.constant 64 : i32
    %mul3A_2 = arith.muli %add3A, %mul3A_1 : i32
    "tpu.region"() ({
      %run_scoped3A = tpu.sem_alloc : memref<!tpu.dma_semaphore, #tpu.memory_space<semaphore_mem>>
      %dma_start3A = tpu.memref_slice %arg6[%mul3A_2] : memref<2048xi32, #tpu.memory_space<hbm>> -> memref<64xi32, #tpu.memory_space<hbm>>
      %dma_start3A_3 = tpu.memref_slice %arg6[%mul3A_2] : memref<2048xi32, #tpu.memory_space<hbm>> -> memref<64xi32, #tpu.memory_space<hbm>>
      tpu.enqueue_dma source(%dma_start3A_3 : memref<64xi32, #tpu.memory_space<hbm>>) target(%arg12 : memref<64xi32, #tpu.memory_space<vmem>>) target_semaphore(%run_scoped3A : memref<!tpu.dma_semaphore, #tpu.memory_space<semaphore_mem>>)
      %dma_wait3A = tpu.memref_slice %arg6[%mul3A_2] : memref<2048xi32, #tpu.memory_space<hbm>> -> memref<64xi32, #tpu.memory_space<hbm>>
      %dma_wait3A_4 = tpu.memref_slice %arg6[%mul3A_2] : memref<2048xi32, #tpu.memory_space<hbm>> -> memref<64xi32, #tpu.memory_space<hbm>>
      tpu.wait_dma2 semaphore(%run_scoped3A : memref<!tpu.dma_semaphore, #tpu.memory_space<semaphore_mem>>) src(%dma_wait3A_4 : memref<64xi32, #tpu.memory_space<hbm>>) dst(%arg12 : memref<64xi32, #tpu.memory_space<vmem>>)
      tpu.yield
    }) : () -> ()
    "tpu.region"() ({
      %run_scoped3A = tpu.sem_alloc : memref<!tpu.dma_semaphore, #tpu.memory_space<semaphore_mem>>
      %dma_start3A = arith.constant 0 : i32
      %dma_start3A_3 = arith.constant 0 : i32
      %dma_start3A_4 = tpu.memref_slice %arg4[%dma_start3A, %dma_start3A_3] : memref<50000x16xf32, #tpu.memory_space<hbm>> -> memref<50000x16xf32, #tpu.memory_space<hbm>>
      tpu.enqueue_indirect_dma source(%dma_start3A_4 : memref<50000x16xf32, #tpu.memory_space<hbm>>) target(%arg13 : memref<64x16xf32, #tpu.memory_space<vmem>>) offsets(%arg12 : memref<64xi32, #tpu.memory_space<vmem>>) semaphore(%run_scoped3A : memref<!tpu.dma_semaphore, #tpu.memory_space<semaphore_mem>>)
      %dma_wait3A = arith.constant 0 : i32
      %dma_wait3A_5 = arith.constant 0 : i32
      %dma_wait3A_6 = tpu.memref_slice %arg4[%dma_wait3A, %dma_wait3A_5] : memref<50000x16xf32, #tpu.memory_space<hbm>> -> memref<50000x16xf32, #tpu.memory_space<hbm>>
      tpu.wait_indirect_dma semaphore(%run_scoped3A : memref<!tpu.dma_semaphore, #tpu.memory_space<semaphore_mem>>) src(%dma_wait3A_6 : memref<50000x16xf32, #tpu.memory_space<hbm>>) dst(%arg13 : memref<64x16xf32, #tpu.memory_space<vmem>>)
      tpu.yield
    }) : () -> ()
    "tpu.region"() ({
      %run_scoped3A = tpu.sem_alloc : memref<!tpu.dma_semaphore, #tpu.memory_space<semaphore_mem>>
      %dma_start3A = arith.constant 0 : i32
      %dma_start3A_3 = tpu.memref_slice %arg8[%mul3A_2, %dma_start3A] : memref<2048x16xf32, #tpu.memory_space<hbm>> -> memref<64x16xf32, #tpu.memory_space<hbm>>
      %dma_start3A_4 = arith.constant 0 : i32
      %dma_start3A_5 = tpu.memref_slice %arg8[%mul3A_2, %dma_start3A_4] : memref<2048x16xf32, #tpu.memory_space<hbm>> -> memref<64x16xf32, #tpu.memory_space<hbm>>
      tpu.enqueue_dma source(%arg13 : memref<64x16xf32, #tpu.memory_space<vmem>>) target(%dma_start3A_5 : memref<64x16xf32, #tpu.memory_space<hbm>>) target_semaphore(%run_scoped3A : memref<!tpu.dma_semaphore, #tpu.memory_space<semaphore_mem>>)
      %dma_wait3A = arith.constant 0 : i32
      %dma_wait3A_6 = tpu.memref_slice %arg8[%mul3A_2, %dma_wait3A] : memref<2048x16xf32, #tpu.memory_space<hbm>> -> memref<64x16xf32, #tpu.memory_space<hbm>>
      %dma_wait3A_7 = arith.constant 0 : i32
      %dma_wait3A_8 = tpu.memref_slice %arg8[%mul3A_2, %dma_wait3A_7] : memref<2048x16xf32, #tpu.memory_space<hbm>> -> memref<64x16xf32, #tpu.memory_space<hbm>>
      tpu.wait_dma2 semaphore(%run_scoped3A : memref<!tpu.dma_semaphore, #tpu.memory_space<semaphore_mem>>) src(%arg13 : memref<64x16xf32, #tpu.memory_space<vmem>>) dst(%dma_wait3A_8 : memref<64x16xf32, #tpu.memory_space<hbm>>)
      tpu.yield
    }) : () -> ()
    "tpu.region"() ({
      %run_scoped3A = tpu.sem_alloc : memref<!tpu.dma_semaphore, #tpu.memory_space<semaphore_mem>>
      %dma_start3A = arith.constant 0 : i32
      %dma_start3A_3 = tpu.memref_slice %arg2[%dma_start3A] : memref<50000xf32, #tpu.memory_space<hbm>> -> memref<50000xf32, #tpu.memory_space<hbm>>
      tpu.enqueue_indirect_dma source(%dma_start3A_3 : memref<50000xf32, #tpu.memory_space<hbm>>) target(%arg14 : memref<64xf32, #tpu.memory_space<vmem>>) offsets(%arg12 : memref<64xi32, #tpu.memory_space<vmem>>) semaphore(%run_scoped3A : memref<!tpu.dma_semaphore, #tpu.memory_space<semaphore_mem>>)
      %dma_wait3A = arith.constant 0 : i32
      %dma_wait3A_4 = tpu.memref_slice %arg2[%dma_wait3A] : memref<50000xf32, #tpu.memory_space<hbm>> -> memref<50000xf32, #tpu.memory_space<hbm>>
      tpu.wait_indirect_dma semaphore(%run_scoped3A : memref<!tpu.dma_semaphore, #tpu.memory_space<semaphore_mem>>) src(%dma_wait3A_4 : memref<50000xf32, #tpu.memory_space<hbm>>) dst(%arg14 : memref<64xf32, #tpu.memory_space<vmem>>)
      tpu.yield
    }) : () -> ()
    "tpu.region"() ({
      %run_scoped3A = tpu.sem_alloc : memref<!tpu.dma_semaphore, #tpu.memory_space<semaphore_mem>>
      %dma_start3A = tpu.memref_slice %arg10[%mul3A_2] : memref<2048xf32, #tpu.memory_space<hbm>> -> memref<64xf32, #tpu.memory_space<hbm>>
      %dma_start3A_3 = tpu.memref_slice %arg10[%mul3A_2] : memref<2048xf32, #tpu.memory_space<hbm>> -> memref<64xf32, #tpu.memory_space<hbm>>
      tpu.enqueue_dma source(%arg14 : memref<64xf32, #tpu.memory_space<vmem>>) target(%dma_start3A_3 : memref<64xf32, #tpu.memory_space<hbm>>) target_semaphore(%run_scoped3A : memref<!tpu.dma_semaphore, #tpu.memory_space<semaphore_mem>>)
      %dma_wait3A = tpu.memref_slice %arg10[%mul3A_2] : memref<2048xf32, #tpu.memory_space<hbm>> -> memref<64xf32, #tpu.memory_space<hbm>>
      %dma_wait3A_4 = tpu.memref_slice %arg10[%mul3A_2] : memref<2048xf32, #tpu.memory_space<hbm>> -> memref<64xf32, #tpu.memory_space<hbm>>
      tpu.wait_dma2 semaphore(%run_scoped3A : memref<!tpu.dma_semaphore, #tpu.memory_space<semaphore_mem>>) src(%arg14 : memref<64xf32, #tpu.memory_space<vmem>>) dst(%dma_wait3A_4 : memref<64xf32, #tpu.memory_space<hbm>>)
      tpu.yield
    }) : () -> ()
    "tpu.region"() ({
      %run_scoped3A = tpu.sem_alloc : memref<!tpu.dma_semaphore, #tpu.memory_space<semaphore_mem>>
      %dma_start3A = tpu.memref_slice %arg7[%mul3A_2] : memref<2048xi32, #tpu.memory_space<hbm>> -> memref<64xi32, #tpu.memory_space<hbm>>
      %dma_start3A_3 = tpu.memref_slice %arg7[%mul3A_2] : memref<2048xi32, #tpu.memory_space<hbm>> -> memref<64xi32, #tpu.memory_space<hbm>>
      tpu.enqueue_dma source(%dma_start3A_3 : memref<64xi32, #tpu.memory_space<hbm>>) target(%arg12 : memref<64xi32, #tpu.memory_space<vmem>>) target_semaphore(%run_scoped3A : memref<!tpu.dma_semaphore, #tpu.memory_space<semaphore_mem>>)
      %dma_wait3A = tpu.memref_slice %arg7[%mul3A_2] : memref<2048xi32, #tpu.memory_space<hbm>> -> memref<64xi32, #tpu.memory_space<hbm>>
      %dma_wait3A_4 = tpu.memref_slice %arg7[%mul3A_2] : memref<2048xi32, #tpu.memory_space<hbm>> -> memref<64xi32, #tpu.memory_space<hbm>>
      tpu.wait_dma2 semaphore(%run_scoped3A : memref<!tpu.dma_semaphore, #tpu.memory_space<semaphore_mem>>) src(%dma_wait3A_4 : memref<64xi32, #tpu.memory_space<hbm>>) dst(%arg12 : memref<64xi32, #tpu.memory_space<vmem>>)
      tpu.yield
    }) : () -> ()
    "tpu.region"() ({
      %run_scoped3A = tpu.sem_alloc : memref<!tpu.dma_semaphore, #tpu.memory_space<semaphore_mem>>
      %dma_start3A = arith.constant 0 : i32
      %dma_start3A_3 = arith.constant 0 : i32
      %dma_start3A_4 = tpu.memref_slice %arg5[%dma_start3A, %dma_start3A_3] : memref<50000x16xf32, #tpu.memory_space<hbm>> -> memref<50000x16xf32, #tpu.memory_space<hbm>>
      tpu.enqueue_indirect_dma source(%dma_start3A_4 : memref<50000x16xf32, #tpu.memory_space<hbm>>) target(%arg13 : memref<64x16xf32, #tpu.memory_space<vmem>>) offsets(%arg12 : memref<64xi32, #tpu.memory_space<vmem>>) semaphore(%run_scoped3A : memref<!tpu.dma_semaphore, #tpu.memory_space<semaphore_mem>>)
      %dma_wait3A = arith.constant 0 : i32
      %dma_wait3A_5 = arith.constant 0 : i32
      %dma_wait3A_6 = tpu.memref_slice %arg5[%dma_wait3A, %dma_wait3A_5] : memref<50000x16xf32, #tpu.memory_space<hbm>> -> memref<50000x16xf32, #tpu.memory_space<hbm>>
      tpu.wait_indirect_dma semaphore(%run_scoped3A : memref<!tpu.dma_semaphore, #tpu.memory_space<semaphore_mem>>) src(%dma_wait3A_6 : memref<50000x16xf32, #tpu.memory_space<hbm>>) dst(%arg13 : memref<64x16xf32, #tpu.memory_space<vmem>>)
      tpu.yield
    }) : () -> ()
    "tpu.region"() ({
      %run_scoped3A = tpu.sem_alloc : memref<!tpu.dma_semaphore, #tpu.memory_space<semaphore_mem>>
      %dma_start3A = arith.constant 0 : i32
      %dma_start3A_3 = tpu.memref_slice %arg9[%mul3A_2, %dma_start3A] : memref<2048x16xf32, #tpu.memory_space<hbm>> -> memref<64x16xf32, #tpu.memory_space<hbm>>
      %dma_start3A_4 = arith.constant 0 : i32
      %dma_start3A_5 = tpu.memref_slice %arg9[%mul3A_2, %dma_start3A_4] : memref<2048x16xf32, #tpu.memory_space<hbm>> -> memref<64x16xf32, #tpu.memory_space<hbm>>
      tpu.enqueue_dma source(%arg13 : memref<64x16xf32, #tpu.memory_space<vmem>>) target(%dma_start3A_5 : memref<64x16xf32, #tpu.memory_space<hbm>>) target_semaphore(%run_scoped3A : memref<!tpu.dma_semaphore, #tpu.memory_space<semaphore_mem>>)
      %dma_wait3A = arith.constant 0 : i32
      %dma_wait3A_6 = tpu.memref_slice %arg9[%mul3A_2, %dma_wait3A] : memref<2048x16xf32, #tpu.memory_space<hbm>> -> memref<64x16xf32, #tpu.memory_space<hbm>>
      %dma_wait3A_7 = arith.constant 0 : i32
      %dma_wait3A_8 = tpu.memref_slice %arg9[%mul3A_2, %dma_wait3A_7] : memref<2048x16xf32, #tpu.memory_space<hbm>> -> memref<64x16xf32, #tpu.memory_space<hbm>>
      tpu.wait_dma2 semaphore(%run_scoped3A : memref<!tpu.dma_semaphore, #tpu.memory_space<semaphore_mem>>) src(%arg13 : memref<64x16xf32, #tpu.memory_space<vmem>>) dst(%dma_wait3A_8 : memref<64x16xf32, #tpu.memory_space<hbm>>)
      tpu.yield
    }) : () -> ()
    "tpu.region"() ({
      %run_scoped3A = tpu.sem_alloc : memref<!tpu.dma_semaphore, #tpu.memory_space<semaphore_mem>>
      %dma_start3A = arith.constant 0 : i32
      %dma_start3A_3 = tpu.memref_slice %arg3[%dma_start3A] : memref<50000xf32, #tpu.memory_space<hbm>> -> memref<50000xf32, #tpu.memory_space<hbm>>
      tpu.enqueue_indirect_dma source(%dma_start3A_3 : memref<50000xf32, #tpu.memory_space<hbm>>) target(%arg14 : memref<64xf32, #tpu.memory_space<vmem>>) offsets(%arg12 : memref<64xi32, #tpu.memory_space<vmem>>) semaphore(%run_scoped3A : memref<!tpu.dma_semaphore, #tpu.memory_space<semaphore_mem>>)
      %dma_wait3A = arith.constant 0 : i32
      %dma_wait3A_4 = tpu.memref_slice %arg3[%dma_wait3A] : memref<50000xf32, #tpu.memory_space<hbm>> -> memref<50000xf32, #tpu.memory_space<hbm>>
      tpu.wait_indirect_dma semaphore(%run_scoped3A : memref<!tpu.dma_semaphore, #tpu.memory_space<semaphore_mem>>) src(%dma_wait3A_4 : memref<50000xf32, #tpu.memory_space<hbm>>) dst(%arg14 : memref<64xf32, #tpu.memory_space<vmem>>)
      tpu.yield
    }) : () -> ()
    "tpu.region"() ({
      %run_scoped3A = tpu.sem_alloc : memref<!tpu.dma_semaphore, #tpu.memory_space<semaphore_mem>>
      %dma_start3A = tpu.memref_slice %arg11[%mul3A_2] : memref<2048xf32, #tpu.memory_space<hbm>> -> memref<64xf32, #tpu.memory_space<hbm>>
      %dma_start3A_3 = tpu.memref_slice %arg11[%mul3A_2] : memref<2048xf32, #tpu.memory_space<hbm>> -> memref<64xf32, #tpu.memory_space<hbm>>
      tpu.enqueue_dma source(%arg14 : memref<64xf32, #tpu.memory_space<vmem>>) target(%dma_start3A_3 : memref<64xf32, #tpu.memory_space<hbm>>) target_semaphore(%run_scoped3A : memref<!tpu.dma_semaphore, #tpu.memory_space<semaphore_mem>>)
      %dma_wait3A = tpu.memref_slice %arg11[%mul3A_2] : memref<2048xf32, #tpu.memory_space<hbm>> -> memref<64xf32, #tpu.memory_space<hbm>>
      %dma_wait3A_4 = tpu.memref_slice %arg11[%mul3A_2] : memref<2048xf32, #tpu.memory_space<hbm>> -> memref<64xf32, #tpu.memory_space<hbm>>
      tpu.wait_dma2 semaphore(%run_scoped3A : memref<!tpu.dma_semaphore, #tpu.memory_space<semaphore_mem>>) src(%arg14 : memref<64xf32, #tpu.memory_space<vmem>>) dst(%dma_wait3A_4 : memref<64xf32, #tpu.memory_space<hbm>>)
      tpu.yield
    }) : () -> ()
    return
  }
}

module attributes {stable_mosaic.version = 14 : i64} {
  func.func @_dense_body(%arg0: i32, %arg1: memref<256x16xf32, #tpu.memory_space<vmem>>, %arg2: memref<16x2048xf32, #tpu.memory_space<vmem>>, %arg3: memref<256x1xf32, #tpu.memory_space<vmem>>, %arg4: memref<1x2048xf32, #tpu.memory_space<vmem>>, %arg5: memref<1x1xf32, #tpu.memory_space<vmem>>) attributes {dimension_semantics = [#tpu.dimension_semantics<arbitrary>], iteration_bounds = array<i64: 8>, scalar_prefetch = 0 : i64, scratch_operands = 0 : i64, tpu.core_type = #tpu.core_type<tc>, window_params = [{transform_indices = @transform_0, window_bounds = array<i64: 256, 16>}, {pipeline_mode = #tpu.pipeline_mode<synchronous>, transform_indices = @transform_1, window_bounds = array<i64: 16, 2048>}, {transform_indices = @transform_2, window_bounds = array<i64: 256, 1>}, {pipeline_mode = #tpu.pipeline_mode<synchronous>, transform_indices = @transform_3, window_bounds = array<i64: 1, 2048>}, {pipeline_mode = #tpu.pipeline_mode<synchronous>, transform_indices = @transform_4, window_bounds = array<i64: 1, 1>}]} {
    %get3A = arith.constant 0 : index
    %get3A_0 = arith.constant 0 : index
    %get3A_1 = vector.load %arg1[%get3A, %get3A_0] : memref<256x16xf32, #tpu.memory_space<vmem>>, vector<256x16xf32>
    %get3A_2 = arith.constant 0 : index
    %get3A_3 = arith.constant 0 : index
    %get3A_4 = vector.load %arg2[%get3A_2, %get3A_3] : memref<16x2048xf32, #tpu.memory_space<vmem>>, vector<16x2048xf32>
    %dot_general3A = arith.constant dense<0.000000e+00> : vector<256x2048xf32>
    %dot_general3A_5 = tpu.matmul %get3A_1, %get3A_4, %dot_general3A {dimension_numbers = #tpu.dot_dimension_numbers<[1], [0], [0], [1], [0, 0, 1, 1], [], []>, precision = #tpu.contract_precision<fp32>, transpose_lhs_hint = false} : vector<256x16xf32>, vector<16x2048xf32>, vector<256x2048xf32> -> vector<256x2048xf32>
    %mul3A = arith.mulf %get3A_1, %get3A_1 : vector<256x16xf32>
    %reduce_sum3A = arith.constant dense<0.000000e+00> : vector<256xf32>
    %reduce_sum3A_6 = vector.multi_reduction <add>, %mul3A, %reduce_sum3A [1] : vector<256x16xf32> to vector<256xf32>
    %broadcast_in_dim3A = vector.shape_cast %reduce_sum3A_6 : vector<256xf32> to vector<256x1xf32>
    %reduce_sum3A_7 = arith.constant dense<0.000000e+00> : vector<256xf32>
    %reduce_sum3A_8 = vector.multi_reduction <add>, %get3A_1, %reduce_sum3A_7 [1] : vector<256x16xf32> to vector<256xf32>
    %broadcast_in_dim3A_9 = vector.shape_cast %reduce_sum3A_8 : vector<256xf32> to vector<256x1xf32>
    %mul3A_10 = arith.mulf %get3A_4, %get3A_4 : vector<16x2048xf32>
    %reduce_sum3A_11 = arith.constant dense<0.000000e+00> : vector<2048xf32>
    %reduce_sum3A_12 = vector.multi_reduction <add>, %mul3A_10, %reduce_sum3A_11 [0] : vector<16x2048xf32> to vector<2048xf32>
    %broadcast_in_dim3A_13 = vector.shape_cast %reduce_sum3A_12 : vector<2048xf32> to vector<1x2048xf32>
    %reduce_sum3A_14 = arith.constant dense<0.000000e+00> : vector<2048xf32>
    %reduce_sum3A_15 = vector.multi_reduction <add>, %get3A_4, %reduce_sum3A_14 [0] : vector<16x2048xf32> to vector<2048xf32>
    %broadcast_in_dim3A_16 = vector.shape_cast %reduce_sum3A_15 : vector<2048xf32> to vector<1x2048xf32>
    %add3A = vector.broadcast %broadcast_in_dim3A : vector<256x1xf32> to vector<256x2048xf32>
    %add3A_17 = vector.broadcast %broadcast_in_dim3A_13 : vector<1x2048xf32> to vector<256x2048xf32>
    %add3A_18 = arith.addf %add3A, %add3A_17 : vector<256x2048xf32>
    %mul3A_19 = arith.constant 2.000000e+00 : f32
    %mul3A_20 = vector.broadcast %mul3A_19 : f32 to vector<256x2048xf32>
    %mul3A_21 = arith.mulf %mul3A_20, %dot_general3A_5 : vector<256x2048xf32>
    %sub3A = arith.subf %add3A_18, %mul3A_21 : vector<256x2048xf32>
    %sub3A_22 = vector.broadcast %broadcast_in_dim3A_9 : vector<256x1xf32> to vector<256x2048xf32>
    %sub3A_23 = vector.broadcast %broadcast_in_dim3A_16 : vector<1x2048xf32> to vector<256x2048xf32>
    %sub3A_24 = arith.subf %sub3A_22, %sub3A_23 : vector<256x2048xf32>
    %mul3A_25 = arith.constant 2.000000e-06 : f32
    %mul3A_26 = vector.broadcast %mul3A_25 : f32 to vector<256x2048xf32>
    %mul3A_27 = arith.mulf %mul3A_26, %sub3A_24 : vector<256x2048xf32>
    %add3A_28 = arith.addf %sub3A, %mul3A_27 : vector<256x2048xf32>
    %add3A_29 = arith.constant 1.600000e-11 : f32
    %add3A_30 = vector.broadcast %add3A_29 : f32 to vector<256x2048xf32>
    %add3A_31 = arith.addf %add3A_28, %add3A_30 : vector<256x2048xf32>
    %get3A_32 = arith.constant 0 : index
    %get3A_33 = arith.constant 0 : index
    %get3A_34 = vector.load %arg3[%get3A_32, %get3A_33] : memref<256x1xf32, #tpu.memory_space<vmem>>, vector<256x1xf32>
    %get3A_35 = arith.constant 0 : index
    %get3A_36 = arith.constant 0 : index
    %get3A_37 = vector.load %arg4[%get3A_35, %get3A_36] : memref<1x2048xf32, #tpu.memory_space<vmem>>, vector<1x2048xf32>
    %add3A_38 = vector.broadcast %get3A_34 : vector<256x1xf32> to vector<256x2048xf32>
    %add3A_39 = vector.broadcast %get3A_37 : vector<1x2048xf32> to vector<256x2048xf32>
    %add3A_40 = arith.addf %add3A_38, %add3A_39 : vector<256x2048xf32>
    %max3A = arith.constant 0.000000e+00 : f32
    %max3A_41 = vector.broadcast %max3A : f32 to vector<256x2048xf32>
    %max3A_42 = arith.maximumf %add3A_31, %max3A_41 : vector<256x2048xf32>
    %sqrt3A = math.sqrt %max3A_42 : vector<256x2048xf32>
    %sub3A_43 = arith.subf %add3A_40, %sqrt3A : vector<256x2048xf32>
    %exp3A = math.exp %sub3A_43 : vector<256x2048xf32>
    %reduce_sum3A_44 = vector.shape_cast %exp3A : vector<256x2048xf32> to vector<1x256x2048xf32>
    %reduce_sum3A_45 = arith.constant dense<0.000000e+00> : vector<1xf32>
    %reduce_sum3A_46 = vector.multi_reduction <add>, %reduce_sum3A_44, %reduce_sum3A_45 [1, 2] : vector<1x256x2048xf32> to vector<1xf32>
    %reduce_sum3A_47 = vector.shape_cast %reduce_sum3A_46 : vector<1xf32> to vector<1x1x1xf32>
    %reduce_sum3A_48 = vector.extract %reduce_sum3A_47[0, 0, 0] : f32 from vector<1x1x1xf32>
    %eq3A = arith.constant 0 : i32
    %eq3A_49 = arith.cmpi eq, %arg0, %eq3A : i32
    %convert_element_type3A = arith.extui %eq3A_49 : i1 to i32
    %cond3A = arith.constant 0 : i32
    %cond3A_50 = arith.cmpi ne, %convert_element_type3A, %cond3A : i32
    scf.if %cond3A_50 {
      %broadcast_in_dim3A_57 = arith.constant 0.000000e+00 : f32
      %broadcast_in_dim3A_58 = vector.broadcast %broadcast_in_dim3A_57 : f32 to vector<1x1xf32>
      %swap3A_59 = arith.constant 0 : index
      %swap3A_60 = arith.constant 0 : index
      %swap3A_61 = vector.load %arg5[%swap3A_59, %swap3A_60] : memref<1x1xf32, #tpu.memory_space<vmem>>, vector<1x1xf32>
      tpu.vector_store %arg5[%swap3A_59, %swap3A_60], %broadcast_in_dim3A_58 {strides = array<i32>} : memref<1x1xf32, #tpu.memory_space<vmem>>, vector<1x1xf32>,
    } else {
    }
    %get3A_51 = arith.constant 0 : index
    %get3A_52 = arith.constant 0 : index
    %get3A_53 = vector.load %arg5[%get3A_51, %get3A_52] : memref<1x1xf32, #tpu.memory_space<vmem>>, vector<1x1xf32>
    %reshape3A = vector.broadcast %reduce_sum3A_48 : f32 to vector<1x1xf32>
    %add3A_54 = arith.addf %get3A_53, %reshape3A : vector<1x1xf32>
    %swap3A = arith.constant 0 : index
    %swap3A_55 = arith.constant 0 : index
    %swap3A_56 = vector.load %arg5[%swap3A, %swap3A_55] : memref<1x1xf32, #tpu.memory_space<vmem>>, vector<1x1xf32>
    tpu.vector_store %arg5[%swap3A, %swap3A_55], %add3A_54 {strides = array<i32>} : memref<1x1xf32, #tpu.memory_space<vmem>>, vector<1x1xf32>,
    return
  }
  func.func @transform_0(%arg0: i32) -> (i32, i32) {
    %c0_i32 = arith.constant 0 : i32
    %c0_i32_0 = arith.constant 0 : i32
    return %arg0, %c0_i32 : i32, i32
  }
  func.func @transform_1(%arg0: i32) -> (i32, i32) {
    %c0_i32 = arith.constant 0 : i32
    %c0_i32_0 = arith.constant 0 : i32
    %c0_i32_1 = arith.constant 0 : i32
    return %c0_i32, %c0_i32_0 : i32, i32
  }
  func.func @transform_2(%arg0: i32) -> (i32, i32) {
    %c0_i32 = arith.constant 0 : i32
    %c0_i32_0 = arith.constant 0 : i32
    return %arg0, %c0_i32 : i32, i32
  }
  func.func @transform_3(%arg0: i32) -> (i32, i32) {
    %c0_i32 = arith.constant 0 : i32
    %c0_i32_0 = arith.constant 0 : i32
    %c0_i32_1 = arith.constant 0 : i32
    return %c0_i32, %c0_i32_0 : i32, i32
  }
  func.func @transform_4(%arg0: i32) -> (i32, i32) {
    %c0_i32 = arith.constant 0 : i32
    %c0_i32_0 = arith.constant 0 : i32
    %c0_i32_1 = arith.constant 0 : i32
    return %c0_i32, %c0_i32_0 : i32, i32
  }
}

</mosaic_0001>

<sc_bundles>
// kernel: kernel.5.cloned.1.call-start
scs
__scs_entry_jumppad:
0x0: {  	(pc) =	sbr.rel $0x88, $3  }
0x1: {  	(tag) =	ssettag $0x0;
	lr =	simm.s32 $0x1  }
0x2: {  	[smem:$0x3F98] =	sst lr;
	_ =	strace $0xD0000000  }
0x3: {  	_ = 	snop  }
0x4: {  	_ = 	snop  }
0x5: {  	_ = 	snop  }
0x6: {  	_ = 	snop  }
0x7: {  	_ = 	snop  }
__scs_overlays_trampoline_lowered:
0x8: {  	[smem:$0x3FA7] =	sst s0  }
0x9: {  	[smem:$0x3FA8] =	sst s1  }
0xa: {  	[smem:$0x3FA9] =	sst s2  }
0xb: {  	[smem:$0x3FAA] =	sst s3  }
0xc: {  	[smem:$0x3FAB] =	sst s4  }
0xd: {  	[smem:$0x3FAC] =	sst s5  }
0xe: {  	[smem:$0x3FAD] =	sst s6  }
0xf: {  	[smem:$0x3FAE] =	sst s7  }
0x10: {  	[smem:$0x3FAF] =	sst s8  }
0x11: {  	[smem:$0x3FB0] =	sst s9;
	s0 =	simm.s32 @!p0 $0x0  }
0x12: {  	s1 =	sld [smem:$0x3F96];
	s0 =	simm.s32 @p0 $0x1  }
0x13: {  	[smem:$0x3FB1] =	sst s0;
	s0 =	simm.s32 @!p1 $0x0  }
0x14: {  	s2 =	sld [smem:$0x3F95];
	s0 =	simm.s32 @p1 $0x1  }
0x15: {  	[smem:$0x3FB2] =	sst s0;
	s0 =	simm.s32 @!p2 $0x0  }
0x16: {  	s3 =	sld [smem:$0x3FDB];
	s0 =	simm.s32 @p2 $0x1  }
0x17: {  	s4 =	simm.s32 $0x1BF5;
	[smem:$0x3FB4] =	sst s0  }
0x18: {  	s0 =	sld [smem:$0x3F97];
	_ =	swait.ge [sflag:s4], $0x0  }
0x19: {  	s7 =	sld [smem:$0x3F98]  }
0x1a: {  	s8 =	sadd.s32 $0xFFFFE003, lr  }
0x1b: {  	s9 =	sadd.s32 $0xFFFFFEF7, lr;
	s5 =	simm.s32 $0xFFFFFFFF;
	p2 =	slt.u32 s8, $0xFFFFF086  }
0x1c: {  	p1 =	slt.u32 s9, $0xF7A;
	s5 =	simm.s32 @!p2 $0x0  }
0x1d: {  	s5 =	simm.s32 @p1 $0x1;
	p0 =	seq.s32 s7, s2  }
0x1e: {  	s7 =	smul.u32 @!p0 $0xF7A, s2;
	p2 =	seq.s32 @!p0 s5, $0x0  }
0x1f: {  	s9 =	smul.u32 $0xF7A, s1;
	s8 =	simm.s32 @!p0 $0x1BF5;
	p2 =	por !p2, p0  }
0x20: {  	[sflag:s8] =	ssyncset.s32 @!p0 $0xFFFFF086;
	s6 =	sadd.s32 @!p0 s3, s7;
	s7 =	simm.s32 @!p0 $0x108  }
0x21: {  	s3 =	sadd.s32 s3, s9;
	s6 =	sadd.s32 @!p0 $0x88, s6;
	s7 =	simm.s32 @p2 $0x1082  }
0x22: {  	[simem:s7], [sflag:s8] =	dma.local @!p0 [hbm:s6], $0xF7A  }
0x23: {  	s9 =	sor.u32 $0xD0000000, s2;
	s6 =	simm.s32 $0x108;
	_ =	swait.ge @!p0 [sflag:s8], $0x0  }
0x24: {  	s3 =	sadd.s32 $0x88, s3;
	s6 =	simm.s32 @!p1 $0x1082;
	[sflag:s4] =	ssyncset.s32 $0xFFFFF086  }
0x25: {  	[simem:s6], [sflag:s4] =	dma.local [hbm:s3], $0xF7A  }
0x26: {  	[smem:$0x3F98] =	sst s1;
	(tag) =	ssettag s2;
	_ =	strace s9  }
0x27: {  	s1 =	sld [smem:$0x3FA8]  }
0x28: {  	s2 =	sld [smem:$0x3FA9]  }
0x29: {  	s4 =	sld [smem:$0x3FAB]  }
0x2a: {  	p0 =	seq.s32 s5, $0x0;
	s5 =	sld [smem:$0x3FAC]  }
0x2b: {  	s6 =	sld [smem:$0x3FAD]  }
0x2c: {  	s7 =	sld [smem:$0x3FAE]  }
0x2d: {  	s3 =	simm.s32 $0x108;
	s8 =	sld [smem:$0x3FAF]  }
0x2e: {  	s3 =	simm.s32 @!p0 $0x1082;
	s9 =	sld [smem:$0x3FB0]  }
0x2f: {  	lr =	sadd.s32 s0, s3;
	s0 =	sld [smem:$0x3FA7]  }
0x30: {  	s3 =	sld [smem:$0x3FAA]  }
0x31: {  	[smem:$0x3FB3] =	sst s10  }
0x32: {  	s10 =	sld [smem:$0x3FB1];
	_ =	sdelay $0x3  }
0x33: {  	p0 =	seq.s32 s10, $0x1;
	s10 =	sld [smem:$0x3FB3];
	_ =	sdelay $0x3  }
0x34: {  	[smem:$0x3FB3] =	sst s10  }
0x35: {  	s10 =	sld [smem:$0x3FB2];
	_ =	sdelay $0x3  }
0x36: {  	p1 =	seq.s32 s10, $0x1;
	s10 =	sld [smem:$0x3FB3];
	_ =	sdelay $0x3  }
0x37: {  	[smem:$0x3FB3] =	sst s10  }
0x38: {  	s10 =	sld [smem:$0x3FB4]  }
0x39: {  	_ = 	snop;
	(pc) =	sbr.ind lr, $3  }
0x3a: {  	_ = 	snop  }
0x3b: {  	_ = 	snop  }
0x3c: {  	p2 =	seq.s32 s10, $0x1;
	s10 =	sld [smem:$0x3FB3]  }
0x3d: {  	_ =	shalt  }
0x3e: {  	_ =	shalt  }
0x3f: {  	_ =	shalt  }
0x40: {  	_ =	shalt  }
0x41: {  	_ =	shalt  }
0x42: {  	_ =	shalt  }
0x43: {  	_ =	shalt  }
0x44: {  	_ =	shalt  }
0x45: {  	_ =	shalt  }
0x46: {  	_ =	shalt  }
0x47: {  	_ =	shalt  }
0x48: {  	_ =	shalt  }
0x49: {  	_ =	shalt  }
0x4a: {  	_ =	shalt  }
0x4b: {  	_ =	shalt  }
0x4c: {  	_ =	shalt  }
0x4d: {  	_ =	shalt  }
0x4e: {  	_ =	shalt  }
0x4f: {  	_ =	shalt  }
0x50: {  	_ =	shalt  }
0x51: {  	_ =	shalt  }
0x52: {  	_ =	shalt  }
0x53: {  	_ =	shalt  }
0x54: {  	_ =	shalt  }
0x55: {  	_ =	shalt  }
0x56: {  	_ =	shalt  }
0x57: {  	_ =	shalt  }
0x58: {  	_ =	shalt  }
0x59: {  	_ =	shalt  }
0x5a: {  	_ =	shalt  }
0x5b: {  	_ =	shalt  }
0x5c: {  	_ =	shalt  }
0x5d: {  	_ =	shalt  }
0x5e: {  	_ =	shalt  }
0x5f: {  	_ =	shalt  }
0x60: {  	_ =	shalt  }
0x61: {  	_ =	shalt  }
0x62: {  	_ =	shalt  }
0x63: {  	_ =	shalt  }
0x64: {  	_ =	shalt  }
0x65: {  	_ =	shalt  }
0x66: {  	_ =	shalt  }
0x67: {  	_ =	shalt  }
0x68: {  	_ =	shalt  }
0x69: {  	_ =	shalt  }
0x6a: {  	_ =	shalt  }
0x6b: {  	_ =	shalt  }
0x6c: {  	_ =	shalt  }
0x6d: {  	_ =	shalt  }
0x6e: {  	_ =	shalt  }
0x6f: {  	_ =	shalt  }
0x70: {  	_ =	shalt  }
0x71: {  	_ =	shalt  }
0x72: {  	_ =	shalt  }
0x73: {  	_ =	shalt  }
0x74: {  	_ =	shalt  }
0x75: {  	_ =	shalt  }
0x76: {  	_ =	shalt  }
0x77: {  	_ =	shalt  }
0x78: {  	_ =	shalt  }
0x79: {  	_ =	shalt  }
0x7a: {  	_ =	shalt  }
0x7b: {  	_ =	shalt  }
0x7c: {  	_ =	shalt  }
0x7d: {  	_ =	shalt  }
0x7e: {  	_ =	shalt  }
0x7f: {  	_ =	shalt  }
0x80: {  	_ =	shalt  }
0x81: {  	_ =	shalt  }
0x82: {  	_ =	shalt  }
0x83: {  	_ =	shalt  }
0x84: {  	_ =	shalt  }
0x85: {  	_ =	shalt  }
0x86: {  	_ =	shalt  }
0x87: {  	_ =	shalt  }
.Lfunc_end0:
.L_simem_size_0:
called_computation_lowered:
.L_overlay_start_0:
0x88: {  	s2 =	sld [smem:$0x3FD9]  }
0x89: {  	s3 =	sld [smem:$0x3FFE];
	_ =	sdelay $0x1  }
0x8a: {  	s1 =	srdreg.scid  }
0x8b: {  	s0 =	sand.u32 $0x1, s1  }
0x8c: {  	s17 =	sshll.u32 s0, $0xA;
	s2 =	sadd.s32 s3, s2  }
0x8d: {  	s2 =	sadd.s32 s2, s17  }
0x8e: {  	[smem:$0x3FBF] =	sst s2  }
0x8f: {  	_ = 	snop  }
0x90: {  	s5 =	sld [smem:$0x3FC9]  }
0x91: {  	s6 =	sld [smem:$0x3FC8]  }
0x92: {  	s18 =	sld [smem:$0x3FC2]  }
0x93: {  	s4 =	sld [smem:$0x3FC1];
	(tm) =	ssettm $0x1  }
0x94: {  	s19 =	sld [smem:$0x3FFB];
	_ =	sdelay $0x3  }
0x95: {  	_ =	strace s19  }
0x96: {  	s2 =	sld [smem:$0x3FFC];
	_ =	sdelay $0x3  }
0x97: {  	_ =	strace s2  }
0x98: {  	s2 =	sld [smem:$0x3FFD];
	_ =	sdelay $0x3  }
0x99: {  	_ =	strace s2  }
0x9a: {  	_ =	strace $0x8FFFFFFF  }
0x9b: {  	s20 =	sld [smem:$0x3FDB];
	_ =	sdelay $0x1  }
0x9c: {  	s7 =	simm.s32 $_scs_section_size  }
0x9d: {  	s8 =	simm.s32 $_size__tile_overlayer_lowered;
	s9 =	simm.s32 $_tile_overlayer_lowered  }
0x9e: {  	s10 =	simm.s32 $0x1BFF;
	s21 =	sshll.u32 s9, $0x1;
	s7 =	sadd.s32 s7, s20  }
0x9f: {  	s22 =	simm.s32 $0x0;
	s8 =	sshll.u32 s8, $0x1;
	s9 =	sadd.s32 s21, s7  }
0xa0: {  	[timem:s22], [sflag:s10] =	dma.local [hbm:s9], s8  }
0xa1: {  	_ =	swait.ge [sflag:s10], s8  }
0xa2: {  	s8 =	ssub.s32 $0x0, s8;
	[sflag:s10] =	ssyncset.done $0x0  }
0xa3: {  	[sflag:s10] =	ssyncadd.s32 s8;
	_ =	sdelay $0x1  }
0xa4: {  	s23 =	simm.s32 $0x1B8B  }
0xa5: {  	_ =	swait.ge [sflag:s23], $0x1  }
0xa6: {  	[sflag:s23] =	ssyncset.done $0x0  }
0xa7: {  	[sflag:s23] =	ssyncadd.s32 $0xFFFFFFFF  }
0xa8: {  	s8 =	sld [smem:$0x0]  }
0xa9: {  	s9 =	sand.u32 $0xFFFFFFFE, s1  }
0xaa: {  	p0 =	sne.s32 s1, s9  }
0xab: {  	s9 =	sshll.u32 @p0 s9, $0xE  }
0xac: {  	s9 =	sadd.s32 @p0 $0x11B8D, s9;
	s10 =	sshll.u32 @p0 s8, $0x11  }
0xad: {  	s9 =	sor.u32 @p0 s10, s9  }
0xae: {  	[sflag:s9] =	ssyncadd.remote.s32 @p0 $0x1;
	_ =	sdelay $0x1  }
0xaf: {  	s9 =	simm.s32 @p0 $0x1B8D  }
0xb0: {  	_ =	swait.eq @p0 [sflag:s9], $0x1  }
0xb1: {  	[sflag:s9] =	ssyncadd.s32 @p0 $0xFFFFFFFF  }
0xb2: {  	s10 =	sshll.u32 @!p0 s1, $0xE  }
0xb3: {  	s10 =	sor.u32 @!p0 $0x4000, s10;
	s9 =	simm.s32 @!p0 $0x1B8D  }
0xb4: {  	s8 =	sshll.u32 @!p0 s8, $0x11;
	s10 =	sadd.s32 @!p0 $0x11B8D, s10;
	_ =	swait.eq @!p0 [sflag:s9], $0x1  }
0xb5: {  	s8 =	sor.u32 @!p0 s8, s10;
	[sflag:s9] =	ssyncadd.s32 @!p0 $0xFFFFFFFF  }
0xb6: {  	s25 =	simm.s32 $0x1B8E;
	s24 =	sld [smem:$0x3FFE];
	[sflag:s8] =	ssyncadd.remote.s32 @!p0 $0x1  }
0xb7: {  	s26 =	simm.s32 $execute0_lowered;
	[smem:$0x3FD2] =	sst s25  }
0xb8: {  	s9 =	sshll.u32 s26, $0x1;
	_ =	strace $0x80000049;
	[dreg:$0x1] =	wrdreg $0xFFFFFFFF  }
0xb9: {  	s28 =	simm.s32 $_size_execute0_lowered;
	s7 =	sadd.s32 s7, s9;
	[dreg:$0x0] =	wrdreg $0x0  }
0xba: {  	s9 =	sshll.u32 s28, $0x1;
	[dreg:$0x2] =	wrdreg s7  }
0xbb: {  	[dreg:$0x3] =	wrdreg s9  }
0xbc: {  	[dreg:$0x4] =	wrdreg $0xC0  }
0xbd: {  	_ =	task [dreg:s22], $0x5FFFF  }
0xbe: {  	[dreg:$0x1] =	wrdreg $0xFFFFFFFF  }
0xbf: {  	[dreg:$0x0] =	wrdreg $0x60  }
0xc0: {  	[dreg:$0x2] =	wrdreg s5  }
0xc1: {  	[dreg:$0x3] =	wrdreg s6  }
0xc2: {  	[dreg:$0x4] =	wrdreg s24  }
0xc3: {  	[dreg:$0x5] =	wrdreg s18  }
0xc4: {  	[dreg:$0x6] =	wrdreg s4  }
0xc5: {  	[dreg:$0x7] =	wrdreg $0x9  }
0xc6: {  	_ =	task.clear_ibuf [dreg:s22], $0x8FFFF;
	_ =	strace $0x90000049  }
0xc7: {  	s29 =	simm.s32 $0x9;
	_ =	strace $0x8000004B  }
0xc8: {  	_ =	swait.ge [sflag:s29], $0x1  }
0xc9: {  	[sflag:s29] =	ssyncadd.s32 $0xFFFFFFFF  }
0xca: {  	_ =	strace $0x9000004B  }
0xcb: {  	_ =	sfence  }
0xcc: {  	s30 =	sld [smem:$0x0];
	_ =	sdelay $0x2  }
0xcd: {  	s31 =	sshll.u32 s1, $0xD;
	s1 =	sshrl.u32 s1, $0x2  }
0xce: {  	s4 =	sand.u32 $0x4000, s31;
	s1 =	sadd.s32 s1, s30  }
0xcf: {  	s0 =	sor.u32 s4, s0;
	s1 =	sshll.u32 s1, $0x11  }
0xd0: {  	s0 =	sor.u32 s1, s0  }
0xd1: {  	s0 =	sadd.s32 $0x8F2B, s0  }
0xd2: {  	[sflag:s0] =	ssyncadd.remote.s32 $0x1  }
0xd3: {  	_ =	sfence.sel $0xFFFF  }
0xd4: {  	[dreg:$0x0] =	wrdreg $0xFFFFFFFF;
	(pc) =	sbr.abs _section_cstart, $3  }
0xd5: {  	[dreg:$0x1] =	wrdreg $0xFFFFFFFF  }
0xd6: {  	_ =	task.clear_ibuf [dreg:s22], $0x2FFFF;
	_ =	strace $0x9FFFFFFF  }
0xd7: {  	(tm) =	ssettm $0x7FFFFFFF  }
tec
execute0_lowered:
.L_overlay_start_1:
0x0: {  	(tag) =	ssettag $0x1  }
0x1: {  	s1 =	rddreg [dreg:$0x0]  }
0x2: {  	s2 =	rddreg [dreg:$0x1]  }
0x3: {  	s13 =	rddreg [dreg:$0x2];
	s3 =	srdreg.scid  }
0x4: {  	s5 =	rddreg [dreg:$0x3];
	s0 =	stileid.u32;
	s15 =	sand.u32 $0x1, s3  }
0x5: {  	s12 =	rddreg [dreg:$0x4];
	s6 =	sshll.u32 s0, $0x7;
	s7 =	sshll.u32 s15, $0x6  }
0x6: {  	s4 =	simm.s32 $0x0;
	s3 =	rddreg [dreg:$0x5];
	s9 =	sor.u32 s7, s6  }
0x7: {  	[smem:$0x7FF] =	sst s4;
	s14 =	sshrl.u32 s9, $0x3  }
0x8: {  	_ =	strace $0x8000004A;
	s6 =	sadd.s32 s5, s14;
	s5 =	simm.s32 $0x1  }
0x9: {  	[tilespmem:s4], [sflag:$0x1] =	stream.linear.gather [hbm4b:s6+s4], $0x40, $0x38;
	[tilespmem:$0x480] =	vst v63  }
0xa: {  	_ =	swait.ge [sflag:s5], $0x40  }
0xb: {  	[sflag:s5] =	ssyncset.done $0x0  }
0xc: {  	s8 =	simm.s32 $0x40;
	s7 =	sadd.s32 $0xC00, s13;
	[sflag:s5] =	ssyncadd.s32 $0xFFFFFFC0  }
0xd: {  	[tilespmem:s8], [sflag:$0x1] =	stream.indirect.gather [hbm4b:s7+s8], $0x10, s4, s8, $0xb8;
	[tilespmem:$0x480] =	vst v63  }
0xe: {  	s9 =	sshll.u32 s9, $0x1;
	_ =	swait.ge [sflag:s5], $0x400  }
0xf: {  	s16 =	sadd.s32 s9, s13;
	[sflag:s5] =	ssyncset.done $0x0  }
0x10: {  	s9 =	sadd.s32 $0x32E00, s16;
	[sflag:s5] =	ssyncadd.s32 $0xFFFFFC00  }
0x11: {  	[hbm4b:s9+s4] =	stream.linear.scatter [tilespmem:s8], [sflag:$0x1], $0x400, $0x38;
	[tilespmem:$0x480] =	vst v63  }
0x12: {  	_ =	swait.ge [sflag:s5], $0x400  }
0x13: {  	[sflag:s5] =	ssyncset.done $0x0  }
0x14: {  	s10 =	simm.s32 $0x440;
	[sflag:s5] =	ssyncadd.s32 $0xFFFFFC00  }
0x15: {  	[tilespmem:s10], [sflag:$0x1] =	stream.indirect.gather [hbm4b:s1+s8], $0x1, s4, s8, $0xb8;
	[tilespmem:$0x480] =	vst v63  }
0x16: {  	_ =	swait.ge [sflag:s5], $0x40  }
0x17: {  	s17 =	sadd.s32 s14, s13;
	[sflag:s5] =	ssyncset.done $0x0  }
0x18: {  	s11 =	sadd.s32 $0x33E00, s17;
	[sflag:s5] =	ssyncadd.s32 $0xFFFFFFC0  }
0x19: {  	[hbm4b:s11+s4] =	stream.linear.scatter [tilespmem:s10], [sflag:$0x1], $0x40, $0x38;
	[tilespmem:$0x480] =	vst v63  }
0x1a: {  	_ =	swait.ge [sflag:s5], $0x40  }
0x1b: {  	[sflag:s5] =	ssyncset.done $0x0  }
0x1c: {  	s12 =	sadd.s32 s12, s14;
	[sflag:s5] =	ssyncadd.s32 $0xFFFFFFC0  }
0x1d: {  	[tilespmem:s4], [sflag:$0x1] =	stream.linear.gather [hbm4b:s12+s4], $0x40, $0x38;
	[tilespmem:$0x480] =	vst v63  }
0x1e: {  	_ =	swait.ge [sflag:s5], $0x40  }
0x1f: {  	[sflag:s5] =	ssyncset.done $0x0  }
0x20: {  	s13 =	sadd.s32 $0x19400, s13;
	[sflag:s5] =	ssyncadd.s32 $0xFFFFFFC0  }
0x21: {  	[tilespmem:s8], [sflag:$0x1] =	stream.indirect.gather [hbm4b:s13+s8], $0x10, s4, s8, $0xb8;
	[tilespmem:$0x480] =	vst v63  }
0x22: {  	_ =	swait.ge [sflag:s5], $0x400  }
0x23: {  	[sflag:s5] =	ssyncset.done $0x0  }
0x24: {  	s15 =	ssub.s32 $0x2, s15;
	s14 =	sadd.s32 $0x31E00, s16;
	[sflag:s5] =	ssyncadd.s32 $0xFFFFFC00  }
0x25: {  	[hbm4b:s14+s4] =	stream.linear.scatter [tilespmem:s8], [sflag:$0x1], $0x400, $0x38;
	[tilespmem:$0x480] =	vst v63  }
0x26: {  	s31 =	sshrl.u32 s15, $0x1;
	_ =	swait.ge [sflag:s5], $0x400  }
0x27: {  	s16 =	ssub.s32 s15, s31;
	[sflag:s5] =	ssyncset.done $0x0  }
0x28: {  	s16 =	smax.u32 s16, $0x1;
	[sflag:s5] =	ssyncadd.s32 $0xFFFFFC00  }
0x29: {  	[tilespmem:s10], [sflag:$0x1] =	stream.indirect.gather [hbm4b:s2+s8], $0x1, s4, s8, $0xb8;
	[tilespmem:$0x480] =	vst v63  }
0x2a: {  	p0 =	sne.s32 s16, $0x1;
	_ =	swait.ge [sflag:s5], $0x40  }
.Ltmp0:
0x2b: {  	[sflag:s5] =	ssyncset.done $0x0;
	(pc) =	sbr.rel @!p0 .LBB2_2-.Ltmp0, $4  }
0x2c: {  	s15 =	sadd.s32 $0x34000, s17;
	[sflag:s5] =	ssyncadd.s32 $0xFFFFFFC0  }
0x2d: {  	[hbm4b:s15+s4] =	stream.linear.scatter [tilespmem:s10], [sflag:$0x1], $0x40, $0x38;
	[tilespmem:$0x480] =	vst v63  }
0x2e: {  	_ =	swait.ge [sflag:s5], $0x40  }
0x2f: {  	s16 =	sadd.s32 $0xFFFFFFFF, s16;
	[sflag:s5] =	ssyncset.done $0x0  }
.LBB2_1:
0x30: {  	p0 =	sne.s32 s16, $0x1;
	s16 =	sadd.s32 $0xFFFFFFFF, s16;
	[sflag:s5] =	ssyncadd.s32 $0xFFFFFFC0  }
0x31: {  	[tilespmem:s4], [sflag:$0x1] =	stream.linear.gather [hbm4b:s6+s4], $0x40, $0x38;
	[tilespmem:$0x480] =	vst v63  }
0x32: {  	_ =	swait.ge [sflag:s5], $0x40  }
0x33: {  	[sflag:s5] =	ssyncset.done $0x0  }
0x34: {  	[sflag:s5] =	ssyncadd.s32 $0xFFFFFFC0  }
0x35: {  	[tilespmem:s8], [sflag:$0x1] =	stream.indirect.gather [hbm4b:s7+s8], $0x10, s4, s8, $0xb8;
	[tilespmem:$0x480] =	vst v63  }
0x36: {  	_ =	swait.ge [sflag:s5], $0x400  }
0x37: {  	[sflag:s5] =	ssyncset.done $0x0  }
0x38: {  	[sflag:s5] =	ssyncadd.s32 $0xFFFFFC00  }
0x39: {  	[hbm4b:s9+s4] =	stream.linear.scatter [tilespmem:s8], [sflag:$0x1], $0x400, $0x38;
	[tilespmem:$0x480] =	vst v63  }
0x3a: {  	_ =	swait.ge [sflag:s5], $0x400  }
0x3b: {  	[sflag:s5] =	ssyncset.done $0x0  }
0x3c: {  	[sflag:s5] =	ssyncadd.s32 $0xFFFFFC00  }
0x3d: {  	[tilespmem:s10], [sflag:$0x1] =	stream.indirect.gather [hbm4b:s1+s8], $0x1, s4, s8, $0xb8;
	[tilespmem:$0x480] =	vst v63  }
0x3e: {  	_ =	swait.ge [sflag:s5], $0x40  }
0x3f: {  	[sflag:s5] =	ssyncset.done $0x0  }
0x40: {  	[sflag:s5] =	ssyncadd.s32 $0xFFFFFFC0  }
0x41: {  	[hbm4b:s11+s4] =	stream.linear.scatter [tilespmem:s10], [sflag:$0x1], $0x40, $0x38;
	[tilespmem:$0x480] =	vst v63  }
0x42: {  	_ =	swait.ge [sflag:s5], $0x40  }
0x43: {  	[sflag:s5] =	ssyncset.done $0x0  }
0x44: {  	[sflag:s5] =	ssyncadd.s32 $0xFFFFFFC0  }
0x45: {  	[tilespmem:s4], [sflag:$0x1] =	stream.linear.gather [hbm4b:s12+s4], $0x40, $0x38;
	[tilespmem:$0x480] =	vst v63  }
0x46: {  	_ =	swait.ge [sflag:s5], $0x40  }
0x47: {  	[sflag:s5] =	ssyncset.done $0x0  }
0x48: {  	[sflag:s5] =	ssyncadd.s32 $0xFFFFFFC0  }
0x49: {  	[tilespmem:s8], [sflag:$0x1] =	stream.indirect.gather [hbm4b:s13+s8], $0x10, s4, s8, $0xb8;
	[tilespmem:$0x480] =	vst v63  }
0x4a: {  	_ =	swait.ge [sflag:s5], $0x400  }
0x4b: {  	[sflag:s5] =	ssyncset.done $0x0  }
0x4c: {  	[sflag:s5] =	ssyncadd.s32 $0xFFFFFC00  }
0x4d: {  	[hbm4b:s14+s4] =	stream.linear.scatter [tilespmem:s8], [sflag:$0x1], $0x400, $0x38;
	[tilespmem:$0x480] =	vst v63  }
0x4e: {  	_ =	swait.ge [sflag:s5], $0x400  }
0x4f: {  	[sflag:s5] =	ssyncset.done $0x0  }
0x50: {  	[sflag:s5] =	ssyncadd.s32 $0xFFFFFC00  }
0x51: {  	[tilespmem:s10], [sflag:$0x1] =	stream.indirect.gather [hbm4b:s2+s8], $0x1, s4, s8, $0xb8;
	[tilespmem:$0x480] =	vst v63  }
0x52: {  	_ =	swait.ge [sflag:s5], $0x40  }
.Ltmp1:
0x53: {  	[sflag:s5] =	ssyncset.done $0x0;
	(pc) =	sbr.rel @p0 .LBB2_1-.Ltmp1, $4  }
0x54: {  	[sflag:s5] =	ssyncadd.s32 $0xFFFFFFC0  }
0x55: {  	[hbm4b:s15+s4] =	stream.linear.scatter [tilespmem:s10], [sflag:$0x1], $0x40, $0x38;
	[tilespmem:$0x480] =	vst v63  }
0x56: {  	_ =	swait.ge [sflag:s5], $0x40  }
0x57: {  	[sflag:s5] =	ssyncset.done $0x0  }
.LBB2_2:
0x58: {  	[sflag:s5] =	ssyncadd.s32 $0xFFFFFFC0  }
0x59: {  	_ =	sfence.sel $0x180000  }
0x5a: {  	[bflag:$0x0] =	sbarrier.arrive $0xFFFF  }
0x5b: {  	p0 =	sne.s32 s0, $0x0;
	_ =	strace $0x9000004A  }
0x5c: {  	s0 =	sadd.s32 @!p0 $0x100000, s3;
	[bflag:$0x2] =	sbarrier.arrive $0xFFFF  }
0x5d: {  	[sflag:s0] =	ssyncadd.tile.s32 @!p0 $0x1;
	_ =	shalt  }
.Lfunc_end2:
_tile_overlayer_lowered:
.L_overlay_start_2:
0x5e: {  	(tag) =	ssettag $0x2  }
0x5f: {  	s0 =	rddreg [dreg:$0x0];
	s2 =	stileid.u32  }
0x60: {  	s1 =	rddreg [dreg:$0x1];
	p0 =	sne.s32 s2, $0x0  }
0x61: {  	s3 =	rddreg [dreg:$0x2];
	[bflag:$0x3] =	sbarrier.arrive $0xFFFF;
	s2 =	simm.s32 @!p0 $0x1C01  }
0x62: {  	[timem:s3], [sflag:s2] =	dma.local @!p0 [hbm:s0], s1  }
0x63: {  	s0 =	simm.s32 @!p0 $0x1  }
0x64: {  	_ =	swait.ge @!p0 [sflag:s0], s1  }
0x65: {  	s1 =	ssub.s32 @!p0 $0x0, s1;
	[sflag:s0] =	ssyncset.done @!p0 $0x0  }
0x66: {  	[sflag:s0] =	ssyncadd.s32 @!p0 s1  }
0x67: {  	[bflag:$0x3] =	sbarrier.arrive $0xFFFF  }
0x68: {  	_ =	shalt  }

// kernel: kernel.8.cloned.1.call-start
scs
__scs_entry_jumppad:
0x0: {  	(pc) =	sbr.rel $0x88, $3  }
0x1: {  	(tag) =	ssettag $0x0;
	lr =	simm.s32 $0x1  }
0x2: {  	[smem:$0x3F98] =	sst lr;
	_ =	strace $0xD0000000  }
0x3: {  	_ = 	snop  }
0x4: {  	_ = 	snop  }
0x5: {  	_ = 	snop  }
0x6: {  	_ = 	snop  }
0x7: {  	_ = 	snop  }
__scs_overlays_trampoline_lowered:
0x8: {  	[smem:$0x3FA7] =	sst s0  }
0x9: {  	[smem:$0x3FA8] =	sst s1  }
0xa: {  	[smem:$0x3FA9] =	sst s2  }
0xb: {  	[smem:$0x3FAA] =	sst s3  }
0xc: {  	[smem:$0x3FAB] =	sst s4  }
0xd: {  	[smem:$0x3FAC] =	sst s5  }
0xe: {  	[smem:$0x3FAD] =	sst s6  }
0xf: {  	[smem:$0x3FAE] =	sst s7  }
0x10: {  	[smem:$0x3FAF] =	sst s8  }
0x11: {  	[smem:$0x3FB0] =	sst s9;
	s0 =	simm.s32 @!p0 $0x0  }
0x12: {  	s1 =	sld [smem:$0x3F96];
	s0 =	simm.s32 @p0 $0x1  }
0x13: {  	[smem:$0x3FB1] =	sst s0;
	s0 =	simm.s32 @!p1 $0x0  }
0x14: {  	s2 =	sld [smem:$0x3F95];
	s0 =	simm.s32 @p1 $0x1  }
0x15: {  	[smem:$0x3FB2] =	sst s0;
	s0 =	simm.s32 @!p2 $0x0  }
0x16: {  	s3 =	sld [smem:$0x3FDB];
	s0 =	simm.s32 @p2 $0x1  }
0x17: {  	s4 =	simm.s32 $0x1BF5;
	[smem:$0x3FB4] =	sst s0  }
0x18: {  	s0 =	sld [smem:$0x3F97];
	_ =	swait.ge [sflag:s4], $0x0  }
0x19: {  	s7 =	sld [smem:$0x3F98]  }
0x1a: {  	s8 =	sadd.s32 $0xFFFFE003, lr  }
0x1b: {  	s9 =	sadd.s32 $0xFFFFFEF7, lr;
	s5 =	simm.s32 $0xFFFFFFFF;
	p2 =	slt.u32 s8, $0xFFFFF086  }
0x1c: {  	p1 =	slt.u32 s9, $0xF7A;
	s5 =	simm.s32 @!p2 $0x0  }
0x1d: {  	s5 =	simm.s32 @p1 $0x1;
	p0 =	seq.s32 s7, s2  }
0x1e: {  	s7 =	smul.u32 @!p0 $0xF7A, s2;
	p2 =	seq.s32 @!p0 s5, $0x0  }
0x1f: {  	s9 =	smul.u32 $0xF7A, s1;
	s8 =	simm.s32 @!p0 $0x1BF5;
	p2 =	por !p2, p0  }
0x20: {  	[sflag:s8] =	ssyncset.s32 @!p0 $0xFFFFF086;
	s6 =	sadd.s32 @!p0 s3, s7;
	s7 =	simm.s32 @!p0 $0x108  }
0x21: {  	s3 =	sadd.s32 s3, s9;
	s6 =	sadd.s32 @!p0 $0x88, s6;
	s7 =	simm.s32 @p2 $0x1082  }
0x22: {  	[simem:s7], [sflag:s8] =	dma.local @!p0 [hbm:s6], $0xF7A  }
0x23: {  	s9 =	sor.u32 $0xD0000000, s2;
	s6 =	simm.s32 $0x108;
	_ =	swait.ge @!p0 [sflag:s8], $0x0  }
0x24: {  	s3 =	sadd.s32 $0x88, s3;
	s6 =	simm.s32 @!p1 $0x1082;
	[sflag:s4] =	ssyncset.s32 $0xFFFFF086  }
0x25: {  	[simem:s6], [sflag:s4] =	dma.local [hbm:s3], $0xF7A  }
0x26: {  	[smem:$0x3F98] =	sst s1;
	(tag) =	ssettag s2;
	_ =	strace s9  }
0x27: {  	s1 =	sld [smem:$0x3FA8]  }
0x28: {  	s2 =	sld [smem:$0x3FA9]  }
0x29: {  	s4 =	sld [smem:$0x3FAB]  }
0x2a: {  	p0 =	seq.s32 s5, $0x0;
	s5 =	sld [smem:$0x3FAC]  }
0x2b: {  	s6 =	sld [smem:$0x3FAD]  }
0x2c: {  	s7 =	sld [smem:$0x3FAE]  }
0x2d: {  	s3 =	simm.s32 $0x108;
	s8 =	sld [smem:$0x3FAF]  }
0x2e: {  	s3 =	simm.s32 @!p0 $0x1082;
	s9 =	sld [smem:$0x3FB0]  }
0x2f: {  	lr =	sadd.s32 s0, s3;
	s0 =	sld [smem:$0x3FA7]  }
0x30: {  	s3 =	sld [smem:$0x3FAA]  }
0x31: {  	[smem:$0x3FB3] =	sst s10  }
0x32: {  	s10 =	sld [smem:$0x3FB1];
	_ =	sdelay $0x3  }
0x33: {  	p0 =	seq.s32 s10, $0x1;
	s10 =	sld [smem:$0x3FB3];
	_ =	sdelay $0x3  }
0x34: {  	[smem:$0x3FB3] =	sst s10  }
0x35: {  	s10 =	sld [smem:$0x3FB2];
	_ =	sdelay $0x3  }
0x36: {  	p1 =	seq.s32 s10, $0x1;
	s10 =	sld [smem:$0x3FB3];
	_ =	sdelay $0x3  }
0x37: {  	[smem:$0x3FB3] =	sst s10  }
0x38: {  	s10 =	sld [smem:$0x3FB4]  }
0x39: {  	_ = 	snop;
	(pc) =	sbr.ind lr, $3  }
0x3a: {  	_ = 	snop  }
0x3b: {  	_ = 	snop  }
0x3c: {  	p2 =	seq.s32 s10, $0x1;
	s10 =	sld [smem:$0x3FB3]  }
0x3d: {  	_ =	shalt  }
0x3e: {  	_ =	shalt  }
0x3f: {  	_ =	shalt  }
0x40: {  	_ =	shalt  }
0x41: {  	_ =	shalt  }
0x42: {  	_ =	shalt  }
0x43: {  	_ =	shalt  }
0x44: {  	_ =	shalt  }
0x45: {  	_ =	shalt  }
0x46: {  	_ =	shalt  }
0x47: {  	_ =	shalt  }
0x48: {  	_ =	shalt  }
0x49: {  	_ =	shalt  }
0x4a: {  	_ =	shalt  }
0x4b: {  	_ =	shalt  }
0x4c: {  	_ =	shalt  }
0x4d: {  	_ =	shalt  }
0x4e: {  	_ =	shalt  }
0x4f: {  	_ =	shalt  }
0x50: {  	_ =	shalt  }
0x51: {  	_ =	shalt  }
0x52: {  	_ =	shalt  }
0x53: {  	_ =	shalt  }
0x54: {  	_ =	shalt  }
0x55: {  	_ =	shalt  }
0x56: {  	_ =	shalt  }
0x57: {  	_ =	shalt  }
0x58: {  	_ =	shalt  }
0x59: {  	_ =	shalt  }
0x5a: {  	_ =	shalt  }
0x5b: {  	_ =	shalt  }
0x5c: {  	_ =	shalt  }
0x5d: {  	_ =	shalt  }
0x5e: {  	_ =	shalt  }
0x5f: {  	_ =	shalt  }
0x60: {  	_ =	shalt  }
0x61: {  	_ =	shalt  }
0x62: {  	_ =	shalt  }
0x63: {  	_ =	shalt  }
0x64: {  	_ =	shalt  }
0x65: {  	_ =	shalt  }
0x66: {  	_ =	shalt  }
0x67: {  	_ =	shalt  }
0x68: {  	_ =	shalt  }
0x69: {  	_ =	shalt  }
0x6a: {  	_ =	shalt  }
0x6b: {  	_ =	shalt  }
0x6c: {  	_ =	shalt  }
0x6d: {  	_ =	shalt  }
0x6e: {  	_ =	shalt  }
0x6f: {  	_ =	shalt  }
0x70: {  	_ =	shalt  }
0x71: {  	_ =	shalt  }
0x72: {  	_ =	shalt  }
0x73: {  	_ =	shalt  }
0x74: {  	_ =	shalt  }
0x75: {  	_ =	shalt  }
0x76: {  	_ =	shalt  }
0x77: {  	_ =	shalt  }
0x78: {  	_ =	shalt  }
0x79: {  	_ =	shalt  }
0x7a: {  	_ =	shalt  }
0x7b: {  	_ =	shalt  }
0x7c: {  	_ =	shalt  }
0x7d: {  	_ =	shalt  }
0x7e: {  	_ =	shalt  }
0x7f: {  	_ =	shalt  }
0x80: {  	_ =	shalt  }
0x81: {  	_ =	shalt  }
0x82: {  	_ =	shalt  }
0x83: {  	_ =	shalt  }
0x84: {  	_ =	shalt  }
0x85: {  	_ =	shalt  }
0x86: {  	_ =	shalt  }
0x87: {  	_ =	shalt  }
.Lfunc_end0:
.L_simem_size_0:
called_computation.1_lowered:
.L_overlay_start_0:
0x88: {  	s2 =	sld [smem:$0x3FD9]  }
0x89: {  	s3 =	sld [smem:$0x3FFE];
	_ =	sdelay $0x1  }
0x8a: {  	s1 =	srdreg.scid  }
0x8b: {  	s0 =	sand.u32 $0x1, s1  }
0x8c: {  	s17 =	sshll.u32 s0, $0xA;
	s2 =	sadd.s32 s3, s2  }
0x8d: {  	s2 =	sadd.s32 s2, s17  }
0x8e: {  	[smem:$0x3FBF] =	sst s2  }
0x8f: {  	_ = 	snop  }
0x90: {  	s2 =	sld [smem:$0x3FC9]  }
0x91: {  	s18 =	sld [smem:$0x3FC8]  }
0x92: {  	s4 =	sld [smem:$0x3FC5]  }
0x93: {  	s5 =	sld [smem:$0x3FC4]  }
0x94: {  	s6 =	sld [smem:$0x3FC3]  }
0x95: {  	s7 =	sld [smem:$0x3FC2]  }
0x96: {  	s8 =	sld [smem:$0x3FC1];
	(tm) =	ssettm $0x1  }
0x97: {  	s9 =	sld [smem:$0x3FFB];
	_ =	sdelay $0x3  }
0x98: {  	_ =	strace s9  }
0x99: {  	s9 =	sld [smem:$0x3FFC];
	_ =	sdelay $0x3  }
0x9a: {  	_ =	strace s9  }
0x9b: {  	s9 =	sld [smem:$0x3FFD];
	_ =	sdelay $0x3  }
0x9c: {  	_ =	strace s9  }
0x9d: {  	_ =	strace $0x8FFFFFFF  }
0x9e: {  	s19 =	sld [smem:$0x3FDB];
	_ =	sdelay $0x1  }
0x9f: {  	s10 =	simm.s32 $_scs_section_size  }
0xa0: {  	s11 =	simm.s32 $_size__tile_overlayer_lowered;
	s12 =	simm.s32 $_tile_overlayer_lowered  }
0xa1: {  	s22 =	simm.s32 $0x1BFF;
	s21 =	sshll.u32 s12, $0x1;
	s9 =	sadd.s32 s10, s19  }
0xa2: {  	s13 =	simm.s32 $0x0;
	s20 =	sshll.u32 s11, $0x1;
	s11 =	sadd.s32 s21, s9  }
0xa3: {  	[timem:s13], [sflag:s22] =	dma.local [hbm:s11], s20  }
0xa4: {  	_ =	swait.ge [sflag:s22], s20  }
0xa5: {  	s10 =	ssub.s32 $0x0, s20;
	[sflag:s22] =	ssyncset.done $0x0  }
0xa6: {  	[sflag:s22] =	ssyncadd.s32 s10;
	_ =	sdelay $0x1  }
0xa7: {  	s23 =	simm.s32 $0x1B8B  }
0xa8: {  	_ =	swait.ge [sflag:s23], $0x1  }
0xa9: {  	[sflag:s23] =	ssyncset.done $0x0  }
0xaa: {  	s25 =	simm.s32 $0x1B8E;
	s24 =	sld [smem:$0x3FFE];
	[sflag:s23] =	ssyncadd.s32 $0xFFFFFFFF  }
0xab: {  	s26 =	simm.s32 $execute0_lowered;
	[smem:$0x3FD2] =	sst s25  }
0xac: {  	s11 =	sshll.u32 s26, $0x1;
	_ =	strace $0x80000046;
	[dreg:$0x1] =	wrdreg $0xFFFFFFFF  }
0xad: {  	s28 =	simm.s32 $_size_execute0_lowered;
	s9 =	sadd.s32 s9, s11;
	[dreg:$0x0] =	wrdreg $0x0  }
0xae: {  	s11 =	sshll.u32 s28, $0x1;
	[dreg:$0x2] =	wrdreg s9  }
0xaf: {  	[dreg:$0x3] =	wrdreg s11  }
0xb0: {  	[dreg:$0x4] =	wrdreg $0xC0  }
0xb1: {  	_ =	task [dreg:s13], $0x5FFFF  }
0xb2: {  	[dreg:$0x1] =	wrdreg $0xFFFFFFFF  }
0xb3: {  	[dreg:$0x0] =	wrdreg $0x60  }
0xb4: {  	[dreg:$0x2] =	wrdreg s2  }
0xb5: {  	[dreg:$0x3] =	wrdreg s18  }
0xb6: {  	[dreg:$0x4] =	wrdreg s24  }
0xb7: {  	[dreg:$0x5] =	wrdreg s4  }
0xb8: {  	[dreg:$0x6] =	wrdreg s5  }
0xb9: {  	[dreg:$0x7] =	wrdreg s6  }
0xba: {  	[dreg:$0x8] =	wrdreg s7  }
0xbb: {  	[dreg:$0x9] =	wrdreg s8  }
0xbc: {  	[dreg:$0xa] =	wrdreg $0xA  }
0xbd: {  	_ =	task.clear_ibuf [dreg:s13], $0xBFFFF;
	_ =	strace $0x90000046  }
0xbe: {  	s29 =	simm.s32 $0xA;
	_ =	strace $0x80000048  }
0xbf: {  	_ =	swait.ge [sflag:s29], $0x1  }
0xc0: {  	[sflag:s29] =	ssyncadd.s32 $0xFFFFFFFF  }
0xc1: {  	_ =	strace $0x90000048  }
0xc2: {  	_ =	sfence  }
0xc3: {  	s30 =	sld [smem:$0x0];
	_ =	sdelay $0x2  }
0xc4: {  	s31 =	sshll.u32 s1, $0xD;
	s1 =	sshrl.u32 s1, $0x2  }
0xc5: {  	s3 =	sand.u32 $0x4000, s31;
	s1 =	sadd.s32 s1, s30  }
0xc6: {  	s0 =	sor.u32 s3, s0;
	s1 =	sshll.u32 s1, $0x11  }
0xc7: {  	s0 =	sor.u32 s1, s0  }
0xc8: {  	s0 =	sadd.s32 $0x8F2B, s0  }
0xc9: {  	[sflag:s0] =	ssyncadd.remote.s32 $0x1  }
0xca: {  	_ =	sfence.sel $0xFFFF  }
0xcb: {  	[dreg:$0x0] =	wrdreg $0xFFFFFFFF;
	(pc) =	sbr.abs _section_cstart, $3  }
0xcc: {  	[dreg:$0x1] =	wrdreg $0xFFFFFFFF  }
0xcd: {  	_ =	task.clear_ibuf [dreg:s13], $0x2FFFF;
	_ =	strace $0x9FFFFFFF  }
0xce: {  	(tm) =	ssettm $0x7FFFFFFF  }
0xcf: {  	_ =	shalt  }
tec
execute0_lowered:
.L_overlay_start_1:
0x0: {  	(tag) =	ssettag $0x1  }
0x1: {  	s0 =	rddreg [dreg:$0x0]  }
0x2: {  	s1 =	rddreg [dreg:$0x1]  }
0x3: {  	s2 =	rddreg [dreg:$0x2]  }
0x4: {  	s3 =	rddreg [dreg:$0x3]  }
0x5: {  	s4 =	rddreg [dreg:$0x4]  }
0x6: {  	s5 =	rddreg [dreg:$0x5];
	s6 =	srdreg.scid  }
0x7: {  	s15 =	stileid.u32;
	s9 =	simm.s32 $0x0;
	s31 =	simm.s32 $0x3  }
0x8: {  	s30 =	simm.s32 $0x5A60;
	s6 =	sand.u32 $0x1, s6;
	s7 =	sshll.u32 s15, $0x1  }
0x9: {  	[smem:$0x7FF] =	sst s9;
	s10 =	sadd.s32 $0xC00, s2;
	s11 =	sadd.s32 $0x19400, s2  }
0xa: {  	s19 =	smul.u32 $0x186A0, s15;
	s15 =	simm.s32 $0xB480;
	s7 =	sor.u32 s6, s7  }
0xb: {  	_ =	strace $0x80000047;
	s12 =	ssub.s32 $0x2, s6;
	s6 =	smul.u32 $0xC350, s6  }
0xc: {  	s8 =	smul.u32 $0xC350, s7;
	s7 =	sshll.u32 s7, $0x1;
	s26 =	sshrl.u32 s12, $0x1  }
0xd: {  	s2 =	sadd.s32 s7, s2;
	s7 =	ssub.s32 s12, s26;
	s6 =	sadd.s32 s6, s19  }
0xe: {  	s19 =	simm.s32 $0xB600;
	s13 =	sshrl.u32 s8, $0x3;
	s2 =	sadd.s32 $0x31C00, s2  }
0xf: {  	s24 =	smax.u32 s7, $0x1;
	s25 =	sadd.s32 $0x2740, s6;
	[dreg:$0x11] =	wrdreg s6  }
0x10: {  	s26 =	sadd.s32 $0x4E50, s6;
	s7 =	simm.s32 $0xC980;
	[dreg:$0x14] =	wrdreg s2  }
0x11: {  	s28 =	sadd.s32 s4, s13;
	s29 =	sadd.s32 $0x4E2, s13;
	[dreg:$0x15] =	wrdreg s24  }
0x12: {  	s14 =	sadd.s32 s5, s13;
	s17 =	sadd.s32 $0x9C4, s13;
	[dreg:$0x16] =	wrdreg s25  }
0x13: {  	s20 =	sadd.s32 $0xEA6, s13;
	s13 =	sadd.s32 $0x1388, s13;
	[dreg:$0x17] =	wrdreg s26  }
0x14: {  	s25 =	simm.s32 $0xC40;
	s26 =	simm.s32 $0x3350;
	[dreg:$0x9] =	wrdreg s28  }
0x15: {  	s24 =	simm.s32 $0xB980;
	[dreg:$0xa] =	wrdreg s14;
	s16 =	sadd.s32 s4, s29  }
0x16: {  	s12 =	sadd.s32 s5, s29;
	s18 =	sadd.s32 s4, s17;
	[dreg:$0xb] =	wrdreg s16  }
0x17: {  	s14 =	sadd.s32 s5, s17;
	s21 =	sadd.s32 s4, s20;
	[dreg:$0xc] =	wrdreg s12  }
0x18: {  	s22 =	sadd.s32 s4, s13;
	s23 =	sadd.s32 s5, s13;
	[dreg:$0xd] =	wrdreg s18  }
0x19: {  	s13 =	sadd.s32 $0x2700, s8;
	s17 =	sadd.s32 $0x4E10, s8;
	[dreg:$0xe] =	wrdreg s14  }
0x1a: {  	v30 =	vlaneseq.u32;
	s28 =	sadd.s32 $0x7560, s6;
	s29 =	sadd.s32 $0x9C70, s6;
	[dreg:$0xf] =	wrdreg s21  }
0x1b: {  	s6 =	simm.s32 $0x620;
	s14 =	sadd.s32 s5, s20;
	[dreg:$0x12] =	wrdreg s22;
	v0 =	vor.u32 s13, v30  }
.Ltmp0:
0x1c: {  	[dreg:$0x13] =	wrdreg s23;
	s20 =	sadd.s32 $0x7520, s8;
	[tilespmem:$0x1FFB0] =	vst v0;
	v0 =	vor.u32 s17, v30;
	(pc) =	sbr.rel .LBB2_1-.Ltmp0, $4  }
0x1d: {  	s21 =	sadd.s32 $0x9C30, s8;
	s8 =	sadd.s32 $0xC340, s8;
	[dreg:$0x18] =	wrdreg s28;
	[tilespmem:$0x1FFC0] =	vst v0;
	v0 =	vor.u32 s20, v30  }
0x1e: {  	[dreg:$0x19] =	wrdreg s29;
	s22 =	simm.s32 $0xA880;
	s23 =	simm.s32 $0x4;
	[tilespmem:$0x1FFD0] =	vst v0;
	v0 =	vor.u32 s21, v30  }
0x1f: {  	s12 =	simm.s32 $0xB080;
	s16 =	simm.s32 $0xB580;
	s18 =	simm.s32 $0xB500;
	[tilespmem:$0x1FFE0] =	vst v0;
	v0 =	vor.u32 s8, v30  }
0x20: {  	v12 =	vimm.s32 $0x1;
	[dreg:$0x10] =	wrdreg s14;
	s14 =	simm.s32 $0x80;
	s8 =	simm.s32 $0x0;
	[tilespmem:$0x1FFF0] =	vst v0;
	v0 =	vimm.s32 $0x0  }
.LBB2_22:
0x21: {  	v0 =	vimm.f32 $0.0e+00  }
.LBB2_27:
0x22: {  	[tilespmem:$0xD980] =	vst v0;
	s2 =	rddreg [dreg:$0x14];
	s8 =	simm.s32 $0xD980;
	s23 =	simm.s32 $0x4  }
0x23: {  	[hbm4b:s2+s9] =	stream.linear.scatter [tilespmem:s8], [sflag:$0x4], $0x10, $0x38;
	[tilespmem:$0xD990] =	vst v63  }
0x24: {  	_ =	swait.ge [sflag:s23], $0x10  }
0x25: {  	s28 =	rddreg [dreg:$0x1a]  }
0x26: {  	s29 =	rddreg [dreg:$0x15];
	s8 =	sadd.s32 $0x1, s28  }
0x27: {  	p0 =	sne.s32 s8, s29  }
.Ltmp1:
0x28: {  	_ = 	snop;
	(pc) =	sbr.rel @!p0 .LBB2_28-.Ltmp1, $3  }
0x29: {  	_ =	sdelay $0x1  }
0x2a: {  	s22 =	simm.s32 $0xA880;
	s25 =	simm.s32 $0xC40;
	[sflag:s23] =	ssyncset.done $0x0  }
0x2b: {  	s26 =	simm.s32 $0x3350;
	s30 =	simm.s32 $0x5A60;
	v0 =	vimm.s32 $0x0;
	v12 =	vimm.s32 $0x1;
	[sflag:s23] =	ssyncadd.s32 $0xFFFFFFF0  }
.LBB2_1:
0x2c: {  	[dreg:$0x1a] =	wrdreg s8  }
0x2d: {  	s2 =	rddreg [dreg:$0x6];
	s8 =	simm.s32 $0x40  }
0x2e: {  	[tilespmem:s22], [sflag:$0x3] =	stream.linear.gather [hbm4b:s2+s9], $0x800, $0x38;
	[tilespmem:$0xD990] =	vst v63  }
0x2f: {  	[tilespmem:s8+$0x30] =	vst v0  }
0x30: {  	[tilespmem:s8+$0xFFFFFFF0] =	vst v0  }
0x31: {  	[tilespmem:s8+$0xFFFFFFC0] =	vst v0  }
0x32: {  	[tilespmem:s8+$0xFFFFFFE0] =	vst v0  }
0x33: {  	[tilespmem:s8+$0x10] =	vst v0  }
0x34: {  	[tilespmem:s8+$0x20] =	vst v0  }
0x35: {  	[tilespmem:s8+$0x0] =	vst v0  }
0x36: {  	s13 =	simm.s32 $0x660;
	[tilespmem:s8+$0xFFFFFFD0] =	vst v0  }
0x37: {  	[tilespmem:s13+$0xFFFFFFC0] =	vst v0  }
0x38: {  	[tilespmem:s13+$0x30] =	vst v0  }
0x39: {  	[tilespmem:s13+$0x20] =	vst v0  }
0x3a: {  	[tilespmem:s13+$0x10] =	vst v0  }
0x3b: {  	[tilespmem:s13+$0xFFFFFFE0] =	vst v0  }
0x3c: {  	[tilespmem:s13+$0x0] =	vst v0  }
0x3d: {  	s17 =	simm.s32 $0x0;
	[tilespmem:s13+$0xFFFFFFF0] =	vst v0  }
.LBB2_2:
0x3e: {  	s17 =	sadd.s32 $0x8, s17;
	[tilespmem:s13+$0xFFFFFFD0] =	vst v0;
	s8 =	sadd.s32 $0x80, s8;
	s13 =	sadd.s32 $0x80, s13  }
0x3f: {  	[tilespmem:s8+$0x30] =	vst v0;
	p0 =	slt.u32 s17, $0x58  }
0x40: {  	[tilespmem:s8+$0xFFFFFFF0] =	vst v0  }
0x41: {  	[tilespmem:s8+$0xFFFFFFC0] =	vst v0  }
0x42: {  	[tilespmem:s13+$0xFFFFFFC0] =	vst v0  }
0x43: {  	[tilespmem:s13+$0x30] =	vst v0  }
0x44: {  	[tilespmem:s8+$0xFFFFFFE0] =	vst v0  }
0x45: {  	[tilespmem:s8+$0x10] =	vst v0  }
0x46: {  	[tilespmem:s8+$0x20] =	vst v0  }
0x47: {  	[tilespmem:s13+$0x20] =	vst v0  }
0x48: {  	[tilespmem:s13+$0x10] =	vst v0  }
.Ltmp2:
0x49: {  	[tilespmem:s13+$0xFFFFFFE0] =	vst v0;
	(pc) =	sbr.rel @p0 .LBB2_2-.Ltmp2, $4  }
0x4a: {  	[tilespmem:s8+$0x0] =	vst v0  }
0x4b: {  	[tilespmem:s13+$0x0] =	vst v0  }
0x4c: {  	[tilespmem:s13+$0xFFFFFFF0] =	vst v0  }
0x4d: {  	s20 =	simm.s32 $0x0;
	[tilespmem:s8+$0xFFFFFFD0] =	vst v0  }
0x4e: {  	[tilespmem:s13+$0xFFFFFFD0] =	vst v0  }
.LBB2_4:
0x4f: {  	p0 =	sne.s32 s20, $0x40  }
.Ltmp3:
0x50: {  	_ = 	snop;
	(pc) =	sbr.rel @p0 .LBB2_4-.Ltmp3, $4  }
0x51: {  	_ = 	snop  }
0x52: {  	s8 =	sshra.s32 s20, $0x2  }
0x53: {  	[tilespmem:s8+$0x600] =	vst v0  }
0x54: {  	s20 =	sadd.s32 $0x40, s20;
	[tilespmem:s8+$0xC20] =	vst v0  }
0x55: {  	s8 =	simm.s32 $0xB0A0  }
0x56: {  	[tilespmem:s8+$0xFFFFFFE0] =	vst v0  }
0x57: {  	[tilespmem:s8+$0x10] =	vst v0  }
0x58: {  	s13 =	simm.s32 $0x0;
	[tilespmem:s8+$0x0] =	vst v0  }
.LBB2_6:
0x59: {  	s13 =	sadd.s32 $0x4, s13  }
0x5a: {  	[tilespmem:s8+$0xFFFFFFF0] =	vst v0;
	s8 =	sadd.s32 $0x40, s8;
	p0 =	slt.u32 s13, $0x3C  }
.Ltmp4:
0x5b: {  	[tilespmem:s8+$0xFFFFFFE0] =	vst v0;
	(pc) =	sbr.rel @p0 .LBB2_6-.Ltmp4, $3  }
0x5c: {  	_ =	sdelay $0x1  }
0x5d: {  	[tilespmem:s8+$0x10] =	vst v0  }
0x5e: {  	[tilespmem:s8+$0x0] =	vst v0  }
0x5f: {  	[tilespmem:s8+$0xFFFFFFF0] =	vst v0  }
0x60: {  	_ =	swait.ge [sflag:s31], $0x800  }
0x61: {  	[sflag:s31] =	ssyncset.done $0x0  }
0x62: {  	s13 =	simm.s32 $0xA8A0;
	[sflag:s31] =	ssyncadd.s32 $0xFFFFF800  }
0x63: {  	v0 =	vld [tilespmem:s13+$0x10]  }
0x64: {  	v1 =	vld [tilespmem:s13+$0xFFFFFFF0];
	_ =	sdelay $0x1  }
0x65: {  	v4 =	vld [tilespmem:s13+$0x0]  }
0x66: {  	v5 =	vld [tilespmem:s13+$0xFFFFFFE0]  }
0x67: {  	v3 =	vshra.s32 v0, $0x5  }
0x68: {  	v2 =	vand.u32 $0x1F, v1  }
0x69: {  	s8 =	simm.s32 $0x0;
	s13 =	simm.s32 $0xA8E0;
	v1 =	vshra.s32 v1, $0x5;
	v2 =	vshll.u32 v12, v2  }
.LBB2_8:
0x6a: {  	s8 =	sadd.s32 $0x4, s8;
	v6 =	vshra.s32 v4, $0x5;
	v4 =	vand.u32 $0x1F, v4;
	v7 =	vand.u32 $0x1F, v0;
	v0 =	vld [tilespmem:s13+$0x10]  }
0x6b: {  	v8 =	vld [tilespmem:s13+$0xFFFFFFF0];
	p0 =	slt.u32 s8, $0x7C;
	v9 =	vshra.s32 v5, $0x5;
	v5 =	vand.u32 $0x1F, v5;
	v7 =	vshll.u32 v12, v7  }
0x6c: {  	v11 =	vshll.u32 v12, v4;
	v10 =	vshll.u32 v12, v5;
	[tilespmem:v3+s9+$0x0] =	vst.idx.add.s32.msk $0xffff, v7  }
.Ltmp5:
0x6d: {  	v4 =	vld [tilespmem:s13+$0x0];
	(pc) =	sbr.rel @p0 .LBB2_8-.Ltmp5, $4  }
0x6e: {  	v5 =	vld [tilespmem:s13+$0xFFFFFFE0]  }
0x6f: {  	v3 =	vshra.s32 v0, $0x5;
	[tilespmem:v1+s9+$0x0] =	vst.idx.add.s32.msk $0xffff, v2  }
0x70: {  	v1 =	vshra.s32 v8, $0x5;
	v2 =	vand.u32 $0x1F, v8;
	[tilespmem:v9+s9+$0x0] =	vst.idx.add.s32.msk $0xffff, v10  }
0x71: {  	s13 =	sadd.s32 $0x40, s13;
	v2 =	vshll.u32 v12, v2;
	[tilespmem:v6+s9+$0x0] =	vst.idx.add.s32.msk $0xffff, v11  }
0x72: {  	_ = 	snop  }
0x73: {  	v7 =	vshra.s32 v4, $0x5  }
0x74: {  	v0 =	vand.u32 $0x1F, v0;
	v6 =	vshra.s32 v5, $0x5  }
0x75: {  	v0 =	vshll.u32 v12, v0  }
0x76: {  	[tilespmem:v3+s9+$0x0] =	vst.idx.add.s32.msk $0xffff, v0;
	v0 =	vand.u32 $0x1F, v4  }
0x77: {  	[tilespmem:v1+s9+$0x0] =	vst.idx.add.s32.msk $0xffff, v2;
	v5 =	vand.u32 $0x1F, v5;
	v0 =	vshll.u32 v12, v0  }
0x78: {  	v3 =	vshll.u32 v12, v5;
	[tilespmem:v7+s9+$0x0] =	vst.idx.add.s32.msk $0xffff, v0  }
0x79: {  	s2 =	rddreg [dreg:$0x7];
	[tilespmem:v6+s9+$0x0] =	vst.idx.add.s32.msk $0xffff, v3  }
0x7a: {  	[tilespmem:s22], [sflag:$0x4] =	stream.linear.gather [hbm4b:s2+s9], $0x800, $0x38;
	[tilespmem:$0xD990] =	vst v63  }
0x7b: {  	_ =	swait.ge [sflag:s23], $0x800  }
0x7c: {  	[sflag:s23] =	ssyncset.done $0x0  }
0x7d: {  	s13 =	simm.s32 $0xA8A0;
	[sflag:s23] =	ssyncadd.s32 $0xFFFFF800  }
0x7e: {  	v0 =	vld [tilespmem:s13+$0x10]  }
0x7f: {  	v1 =	vld [tilespmem:s13+$0xFFFFFFF0];
	_ =	sdelay $0x1  }
0x80: {  	v4 =	vld [tilespmem:s13+$0x0]  }
0x81: {  	v5 =	vld [tilespmem:s13+$0xFFFFFFE0]  }
0x82: {  	v3 =	vshra.s32 v0, $0x5  }
0x83: {  	v2 =	vand.u32 $0x1F, v1  }
0x84: {  	s8 =	simm.s32 $0x0;
	s13 =	simm.s32 $0xA8E0;
	v1 =	vshra.s32 v1, $0x5;
	v2 =	vshll.u32 v12, v2  }
.LBB2_10:
0x85: {  	s8 =	sadd.s32 $0x4, s8;
	v6 =	vshra.s32 v4, $0x5;
	v4 =	vand.u32 $0x1F, v4;
	v7 =	vand.u32 $0x1F, v0;
	v0 =	vld [tilespmem:s13+$0x10]  }
0x86: {  	v8 =	vld [tilespmem:s13+$0xFFFFFFF0];
	p0 =	slt.u32 s8, $0x7C;
	v9 =	vshra.s32 v5, $0x5;
	v5 =	vand.u32 $0x1F, v5;
	v7 =	vshll.u32 v12, v7  }
0x87: {  	v11 =	vshll.u32 v12, v4;
	v10 =	vshll.u32 v12, v5;
	[tilespmem:v3+s6+$0x0] =	vst.idx.add.s32.msk $0xffff, v7  }
.Ltmp6:
0x88: {  	v4 =	vld [tilespmem:s13+$0x0];
	(pc) =	sbr.rel @p0 .LBB2_10-.Ltmp6, $4  }
0x89: {  	v5 =	vld [tilespmem:s13+$0xFFFFFFE0]  }
0x8a: {  	v3 =	vshra.s32 v0, $0x5;
	[tilespmem:v1+s6+$0x0] =	vst.idx.add.s32.msk $0xffff, v2  }
0x8b: {  	v1 =	vshra.s32 v8, $0x5;
	v2 =	vand.u32 $0x1F, v8;
	[tilespmem:v9+s6+$0x0] =	vst.idx.add.s32.msk $0xffff, v10  }
0x8c: {  	s13 =	sadd.s32 $0x40, s13;
	v2 =	vshll.u32 v12, v2;
	[tilespmem:v6+s6+$0x0] =	vst.idx.add.s32.msk $0xffff, v11  }
0x8d: {  	_ = 	snop  }
0x8e: {  	v7 =	vshra.s32 v4, $0x5  }
0x8f: {  	v0 =	vand.u32 $0x1F, v0;
	v6 =	vshra.s32 v5, $0x5  }
0x90: {  	v0 =	vshll.u32 v12, v0  }
0x91: {  	[tilespmem:v3+s6+$0x0] =	vst.idx.add.s32.msk $0xffff, v0;
	v0 =	vand.u32 $0x1F, v4  }
0x92: {  	[tilespmem:v1+s6+$0x0] =	vst.idx.add.s32.msk $0xffff, v2;
	v5 =	vand.u32 $0x1F, v5;
	v0 =	vshll.u32 v12, v0  }
0x93: {  	v3 =	vshll.u32 v12, v5;
	[tilespmem:v7+s6+$0x0] =	vst.idx.add.s32.msk $0xffff, v0  }
0x94: {  	[tilespmem:v6+s6+$0x0] =	vst.idx.add.s32.msk $0xffff, v3  }
0x95: {  	s8 =	simm.s32 $0x0;
	s2 =	rddreg [dreg:$0x9]  }
0x96: {  	[tilespmem:s25], [sflag:$0x1] =	stream.linear.gather [hbm4b:s2+s8], $0x2710, $0x38;
	[tilespmem:$0xD990] =	vst v63  }
0x97: {  	s13 =	rddreg [dreg:$0xa]  }
0x98: {  	[tilespmem:s26], [sflag:$0x1] =	stream.linear.gather [hbm4b:s13+s8], $0x2710, $0x38;
	[tilespmem:$0xD990] =	vst v63  }
0x99: {  	s17 =	rddreg [dreg:$0xb]  }
0x9a: {  	[tilespmem:s30], [sflag:$0x2] =	stream.linear.gather [hbm4b:s17+s8], $0x2710, $0x38;
	[tilespmem:$0xD990] =	vst v63  }
0x9b: {  	s21 =	simm.s32 $0x1;
	s20 =	rddreg [dreg:$0xc];
	s13 =	simm.s32 $0x8170  }
0x9c: {  	[tilespmem:s13], [sflag:$0x2] =	stream.linear.gather [hbm4b:s20+s8], $0x2710, $0x38;
	[tilespmem:$0xD990] =	vst v63  }
0x9d: {  	_ =	swait.ge [sflag:s21], $0x2710  }
0x9e: {  	[sflag:s21] =	ssyncset.done $0x0  }
0x9f: {  	[sflag:s21] =	ssyncadd.s32 $0xFFFFD8F0  }
0xa0: {  	_ =	swait.ge [sflag:s21], $0x2710  }
0xa1: {  	[sflag:s21] =	ssyncset.done $0x0  }
0xa2: {  	s22 =	simm.s32 $0xC60;
	[sflag:s21] =	ssyncadd.s32 $0xFFFFD8F0  }
0xa3: {  	s17 =	simm.s32 $0x3370;
	v0 =	vld [tilespmem:s22+$0x10]  }
0xa4: {  	v1 =	vld [tilespmem:s17+$0x10]  }
0xa5: {  	v2 =	vld [tilespmem:s22+$0x0]  }
0xa6: {  	v3 =	vld [tilespmem:s17+$0x0]  }
0xa7: {  	v4 =	vld [tilespmem:s22+$0xFFFFFFF0]  }
0xa8: {  	v5 =	vld [tilespmem:s22+$0xFFFFFFE0];
	v6 =	vshra.s32 v0, $0x5  }
0xa9: {  	v7 =	vld [tilespmem:s17+$0xFFFFFFE0];
	v8 =	vshra.s32 v1, $0x5  }
0xaa: {  	v9 =	vld [tilespmem:s17+$0xFFFFFFF0];
	v10 =	vshra.s32 v2, $0x5  }
0xab: {  	v11 =	vshra.s32 v3, $0x5  }
0xac: {  	v12 =	vshra.s32 v4, $0x5  }
0xad: {  	v13 =	vshra.s32 v5, $0x5;
	v6 =	vld.idx.msk [tilespmem:v6+s9+$0x0], $0xffff  }
0xae: {  	v14 =	vshra.s32 v7, $0x5;
	v8 =	vld.idx.msk [tilespmem:v8+s6+$0x0], $0xffff  }
0xaf: {  	v15 =	vshra.s32 v9, $0x5;
	v10 =	vld.idx.msk [tilespmem:v10+s9+$0x0], $0xffff  }
0xb0: {  	v11 =	vld.idx.msk [tilespmem:v11+s6+$0x0], $0xffff  }
0xb1: {  	v12 =	vld.idx.msk [tilespmem:v12+s9+$0x0], $0xffff  }
0xb2: {  	v13 =	vld.idx.msk [tilespmem:v13+s9+$0x0], $0xffff  }
0xb3: {  	v14 =	vld.idx.msk [tilespmem:v14+s6+$0x0], $0xffff  }
0xb4: {  	v0 =	vand.u32 $0x1F, v0;
	v1 =	vand.u32 $0x1F, v1;
	v15 =	vld.idx.msk [tilespmem:v15+s6+$0x0], $0xffff  }
0xb5: {  	v4 =	vand.u32 $0x1F, v4;
	v2 =	vand.u32 $0x1F, v2;
	v3 =	vand.u32 $0x1F, v3  }
0xb6: {  	s23 =	simm.s32 $0xCA0;
	v5 =	vand.u32 $0x1F, v5;
	v7 =	vand.u32 $0x1F, v7;
	v9 =	vand.u32 $0x1F, v9  }
0xb7: {  	s28 =	simm.s32 $0x33B0;
	v2 =	vshrl.u32 v10, v2;
	v0 =	vshrl.u32 v6, v0;
	v1 =	vshrl.u32 v8, v1;
	v6 =	vld [tilespmem:s23+$0x10]  }
0xb8: {  	v5 =	vshrl.u32 v13, v5;
	v7 =	vshrl.u32 v14, v7;
	v3 =	vshrl.u32 v11, v3;
	v8 =	vld [tilespmem:s28+$0x10]  }
0xb9: {  	v4 =	vshrl.u32 v12, v4;
	v5 =	vand.u32 v5, v7;
	v7 =	vshrl.u32 v15, v9;
	v9 =	vld [tilespmem:s23+$0x0]  }
0xba: {  	v0 =	vand.u32 v0, v1;
	v2 =	vand.u32 v2, v3;
	v3 =	vld [tilespmem:s23+$0xFFFFFFF0];
	v5 =	vand.u32 $0x1, v5  }
0xbb: {  	v10 =	vld [tilespmem:s23+$0xFFFFFFE0];
	v4 =	vand.u32 v4, v7;
	v2 =	vand.u32 $0x1, v2;
	vm0 =	veq.s32 v5, $0x1  }
0xbc: {  	v12 =	vld [tilespmem:s28+$0xFFFFFFE0];
	v4 =	vand.u32 $0x1, v4;
	vm2 =	veq.s32 v2, $0x1;
	v11 =	vshra.s32 v6, $0x5  }
0xbd: {  	v14 =	vld [tilespmem:s28+$0xFFFFFFF0];
	(xrf0) =	vadd.scan.msk.s32 $0xffff, v5;
	v7 =	vmpcnt.ones.xlane vm0;
	vm1 =	veq.s32 v4, $0x1;
	v13 =	vshra.s32 v8, $0x5  }
0xbe: {  	v1 =	vld [tilespmem:s28+$0x0];
	v16 =	vmpcnt.ones.xlane vm2;
	v5 =	vmpcnt.ones.xlane vm1;
	v15 =	vshra.s32 v9, $0x5  }
0xbf: {  	s13 =	simm.s32 $0xCE0;
	(v2sf) =	vpush v7, $0x0;
	v7 =	vmov s8;
	v18 =	vshra.s32 v3, $0x5  }
0xc0: {  	v23 =	vld [tilespmem:s13+$0x0];
	(v2sf) =	vpush v5, $0x0;
	v5 =	vadd.s32 $0xFFFFFFFF, v7;
	v7 =	vshra.s32 v10, $0x5  }
0xc1: {  	(v2sf) =	vpush v16, $0x0;
	v16 =	vshra.s32 v12, $0x5;
	v11 =	vld.idx.msk [tilespmem:v11+s9+$0x0], $0xffff  }
0xc2: {  	v0 =	vand.u32 $0x1, v0;
	v21 =	vshra.s32 v14, $0x5;
	v5 =	vbroadcast v5, $0x0;
	v13 =	vld.idx.msk [tilespmem:v13+s6+$0x0], $0xffff  }
0xc3: {  	vm3 =	veq.s32 v0, $0x1;
	v17 =	vshra.s32 v1, $0x5;
	v20, _, _ =	vpop (xrf0);
	v15 =	vld.idx.msk [tilespmem:v15+s9+$0x0], $0xffff  }
0xc4: {  	v19 =	vmpcnt.ones.xlane vm3;
	vm7 =	vmmov vm0;
	v5 =	vadd.s32 v5, v20;
	v18 =	vld.idx.msk [tilespmem:v18+s9+$0x0], $0xffff  }
0xc5: {  	vm0 =	vmmov vm2;
	vm6 =	vmmov vm3;
	vm4 =	vlt.s32 v5, $0x3FF;
	v7 =	vld.idx.msk [tilespmem:v7+s9+$0x0], $0xffff  }
0xc6: {  	vm1 =	vmmov vm1;
	(v2sf) =	vpush v19, $0x0;
	v19 =	vnsel vm4, $0x3FF, v5;
	v5 =	vld.idx.msk [tilespmem:v16+s6+$0x0], $0xffff  }
0xc7: {  	v6 =	vand.u32 $0x1F, v6;
	v8 =	vand.u32 $0x1F, v8;
	v14 =	vand.u32 $0x1F, v14;
	v16 =	vld.idx.msk [tilespmem:v21+s6+$0x0], $0xffff  }
0xc8: {  	s29 =	rddreg [dreg:$0x11];
	v3 =	vand.u32 $0x1F, v3;
	v9 =	vand.u32 $0x1F, v9;
	v1 =	vand.u32 $0x1F, v1;
	v17 =	vld.idx.msk [tilespmem:v17+s6+$0x0], $0xffff  }
0xc9: {  	v10 =	vand.u32 $0x1F, v10;
	v12 =	vand.u32 $0x1F, v12;
	(xrf0) =	vadd.scan.msk.s32 $0xffff, v4;
	v20 =	vor.u32 s29, v30  }
0xca: {  	(xrf0) =	vadd.scan.msk.s32 $0xffff, v2;
	v6 =	vshrl.u32 v11, v6;
	v8 =	vshrl.u32 v13, v8;
	v13 =	vshra.s32 v23, $0x5  }
0xcb: {  	(xrf0) =	vadd.scan.msk.s32 $0xffff, v0;
	v0 =	vld [tilespmem:s13+$0xFFFFFFE0];
	v9 =	vshrl.u32 v15, v9;
	v7 =	vshrl.u32 v7, v10;
	v5 =	vshrl.u32 v5, v12  }
0xcc: {  	s20 =	simm.s32 $0x33F0;
	v3 =	vshrl.u32 v18, v3;
	v5 =	vand.u32 v7, v5;
	v7 =	vshrl.u32 v16, v14  }
0xcd: {  	v25 =	vld [tilespmem:s20+$0x0];
	v1 =	vshrl.u32 v17, v1;
	v5 =	vand.u32 $0x1, v5;
	v3 =	vand.u32 v3, v7  }
0xce: {  	v21 =	vld [tilespmem:s20+$0x10];
	v6 =	vand.u32 v6, v8;
	vm4 =	veq.s32 v5, $0x1;
	v3 =	vand.u32 $0x1, v3  }
0xcf: {  	v22 =	vld [tilespmem:s13+$0xFFFFFFF0];
	v1 =	vand.u32 v9, v1;
	s17 =	spop (v2sf);
	v7 =	vmpcnt.ones.xlane vm4;
	vm8 =	veq.s32 v3, $0x1  }
0xd0: {  	v18 =	vld [tilespmem:s13+$0x10];
	v24 =	vshra.s32 v0, $0x5;
	v1 =	vand.u32 $0x1, v1;
	s8 =	sadd.s32 $0x0, s17;
	s21 =	spop (v2sf);
	v4 =	vmpcnt.ones.xlane vm8  }
0xd1: {  	v6 =	vand.u32 $0x1, v6;
	v10 =	vld [tilespmem:s20+$0xFFFFFFF0];
	vm2 =	veq.s32 v1, $0x1;
	s17 =	sadd.s32 s8, s21;
	s21 =	spop (v2sf);
	(v2sf) =	vpush v7, $0x0  }
0xd2: {  	vm3 =	veq.s32 v6, $0x1;
	v2 =	vmpcnt.ones.xlane vm2;
	(v2sf) =	vpush v4, $0x0  }
0xd3: {  	[tilespmem:v19+s12+$0x0] =	vst.idx.msk vm7, v20;
	v19 =	vand.u32 $0x1F, v21;
	v8 =	vmpcnt.ones.xlane vm3;
	v14 =	vshra.s32 v25, $0x5  }
0xd4: {  	v16 =	vshra.s32 v22, $0x5;
	v22 =	vand.u32 $0x1F, v22;
	(v2sf) =	vpush v2, $0x0  }
0xd5: {  	v9 =	vshra.s32 v18, $0x5;
	(xrf0) =	vadd.scan.msk.s32 $0xffff, v5;
	v5 =	vshra.s32 v21, $0x5;
	s21 =	sadd.s32 s17, s21;
	(v2sf) =	vpush v8, $0x0  }
0xd6: {  	v18 =	vand.u32 $0x1F, v18;
	v27 =	vshra.s32 v10, $0x5;
	s22 =	spop (v2sf);
	v7 =	vld [tilespmem:s20+$0xFFFFFFE0];
	v4 =	vmov s21  }
0xd7: {  	v12, _, _ =	vpop (xrf0);
	v2 =	vmov s17;
	s17 =	sadd.s32 s21, s22;
	v4 =	vadd.s32 $0xFFFFFFFF, v4;
	v8 =	vmov s8  }
0xd8: {  	v15, _, _ =	vpop (xrf0);
	v11 =	vmov s17;
	v2 =	vadd.s32 $0xFFFFFFFF, v2;
	v4 =	vbroadcast v4, $0x0  }
0xd9: {  	v17, _, _ =	vpop (xrf0);
	(xrf0) =	vadd.scan.msk.s32 $0xffff, v3;
	v8 =	vadd.s32 $0xFFFFFFFF, v8;
	v11 =	vadd.s32 $0xFFFFFFFF, v11;
	v2 =	vbroadcast v2, $0x0  }
0xda: {  	(xrf0) =	vadd.scan.msk.s32 $0xffff, v1;
	v14 =	vld.idx.msk [tilespmem:v14+s6+$0x0], $0xffff;
	v8 =	vbroadcast v8, $0x0;
	v3 =	vbroadcast v11, $0x0;
	v4 =	vadd.s32 v4, v17  }
0xdb: {  	(xrf0) =	vadd.scan.msk.s32 $0xffff, v6;
	v16 =	vld.idx.msk [tilespmem:v16+s9+$0x0], $0xffff;
	v1, _, _ =	vpop (xrf0);
	v26 =	vshra.s32 v7, $0x5;
	v17 =	vadd.s32 v2, v15;
	vm9 =	vlt.s32 v4, $0x3FF  }
0xdc: {  	v11 =	vld.idx.msk [tilespmem:v9+s9+$0x0], $0xffff;
	v8 =	vadd.s32 v8, v12;
	v1 =	vadd.s32 v3, v1;
	v28 =	vnsel vm9, $0x3FF, v4  }
0xdd: {  	vm4 =	vmmov vm4;
	v15 =	vld.idx.msk [tilespmem:v13+s9+$0x0], $0xffff;
	vm5 =	vlt.s32 v17, $0x3FF;
	vm15 =	vlt.s32 v8, $0x3FF  }
0xde: {  	s23 =	sadd.s32 $0x20, s29;
	s22 =	sadd.s32 $0x10, s29;
	v12 =	vld.idx.msk [tilespmem:v5+s6+$0x0], $0xffff;
	vm10 =	vlt.s32 v1, $0x3FF;
	v9 =	vnsel vm15, $0x3FF, v8;
	v8 =	vnsel vm5, $0x3FF, v17  }
0xdf: {  	s28 =	sadd.s32 $0x30, s29;
	s8 =	sadd.s32 $0x40, s29;
	v6 =	vor.u32 s22, v30;
	v13 =	vor.u32 s23, v30;
	v2 =	vnsel vm10, $0x3FF, v1;
	v17 =	vld.idx.msk [tilespmem:v24+s9+$0x0], $0xffff;
	v1, _, _ =	vpop (xrf0)  }
0xe0: {  	s21 =	simm.s32 $0x8;
	v5 =	vor.u32 s8, v30;
	vm5 =	vmmov vm1;
	v20 =	vld.idx.msk [tilespmem:v26+s6+$0x0], $0xffff;
	v26 =	vor.u32 s28, v30;
	v3, _, _ =	vpop (xrf0);
	s29 =	spop (v2sf)  }
0xe1: {  	v21 =	vld.idx.msk [tilespmem:v27+s6+$0x0], $0xffff;
	vm1 =	vmmov vm8;
	v24 =	vand.u32 $0x1F, v23;
	v23 =	vand.u32 $0x1F, v25;
	v4, _, _ =	vpop (xrf0);
	[tilespmem:v28+s12+$0x0] =	vst.idx.msk vm6, v26;
	s23 =	sadd.s32 s17, s29;
	s22 =	spop (v2sf);
	s17 =	smov.u32 s8  }
.LBB2_12:
0xe2: {  	v0 =	vand.u32 $0x1F, v0;
	v7 =	vand.u32 $0x1F, v7  }
0xe3: {  	s21 =	sadd.s32 $0x4, s21;
	v10 =	vand.u32 $0x1F, v10;
	s28 =	sadd.s32 s23, s22;
	s22 =	spop (v2sf);
	[tilespmem:v8+s12+$0x0] =	vst.idx.msk vm0, v13;
	vm0 =	vmmov vm2;
	vm6 =	vmmov vm3  }
0xe4: {  	v8 =	vshrl.u32 v15, v24;
	v11 =	vshrl.u32 v11, v18;
	v12 =	vshrl.u32 v12, v19;
	p0 =	slt.u32 s21, $0x26C;
	s29 =	sadd.s32 s28, s22;
	s22 =	spop (v2sf)  }
0xe5: {  	v13 =	vshrl.u32 v14, v23;
	v0 =	vshrl.u32 v17, v0;
	v7 =	vshrl.u32 v20, v7;
	s22 =	sadd.s32 s29, s22  }
0xe6: {  	v0 =	vand.u32 v0, v7;
	v7 =	vshrl.u32 v16, v22;
	v10 =	vshrl.u32 v21, v10  }
0xe7: {  	s13 =	sadd.s32 $0x40, s13;
	v0 =	vand.u32 $0x1, v0;
	v7 =	vand.u32 v7, v10;
	v10 =	vand.u32 v11, v12;
	[tilespmem:v9+s12+$0x0] =	vst.idx.msk vm5, v6  }
0xe8: {  	s20 =	sadd.s32 $0x40, s20;
	vm5 =	veq.s32 v0, $0x1;
	v6 =	vand.u32 $0x1, v7;
	v7 =	vand.u32 v8, v13;
	v18 =	vld [tilespmem:s13+$0x10];
	(xrf0) =	vadd.scan.msk.s32 $0xffff, v0  }
0xe9: {  	v0 =	vmpcnt.ones.xlane vm5;
	vm7 =	veq.s32 v6, $0x1;
	v7 =	vand.u32 $0x1, v7;
	v19 =	vld [tilespmem:s20+$0x10];
	(xrf0) =	vadd.scan.msk.s32 $0xffff, v6  }
0xea: {  	v8 =	vand.u32 $0x1, v10;
	v6 =	vmpcnt.ones.xlane vm7;
	vm2 =	veq.s32 v7, $0x1;
	v23 =	vld [tilespmem:s13+$0x0];
	(xrf0) =	vadd.scan.msk.s32 $0xffff, v7  }
0xeb: {  	vm3 =	veq.s32 v8, $0x1;
	v7 =	vmpcnt.ones.xlane vm2;
	v25 =	vld [tilespmem:s20+$0x0];
	(v2sf) =	vpush v0, $0x0;
	(xrf0) =	vadd.scan.msk.s32 $0xffff, v8  }
0xec: {  	v8 =	vmpcnt.ones.xlane vm3;
	v22 =	vld [tilespmem:s13+$0xFFFFFFF0];
	(v2sf) =	vpush v6, $0x0;
	[tilespmem:v2+s12+$0x0] =	vst.idx.msk vm4, v5;
	v2 =	vmov s29  }
0xed: {  	v6 =	vmov s28;
	v0 =	vld [tilespmem:s13+$0xFFFFFFE0];
	v5 =	vshra.s32 v18, $0x5;
	(v2sf) =	vpush v7, $0x0  }
0xee: {  	v7 =	vld [tilespmem:s20+$0xFFFFFFE0];
	v9 =	vshra.s32 v19, $0x5;
	v13, _, _ =	vpop (xrf0);
	(v2sf) =	vpush v8, $0x0;
	v8 =	vmov s23  }
0xef: {  	v11 =	vmov s22;
	v2 =	vadd.s32 $0xFFFFFFFF, v2;
	v10 =	vld [tilespmem:s20+$0xFFFFFFF0];
	v14 =	vshra.s32 v23, $0x5;
	v16, _, _ =	vpop (xrf0)  }
0xf0: {  	v6 =	vadd.s32 $0xFFFFFFFF, v6;
	v8 =	vadd.s32 $0xFFFFFFFF, v8;
	v17 =	vshra.s32 v25, $0x5;
	v20, _, _ =	vpop (xrf0)  }
0xf1: {  	v15 =	vadd.s32 $0xFFFFFFFF, v11;
	v2 =	vbroadcast v2, $0x0;
	v21 =	vshra.s32 v22, $0x5;
	v24, _, _ =	vpop (xrf0)  }
0xf2: {  	v6 =	vbroadcast v6, $0x0;
	v26 =	vshra.s32 v0, $0x5;
	v11 =	vld.idx.msk [tilespmem:v5+s9+$0x0], $0xffff;
	v5 =	vbroadcast v8, $0x0  }
0xf3: {  	v2 =	vadd.s32 v2, v4;
	v8 =	vbroadcast v15, $0x0;
	v4 =	vmovc v24;
	v27 =	vshra.s32 v7, $0x5;
	v12 =	vld.idx.msk [tilespmem:v9+s6+$0x0], $0xffff  }
0xf4: {  	v6 =	vadd.s32 v6, v3;
	v24 =	vshra.s32 v10, $0x5;
	v15 =	vld.idx.msk [tilespmem:v14+s9+$0x0], $0xffff;
	v5 =	vadd.s32 v5, v1;
	v1 =	vmovc v16  }
0xf5: {  	vm4 =	vlt.s32 v6, $0x3FF;
	vm8 =	vlt.s32 v2, $0x3FF;
	v3 =	vmovc v20;
	v8 =	vadd.s32 v8, v13;
	v14 =	vld.idx.msk [tilespmem:v17+s6+$0x0], $0xffff  }
0xf6: {  	v28 =	vnsel vm8, $0x3FF, v2;
	vm9 =	vlt.s32 v8, $0x3FF;
	vm10 =	vlt.s32 v5, $0x3FF;
	v16 =	vld.idx.msk [tilespmem:v21+s9+$0x0], $0xffff  }
.Ltmp7:
0xf7: {  	v2 =	vnsel vm9, $0x3FF, v8;
	v9 =	vnsel vm10, $0x3FF, v5;
	v8 =	vnsel vm4, $0x3FF, v6;
	v17 =	vld.idx.msk [tilespmem:v26+s9+$0x0], $0xffff;
	(pc) =	sbr.rel @p0 .LBB2_12-.Ltmp7, $4  }
0xf8: {  	s17 =	sadd.s32 $0x40, s17;
	s28 =	sadd.s32 $0x20, s8;
	s23 =	sadd.s32 $0x10, s8;
	vm4 =	vmmov vm5;
	vm5 =	vmmov vm1;
	vm1 =	vmmov vm7;
	v20 =	vld.idx.msk [tilespmem:v27+s6+$0x0], $0xffff  }
0xf9: {  	v13 =	vor.u32 s28, v30;
	v5 =	vor.u32 s17, v30;
	v6 =	vor.u32 s23, v30;
	s23 =	sadd.s32 $0x30, s8;
	s8 =	smov.u32 s17;
	v21 =	vld.idx.msk [tilespmem:v24+s6+$0x0], $0xffff  }
0xfa: {  	v18 =	vand.u32 $0x1F, v18;
	v19 =	vand.u32 $0x1F, v19;
	v26 =	vor.u32 s23, v30;
	s28 =	spop (v2sf)  }
0xfb: {  	v22 =	vand.u32 $0x1F, v22;
	v24 =	vand.u32 $0x1F, v23;
	v23 =	vand.u32 $0x1F, v25;
	s23 =	sadd.s32 s22, s28;
	s22 =	spop (v2sf);
	[tilespmem:v28+s12+$0x0] =	vst.idx.msk vm6, v26  }
0xfc: {  	v0 =	vand.u32 $0x1F, v0;
	v7 =	vand.u32 $0x1F, v7;
	v10 =	vand.u32 $0x1F, v10  }
0xfd: {  	v15 =	vshrl.u32 v15, v24;
	v0 =	vshrl.u32 v17, v0;
	v7 =	vshrl.u32 v20, v7  }
0xfe: {  	v0 =	vand.u32 v0, v7;
	v7 =	vshrl.u32 v16, v22;
	v10 =	vshrl.u32 v21, v10  }
0xff: {  	v14 =	vshrl.u32 v14, v23;
	v0 =	vand.u32 $0x1, v0;
	v7 =	vand.u32 v7, v10  }
0x100: {  	v10 =	vand.u32 v15, v14;
	vm7 =	veq.s32 v0, $0x1;
	v7 =	vand.u32 $0x1, v7  }
0x101: {  	v10 =	vand.u32 $0x1, v10;
	v14 =	vmpcnt.ones.xlane vm7;
	vm8 =	veq.s32 v7, $0x1  }
0x102: {  	vm6 =	veq.s32 v10, $0x1;
	v15 =	vmpcnt.ones.xlane vm8  }
0x103: {  	v16 =	vmpcnt.ones.xlane vm6;
	(v2sf) =	vpush v14, $0x0  }
0x104: {  	(v2sf) =	vpush v15, $0x0  }
0x105: {  	(v2sf) =	vpush v16, $0x0;
	_ =	sdelay $0x4  }
0x106: {  	s13 =	spop (v2sf);
	s20 =	sadd.s32 s23, s22  }
0x107: {  	vm2 =	vmmov vm2;
	vm3 =	vmmov vm3;
	vm1 =	vmmov vm1;
	s13 =	sadd.s32 s20, s13  }
0x108: {  	(xrf0) =	vadd.scan.msk.s32 $0xffff, v0;
	v0 =	vshrl.u32 v11, v18;
	v11 =	vshrl.u32 v12, v19;
	v12 =	vmov s13  }
0x109: {  	v12 =	vadd.s32 $0xFFFFFFFF, v12;
	v0 =	vand.u32 v0, v11;
	vm7 =	vmmov vm7  }
0x10a: {  	s21 =	spop (v2sf);
	v12 =	vbroadcast v12, $0x0;
	v0 =	vand.u32 $0x1, v0;
	vm8 =	vmmov vm8  }
0x10b: {  	[tilespmem:v8+s12+$0x0] =	vst.idx.msk vm0, v13;
	s21 =	sadd.s32 s13, s21;
	vm0 =	vmmov vm6;
	v14 =	vmov s20;
	v15 =	vmov s23  }
0x10c: {  	v14 =	vadd.s32 $0xFFFFFFFF, v14;
	v4 =	vadd.s32 v12, v4;
	v16 =	vmov s21  }
0x10d: {  	(xrf0) =	vadd.scan.msk.s32 $0xffff, v7;
	v15 =	vadd.s32 $0xFFFFFFFF, v15;
	v11 =	vbroadcast v14, $0x0;
	v16 =	vadd.s32 $0xFFFFFFFF, v16  }
0x10e: {  	(xrf0) =	vadd.scan.msk.s32 $0xffff, v10;
	vm9 =	vlt.s32 v4, $0x3FF;
	v15 =	vbroadcast v15, $0x0;
	v14 =	vbroadcast v16, $0x0;
	s23 =	spop (v2sf)  }
0x10f: {  	(xrf0) =	vadd.scan.msk.s32 $0xffff, v0;
	vm15 =	veq.s32 v0, $0x1;
	v7, _, _ =	vpop (xrf0);
	v4 =	vnsel vm9, $0x3FF, v4;
	v3 =	vadd.s32 v11, v3;
	s20 =	sadd.s32 s21, s23;
	s28 =	spop (v2sf)  }
0x110: {  	v1 =	vadd.s32 v15, v1;
	vm14 =	vlt.s32 v3, $0x3FF;
	v7 =	vadd.s32 v14, v7;
	s21 =	sadd.s32 s20, s28;
	s29 =	spop (v2sf)  }
0x111: {  	vm13 =	vlt.s32 v1, $0x3FF;
	v0 =	vnsel vm14, $0x3FF, v3;
	s13 =	sadd.s32 s21, s29;
	v12 =	vmov s21  }
0x112: {  	vm10 =	vlt.s32 v7, $0x3FF;
	v3 =	vmov s13;
	v12 =	vadd.s32 $0xFFFFFFFF, v12  }
0x113: {  	v10, _, _ =	vpop (xrf0);
	v15 =	vmov s20;
	v3 =	vadd.s32 $0xFFFFFFFF, v3;
	v12 =	vbroadcast v12, $0x0  }
0x114: {  	v1 =	vnsel vm13, $0x3FF, v1;
	v14, _, _ =	vpop (xrf0);
	v15 =	vadd.s32 $0xFFFFFFFF, v15;
	v3 =	vbroadcast v3, $0x0  }
0x115: {  	[tilespmem:v9+s12+$0x0] =	vst.idx.msk vm5, v6;
	v7 =	vnsel vm10, $0x3FF, v7;
	v16, _, _ =	vpop (xrf0);
	s23 =	sadd.s32 $0x30, s8;
	v8 =	vbroadcast v15, $0x0;
	v6 =	vadd.s32 v12, v14  }
0x116: {  	[tilespmem:v2+s12+$0x0] =	vst.idx.msk vm4, v5;
	v17 =	vor.u32 s23, v30;
	v3 =	vadd.s32 v3, v16;
	vm4 =	vlt.s32 v6, $0x3FF  }
0x117: {  	s2 =	sadd.s32 $0x20, s8;
	[tilespmem:v4+s12+$0x0] =	vst.idx.msk vm3, v17;
	v2 =	vadd.s32 v8, v10;
	vm6 =	vlt.s32 v3, $0x3FF;
	v4 =	vnsel vm4, $0x3FF, v6  }
0x118: {  	v11 =	vor.u32 s2, v30;
	s28 =	sadd.s32 $0x10, s8;
	vm3 =	vlt.s32 v2, $0x3FF;
	v3 =	vnsel vm6, $0x3FF, v3  }
0x119: {  	s17 =	sadd.s32 $0x40, s17;
	[tilespmem:v0+s12+$0x0] =	vst.idx.msk vm2, v11;
	v5 =	vor.u32 s28, v30;
	v0 =	vnsel vm3, $0x3FF, v2  }
0x11a: {  	s2 =	sadd.s32 $0x20, s17;
	[tilespmem:v1+s12+$0x0] =	vst.idx.msk vm1, v5;
	v2 =	vor.u32 s17, v30  }
0x11b: {  	s29 =	sadd.s32 $0x30, s17;
	[tilespmem:v7+s12+$0x0] =	vst.idx.msk vm7, v2;
	v2 =	vor.u32 s2, v30  }
0x11c: {  	v1 =	vor.u32 s29, v30;
	s17 =	sadd.s32 $0x10, s17;
	[tilespmem:v4+s12+$0x0] =	vst.idx.msk vm0, v2  }
0x11d: {  	[tilespmem:v3+s12+$0x0] =	vst.idx.msk vm15, v1;
	v1 =	vor.u32 s17, v30  }
0x11e: {  	[tilespmem:v0+s12+$0x0] =	vst.idx.msk vm8, v1  }
0x11f: {  	v0 =	vld [tilespmem:$0x3340]  }
0x120: {  	v1 =	vld [tilespmem:$0x5A50];
	_ =	sdelay $0x1  }
0x121: {  	v2 =	vmpcnt.ones.xlane vm15;
	_ =	sdelay $0x1  }
0x122: {  	(v2sf) =	vpush v2, $0x0;
	v3 =	vshra.s32 v0, $0x5  }
0x123: {  	v4 =	vshra.s32 v1, $0x5;
	_ =	sdelay $0x3  }
0x124: {  	v2 =	vld.idx.msk [tilespmem:v3+s9+$0x0], $0xffff  }
0x125: {  	v3 =	vld.idx.msk [tilespmem:v4+s6+$0x0], $0xffff;
	_ =	sdelay $0x3  }
0x126: {  	v0 =	vand.u32 $0x1F, v0;
	v1 =	vand.u32 $0x1F, v1  }
0x127: {  	v0 =	vshrl.u32 v2, v0;
	v1 =	vshrl.u32 v3, v1  }
0x128: {  	v0 =	vand.u32 v0, v1  }
0x129: {  	v0 =	vand.u32 $0x1, v0  }
0x12a: {  	vm0 =	veq.s32 v0, $0x1;
	(xrf0) =	vadd.scan.msk.s32 $0xffff, v0  }
0x12b: {  	s20 =	spop (v2sf);
	v1 =	vmpcnt.ones.xlane vm0  }
0x12c: {  	s8 =	sadd.s32 s13, s20  }
0x12d: {  	v0 =	vmov s8;
	(v2sf) =	vpush v1, $0x0  }
0x12e: {  	v0 =	vadd.s32 $0xFFFFFFFF, v0  }
0x12f: {  	v0 =	vbroadcast v0, $0x0  }
0x130: {  	v1, _, _ =	vpop (xrf0)  }
0x131: {  	v0 =	vadd.s32 v0, v1  }
0x132: {  	vm1 =	vlt.s32 v0, $0x3FF  }
0x133: {  	v1 =	vld [tilespmem:$0x1FFB0];
	v0 =	vnsel vm1, $0x3FF, v0;
	_ =	sdelay $0x4  }
0x134: {  	s2 =	rddreg [dreg:$0xd];
	[tilespmem:v0+s12+$0x0] =	vst.idx.msk vm0, v1  }
0x135: {  	[tilespmem:s25], [sflag:$0x1] =	stream.linear.gather [hbm4b:s2+s9], $0x2710, $0x38;
	[tilespmem:$0xD990] =	vst v63  }
0x136: {  	s21 =	rddreg [dreg:$0xe]  }
0x137: {  	[tilespmem:s26], [sflag:$0x1] =	stream.linear.gather [hbm4b:s21+s9], $0x2710, $0x38;
	[tilespmem:$0xD990] =	vst v63  }
0x138: {  	s22 =	simm.s32 $0x2;
	s13 =	spop (v2sf)  }
0x139: {  	_ =	swait.ge [sflag:s22], $0x2710  }
0x13a: {  	[sflag:s22] =	ssyncset.done $0x0  }
0x13b: {  	[sflag:s22] =	ssyncadd.s32 $0xFFFFD8F0  }
0x13c: {  	_ =	swait.ge [sflag:s22], $0x2710  }
0x13d: {  	[sflag:s22] =	ssyncset.done $0x0  }
0x13e: {  	s23 =	simm.s32 $0x5A80;
	[sflag:s22] =	ssyncadd.s32 $0xFFFFD8F0  }
0x13f: {  	s28 =	simm.s32 $0x8190;
	v0 =	vld [tilespmem:s23+$0x10]  }
0x140: {  	v1 =	vld [tilespmem:s28+$0x10]  }
0x141: {  	v2 =	vld [tilespmem:s23+$0x0]  }
0x142: {  	v3 =	vld [tilespmem:s28+$0x0]  }
0x143: {  	v4 =	vld [tilespmem:s23+$0xFFFFFFF0]  }
0x144: {  	v5 =	vld [tilespmem:s23+$0xFFFFFFE0];
	v6 =	vshra.s32 v0, $0x5  }
0x145: {  	v7 =	vld [tilespmem:s28+$0xFFFFFFE0];
	v8 =	vshra.s32 v1, $0x5  }
0x146: {  	v9 =	vld [tilespmem:s28+$0xFFFFFFF0];
	v10 =	vshra.s32 v2, $0x5  }
0x147: {  	v11 =	vshra.s32 v3, $0x5  }
0x148: {  	v12 =	vshra.s32 v4, $0x5  }
0x149: {  	v13 =	vshra.s32 v5, $0x5;
	v6 =	vld.idx.msk [tilespmem:v6+s9+$0x0], $0xffff  }
0x14a: {  	v14 =	vshra.s32 v7, $0x5;
	v8 =	vld.idx.msk [tilespmem:v8+s6+$0x0], $0xffff  }
0x14b: {  	v15 =	vshra.s32 v9, $0x5;
	v10 =	vld.idx.msk [tilespmem:v10+s9+$0x0], $0xffff  }
0x14c: {  	v11 =	vld.idx.msk [tilespmem:v11+s6+$0x0], $0xffff  }
0x14d: {  	v12 =	vld.idx.msk [tilespmem:v12+s9+$0x0], $0xffff  }
0x14e: {  	v13 =	vld.idx.msk [tilespmem:v13+s9+$0x0], $0xffff  }
0x14f: {  	v14 =	vld.idx.msk [tilespmem:v14+s6+$0x0], $0xffff  }
0x150: {  	v0 =	vand.u32 $0x1F, v0;
	v1 =	vand.u32 $0x1F, v1;
	v15 =	vld.idx.msk [tilespmem:v15+s6+$0x0], $0xffff  }
0x151: {  	v4 =	vand.u32 $0x1F, v4;
	v2 =	vand.u32 $0x1F, v2;
	v3 =	vand.u32 $0x1F, v3  }
0x152: {  	v5 =	vand.u32 $0x1F, v5;
	v7 =	vand.u32 $0x1F, v7;
	v9 =	vand.u32 $0x1F, v9  }
0x153: {  	s29 =	simm.s32 $0x5AC0;
	v2 =	vshrl.u32 v10, v2;
	v0 =	vshrl.u32 v6, v0;
	v1 =	vshrl.u32 v8, v1  }
0x154: {  	s2 =	simm.s32 $0x81D0;
	v6 =	vld [tilespmem:s29+$0x10];
	v5 =	vshrl.u32 v13, v5;
	v7 =	vshrl.u32 v14, v7;
	v3 =	vshrl.u32 v11, v3  }
0x155: {  	v8 =	vld [tilespmem:s2+$0x10];
	v4 =	vshrl.u32 v12, v4;
	v5 =	vand.u32 v5, v7;
	v7 =	vshrl.u32 v15, v9  }
0x156: {  	v0 =	vand.u32 v0, v1;
	v2 =	vand.u32 v2, v3;
	v3 =	vld [tilespmem:s29+$0xFFFFFFF0];
	v5 =	vand.u32 $0x1, v5  }
0x157: {  	v10 =	vld [tilespmem:s29+$0xFFFFFFE0];
	v4 =	vand.u32 v4, v7;
	v2 =	vand.u32 $0x1, v2;
	v0 =	vand.u32 $0x1, v0  }
0x158: {  	v12 =	vld [tilespmem:s2+$0xFFFFFFE0];
	vm0 =	veq.s32 v5, $0x1;
	v4 =	vand.u32 $0x1, v4;
	vm2 =	veq.s32 v2, $0x1  }
0x159: {  	v14 =	vld [tilespmem:s2+$0xFFFFFFF0];
	(xrf0) =	vadd.scan.msk.s32 $0xffff, v5;
	v7 =	vmpcnt.ones.xlane vm0;
	vm1 =	veq.s32 v4, $0x1;
	v11 =	vshra.s32 v6, $0x5  }
0x15a: {  	s8 =	sadd.s32 s8, s13;
	v9 =	vld [tilespmem:s29+$0x0];
	v16 =	vmpcnt.ones.xlane vm2;
	v5 =	vmpcnt.ones.xlane vm1;
	v13 =	vshra.s32 v8, $0x5  }
0x15b: {  	v1 =	vld [tilespmem:s2+$0x0];
	(xrf0) =	vadd.scan.msk.s32 $0xffff, v4;
	(v2sf) =	vpush v7, $0x0;
	v7 =	vmov s8;
	v18 =	vshra.s32 v3, $0x5  }
0x15c: {  	s13 =	simm.s32 $0x5B00;
	(xrf0) =	vadd.scan.msk.s32 $0xffff, v2;
	(v2sf) =	vpush v5, $0x0;
	v5 =	vadd.s32 $0xFFFFFFFF, v7;
	v7 =	vshra.s32 v10, $0x5  }
0x15d: {  	vm3 =	veq.s32 v0, $0x1;
	(xrf0) =	vadd.scan.msk.s32 $0xffff, v0;
	v0 =	vld [tilespmem:s13+$0xFFFFFFE0];
	(v2sf) =	vpush v16, $0x0;
	v16 =	vshra.s32 v12, $0x5  }
0x15e: {  	vm5 =	vmmov vm15;
	s2 =	rddreg [dreg:$0x16];
	v21 =	vshra.s32 v14, $0x5;
	v5 =	vbroadcast v5, $0x0;
	v11 =	vld.idx.msk [tilespmem:v11+s9+$0x0], $0xffff  }
0x15f: {  	vm4 =	vmmov vm8;
	v29 =	vor.u32 s2, v30;
	v15 =	vshra.s32 v9, $0x5;
	v20, _, _ =	vpop (xrf0);
	v13 =	vld.idx.msk [tilespmem:v13+s6+$0x0], $0xffff  }
0x160: {  	v19 =	vmpcnt.ones.xlane vm3;
	v17 =	vshra.s32 v1, $0x5;
	v5 =	vadd.s32 v5, v20;
	v18 =	vld.idx.msk [tilespmem:v18+s9+$0x0], $0xffff  }
0x161: {  	vm7 =	vmmov vm0;
	vm0 =	vmmov vm2;
	vm4 =	vlt.s32 v5, $0x3FF;
	v7 =	vld.idx.msk [tilespmem:v7+s9+$0x0], $0xffff  }
0x162: {  	vm6 =	vmmov vm3;
	(v2sf) =	vpush v19, $0x0;
	v19 =	vnsel vm4, $0x3FF, v5;
	v5 =	vld.idx.msk [tilespmem:v16+s6+$0x0], $0xffff  }
0x163: {  	vm1 =	vmmov vm1;
	v6 =	vand.u32 $0x1F, v6;
	v8 =	vand.u32 $0x1F, v8;
	v16 =	vld.idx.msk [tilespmem:v21+s6+$0x0], $0xffff  }
0x164: {  	v14 =	vand.u32 $0x1F, v14;
	v3 =	vand.u32 $0x1F, v3;
	v9 =	vand.u32 $0x1F, v9;
	v15 =	vld.idx.msk [tilespmem:v15+s9+$0x0], $0xffff  }
0x165: {  	s21 =	sadd.s32 $0xFFFFFFD0, s2;
	v1 =	vand.u32 $0x1F, v1;
	v10 =	vand.u32 $0x1F, v10;
	v12 =	vand.u32 $0x1F, v12;
	v17 =	vld.idx.msk [tilespmem:v17+s6+$0x0], $0xffff  }
0x166: {  	v20 =	vor.u32 s21, v30;
	v24 =	vshra.s32 v0, $0x5;
	v6 =	vshrl.u32 v11, v6  }
0x167: {  	v8 =	vshrl.u32 v13, v8;
	v7 =	vshrl.u32 v7, v10;
	v5 =	vshrl.u32 v5, v12  }
0x168: {  	s17 =	simm.s32 $0x8210;
	v23 =	vld [tilespmem:s13+$0x0];
	v3 =	vshrl.u32 v18, v3;
	v5 =	vand.u32 v7, v5;
	v7 =	vshrl.u32 v16, v14  }
0x169: {  	v25 =	vld [tilespmem:s17+$0x0];
	v9 =	vshrl.u32 v15, v9;
	v5 =	vand.u32 $0x1, v5;
	v3 =	vand.u32 v3, v7  }
0x16a: {  	v22 =	vld [tilespmem:s13+$0xFFFFFFF0];
	v1 =	vshrl.u32 v17, v1;
	vm4 =	veq.s32 v5, $0x1;
	v3 =	vand.u32 $0x1, v3  }
0x16b: {  	v21 =	vld [tilespmem:s17+$0x10];
	v1 =	vand.u32 v9, v1;
	v7 =	vmpcnt.ones.xlane vm4;
	vm12 =	veq.s32 v3, $0x1  }
0x16c: {  	v13 =	vld [tilespmem:s13+$0x10];
	v6 =	vand.u32 v6, v8;
	v1 =	vand.u32 $0x1, v1;
	s22 =	spop (v2sf);
	v4 =	vmpcnt.ones.xlane vm12  }
0x16d: {  	v6 =	vand.u32 $0x1, v6;
	v10 =	vld [tilespmem:s17+$0xFFFFFFF0];
	vm2 =	veq.s32 v1, $0x1;
	s23 =	spop (v2sf);
	(v2sf) =	vpush v7, $0x0  }
0x16e: {  	vm3 =	veq.s32 v6, $0x1;
	v2 =	vmpcnt.ones.xlane vm2;
	s28 =	spop (v2sf);
	(v2sf) =	vpush v4, $0x0  }
0x16f: {  	v17 =	vshra.s32 v22, $0x5;
	v22 =	vand.u32 $0x1F, v22;
	v8 =	vmpcnt.ones.xlane vm3;
	s8 =	sadd.s32 s8, s22  }
0x170: {  	[tilespmem:v19+s12+$0x0] =	vst.idx.msk vm7, v20;
	v19 =	vand.u32 $0x1F, v21;
	v14 =	vshra.s32 v23, $0x5;
	s20 =	sadd.s32 s8, s23;
	(v2sf) =	vpush v2, $0x0  }
0x171: {  	v16 =	vshra.s32 v25, $0x5;
	v9 =	vshra.s32 v13, $0x5;
	(xrf0) =	vadd.scan.msk.s32 $0xffff, v5;
	s21 =	sadd.s32 s20, s28;
	(v2sf) =	vpush v8, $0x0  }
0x172: {  	v5 =	vshra.s32 v21, $0x5;
	v27 =	vshra.s32 v10, $0x5;
	s29 =	spop (v2sf);
	v7 =	vld [tilespmem:s17+$0xFFFFFFE0];
	v4 =	vmov s21  }
0x173: {  	v12, _, _ =	vpop (xrf0);
	v2 =	vmov s20;
	s20 =	sadd.s32 s21, s29;
	v4 =	vadd.s32 $0xFFFFFFFF, v4;
	v8 =	vmov s8  }
0x174: {  	v15, _, _ =	vpop (xrf0);
	v11 =	vmov s20;
	v2 =	vadd.s32 $0xFFFFFFFF, v2;
	v4 =	vbroadcast v4, $0x0  }
0x175: {  	v18, _, _ =	vpop (xrf0);
	(xrf0) =	vadd.scan.msk.s32 $0xffff, v3;
	v8 =	vadd.s32 $0xFFFFFFFF, v8;
	v11 =	vadd.s32 $0xFFFFFFFF, v11;
	v2 =	vbroadcast v2, $0x0  }
0x176: {  	(xrf0) =	vadd.scan.msk.s32 $0xffff, v1;
	v8 =	vbroadcast v8, $0x0;
	v3 =	vbroadcast v11, $0x0;
	v4 =	vadd.s32 v4, v18;
	v11 =	vld.idx.msk [tilespmem:v9+s9+$0x0], $0xffff  }
0x177: {  	(xrf0) =	vadd.scan.msk.s32 $0xffff, v6;
	v1, _, _ =	vpop (xrf0);
	v26 =	vshra.s32 v7, $0x5;
	v18 =	vadd.s32 v2, v15;
	vm13 =	vlt.s32 v4, $0x3FF;
	v15 =	vld.idx.msk [tilespmem:v14+s9+$0x0], $0xffff  }
0x178: {  	v14 =	vld.idx.msk [tilespmem:v16+s6+$0x0], $0xffff;
	v8 =	vadd.s32 v8, v12;
	v1 =	vadd.s32 v3, v1;
	v28 =	vnsel vm13, $0x3FF, v4  }
0x179: {  	vm4 =	vmmov vm4;
	v16 =	vld.idx.msk [tilespmem:v17+s9+$0x0], $0xffff;
	vm5 =	vlt.s32 v18, $0x3FF;
	vm15 =	vlt.s32 v8, $0x3FF  }
0x17a: {  	s23 =	sadd.s32 $0xFFFFFFE0, s2;
	s8 =	sadd.s32 $0x40, s2;
	v17 =	vld.idx.msk [tilespmem:v24+s9+$0x0], $0xffff;
	vm14 =	vlt.s32 v1, $0x3FF;
	v9 =	vnsel vm15, $0x3FF, v8;
	v8 =	vnsel vm5, $0x3FF, v18  }
0x17b: {  	v6 =	vor.u32 s23, v30;
	s22 =	sadd.s32 $0xFFFFFFD0, s8;
	v24 =	vand.u32 $0x1F, v23;
	v12 =	vld.idx.msk [tilespmem:v5+s6+$0x0], $0xffff;
	v2 =	vnsel vm14, $0x3FF, v1;
	v1, _, _ =	vpop (xrf0)  }
0x17c: {  	s28 =	sadd.s32 $0xFFFFFFF0, s2;
	s21 =	simm.s32 $0x8;
	v23 =	vand.u32 $0x1F, v25;
	v5 =	vor.u32 s22, v30;
	vm5 =	vmmov vm1;
	v20 =	vld.idx.msk [tilespmem:v26+s6+$0x0], $0xffff;
	v3, _, _ =	vpop (xrf0);
	s29 =	spop (v2sf)  }
0x17d: {  	v21 =	vld.idx.msk [tilespmem:v27+s6+$0x0], $0xffff;
	vm1 =	vmmov vm12;
	v18 =	vand.u32 $0x1F, v13;
	v13 =	vor.u32 s28, v30;
	v4, _, _ =	vpop (xrf0);
	[tilespmem:v28+s12+$0x0] =	vst.idx.msk vm6, v29;
	s23 =	sadd.s32 s20, s29;
	s22 =	spop (v2sf);
	s20 =	smov.u32 s8  }
.LBB2_14:
0x17e: {  	v0 =	vand.u32 $0x1F, v0;
	v7 =	vand.u32 $0x1F, v7  }
0x17f: {  	s21 =	sadd.s32 $0x4, s21;
	v10 =	vand.u32 $0x1F, v10;
	s28 =	sadd.s32 s23, s22;
	s22 =	spop (v2sf);
	[tilespmem:v8+s12+$0x0] =	vst.idx.msk vm0, v13;
	vm0 =	vmmov vm2;
	vm6 =	vmmov vm3  }
0x180: {  	v8 =	vshrl.u32 v15, v24;
	v11 =	vshrl.u32 v11, v18;
	v12 =	vshrl.u32 v12, v19;
	p0 =	slt.u32 s21, $0x26C;
	s29 =	sadd.s32 s28, s22;
	s22 =	spop (v2sf)  }
0x181: {  	v13 =	vshrl.u32 v14, v23;
	v0 =	vshrl.u32 v17, v0;
	v7 =	vshrl.u32 v20, v7;
	s22 =	sadd.s32 s29, s22  }
0x182: {  	v0 =	vand.u32 v0, v7;
	v7 =	vshrl.u32 v16, v22;
	v10 =	vshrl.u32 v21, v10  }
0x183: {  	s13 =	sadd.s32 $0x40, s13;
	v0 =	vand.u32 $0x1, v0;
	v7 =	vand.u32 v7, v10;
	v10 =	vand.u32 v11, v12;
	[tilespmem:v9+s12+$0x0] =	vst.idx.msk vm5, v6  }
0x184: {  	s17 =	sadd.s32 $0x40, s17;
	vm5 =	veq.s32 v0, $0x1;
	v6 =	vand.u32 $0x1, v7;
	v7 =	vand.u32 v8, v13;
	v18 =	vld [tilespmem:s13+$0x10];
	(xrf0) =	vadd.scan.msk.s32 $0xffff, v0  }
0x185: {  	v0 =	vmpcnt.ones.xlane vm5;
	vm7 =	veq.s32 v6, $0x1;
	v7 =	vand.u32 $0x1, v7;
	v13 =	vld [tilespmem:s17+$0x10];
	(xrf0) =	vadd.scan.msk.s32 $0xffff, v6  }
0x186: {  	v8 =	vand.u32 $0x1, v10;
	v6 =	vmpcnt.ones.xlane vm7;
	vm2 =	veq.s32 v7, $0x1;
	v23 =	vld [tilespmem:s13+$0x0];
	(xrf0) =	vadd.scan.msk.s32 $0xffff, v7  }
0x187: {  	vm3 =	veq.s32 v8, $0x1;
	v7 =	vmpcnt.ones.xlane vm2;
	v25 =	vld [tilespmem:s17+$0x0];
	(v2sf) =	vpush v0, $0x0;
	(xrf0) =	vadd.scan.msk.s32 $0xffff, v8  }
0x188: {  	v8 =	vmpcnt.ones.xlane vm3;
	v22 =	vld [tilespmem:s13+$0xFFFFFFF0];
	(v2sf) =	vpush v6, $0x0;
	[tilespmem:v2+s12+$0x0] =	vst.idx.msk vm4, v5;
	v2 =	vmov s29  }
0x189: {  	v6 =	vmov s28;
	v0 =	vld [tilespmem:s13+$0xFFFFFFE0];
	v5 =	vshra.s32 v18, $0x5;
	(v2sf) =	vpush v7, $0x0  }
0x18a: {  	v7 =	vld [tilespmem:s17+$0xFFFFFFE0];
	v9 =	vshra.s32 v13, $0x5;
	v16, _, _ =	vpop (xrf0);
	(v2sf) =	vpush v8, $0x0;
	v8 =	vmov s23  }
0x18b: {  	v11 =	vmov s22;
	v2 =	vadd.s32 $0xFFFFFFFF, v2;
	v10 =	vld [tilespmem:s17+$0xFFFFFFF0];
	v14 =	vshra.s32 v23, $0x5;
	v17, _, _ =	vpop (xrf0)  }
0x18c: {  	v6 =	vadd.s32 $0xFFFFFFFF, v6;
	v8 =	vadd.s32 $0xFFFFFFFF, v8;
	v19 =	vshra.s32 v25, $0x5;
	v20, _, _ =	vpop (xrf0)  }
0x18d: {  	v15 =	vadd.s32 $0xFFFFFFFF, v11;
	v2 =	vbroadcast v2, $0x0;
	v21 =	vshra.s32 v22, $0x5;
	v24, _, _ =	vpop (xrf0)  }
0x18e: {  	v6 =	vbroadcast v6, $0x0;
	v26 =	vshra.s32 v0, $0x5;
	v11 =	vld.idx.msk [tilespmem:v5+s9+$0x0], $0xffff;
	v5 =	vbroadcast v8, $0x0  }
0x18f: {  	v2 =	vadd.s32 v2, v4;
	v8 =	vbroadcast v15, $0x0;
	v4 =	vmovc v24;
	v27 =	vshra.s32 v7, $0x5;
	v12 =	vld.idx.msk [tilespmem:v9+s6+$0x0], $0xffff  }
0x190: {  	v6 =	vadd.s32 v6, v3;
	v24 =	vshra.s32 v10, $0x5;
	v15 =	vld.idx.msk [tilespmem:v14+s9+$0x0], $0xffff;
	v5 =	vadd.s32 v5, v1;
	v1 =	vmovc v17  }
0x191: {  	vm4 =	vlt.s32 v6, $0x3FF;
	vm8 =	vlt.s32 v2, $0x3FF;
	v3 =	vmovc v20;
	v8 =	vadd.s32 v8, v16;
	v14 =	vld.idx.msk [tilespmem:v19+s6+$0x0], $0xffff  }
0x192: {  	v28 =	vnsel vm8, $0x3FF, v2;
	vm9 =	vlt.s32 v8, $0x3FF;
	vm10 =	vlt.s32 v5, $0x3FF;
	v16 =	vld.idx.msk [tilespmem:v21+s9+$0x0], $0xffff  }
.Ltmp8:
0x193: {  	s8 =	sadd.s32 $0x40, s8;
	v2 =	vnsel vm9, $0x3FF, v8;
	v9 =	vnsel vm10, $0x3FF, v5;
	v8 =	vnsel vm4, $0x3FF, v6;
	v17 =	vld.idx.msk [tilespmem:v26+s9+$0x0], $0xffff;
	(pc) =	sbr.rel @p0 .LBB2_14-.Ltmp8, $4  }
0x194: {  	s28 =	sadd.s32 $0xFFFFFFE0, s20;
	s23 =	sadd.s32 $0xFFFFFFD0, s8;
	vm4 =	vmmov vm5;
	vm5 =	vmmov vm1;
	vm1 =	vmmov vm7;
	v20 =	vld.idx.msk [tilespmem:v27+s6+$0x0], $0xffff  }
0x195: {  	v5 =	vor.u32 s23, v30;
	v6 =	vor.u32 s28, v30;
	s23 =	sadd.s32 $0xFFFFFFF0, s20;
	v26 =	vor.u32 s20, v30;
	s20 =	smov.u32 s8;
	v21 =	vld.idx.msk [tilespmem:v24+s6+$0x0], $0xffff  }
0x196: {  	v18 =	vand.u32 $0x1F, v18;
	v19 =	vand.u32 $0x1F, v13;
	v13 =	vor.u32 s23, v30;
	s28 =	spop (v2sf)  }
0x197: {  	v22 =	vand.u32 $0x1F, v22;
	v24 =	vand.u32 $0x1F, v23;
	v23 =	vand.u32 $0x1F, v25;
	s23 =	sadd.s32 s22, s28;
	s22 =	spop (v2sf);
	[tilespmem:v28+s12+$0x0] =	vst.idx.msk vm6, v26  }
0x198: {  	v0 =	vand.u32 $0x1F, v0;
	v7 =	vand.u32 $0x1F, v7;
	v10 =	vand.u32 $0x1F, v10  }
0x199: {  	v15 =	vshrl.u32 v15, v24;
	v0 =	vshrl.u32 v17, v0;
	v7 =	vshrl.u32 v20, v7  }
0x19a: {  	v0 =	vand.u32 v0, v7;
	v7 =	vshrl.u32 v16, v22;
	v10 =	vshrl.u32 v21, v10  }
0x19b: {  	v14 =	vshrl.u32 v14, v23;
	v0 =	vand.u32 $0x1, v0;
	v7 =	vand.u32 v7, v10  }
0x19c: {  	v10 =	vand.u32 v15, v14;
	vm7 =	veq.s32 v0, $0x1;
	v7 =	vand.u32 $0x1, v7  }
0x19d: {  	v10 =	vand.u32 $0x1, v10;
	v14 =	vmpcnt.ones.xlane vm7;
	vm8 =	veq.s32 v7, $0x1  }
0x19e: {  	vm6 =	veq.s32 v10, $0x1;
	v15 =	vmpcnt.ones.xlane vm8  }
0x19f: {  	v16 =	vmpcnt.ones.xlane vm6;
	(v2sf) =	vpush v14, $0x0  }
0x1a0: {  	(v2sf) =	vpush v15, $0x0  }
0x1a1: {  	(v2sf) =	vpush v16, $0x0;
	_ =	sdelay $0x4  }
0x1a2: {  	s13 =	spop (v2sf);
	s17 =	sadd.s32 s23, s22  }
0x1a3: {  	vm2 =	vmmov vm2;
	vm3 =	vmmov vm3;
	vm1 =	vmmov vm1;
	s13 =	sadd.s32 s17, s13  }
0x1a4: {  	s28 =	sadd.s32 $0xFFFFFFF0, s20;
	(xrf0) =	vadd.scan.msk.s32 $0xffff, v0;
	v0 =	vshrl.u32 v11, v18;
	v11 =	vshrl.u32 v12, v19;
	v12 =	vmov s13  }
0x1a5: {  	v17 =	vor.u32 s28, v30;
	v12 =	vadd.s32 $0xFFFFFFFF, v12;
	v0 =	vand.u32 v0, v11  }
0x1a6: {  	vm7 =	vmmov vm7;
	v12 =	vbroadcast v12, $0x0;
	v0 =	vand.u32 $0x1, v0  }
0x1a7: {  	[tilespmem:v8+s12+$0x0] =	vst.idx.msk vm0, v13;
	s21 =	spop (v2sf);
	vm0 =	vmmov vm6;
	v14 =	vmov s17;
	vm15 =	veq.s32 v0, $0x1  }
0x1a8: {  	s21 =	sadd.s32 s13, s21;
	v15 =	vmov s23;
	v14 =	vadd.s32 $0xFFFFFFFF, v14;
	v4 =	vadd.s32 v12, v4  }
0x1a9: {  	(xrf0) =	vadd.scan.msk.s32 $0xffff, v7;
	v16 =	vmov s21;
	v15 =	vadd.s32 $0xFFFFFFFF, v15;
	v11 =	vbroadcast v14, $0x0  }
0x1aa: {  	(xrf0) =	vadd.scan.msk.s32 $0xffff, v10;
	vm9 =	vlt.s32 v4, $0x3FF;
	v16 =	vadd.s32 $0xFFFFFFFF, v16;
	v15 =	vbroadcast v15, $0x0;
	s29 =	spop (v2sf)  }
0x1ab: {  	(xrf0) =	vadd.scan.msk.s32 $0xffff, v0;
	v4 =	vnsel vm9, $0x3FF, v4;
	v14 =	vbroadcast v16, $0x0;
	v3 =	vadd.s32 v11, v3;
	s2 =	sadd.s32 s21, s29;
	s22 =	spop (v2sf)  }
0x1ac: {  	v7, _, _ =	vpop (xrf0);
	v11 =	vor.u32 s20, v30;
	v1 =	vadd.s32 v15, v1;
	vm14 =	vlt.s32 v3, $0x3FF;
	s21 =	sadd.s32 s2, s22;
	s23 =	spop (v2sf)  }
0x1ad: {  	v7 =	vadd.s32 v14, v7;
	vm13 =	vlt.s32 v1, $0x3FF;
	s13 =	sadd.s32 s21, s23;
	v12 =	vmov s21  }
0x1ae: {  	v0 =	vnsel vm14, $0x3FF, v3;
	v3 =	vmov s13;
	v12 =	vadd.s32 $0xFFFFFFFF, v12  }
0x1af: {  	v10, _, _ =	vpop (xrf0);
	v15 =	vmov s2;
	v3 =	vadd.s32 $0xFFFFFFFF, v3;
	v12 =	vbroadcast v12, $0x0  }
0x1b0: {  	vm10 =	vlt.s32 v7, $0x3FF;
	v14, _, _ =	vpop (xrf0);
	v15 =	vadd.s32 $0xFFFFFFFF, v15;
	v3 =	vbroadcast v3, $0x0  }
0x1b1: {  	[tilespmem:v9+s12+$0x0] =	vst.idx.msk vm5, v6;
	v1 =	vnsel vm13, $0x3FF, v1;
	v16, _, _ =	vpop (xrf0);
	v8 =	vbroadcast v15, $0x0;
	v6 =	vadd.s32 v12, v14  }
0x1b2: {  	[tilespmem:v2+s12+$0x0] =	vst.idx.msk vm4, v5;
	v7 =	vnsel vm10, $0x3FF, v7;
	v3 =	vadd.s32 v3, v16;
	vm4 =	vlt.s32 v6, $0x3FF  }
0x1b3: {  	[tilespmem:v4+s12+$0x0] =	vst.idx.msk vm3, v11;
	v2 =	vadd.s32 v8, v10;
	vm6 =	vlt.s32 v3, $0x3FF;
	v4 =	vnsel vm4, $0x3FF, v6  }
0x1b4: {  	s8 =	sadd.s32 $0x40, s8;
	vm8 =	vmmov vm8;
	s29 =	sadd.s32 $0xFFFFFFE0, s20;
	vm3 =	vlt.s32 v2, $0x3FF;
	v3 =	vnsel vm6, $0x3FF, v3  }
0x1b5: {  	[tilespmem:v0+s12+$0x0] =	vst.idx.msk vm2, v17;
	s2 =	sadd.s32 $0xFFFFFFD0, s8;
	v5 =	vor.u32 s29, v30;
	v0 =	vnsel vm3, $0x3FF, v2  }
0x1b6: {  	s20 =	sadd.s32 $0xFFFFFFF0, s8;
	[tilespmem:v1+s12+$0x0] =	vst.idx.msk vm1, v5;
	v2 =	vor.u32 s2, v30  }
0x1b7: {  	[tilespmem:v7+s12+$0x0] =	vst.idx.msk vm7, v2;
	v2 =	vor.u32 s20, v30  }
0x1b8: {  	v1 =	vor.u32 s8, v30;
	s8 =	sadd.s32 $0xFFFFFFE0, s8;
	[tilespmem:v4+s12+$0x0] =	vst.idx.msk vm0, v2  }
0x1b9: {  	[tilespmem:v3+s12+$0x0] =	vst.idx.msk vm15, v1;
	v1 =	vor.u32 s8, v30  }
0x1ba: {  	[tilespmem:v0+s12+$0x0] =	vst.idx.msk vm8, v1  }
0x1bb: {  	v0 =	vld [tilespmem:$0x8160]  }
0x1bc: {  	v1 =	vld [tilespmem:$0xA870];
	_ =	sdelay $0x1  }
0x1bd: {  	v2 =	vmpcnt.ones.xlane vm15;
	_ =	sdelay $0x1  }
0x1be: {  	(v2sf) =	vpush v2, $0x0;
	v3 =	vshra.s32 v0, $0x5  }
0x1bf: {  	v4 =	vshra.s32 v1, $0x5;
	_ =	sdelay $0x3  }
0x1c0: {  	v2 =	vld.idx.msk [tilespmem:v3+s9+$0x0], $0xffff  }
0x1c1: {  	v3 =	vld.idx.msk [tilespmem:v4+s6+$0x0], $0xffff;
	_ =	sdelay $0x3  }
0x1c2: {  	v0 =	vand.u32 $0x1F, v0;
	v1 =	vand.u32 $0x1F, v1  }
0x1c3: {  	v0 =	vshrl.u32 v2, v0;
	v1 =	vshrl.u32 v3, v1  }
0x1c4: {  	v0 =	vand.u32 v0, v1  }
0x1c5: {  	v0 =	vand.u32 $0x1, v0  }
0x1c6: {  	vm0 =	veq.s32 v0, $0x1;
	(xrf0) =	vadd.scan.msk.s32 $0xffff, v0  }
0x1c7: {  	s21 =	spop (v2sf);
	v1 =	vmpcnt.ones.xlane vm0  }
0x1c8: {  	s8 =	sadd.s32 s13, s21  }
0x1c9: {  	v0 =	vmov s8;
	(v2sf) =	vpush v1, $0x0  }
0x1ca: {  	v0 =	vadd.s32 $0xFFFFFFFF, v0  }
0x1cb: {  	v0 =	vbroadcast v0, $0x0  }
0x1cc: {  	v1, _, _ =	vpop (xrf0)  }
0x1cd: {  	v0 =	vadd.s32 v0, v1  }
0x1ce: {  	vm1 =	vlt.s32 v0, $0x3FF  }
0x1cf: {  	v1 =	vld [tilespmem:$0x1FFC0];
	v0 =	vnsel vm1, $0x3FF, v0;
	_ =	sdelay $0x4  }
0x1d0: {  	s2 =	rddreg [dreg:$0xf];
	[tilespmem:v0+s12+$0x0] =	vst.idx.msk vm0, v1  }
0x1d1: {  	[tilespmem:s30], [sflag:$0x2] =	stream.linear.gather [hbm4b:s2+s9], $0x2710, $0x38;
	[tilespmem:$0xD990] =	vst v63  }
0x1d2: {  	s28 =	simm.s32 $0x8170;
	s23 =	rddreg [dreg:$0x10]  }
0x1d3: {  	[tilespmem:s28], [sflag:$0x2] =	stream.linear.gather [hbm4b:s23+s9], $0x2710, $0x38;
	[tilespmem:$0xD990] =	vst v63  }
0x1d4: {  	s29 =	simm.s32 $0x1;
	s22 =	spop (v2sf)  }
0x1d5: {  	_ =	swait.ge [sflag:s29], $0x2710  }
0x1d6: {  	[sflag:s29] =	ssyncset.done $0x0  }
0x1d7: {  	[sflag:s29] =	ssyncadd.s32 $0xFFFFD8F0  }
0x1d8: {  	_ =	swait.ge [sflag:s29], $0x2710  }
0x1d9: {  	[sflag:s29] =	ssyncset.done $0x0  }
0x1da: {  	s30 =	simm.s32 $0xC60;
	[sflag:s29] =	ssyncadd.s32 $0xFFFFD8F0  }
0x1db: {  	s2 =	simm.s32 $0x3370;
	v0 =	vld [tilespmem:s30+$0x10]  }
0x1dc: {  	v1 =	vld [tilespmem:s2+$0x10]  }
0x1dd: {  	v2 =	vld [tilespmem:s30+$0x0]  }
0x1de: {  	v3 =	vld [tilespmem:s2+$0x0]  }
0x1df: {  	v4 =	vld [tilespmem:s30+$0xFFFFFFF0]  }
0x1e0: {  	v5 =	vld [tilespmem:s30+$0xFFFFFFE0];
	v6 =	vshra.s32 v0, $0x5  }
0x1e1: {  	v7 =	vld [tilespmem:s2+$0xFFFFFFE0];
	v8 =	vshra.s32 v1, $0x5  }
0x1e2: {  	v9 =	vld [tilespmem:s2+$0xFFFFFFF0];
	v10 =	vshra.s32 v2, $0x5  }
0x1e3: {  	v11 =	vshra.s32 v3, $0x5  }
0x1e4: {  	v12 =	vshra.s32 v4, $0x5  }
0x1e5: {  	v13 =	vshra.s32 v5, $0x5;
	v6 =	vld.idx.msk [tilespmem:v6+s9+$0x0], $0xffff  }
0x1e6: {  	v14 =	vshra.s32 v7, $0x5;
	v8 =	vld.idx.msk [tilespmem:v8+s6+$0x0], $0xffff  }
0x1e7: {  	v15 =	vshra.s32 v9, $0x5;
	v10 =	vld.idx.msk [tilespmem:v10+s9+$0x0], $0xffff  }
0x1e8: {  	v11 =	vld.idx.msk [tilespmem:v11+s6+$0x0], $0xffff  }
0x1e9: {  	v12 =	vld.idx.msk [tilespmem:v12+s9+$0x0], $0xffff  }
0x1ea: {  	v13 =	vld.idx.msk [tilespmem:v13+s9+$0x0], $0xffff  }
0x1eb: {  	v14 =	vld.idx.msk [tilespmem:v14+s6+$0x0], $0xffff  }
0x1ec: {  	v0 =	vand.u32 $0x1F, v0;
	v1 =	vand.u32 $0x1F, v1;
	v15 =	vld.idx.msk [tilespmem:v15+s6+$0x0], $0xffff  }
0x1ed: {  	v4 =	vand.u32 $0x1F, v4;
	v2 =	vand.u32 $0x1F, v2;
	v3 =	vand.u32 $0x1F, v3  }
0x1ee: {  	v5 =	vand.u32 $0x1F, v5;
	v7 =	vand.u32 $0x1F, v7;
	v9 =	vand.u32 $0x1F, v9  }
0x1ef: {  	s20 =	simm.s32 $0xCA0;
	v2 =	vshrl.u32 v10, v2;
	v0 =	vshrl.u32 v6, v0;
	v1 =	vshrl.u32 v8, v1  }
0x1f0: {  	s21 =	simm.s32 $0x33B0;
	v6 =	vld [tilespmem:s20+$0x10];
	v5 =	vshrl.u32 v13, v5;
	v7 =	vshrl.u32 v14, v7;
	v3 =	vshrl.u32 v11, v3  }
0x1f1: {  	v8 =	vld [tilespmem:s21+$0x10];
	v4 =	vshrl.u32 v12, v4;
	v5 =	vand.u32 v5, v7;
	v7 =	vshrl.u32 v15, v9  }
0x1f2: {  	v0 =	vand.u32 v0, v1;
	v2 =	vand.u32 v2, v3;
	v3 =	vld [tilespmem:s20+$0xFFFFFFF0];
	v5 =	vand.u32 $0x1, v5  }
0x1f3: {  	v10 =	vld [tilespmem:s20+$0xFFFFFFE0];
	v4 =	vand.u32 v4, v7;
	v2 =	vand.u32 $0x1, v2;
	v0 =	vand.u32 $0x1, v0  }
0x1f4: {  	v12 =	vld [tilespmem:s21+$0xFFFFFFE0];
	vm0 =	veq.s32 v5, $0x1;
	v4 =	vand.u32 $0x1, v4;
	vm2 =	veq.s32 v2, $0x1  }
0x1f5: {  	v14 =	vld [tilespmem:s21+$0xFFFFFFF0];
	(xrf0) =	vadd.scan.msk.s32 $0xffff, v5;
	v7 =	vmpcnt.ones.xlane vm0;
	vm1 =	veq.s32 v4, $0x1;
	v11 =	vshra.s32 v6, $0x5  }
0x1f6: {  	s8 =	sadd.s32 s8, s22;
	v9 =	vld [tilespmem:s20+$0x0];
	v16 =	vmpcnt.ones.xlane vm2;
	v5 =	vmpcnt.ones.xlane vm1;
	v13 =	vshra.s32 v8, $0x5  }
0x1f7: {  	v1 =	vld [tilespmem:s21+$0x0];
	(xrf0) =	vadd.scan.msk.s32 $0xffff, v4;
	(v2sf) =	vpush v7, $0x0;
	v7 =	vmov s8;
	v18 =	vshra.s32 v3, $0x5  }
0x1f8: {  	s13 =	simm.s32 $0xCE0;
	(xrf0) =	vadd.scan.msk.s32 $0xffff, v2;
	(v2sf) =	vpush v5, $0x0;
	v5 =	vadd.s32 $0xFFFFFFFF, v7;
	v7 =	vshra.s32 v10, $0x5  }
0x1f9: {  	vm3 =	veq.s32 v0, $0x1;
	(xrf0) =	vadd.scan.msk.s32 $0xffff, v0;
	v0 =	vld [tilespmem:s13+$0xFFFFFFE0];
	(v2sf) =	vpush v16, $0x0;
	v16 =	vshra.s32 v12, $0x5  }
0x1fa: {  	vm5 =	vmmov vm15;
	s2 =	rddreg [dreg:$0x17];
	v21 =	vshra.s32 v14, $0x5;
	v5 =	vbroadcast v5, $0x0;
	v11 =	vld.idx.msk [tilespmem:v11+s9+$0x0], $0xffff  }
0x1fb: {  	vm4 =	vmmov vm8;
	v29 =	vor.u32 s2, v30;
	v15 =	vshra.s32 v9, $0x5;
	v20, _, _ =	vpop (xrf0);
	v13 =	vld.idx.msk [tilespmem:v13+s6+$0x0], $0xffff  }
0x1fc: {  	v19 =	vmpcnt.ones.xlane vm3;
	v17 =	vshra.s32 v1, $0x5;
	v5 =	vadd.s32 v5, v20;
	v18 =	vld.idx.msk [tilespmem:v18+s9+$0x0], $0xffff  }
0x1fd: {  	vm7 =	vmmov vm0;
	vm0 =	vmmov vm2;
	vm4 =	vlt.s32 v5, $0x3FF;
	v7 =	vld.idx.msk [tilespmem:v7+s9+$0x0], $0xffff  }
0x1fe: {  	vm6 =	vmmov vm3;
	(v2sf) =	vpush v19, $0x0;
	v19 =	vnsel vm4, $0x3FF, v5;
	v5 =	vld.idx.msk [tilespmem:v16+s6+$0x0], $0xffff  }
0x1ff: {  	vm1 =	vmmov vm1;
	v6 =	vand.u32 $0x1F, v6;
	v8 =	vand.u32 $0x1F, v8;
	v16 =	vld.idx.msk [tilespmem:v21+s6+$0x0], $0xffff  }
0x200: {  	v14 =	vand.u32 $0x1F, v14;
	v3 =	vand.u32 $0x1F, v3;
	v9 =	vand.u32 $0x1F, v9;
	v15 =	vld.idx.msk [tilespmem:v15+s9+$0x0], $0xffff  }
0x201: {  	s22 =	sadd.s32 $0xFFFFFFD0, s2;
	v1 =	vand.u32 $0x1F, v1;
	v10 =	vand.u32 $0x1F, v10;
	v12 =	vand.u32 $0x1F, v12;
	v17 =	vld.idx.msk [tilespmem:v17+s6+$0x0], $0xffff  }
0x202: {  	v20 =	vor.u32 s22, v30;
	v24 =	vshra.s32 v0, $0x5;
	v6 =	vshrl.u32 v11, v6  }
0x203: {  	v8 =	vshrl.u32 v13, v8;
	v7 =	vshrl.u32 v7, v10;
	v5 =	vshrl.u32 v5, v12  }
0x204: {  	s17 =	simm.s32 $0x33F0;
	v23 =	vld [tilespmem:s13+$0x0];
	v3 =	vshrl.u32 v18, v3;
	v5 =	vand.u32 v7, v5;
	v7 =	vshrl.u32 v16, v14  }
0x205: {  	v25 =	vld [tilespmem:s17+$0x0];
	v9 =	vshrl.u32 v15, v9;
	v5 =	vand.u32 $0x1, v5;
	v3 =	vand.u32 v3, v7  }
0x206: {  	v22 =	vld [tilespmem:s13+$0xFFFFFFF0];
	v1 =	vshrl.u32 v17, v1;
	vm4 =	veq.s32 v5, $0x1;
	v3 =	vand.u32 $0x1, v3  }
0x207: {  	v21 =	vld [tilespmem:s17+$0x10];
	v1 =	vand.u32 v9, v1;
	v7 =	vmpcnt.ones.xlane vm4;
	vm12 =	veq.s32 v3, $0x1  }
0x208: {  	v13 =	vld [tilespmem:s13+$0x10];
	v6 =	vand.u32 v6, v8;
	v1 =	vand.u32 $0x1, v1;
	s23 =	spop (v2sf);
	v4 =	vmpcnt.ones.xlane vm12  }
0x209: {  	v6 =	vand.u32 $0x1, v6;
	v10 =	vld [tilespmem:s17+$0xFFFFFFF0];
	vm2 =	veq.s32 v1, $0x1;
	s28 =	spop (v2sf);
	(v2sf) =	vpush v7, $0x0  }
0x20a: {  	vm3 =	veq.s32 v6, $0x1;
	v2 =	vmpcnt.ones.xlane vm2;
	s29 =	spop (v2sf);
	(v2sf) =	vpush v4, $0x0  }
0x20b: {  	v17 =	vshra.s32 v22, $0x5;
	v22 =	vand.u32 $0x1F, v22;
	v8 =	vmpcnt.ones.xlane vm3;
	s8 =	sadd.s32 s8, s23  }
0x20c: {  	[tilespmem:v19+s12+$0x0] =	vst.idx.msk vm7, v20;
	v19 =	vand.u32 $0x1F, v21;
	v14 =	vshra.s32 v23, $0x5;
	s20 =	sadd.s32 s8, s28;
	(v2sf) =	vpush v2, $0x0  }
0x20d: {  	v16 =	vshra.s32 v25, $0x5;
	v9 =	vshra.s32 v13, $0x5;
	(xrf0) =	vadd.scan.msk.s32 $0xffff, v5;
	s21 =	sadd.s32 s20, s29;
	(v2sf) =	vpush v8, $0x0  }
0x20e: {  	v5 =	vshra.s32 v21, $0x5;
	v27 =	vshra.s32 v10, $0x5;
	s30 =	spop (v2sf);
	v7 =	vld [tilespmem:s17+$0xFFFFFFE0];
	v4 =	vmov s21  }
0x20f: {  	v12, _, _ =	vpop (xrf0);
	v2 =	vmov s20;
	s20 =	sadd.s32 s21, s30;
	v4 =	vadd.s32 $0xFFFFFFFF, v4;
	v8 =	vmov s8  }
0x210: {  	v15, _, _ =	vpop (xrf0);
	v11 =	vmov s20;
	v2 =	vadd.s32 $0xFFFFFFFF, v2;
	v4 =	vbroadcast v4, $0x0  }
0x211: {  	v18, _, _ =	vpop (xrf0);
	(xrf0) =	vadd.scan.msk.s32 $0xffff, v3;
	v8 =	vadd.s32 $0xFFFFFFFF, v8;
	v11 =	vadd.s32 $0xFFFFFFFF, v11;
	v2 =	vbroadcast v2, $0x0  }
0x212: {  	(xrf0) =	vadd.scan.msk.s32 $0xffff, v1;
	v8 =	vbroadcast v8, $0x0;
	v3 =	vbroadcast v11, $0x0;
	v4 =	vadd.s32 v4, v18;
	v11 =	vld.idx.msk [tilespmem:v9+s9+$0x0], $0xffff  }
0x213: {  	(xrf0) =	vadd.scan.msk.s32 $0xffff, v6;
	v1, _, _ =	vpop (xrf0);
	v26 =	vshra.s32 v7, $0x5;
	v18 =	vadd.s32 v2, v15;
	vm13 =	vlt.s32 v4, $0x3FF;
	v15 =	vld.idx.msk [tilespmem:v14+s9+$0x0], $0xffff  }
0x214: {  	v14 =	vld.idx.msk [tilespmem:v16+s6+$0x0], $0xffff;
	v8 =	vadd.s32 v8, v12;
	v1 =	vadd.s32 v3, v1;
	v28 =	vnsel vm13, $0x3FF, v4  }
0x215: {  	vm4 =	vmmov vm4;
	v16 =	vld.idx.msk [tilespmem:v17+s9+$0x0], $0xffff;
	vm5 =	vlt.s32 v18, $0x3FF;
	vm15 =	vlt.s32 v8, $0x3FF  }
0x216: {  	s28 =	sadd.s32 $0xFFFFFFE0, s2;
	s8 =	sadd.s32 $0x40, s2;
	v17 =	vld.idx.msk [tilespmem:v24+s9+$0x0], $0xffff;
	vm14 =	vlt.s32 v1, $0x3FF;
	v9 =	vnsel vm15, $0x3FF, v8;
	v8 =	vnsel vm5, $0x3FF, v18  }
0x217: {  	v6 =	vor.u32 s28, v30;
	s23 =	sadd.s32 $0xFFFFFFD0, s8;
	v24 =	vand.u32 $0x1F, v23;
	v12 =	vld.idx.msk [tilespmem:v5+s6+$0x0], $0xffff;
	v2 =	vnsel vm14, $0x3FF, v1;
	v1, _, _ =	vpop (xrf0)  }
0x218: {  	s29 =	sadd.s32 $0xFFFFFFF0, s2;
	s21 =	simm.s32 $0x8;
	v23 =	vand.u32 $0x1F, v25;
	v5 =	vor.u32 s23, v30;
	vm5 =	vmmov vm1;
	v20 =	vld.idx.msk [tilespmem:v26+s6+$0x0], $0xffff;
	v3, _, _ =	vpop (xrf0);
	s30 =	spop (v2sf)  }
0x219: {  	v21 =	vld.idx.msk [tilespmem:v27+s6+$0x0], $0xffff;
	vm1 =	vmmov vm12;
	v18 =	vand.u32 $0x1F, v13;
	v13 =	vor.u32 s29, v30;
	v4, _, _ =	vpop (xrf0);
	[tilespmem:v28+s12+$0x0] =	vst.idx.msk vm6, v29;
	s23 =	sadd.s32 s20, s30;
	s22 =	spop (v2sf);
	s20 =	smov.u32 s8  }
.LBB2_16:
0x21a: {  	v0 =	vand.u32 $0x1F, v0;
	v7 =	vand.u32 $0x1F, v7  }
0x21b: {  	s21 =	sadd.s32 $0x4, s21;
	v10 =	vand.u32 $0x1F, v10;
	s28 =	sadd.s32 s23, s22;
	s22 =	spop (v2sf);
	[tilespmem:v8+s12+$0x0] =	vst.idx.msk vm0, v13;
	vm0 =	vmmov vm2;
	vm6 =	vmmov vm3  }
0x21c: {  	v8 =	vshrl.u32 v15, v24;
	v11 =	vshrl.u32 v11, v18;
	v12 =	vshrl.u32 v12, v19;
	p0 =	slt.u32 s21, $0x26C;
	s29 =	sadd.s32 s28, s22;
	s22 =	spop (v2sf)  }
0x21d: {  	v13 =	vshrl.u32 v14, v23;
	v0 =	vshrl.u32 v17, v0;
	v7 =	vshrl.u32 v20, v7;
	s22 =	sadd.s32 s29, s22  }
0x21e: {  	v0 =	vand.u32 v0, v7;
	v7 =	vshrl.u32 v16, v22;
	v10 =	vshrl.u32 v21, v10  }
0x21f: {  	s13 =	sadd.s32 $0x40, s13;
	v0 =	vand.u32 $0x1, v0;
	v7 =	vand.u32 v7, v10;
	v10 =	vand.u32 v11, v12;
	[tilespmem:v9+s12+$0x0] =	vst.idx.msk vm5, v6  }
0x220: {  	s17 =	sadd.s32 $0x40, s17;
	vm5 =	veq.s32 v0, $0x1;
	v6 =	vand.u32 $0x1, v7;
	v7 =	vand.u32 v8, v13;
	v18 =	vld [tilespmem:s13+$0x10];
	(xrf0) =	vadd.scan.msk.s32 $0xffff, v0  }
0x221: {  	v0 =	vmpcnt.ones.xlane vm5;
	vm7 =	veq.s32 v6, $0x1;
	v7 =	vand.u32 $0x1, v7;
	v13 =	vld [tilespmem:s17+$0x10];
	(xrf0) =	vadd.scan.msk.s32 $0xffff, v6  }
0x222: {  	v8 =	vand.u32 $0x1, v10;
	v6 =	vmpcnt.ones.xlane vm7;
	vm2 =	veq.s32 v7, $0x1;
	v23 =	vld [tilespmem:s13+$0x0];
	(xrf0) =	vadd.scan.msk.s32 $0xffff, v7  }
0x223: {  	vm3 =	veq.s32 v8, $0x1;
	v7 =	vmpcnt.ones.xlane vm2;
	v25 =	vld [tilespmem:s17+$0x0];
	(v2sf) =	vpush v0, $0x0;
	(xrf0) =	vadd.scan.msk.s32 $0xffff, v8  }
0x224: {  	v8 =	vmpcnt.ones.xlane vm3;
	v22 =	vld [tilespmem:s13+$0xFFFFFFF0];
	(v2sf) =	vpush v6, $0x0;
	[tilespmem:v2+s12+$0x0] =	vst.idx.msk vm4, v5;
	v2 =	vmov s29  }
0x225: {  	v6 =	vmov s28;
	v0 =	vld [tilespmem:s13+$0xFFFFFFE0];
	v5 =	vshra.s32 v18, $0x5;
	(v2sf) =	vpush v7, $0x0  }
0x226: {  	v7 =	vld [tilespmem:s17+$0xFFFFFFE0];
	v9 =	vshra.s32 v13, $0x5;
	v16, _, _ =	vpop (xrf0);
	(v2sf) =	vpush v8, $0x0;
	v8 =	vmov s23  }
0x227: {  	v11 =	vmov s22;
	v2 =	vadd.s32 $0xFFFFFFFF, v2;
	v10 =	vld [tilespmem:s17+$0xFFFFFFF0];
	v14 =	vshra.s32 v23, $0x5;
	v17, _, _ =	vpop (xrf0)  }
0x228: {  	v6 =	vadd.s32 $0xFFFFFFFF, v6;
	v8 =	vadd.s32 $0xFFFFFFFF, v8;
	v19 =	vshra.s32 v25, $0x5;
	v20, _, _ =	vpop (xrf0)  }
0x229: {  	v15 =	vadd.s32 $0xFFFFFFFF, v11;
	v2 =	vbroadcast v2, $0x0;
	v21 =	vshra.s32 v22, $0x5;
	v24, _, _ =	vpop (xrf0)  }
0x22a: {  	v6 =	vbroadcast v6, $0x0;
	v26 =	vshra.s32 v0, $0x5;
	v11 =	vld.idx.msk [tilespmem:v5+s9+$0x0], $0xffff;
	v5 =	vbroadcast v8, $0x0  }
0x22b: {  	v2 =	vadd.s32 v2, v4;
	v8 =	vbroadcast v15, $0x0;
	v4 =	vmovc v24;
	v27 =	vshra.s32 v7, $0x5;
	v12 =	vld.idx.msk [tilespmem:v9+s6+$0x0], $0xffff  }
0x22c: {  	v6 =	vadd.s32 v6, v3;
	v24 =	vshra.s32 v10, $0x5;
	v15 =	vld.idx.msk [tilespmem:v14+s9+$0x0], $0xffff;
	v5 =	vadd.s32 v5, v1;
	v1 =	vmovc v17  }
0x22d: {  	vm4 =	vlt.s32 v6, $0x3FF;
	vm8 =	vlt.s32 v2, $0x3FF;
	v3 =	vmovc v20;
	v8 =	vadd.s32 v8, v16;
	v14 =	vld.idx.msk [tilespmem:v19+s6+$0x0], $0xffff  }
0x22e: {  	v28 =	vnsel vm8, $0x3FF, v2;
	vm9 =	vlt.s32 v8, $0x3FF;
	vm10 =	vlt.s32 v5, $0x3FF;
	v16 =	vld.idx.msk [tilespmem:v21+s9+$0x0], $0xffff  }
.Ltmp9:
0x22f: {  	s8 =	sadd.s32 $0x40, s8;
	v2 =	vnsel vm9, $0x3FF, v8;
	v9 =	vnsel vm10, $0x3FF, v5;
	v8 =	vnsel vm4, $0x3FF, v6;
	v17 =	vld.idx.msk [tilespmem:v26+s9+$0x0], $0xffff;
	(pc) =	sbr.rel @p0 .LBB2_16-.Ltmp9, $4  }
0x230: {  	s28 =	sadd.s32 $0xFFFFFFE0, s20;
	s23 =	sadd.s32 $0xFFFFFFD0, s8;
	vm4 =	vmmov vm5;
	vm5 =	vmmov vm1;
	vm1 =	vmmov vm7;
	v20 =	vld.idx.msk [tilespmem:v27+s6+$0x0], $0xffff  }
0x231: {  	v5 =	vor.u32 s23, v30;
	v6 =	vor.u32 s28, v30;
	s23 =	sadd.s32 $0xFFFFFFF0, s20;
	v26 =	vor.u32 s20, v30;
	s20 =	smov.u32 s8;
	v21 =	vld.idx.msk [tilespmem:v24+s6+$0x0], $0xffff  }
0x232: {  	v18 =	vand.u32 $0x1F, v18;
	v19 =	vand.u32 $0x1F, v13;
	v13 =	vor.u32 s23, v30;
	s28 =	spop (v2sf)  }
0x233: {  	v22 =	vand.u32 $0x1F, v22;
	v24 =	vand.u32 $0x1F, v23;
	v23 =	vand.u32 $0x1F, v25;
	s23 =	sadd.s32 s22, s28;
	s22 =	spop (v2sf);
	[tilespmem:v28+s12+$0x0] =	vst.idx.msk vm6, v26  }
0x234: {  	v0 =	vand.u32 $0x1F, v0;
	v7 =	vand.u32 $0x1F, v7;
	v10 =	vand.u32 $0x1F, v10  }
0x235: {  	v15 =	vshrl.u32 v15, v24;
	v0 =	vshrl.u32 v17, v0;
	v7 =	vshrl.u32 v20, v7  }
0x236: {  	v0 =	vand.u32 v0, v7;
	v7 =	vshrl.u32 v16, v22;
	v10 =	vshrl.u32 v21, v10  }
0x237: {  	v14 =	vshrl.u32 v14, v23;
	v0 =	vand.u32 $0x1, v0;
	v7 =	vand.u32 v7, v10  }
0x238: {  	v10 =	vand.u32 v15, v14;
	vm7 =	veq.s32 v0, $0x1;
	v7 =	vand.u32 $0x1, v7  }
0x239: {  	v10 =	vand.u32 $0x1, v10;
	v14 =	vmpcnt.ones.xlane vm7;
	vm8 =	veq.s32 v7, $0x1  }
0x23a: {  	vm6 =	veq.s32 v10, $0x1;
	v15 =	vmpcnt.ones.xlane vm8  }
0x23b: {  	v16 =	vmpcnt.ones.xlane vm6;
	(v2sf) =	vpush v14, $0x0  }
0x23c: {  	(v2sf) =	vpush v15, $0x0  }
0x23d: {  	(v2sf) =	vpush v16, $0x0;
	_ =	sdelay $0x4  }
0x23e: {  	s13 =	spop (v2sf);
	s17 =	sadd.s32 s23, s22  }
0x23f: {  	vm2 =	vmmov vm2;
	vm3 =	vmmov vm3;
	vm1 =	vmmov vm1;
	s13 =	sadd.s32 s17, s13  }
0x240: {  	s2 =	sadd.s32 $0xFFFFFFF0, s20;
	(xrf0) =	vadd.scan.msk.s32 $0xffff, v0;
	v0 =	vshrl.u32 v11, v18;
	v11 =	vshrl.u32 v12, v19;
	v12 =	vmov s13  }
0x241: {  	v17 =	vor.u32 s2, v30;
	v12 =	vadd.s32 $0xFFFFFFFF, v12;
	v0 =	vand.u32 v0, v11  }
0x242: {  	vm7 =	vmmov vm7;
	v12 =	vbroadcast v12, $0x0;
	v0 =	vand.u32 $0x1, v0  }
0x243: {  	[tilespmem:v8+s12+$0x0] =	vst.idx.msk vm0, v13;
	s21 =	spop (v2sf);
	vm0 =	vmmov vm6;
	v14 =	vmov s17;
	vm15 =	veq.s32 v0, $0x1  }
0x244: {  	s21 =	sadd.s32 s13, s21;
	v15 =	vmov s23;
	v14 =	vadd.s32 $0xFFFFFFFF, v14;
	v4 =	vadd.s32 v12, v4  }
0x245: {  	(xrf0) =	vadd.scan.msk.s32 $0xffff, v7;
	v16 =	vmov s21;
	v15 =	vadd.s32 $0xFFFFFFFF, v15;
	v11 =	vbroadcast v14, $0x0  }
0x246: {  	(xrf0) =	vadd.scan.msk.s32 $0xffff, v10;
	vm9 =	vlt.s32 v4, $0x3FF;
	v16 =	vadd.s32 $0xFFFFFFFF, v16;
	v15 =	vbroadcast v15, $0x0;
	s23 =	spop (v2sf)  }
0x247: {  	(xrf0) =	vadd.scan.msk.s32 $0xffff, v0;
	v4 =	vnsel vm9, $0x3FF, v4;
	v14 =	vbroadcast v16, $0x0;
	v3 =	vadd.s32 v11, v3;
	s28 =	sadd.s32 s21, s23;
	s29 =	spop (v2sf)  }
0x248: {  	v7, _, _ =	vpop (xrf0);
	v11 =	vor.u32 s20, v30;
	v1 =	vadd.s32 v15, v1;
	vm14 =	vlt.s32 v3, $0x3FF;
	s21 =	sadd.s32 s28, s29;
	s30 =	spop (v2sf)  }
0x249: {  	v7 =	vadd.s32 v14, v7;
	vm13 =	vlt.s32 v1, $0x3FF;
	s13 =	sadd.s32 s21, s30;
	v12 =	vmov s21  }
0x24a: {  	v0 =	vnsel vm14, $0x3FF, v3;
	v3 =	vmov s13;
	v12 =	vadd.s32 $0xFFFFFFFF, v12  }
0x24b: {  	v10, _, _ =	vpop (xrf0);
	v15 =	vmov s28;
	v3 =	vadd.s32 $0xFFFFFFFF, v3;
	v12 =	vbroadcast v12, $0x0  }
0x24c: {  	vm10 =	vlt.s32 v7, $0x3FF;
	v14, _, _ =	vpop (xrf0);
	v15 =	vadd.s32 $0xFFFFFFFF, v15;
	v3 =	vbroadcast v3, $0x0  }
0x24d: {  	[tilespmem:v9+s12+$0x0] =	vst.idx.msk vm5, v6;
	v1 =	vnsel vm13, $0x3FF, v1;
	v16, _, _ =	vpop (xrf0);
	v8 =	vbroadcast v15, $0x0;
	v6 =	vadd.s32 v12, v14  }
0x24e: {  	[tilespmem:v2+s12+$0x0] =	vst.idx.msk vm4, v5;
	v7 =	vnsel vm10, $0x3FF, v7;
	v3 =	vadd.s32 v3, v16;
	vm4 =	vlt.s32 v6, $0x3FF  }
0x24f: {  	[tilespmem:v4+s12+$0x0] =	vst.idx.msk vm3, v11;
	v2 =	vadd.s32 v8, v10;
	vm6 =	vlt.s32 v3, $0x3FF;
	v4 =	vnsel vm4, $0x3FF, v6  }
0x250: {  	s8 =	sadd.s32 $0x40, s8;
	s22 =	sadd.s32 $0xFFFFFFE0, s20;
	vm8 =	vmmov vm8;
	vm3 =	vlt.s32 v2, $0x3FF;
	v3 =	vnsel vm6, $0x3FF, v3  }
0x251: {  	v5 =	vor.u32 s22, v30;
	[tilespmem:v0+s12+$0x0] =	vst.idx.msk vm2, v17;
	s23 =	sadd.s32 $0xFFFFFFD0, s8;
	v0 =	vnsel vm3, $0x3FF, v2  }
0x252: {  	[tilespmem:v1+s12+$0x0] =	vst.idx.msk vm1, v5;
	s28 =	sadd.s32 $0xFFFFFFF0, s8;
	v2 =	vor.u32 s23, v30  }
0x253: {  	[tilespmem:v7+s12+$0x0] =	vst.idx.msk vm7, v2;
	v2 =	vor.u32 s28, v30  }
0x254: {  	v1 =	vor.u32 s8, v30;
	s8 =	sadd.s32 $0xFFFFFFE0, s8;
	[tilespmem:v4+s12+$0x0] =	vst.idx.msk vm0, v2  }
0x255: {  	[tilespmem:v3+s12+$0x0] =	vst.idx.msk vm15, v1;
	v1 =	vor.u32 s8, v30  }
0x256: {  	[tilespmem:v0+s12+$0x0] =	vst.idx.msk vm8, v1  }
0x257: {  	v0 =	vld [tilespmem:$0x3340]  }
0x258: {  	v1 =	vld [tilespmem:$0x5A50];
	_ =	sdelay $0x1  }
0x259: {  	v2 =	vmpcnt.ones.xlane vm15;
	_ =	sdelay $0x1  }
0x25a: {  	(v2sf) =	vpush v2, $0x0;
	v3 =	vshra.s32 v0, $0x5  }
0x25b: {  	v4 =	vshra.s32 v1, $0x5;
	_ =	sdelay $0x3  }
0x25c: {  	v2 =	vld.idx.msk [tilespmem:v3+s9+$0x0], $0xffff  }
0x25d: {  	v3 =	vld.idx.msk [tilespmem:v4+s6+$0x0], $0xffff;
	_ =	sdelay $0x3  }
0x25e: {  	v0 =	vand.u32 $0x1F, v0;
	v1 =	vand.u32 $0x1F, v1  }
0x25f: {  	v0 =	vshrl.u32 v2, v0;
	v1 =	vshrl.u32 v3, v1  }
0x260: {  	v0 =	vand.u32 v0, v1  }
0x261: {  	v0 =	vand.u32 $0x1, v0  }
0x262: {  	vm0 =	veq.s32 v0, $0x1;
	(xrf0) =	vadd.scan.msk.s32 $0xffff, v0  }
0x263: {  	s29 =	spop (v2sf);
	v1 =	vmpcnt.ones.xlane vm0  }
0x264: {  	s8 =	sadd.s32 s13, s29  }
0x265: {  	v0 =	vmov s8;
	(v2sf) =	vpush v1, $0x0  }
0x266: {  	v0 =	vadd.s32 $0xFFFFFFFF, v0  }
0x267: {  	v0 =	vbroadcast v0, $0x0  }
0x268: {  	v1, _, _ =	vpop (xrf0)  }
0x269: {  	v0 =	vadd.s32 v0, v1  }
0x26a: {  	vm1 =	vlt.s32 v0, $0x3FF  }
0x26b: {  	v1 =	vld [tilespmem:$0x1FFD0];
	v0 =	vnsel vm1, $0x3FF, v0;
	_ =	sdelay $0x4  }
0x26c: {  	s2 =	rddreg [dreg:$0x12];
	[tilespmem:v0+s12+$0x0] =	vst.idx.msk vm0, v1  }
0x26d: {  	[tilespmem:s25], [sflag:$0x1] =	stream.linear.gather [hbm4b:s2+s9], $0x2710, $0x38;
	[tilespmem:$0xD990] =	vst v63  }
0x26e: {  	s21 =	rddreg [dreg:$0x13]  }
0x26f: {  	[tilespmem:s26], [sflag:$0x1] =	stream.linear.gather [hbm4b:s21+s9], $0x2710, $0x38;
	[tilespmem:$0xD990] =	vst v63  }
0x270: {  	s22 =	simm.s32 $0x2;
	s30 =	spop (v2sf)  }
0x271: {  	_ =	swait.ge [sflag:s22], $0x2710  }
0x272: {  	[sflag:s22] =	ssyncset.done $0x0  }
0x273: {  	[sflag:s22] =	ssyncadd.s32 $0xFFFFD8F0  }
0x274: {  	_ =	swait.ge [sflag:s22], $0x2710  }
0x275: {  	[sflag:s22] =	ssyncset.done $0x0  }
0x276: {  	s23 =	simm.s32 $0x5A80;
	[sflag:s22] =	ssyncadd.s32 $0xFFFFD8F0  }
0x277: {  	s25 =	simm.s32 $0x8190;
	v0 =	vld [tilespmem:s23+$0x10]  }
0x278: {  	v1 =	vld [tilespmem:s25+$0x10]  }
0x279: {  	v2 =	vld [tilespmem:s23+$0x0]  }
0x27a: {  	v3 =	vld [tilespmem:s25+$0x0]  }
0x27b: {  	v4 =	vld [tilespmem:s23+$0xFFFFFFF0]  }
0x27c: {  	v5 =	vld [tilespmem:s23+$0xFFFFFFE0];
	v6 =	vshra.s32 v0, $0x5  }
0x27d: {  	v7 =	vld [tilespmem:s25+$0xFFFFFFE0];
	v8 =	vshra.s32 v1, $0x5  }
0x27e: {  	v9 =	vld [tilespmem:s25+$0xFFFFFFF0];
	v10 =	vshra.s32 v2, $0x5  }
0x27f: {  	v11 =	vshra.s32 v3, $0x5  }
0x280: {  	v12 =	vshra.s32 v4, $0x5  }
0x281: {  	v13 =	vshra.s32 v5, $0x5;
	v6 =	vld.idx.msk [tilespmem:v6+s9+$0x0], $0xffff  }
0x282: {  	v14 =	vshra.s32 v7, $0x5;
	v8 =	vld.idx.msk [tilespmem:v8+s6+$0x0], $0xffff  }
0x283: {  	v15 =	vshra.s32 v9, $0x5;
	v10 =	vld.idx.msk [tilespmem:v10+s9+$0x0], $0xffff  }
0x284: {  	v11 =	vld.idx.msk [tilespmem:v11+s6+$0x0], $0xffff  }
0x285: {  	v12 =	vld.idx.msk [tilespmem:v12+s9+$0x0], $0xffff  }
0x286: {  	v13 =	vld.idx.msk [tilespmem:v13+s9+$0x0], $0xffff  }
0x287: {  	v14 =	vld.idx.msk [tilespmem:v14+s6+$0x0], $0xffff  }
0x288: {  	v0 =	vand.u32 $0x1F, v0;
	v1 =	vand.u32 $0x1F, v1;
	v15 =	vld.idx.msk [tilespmem:v15+s6+$0x0], $0xffff  }
0x289: {  	v4 =	vand.u32 $0x1F, v4;
	v2 =	vand.u32 $0x1F, v2;
	v3 =	vand.u32 $0x1F, v3  }
0x28a: {  	v5 =	vand.u32 $0x1F, v5;
	v7 =	vand.u32 $0x1F, v7;
	v9 =	vand.u32 $0x1F, v9  }
0x28b: {  	s26 =	simm.s32 $0x5AC0;
	v2 =	vshrl.u32 v10, v2;
	v0 =	vshrl.u32 v6, v0;
	v1 =	vshrl.u32 v8, v1  }
0x28c: {  	s28 =	simm.s32 $0x81D0;
	v6 =	vld [tilespmem:s26+$0x10];
	v5 =	vshrl.u32 v13, v5;
	v7 =	vshrl.u32 v14, v7;
	v3 =	vshrl.u32 v11, v3  }
0x28d: {  	v8 =	vld [tilespmem:s28+$0x10];
	v4 =	vshrl.u32 v12, v4;
	v5 =	vand.u32 v5, v7;
	v7 =	vshrl.u32 v15, v9  }
0x28e: {  	v0 =	vand.u32 v0, v1;
	v2 =	vand.u32 v2, v3;
	v3 =	vld [tilespmem:s26+$0xFFFFFFF0];
	v5 =	vand.u32 $0x1, v5  }
0x28f: {  	v10 =	vld [tilespmem:s26+$0xFFFFFFE0];
	v4 =	vand.u32 v4, v7;
	v2 =	vand.u32 $0x1, v2;
	v0 =	vand.u32 $0x1, v0  }
0x290: {  	v12 =	vld [tilespmem:s28+$0xFFFFFFE0];
	vm0 =	veq.s32 v5, $0x1;
	v4 =	vand.u32 $0x1, v4;
	vm2 =	veq.s32 v2, $0x1  }
0x291: {  	v14 =	vld [tilespmem:s28+$0xFFFFFFF0];
	(xrf0) =	vadd.scan.msk.s32 $0xffff, v5;
	v7 =	vmpcnt.ones.xlane vm0;
	vm1 =	veq.s32 v4, $0x1;
	v11 =	vshra.s32 v6, $0x5  }
0x292: {  	s8 =	sadd.s32 s8, s30;
	v9 =	vld [tilespmem:s26+$0x0];
	v16 =	vmpcnt.ones.xlane vm2;
	v5 =	vmpcnt.ones.xlane vm1;
	v13 =	vshra.s32 v8, $0x5  }
0x293: {  	v1 =	vld [tilespmem:s28+$0x0];
	(xrf0) =	vadd.scan.msk.s32 $0xffff, v4;
	(v2sf) =	vpush v7, $0x0;
	v7 =	vmov s8;
	v18 =	vshra.s32 v3, $0x5  }
0x294: {  	s13 =	simm.s32 $0x5B00;
	(xrf0) =	vadd.scan.msk.s32 $0xffff, v2;
	(v2sf) =	vpush v5, $0x0;
	v5 =	vadd.s32 $0xFFFFFFFF, v7;
	v7 =	vshra.s32 v10, $0x5  }
0x295: {  	vm3 =	veq.s32 v0, $0x1;
	(xrf0) =	vadd.scan.msk.s32 $0xffff, v0;
	v0 =	vld [tilespmem:s13+$0xFFFFFFE0];
	(v2sf) =	vpush v16, $0x0;
	v16 =	vshra.s32 v12, $0x5  }
0x296: {  	vm5 =	vmmov vm15;
	s2 =	rddreg [dreg:$0x18];
	v21 =	vshra.s32 v14, $0x5;
	v5 =	vbroadcast v5, $0x0;
	v11 =	vld.idx.msk [tilespmem:v11+s9+$0x0], $0xffff  }
0x297: {  	vm4 =	vmmov vm8;
	v29 =	vor.u32 s2, v30;
	v15 =	vshra.s32 v9, $0x5;
	v20, _, _ =	vpop (xrf0);
	v13 =	vld.idx.msk [tilespmem:v13+s6+$0x0], $0xffff  }
0x298: {  	v19 =	vmpcnt.ones.xlane vm3;
	v17 =	vshra.s32 v1, $0x5;
	v5 =	vadd.s32 v5, v20;
	v18 =	vld.idx.msk [tilespmem:v18+s9+$0x0], $0xffff  }
0x299: {  	vm7 =	vmmov vm0;
	vm0 =	vmmov vm2;
	vm4 =	vlt.s32 v5, $0x3FF;
	v7 =	vld.idx.msk [tilespmem:v7+s9+$0x0], $0xffff  }
0x29a: {  	vm6 =	vmmov vm3;
	(v2sf) =	vpush v19, $0x0;
	v19 =	vnsel vm4, $0x3FF, v5;
	v5 =	vld.idx.msk [tilespmem:v16+s6+$0x0], $0xffff  }
0x29b: {  	vm1 =	vmmov vm1;
	v6 =	vand.u32 $0x1F, v6;
	v8 =	vand.u32 $0x1F, v8;
	v16 =	vld.idx.msk [tilespmem:v21+s6+$0x0], $0xffff  }
0x29c: {  	v14 =	vand.u32 $0x1F, v14;
	v3 =	vand.u32 $0x1F, v3;
	v9 =	vand.u32 $0x1F, v9;
	v15 =	vld.idx.msk [tilespmem:v15+s9+$0x0], $0xffff  }
0x29d: {  	s29 =	sadd.s32 $0xFFFFFFD0, s2;
	v1 =	vand.u32 $0x1F, v1;
	v10 =	vand.u32 $0x1F, v10;
	v12 =	vand.u32 $0x1F, v12;
	v17 =	vld.idx.msk [tilespmem:v17+s6+$0x0], $0xffff  }
0x29e: {  	v20 =	vor.u32 s29, v30;
	v24 =	vshra.s32 v0, $0x5;
	v6 =	vshrl.u32 v11, v6  }
0x29f: {  	v8 =	vshrl.u32 v13, v8;
	v7 =	vshrl.u32 v7, v10;
	v5 =	vshrl.u32 v5, v12  }
0x2a0: {  	s17 =	simm.s32 $0x8210;
	v23 =	vld [tilespmem:s13+$0x0];
	v3 =	vshrl.u32 v18, v3;
	v5 =	vand.u32 v7, v5;
	v7 =	vshrl.u32 v16, v14  }
0x2a1: {  	v25 =	vld [tilespmem:s17+$0x0];
	v9 =	vshrl.u32 v15, v9;
	v5 =	vand.u32 $0x1, v5;
	v3 =	vand.u32 v3, v7  }
0x2a2: {  	v22 =	vld [tilespmem:s13+$0xFFFFFFF0];
	v1 =	vshrl.u32 v17, v1;
	vm4 =	veq.s32 v5, $0x1;
	v3 =	vand.u32 $0x1, v3  }
0x2a3: {  	v21 =	vld [tilespmem:s17+$0x10];
	v1 =	vand.u32 v9, v1;
	v7 =	vmpcnt.ones.xlane vm4;
	vm12 =	veq.s32 v3, $0x1  }
0x2a4: {  	v13 =	vld [tilespmem:s13+$0x10];
	v6 =	vand.u32 v6, v8;
	v1 =	vand.u32 $0x1, v1;
	s30 =	spop (v2sf);
	v4 =	vmpcnt.ones.xlane vm12  }
0x2a5: {  	v6 =	vand.u32 $0x1, v6;
	v10 =	vld [tilespmem:s17+$0xFFFFFFF0];
	vm2 =	veq.s32 v1, $0x1;
	s21 =	spop (v2sf);
	(v2sf) =	vpush v7, $0x0  }
0x2a6: {  	vm3 =	veq.s32 v6, $0x1;
	v2 =	vmpcnt.ones.xlane vm2;
	s22 =	spop (v2sf);
	(v2sf) =	vpush v4, $0x0  }
0x2a7: {  	v17 =	vshra.s32 v22, $0x5;
	v22 =	vand.u32 $0x1F, v22;
	v8 =	vmpcnt.ones.xlane vm3;
	s8 =	sadd.s32 s8, s30  }
0x2a8: {  	[tilespmem:v19+s12+$0x0] =	vst.idx.msk vm7, v20;
	v19 =	vand.u32 $0x1F, v21;
	v14 =	vshra.s32 v23, $0x5;
	s20 =	sadd.s32 s8, s21;
	(v2sf) =	vpush v2, $0x0  }
0x2a9: {  	v16 =	vshra.s32 v25, $0x5;
	v9 =	vshra.s32 v13, $0x5;
	(xrf0) =	vadd.scan.msk.s32 $0xffff, v5;
	s21 =	sadd.s32 s20, s22;
	s23 =	spop (v2sf);
	(v2sf) =	vpush v8, $0x0  }
0x2aa: {  	v5 =	vshra.s32 v21, $0x5;
	v27 =	vshra.s32 v10, $0x5;
	v7 =	vld [tilespmem:s17+$0xFFFFFFE0];
	v4 =	vmov s21;
	s25 =	sadd.s32 s21, s23  }
0x2ab: {  	v12, _, _ =	vpop (xrf0);
	v2 =	vmov s20;
	v11 =	vmov s25;
	v4 =	vadd.s32 $0xFFFFFFFF, v4  }
0x2ac: {  	v15, _, _ =	vpop (xrf0);
	v8 =	vmov s8;
	v2 =	vadd.s32 $0xFFFFFFFF, v2;
	v4 =	vbroadcast v4, $0x0  }
0x2ad: {  	v18, _, _ =	vpop (xrf0);
	(xrf0) =	vadd.scan.msk.s32 $0xffff, v3;
	v11 =	vadd.s32 $0xFFFFFFFF, v11;
	v8 =	vadd.s32 $0xFFFFFFFF, v8;
	v2 =	vbroadcast v2, $0x0  }
0x2ae: {  	(xrf0) =	vadd.scan.msk.s32 $0xffff, v1;
	v3 =	vbroadcast v11, $0x0;
	v11 =	vld.idx.msk [tilespmem:v9+s9+$0x0], $0xffff;
	v8 =	vbroadcast v8, $0x0;
	v4 =	vadd.s32 v4, v18  }
0x2af: {  	(xrf0) =	vadd.scan.msk.s32 $0xffff, v6;
	v1, _, _ =	vpop (xrf0);
	v26 =	vshra.s32 v7, $0x5;
	v18 =	vadd.s32 v2, v15;
	vm13 =	vlt.s32 v4, $0x3FF;
	v15 =	vld.idx.msk [tilespmem:v14+s9+$0x0], $0xffff  }
0x2b0: {  	v1 =	vadd.s32 v3, v1;
	v14 =	vld.idx.msk [tilespmem:v16+s6+$0x0], $0xffff;
	v8 =	vadd.s32 v8, v12;
	v28 =	vnsel vm13, $0x3FF, v4  }
0x2b1: {  	vm4 =	vmmov vm4;
	v16 =	vld.idx.msk [tilespmem:v17+s9+$0x0], $0xffff;
	vm5 =	vlt.s32 v18, $0x3FF;
	vm15 =	vlt.s32 v8, $0x3FF  }
0x2b2: {  	s28 =	sadd.s32 $0xFFFFFFE0, s2;
	s8 =	sadd.s32 $0x40, s2;
	v17 =	vld.idx.msk [tilespmem:v24+s9+$0x0], $0xffff;
	vm14 =	vlt.s32 v1, $0x3FF;
	v9 =	vnsel vm15, $0x3FF, v8;
	v8 =	vnsel vm5, $0x3FF, v18  }
0x2b3: {  	v6 =	vor.u32 s28, v30;
	s26 =	sadd.s32 $0xFFFFFFD0, s8;
	v24 =	vand.u32 $0x1F, v23;
	v12 =	vld.idx.msk [tilespmem:v5+s6+$0x0], $0xffff;
	v2 =	vnsel vm14, $0x3FF, v1;
	v1, _, _ =	vpop (xrf0)  }
0x2b4: {  	s29 =	sadd.s32 $0xFFFFFFF0, s2;
	s21 =	simm.s32 $0x8;
	v23 =	vand.u32 $0x1F, v25;
	v5 =	vor.u32 s26, v30;
	vm5 =	vmmov vm1;
	v3, _, _ =	vpop (xrf0);
	v20 =	vld.idx.msk [tilespmem:v26+s6+$0x0], $0xffff;
	s30 =	spop (v2sf)  }
0x2b5: {  	v21 =	vld.idx.msk [tilespmem:v27+s6+$0x0], $0xffff;
	s20 =	smov.u32 s8;
	vm1 =	vmmov vm12;
	v18 =	vand.u32 $0x1F, v13;
	v13 =	vor.u32 s29, v30;
	v4, _, _ =	vpop (xrf0);
	[tilespmem:v28+s12+$0x0] =	vst.idx.msk vm6, v29;
	s23 =	sadd.s32 s25, s30;
	s22 =	spop (v2sf)  }
.LBB2_18:
0x2b6: {  	v0 =	vand.u32 $0x1F, v0;
	v7 =	vand.u32 $0x1F, v7  }
0x2b7: {  	s21 =	sadd.s32 $0x4, s21;
	v10 =	vand.u32 $0x1F, v10;
	s28 =	sadd.s32 s23, s22;
	s22 =	spop (v2sf);
	[tilespmem:v8+s12+$0x0] =	vst.idx.msk vm0, v13;
	vm0 =	vmmov vm2;
	vm6 =	vmmov vm3  }
0x2b8: {  	v8 =	vshrl.u32 v15, v24;
	v11 =	vshrl.u32 v11, v18;
	v12 =	vshrl.u32 v12, v19;
	p0 =	slt.u32 s21, $0x26C;
	s29 =	sadd.s32 s28, s22;
	s22 =	spop (v2sf)  }
0x2b9: {  	v13 =	vshrl.u32 v14, v23;
	v0 =	vshrl.u32 v17, v0;
	v7 =	vshrl.u32 v20, v7;
	s22 =	sadd.s32 s29, s22  }
0x2ba: {  	v0 =	vand.u32 v0, v7;
	v7 =	vshrl.u32 v16, v22;
	v10 =	vshrl.u32 v21, v10  }
0x2bb: {  	s13 =	sadd.s32 $0x40, s13;
	v0 =	vand.u32 $0x1, v0;
	v7 =	vand.u32 v7, v10;
	v10 =	vand.u32 v11, v12;
	[tilespmem:v9+s12+$0x0] =	vst.idx.msk vm5, v6  }
0x2bc: {  	s17 =	sadd.s32 $0x40, s17;
	vm5 =	veq.s32 v0, $0x1;
	v6 =	vand.u32 $0x1, v7;
	v7 =	vand.u32 v8, v13;
	v18 =	vld [tilespmem:s13+$0x10];
	(xrf0) =	vadd.scan.msk.s32 $0xffff, v0  }
0x2bd: {  	v0 =	vmpcnt.ones.xlane vm5;
	vm7 =	veq.s32 v6, $0x1;
	v7 =	vand.u32 $0x1, v7;
	v13 =	vld [tilespmem:s17+$0x10];
	(xrf0) =	vadd.scan.msk.s32 $0xffff, v6  }
0x2be: {  	v8 =	vand.u32 $0x1, v10;
	v6 =	vmpcnt.ones.xlane vm7;
	vm2 =	veq.s32 v7, $0x1;
	v23 =	vld [tilespmem:s13+$0x0];
	(xrf0) =	vadd.scan.msk.s32 $0xffff, v7  }
0x2bf: {  	vm3 =	veq.s32 v8, $0x1;
	v7 =	vmpcnt.ones.xlane vm2;
	v25 =	vld [tilespmem:s17+$0x0];
	(v2sf) =	vpush v0, $0x0;
	(xrf0) =	vadd.scan.msk.s32 $0xffff, v8  }
0x2c0: {  	v8 =	vmpcnt.ones.xlane vm3;
	v22 =	vld [tilespmem:s13+$0xFFFFFFF0];
	(v2sf) =	vpush v6, $0x0;
	[tilespmem:v2+s12+$0x0] =	vst.idx.msk vm4, v5;
	v2 =	vmov s29  }
0x2c1: {  	v6 =	vmov s28;
	v0 =	vld [tilespmem:s13+$0xFFFFFFE0];
	v5 =	vshra.s32 v18, $0x5;
	(v2sf) =	vpush v7, $0x0  }
0x2c2: {  	v7 =	vld [tilespmem:s17+$0xFFFFFFE0];
	v9 =	vshra.s32 v13, $0x5;
	v16, _, _ =	vpop (xrf0);
	(v2sf) =	vpush v8, $0x0;
	v8 =	vmov s23  }
0x2c3: {  	v11 =	vmov s22;
	v2 =	vadd.s32 $0xFFFFFFFF, v2;
	v10 =	vld [tilespmem:s17+$0xFFFFFFF0];
	v14 =	vshra.s32 v23, $0x5;
	v17, _, _ =	vpop (xrf0)  }
0x2c4: {  	v6 =	vadd.s32 $0xFFFFFFFF, v6;
	v8 =	vadd.s32 $0xFFFFFFFF, v8;
	v19 =	vshra.s32 v25, $0x5;
	v20, _, _ =	vpop (xrf0)  }
0x2c5: {  	v15 =	vadd.s32 $0xFFFFFFFF, v11;
	v2 =	vbroadcast v2, $0x0;
	v21 =	vshra.s32 v22, $0x5;
	v24, _, _ =	vpop (xrf0)  }
0x2c6: {  	v6 =	vbroadcast v6, $0x0;
	v26 =	vshra.s32 v0, $0x5;
	v11 =	vld.idx.msk [tilespmem:v5+s9+$0x0], $0xffff;
	v5 =	vbroadcast v8, $0x0  }
0x2c7: {  	v2 =	vadd.s32 v2, v4;
	v8 =	vbroadcast v15, $0x0;
	v4 =	vmovc v24;
	v27 =	vshra.s32 v7, $0x5;
	v12 =	vld.idx.msk [tilespmem:v9+s6+$0x0], $0xffff  }
0x2c8: {  	v6 =	vadd.s32 v6, v3;
	v24 =	vshra.s32 v10, $0x5;
	v15 =	vld.idx.msk [tilespmem:v14+s9+$0x0], $0xffff;
	v5 =	vadd.s32 v5, v1;
	v1 =	vmovc v17  }
0x2c9: {  	vm4 =	vlt.s32 v6, $0x3FF;
	vm8 =	vlt.s32 v2, $0x3FF;
	v3 =	vmovc v20;
	v8 =	vadd.s32 v8, v16;
	v14 =	vld.idx.msk [tilespmem:v19+s6+$0x0], $0xffff  }
0x2ca: {  	v28 =	vnsel vm8, $0x3FF, v2;
	vm9 =	vlt.s32 v8, $0x3FF;
	vm10 =	vlt.s32 v5, $0x3FF;
	v16 =	vld.idx.msk [tilespmem:v21+s9+$0x0], $0xffff  }
.Ltmp10:
0x2cb: {  	s8 =	sadd.s32 $0x40, s8;
	v2 =	vnsel vm9, $0x3FF, v8;
	v9 =	vnsel vm10, $0x3FF, v5;
	v8 =	vnsel vm4, $0x3FF, v6;
	v17 =	vld.idx.msk [tilespmem:v26+s9+$0x0], $0xffff;
	(pc) =	sbr.rel @p0 .LBB2_18-.Ltmp10, $4  }
0x2cc: {  	s28 =	sadd.s32 $0xFFFFFFE0, s20;
	s23 =	sadd.s32 $0xFFFFFFD0, s8;
	vm4 =	vmmov vm5;
	vm5 =	vmmov vm1;
	vm1 =	vmmov vm7;
	v20 =	vld.idx.msk [tilespmem:v27+s6+$0x0], $0xffff  }
0x2cd: {  	v5 =	vor.u32 s23, v30;
	v6 =	vor.u32 s28, v30;
	s23 =	sadd.s32 $0xFFFFFFF0, s20;
	v26 =	vor.u32 s20, v30;
	s20 =	smov.u32 s8;
	v21 =	vld.idx.msk [tilespmem:v24+s6+$0x0], $0xffff  }
0x2ce: {  	v18 =	vand.u32 $0x1F, v18;
	v19 =	vand.u32 $0x1F, v13;
	v13 =	vor.u32 s23, v30;
	s28 =	spop (v2sf)  }
0x2cf: {  	v22 =	vand.u32 $0x1F, v22;
	v24 =	vand.u32 $0x1F, v23;
	v23 =	vand.u32 $0x1F, v25;
	s23 =	sadd.s32 s22, s28;
	s22 =	spop (v2sf);
	[tilespmem:v28+s12+$0x0] =	vst.idx.msk vm6, v26  }
0x2d0: {  	v0 =	vand.u32 $0x1F, v0;
	v7 =	vand.u32 $0x1F, v7;
	v10 =	vand.u32 $0x1F, v10  }
0x2d1: {  	v15 =	vshrl.u32 v15, v24;
	v0 =	vshrl.u32 v17, v0;
	v7 =	vshrl.u32 v20, v7  }
0x2d2: {  	v0 =	vand.u32 v0, v7;
	v7 =	vshrl.u32 v16, v22;
	v10 =	vshrl.u32 v21, v10  }
0x2d3: {  	v14 =	vshrl.u32 v14, v23;
	v0 =	vand.u32 $0x1, v0;
	v7 =	vand.u32 v7, v10  }
0x2d4: {  	v10 =	vand.u32 v15, v14;
	vm7 =	veq.s32 v0, $0x1;
	v7 =	vand.u32 $0x1, v7  }
0x2d5: {  	v10 =	vand.u32 $0x1, v10;
	v14 =	vmpcnt.ones.xlane vm7;
	vm8 =	veq.s32 v7, $0x1  }
0x2d6: {  	vm6 =	veq.s32 v10, $0x1;
	v15 =	vmpcnt.ones.xlane vm8  }
0x2d7: {  	v16 =	vmpcnt.ones.xlane vm6;
	(v2sf) =	vpush v14, $0x0  }
0x2d8: {  	(v2sf) =	vpush v15, $0x0  }
0x2d9: {  	(v2sf) =	vpush v16, $0x0;
	_ =	sdelay $0x4  }
0x2da: {  	s13 =	spop (v2sf);
	s17 =	sadd.s32 s23, s22  }
0x2db: {  	vm2 =	vmmov vm2;
	vm3 =	vmmov vm3;
	vm1 =	vmmov vm1;
	s13 =	sadd.s32 s17, s13  }
0x2dc: {  	s29 =	sadd.s32 $0xFFFFFFF0, s20;
	(xrf0) =	vadd.scan.msk.s32 $0xffff, v0;
	v0 =	vshrl.u32 v11, v18;
	v11 =	vshrl.u32 v12, v19;
	v12 =	vmov s13  }
0x2dd: {  	v17 =	vor.u32 s29, v30;
	v12 =	vadd.s32 $0xFFFFFFFF, v12;
	v0 =	vand.u32 v0, v11  }
0x2de: {  	vm7 =	vmmov vm7;
	v12 =	vbroadcast v12, $0x0;
	v0 =	vand.u32 $0x1, v0  }
0x2df: {  	[tilespmem:v8+s12+$0x0] =	vst.idx.msk vm0, v13;
	s21 =	spop (v2sf);
	vm0 =	vmmov vm6;
	v14 =	vmov s17;
	vm15 =	veq.s32 v0, $0x1  }
0x2e0: {  	s21 =	sadd.s32 s13, s21;
	v15 =	vmov s23;
	v14 =	vadd.s32 $0xFFFFFFFF, v14;
	v4 =	vadd.s32 v12, v4  }
0x2e1: {  	(xrf0) =	vadd.scan.msk.s32 $0xffff, v7;
	v16 =	vmov s21;
	v15 =	vadd.s32 $0xFFFFFFFF, v15;
	v11 =	vbroadcast v14, $0x0  }
0x2e2: {  	(xrf0) =	vadd.scan.msk.s32 $0xffff, v10;
	vm9 =	vlt.s32 v4, $0x3FF;
	v16 =	vadd.s32 $0xFFFFFFFF, v16;
	v15 =	vbroadcast v15, $0x0;
	s23 =	spop (v2sf)  }
0x2e3: {  	(xrf0) =	vadd.scan.msk.s32 $0xffff, v0;
	v4 =	vnsel vm9, $0x3FF, v4;
	v14 =	vbroadcast v16, $0x0;
	v3 =	vadd.s32 v11, v3;
	s25 =	sadd.s32 s21, s23;
	s26 =	spop (v2sf)  }
0x2e4: {  	v7, _, _ =	vpop (xrf0);
	v11 =	vor.u32 s20, v30;
	v1 =	vadd.s32 v15, v1;
	vm14 =	vlt.s32 v3, $0x3FF;
	s21 =	sadd.s32 s25, s26;
	s28 =	spop (v2sf)  }
0x2e5: {  	v7 =	vadd.s32 v14, v7;
	vm13 =	vlt.s32 v1, $0x3FF;
	s13 =	sadd.s32 s21, s28;
	v12 =	vmov s21  }
0x2e6: {  	v0 =	vnsel vm14, $0x3FF, v3;
	v3 =	vmov s13;
	v12 =	vadd.s32 $0xFFFFFFFF, v12  }
0x2e7: {  	v10, _, _ =	vpop (xrf0);
	v15 =	vmov s25;
	v3 =	vadd.s32 $0xFFFFFFFF, v3;
	v12 =	vbroadcast v12, $0x0  }
0x2e8: {  	vm10 =	vlt.s32 v7, $0x3FF;
	v14, _, _ =	vpop (xrf0);
	v15 =	vadd.s32 $0xFFFFFFFF, v15;
	v3 =	vbroadcast v3, $0x0  }
0x2e9: {  	[tilespmem:v9+s12+$0x0] =	vst.idx.msk vm5, v6;
	v1 =	vnsel vm13, $0x3FF, v1;
	v16, _, _ =	vpop (xrf0);
	v8 =	vbroadcast v15, $0x0;
	v6 =	vadd.s32 v12, v14  }
0x2ea: {  	[tilespmem:v2+s12+$0x0] =	vst.idx.msk vm4, v5;
	v7 =	vnsel vm10, $0x3FF, v7;
	v3 =	vadd.s32 v3, v16;
	vm4 =	vlt.s32 v6, $0x3FF  }
0x2eb: {  	[tilespmem:v4+s12+$0x0] =	vst.idx.msk vm3, v11;
	v2 =	vadd.s32 v8, v10;
	vm6 =	vlt.s32 v3, $0x3FF;
	v4 =	vnsel vm4, $0x3FF, v6  }
0x2ec: {  	s8 =	sadd.s32 $0x40, s8;
	s30 =	sadd.s32 $0xFFFFFFE0, s20;
	vm8 =	vmmov vm8;
	vm3 =	vlt.s32 v2, $0x3FF;
	v3 =	vnsel vm6, $0x3FF, v3  }
0x2ed: {  	s2 =	sadd.s32 $0xFFFFFFD0, s8;
	v5 =	vor.u32 s30, v30;
	[tilespmem:v0+s12+$0x0] =	vst.idx.msk vm2, v17;
	v0 =	vnsel vm3, $0x3FF, v2  }
0x2ee: {  	s20 =	sadd.s32 $0xFFFFFFF0, s8;
	[tilespmem:v1+s12+$0x0] =	vst.idx.msk vm1, v5;
	v2 =	vor.u32 s2, v30  }
0x2ef: {  	[tilespmem:v7+s12+$0x0] =	vst.idx.msk vm7, v2;
	v2 =	vor.u32 s20, v30  }
0x2f0: {  	v1 =	vor.u32 s8, v30;
	s8 =	sadd.s32 $0xFFFFFFE0, s8;
	[tilespmem:v4+s12+$0x0] =	vst.idx.msk vm0, v2  }
0x2f1: {  	[tilespmem:v3+s12+$0x0] =	vst.idx.msk vm15, v1;
	v1 =	vor.u32 s8, v30  }
0x2f2: {  	[tilespmem:v0+s12+$0x0] =	vst.idx.msk vm8, v1  }
0x2f3: {  	v0 =	vld [tilespmem:$0x8160]  }
0x2f4: {  	v1 =	vld [tilespmem:$0xA870];
	_ =	sdelay $0x3  }
0x2f5: {  	v2 =	vshra.s32 v0, $0x5  }
0x2f6: {  	v3 =	vshra.s32 v1, $0x5  }
0x2f7: {  	v4 =	vmpcnt.ones.xlane vm15;
	_ =	sdelay $0x1  }
0x2f8: {  	(v2sf) =	vpush v4, $0x0  }
0x2f9: {  	v2 =	vld.idx.msk [tilespmem:v2+s9+$0x0], $0xffff  }
0x2fa: {  	v3 =	vld.idx.msk [tilespmem:v3+s6+$0x0], $0xffff;
	_ =	sdelay $0x3  }
0x2fb: {  	v0 =	vand.u32 $0x1F, v0;
	v1 =	vand.u32 $0x1F, v1  }
0x2fc: {  	v0 =	vshrl.u32 v2, v0;
	v1 =	vshrl.u32 v3, v1  }
0x2fd: {  	v0 =	vand.u32 v0, v1  }
0x2fe: {  	v0 =	vand.u32 $0x1, v0  }
0x2ff: {  	vm0 =	veq.s32 v0, $0x1  }
0x300: {  	v1 =	vmpcnt.ones.xlane vm0;
	_ =	sdelay $0x1  }
0x301: {  	(v2sf) =	vpush v1, $0x0  }
0x302: {  	(xrf0) =	vadd.scan.msk.s32 $0xffff, v0  }
0x303: {  	s21 =	spop (v2sf)  }
0x304: {  	s8 =	sadd.s32 s13, s21  }
0x305: {  	v0 =	vmov s8  }
0x306: {  	v0 =	vadd.s32 $0xFFFFFFFF, v0  }
0x307: {  	v0 =	vbroadcast v0, $0x0  }
0x308: {  	v1, _, _ =	vpop (xrf0)  }
0x309: {  	v0 =	vadd.s32 v0, v1  }
0x30a: {  	vm1 =	vlt.s32 v0, $0x3FF  }
0x30b: {  	v1 =	vld [tilespmem:$0x1FFE0];
	v0 =	vnsel vm1, $0x3FF, v0;
	_ =	sdelay $0x4  }
0x30c: {  	s2 =	simm.s32 $0x1;
	[tilespmem:v0+s12+$0x0] =	vst.idx.msk vm0, v1;
	s22 =	spop (v2sf)  }
0x30d: {  	_ =	swait.ge [sflag:s2], $0x2710  }
0x30e: {  	[sflag:s2] =	ssyncset.done $0x0  }
0x30f: {  	[sflag:s2] =	ssyncadd.s32 $0xFFFFD8F0  }
0x310: {  	_ =	swait.ge [sflag:s2], $0x2710  }
0x311: {  	[sflag:s2] =	ssyncset.done $0x0  }
0x312: {  	s23 =	simm.s32 $0xC60;
	[sflag:s2] =	ssyncadd.s32 $0xFFFFD8F0  }
0x313: {  	s25 =	simm.s32 $0x3370;
	v0 =	vld [tilespmem:s23+$0x10]  }
0x314: {  	v1 =	vld [tilespmem:s25+$0x10]  }
0x315: {  	v2 =	vld [tilespmem:s23+$0x0]  }
0x316: {  	v3 =	vld [tilespmem:s25+$0x0]  }
0x317: {  	v4 =	vld [tilespmem:s23+$0xFFFFFFF0]  }
0x318: {  	v5 =	vld [tilespmem:s23+$0xFFFFFFE0];
	v6 =	vshra.s32 v0, $0x5  }
0x319: {  	v7 =	vld [tilespmem:s25+$0xFFFFFFE0];
	v8 =	vshra.s32 v1, $0x5  }
0x31a: {  	v9 =	vld [tilespmem:s25+$0xFFFFFFF0];
	v10 =	vshra.s32 v2, $0x5  }
0x31b: {  	v11 =	vshra.s32 v3, $0x5  }
0x31c: {  	v12 =	vshra.s32 v4, $0x5  }
0x31d: {  	v13 =	vshra.s32 v5, $0x5;
	v6 =	vld.idx.msk [tilespmem:v6+s9+$0x0], $0xffff  }
0x31e: {  	v14 =	vshra.s32 v7, $0x5;
	v8 =	vld.idx.msk [tilespmem:v8+s6+$0x0], $0xffff  }
0x31f: {  	v15 =	vshra.s32 v9, $0x5;
	v10 =	vld.idx.msk [tilespmem:v10+s9+$0x0], $0xffff  }
0x320: {  	v11 =	vld.idx.msk [tilespmem:v11+s6+$0x0], $0xffff  }
0x321: {  	v12 =	vld.idx.msk [tilespmem:v12+s9+$0x0], $0xffff  }
0x322: {  	v13 =	vld.idx.msk [tilespmem:v13+s9+$0x0], $0xffff  }
0x323: {  	v14 =	vld.idx.msk [tilespmem:v14+s6+$0x0], $0xffff  }
0x324: {  	v0 =	vand.u32 $0x1F, v0;
	v1 =	vand.u32 $0x1F, v1;
	v15 =	vld.idx.msk [tilespmem:v15+s6+$0x0], $0xffff  }
0x325: {  	v4 =	vand.u32 $0x1F, v4;
	v2 =	vand.u32 $0x1F, v2;
	v3 =	vand.u32 $0x1F, v3  }
0x326: {  	v5 =	vand.u32 $0x1F, v5;
	v7 =	vand.u32 $0x1F, v7;
	v9 =	vand.u32 $0x1F, v9  }
0x327: {  	s26 =	simm.s32 $0xCA0;
	v2 =	vshrl.u32 v10, v2;
	v0 =	vshrl.u32 v6, v0;
	v1 =	vshrl.u32 v8, v1  }
0x328: {  	s28 =	simm.s32 $0x33B0;
	v6 =	vld [tilespmem:s26+$0x10];
	v5 =	vshrl.u32 v13, v5;
	v7 =	vshrl.u32 v14, v7;
	v3 =	vshrl.u32 v11, v3  }
0x329: {  	v8 =	vld [tilespmem:s28+$0x10];
	v4 =	vshrl.u32 v12, v4;
	v5 =	vand.u32 v5, v7;
	v7 =	vshrl.u32 v15, v9  }
0x32a: {  	v0 =	vand.u32 v0, v1;
	v2 =	vand.u32 v2, v3;
	v3 =	vld [tilespmem:s26+$0xFFFFFFF0];
	v5 =	vand.u32 $0x1, v5  }
0x32b: {  	v10 =	vld [tilespmem:s26+$0xFFFFFFE0];
	v4 =	vand.u32 v4, v7;
	v2 =	vand.u32 $0x1, v2;
	v0 =	vand.u32 $0x1, v0  }
0x32c: {  	v12 =	vld [tilespmem:s28+$0xFFFFFFE0];
	vm0 =	veq.s32 v5, $0x1;
	v4 =	vand.u32 $0x1, v4;
	vm2 =	veq.s32 v2, $0x1  }
0x32d: {  	v14 =	vld [tilespmem:s28+$0xFFFFFFF0];
	(xrf0) =	vadd.scan.msk.s32 $0xffff, v5;
	v7 =	vmpcnt.ones.xlane vm0;
	vm1 =	veq.s32 v4, $0x1;
	v11 =	vshra.s32 v6, $0x5  }
0x32e: {  	s8 =	sadd.s32 s8, s22;
	v9 =	vld [tilespmem:s26+$0x0];
	v16 =	vmpcnt.ones.xlane vm2;
	v5 =	vmpcnt.ones.xlane vm1;
	v13 =	vshra.s32 v8, $0x5  }
0x32f: {  	v1 =	vld [tilespmem:s28+$0x0];
	(xrf0) =	vadd.scan.msk.s32 $0xffff, v4;
	(v2sf) =	vpush v7, $0x0;
	v7 =	vmov s8;
	v18 =	vshra.s32 v3, $0x5  }
0x330: {  	s13 =	simm.s32 $0xCE0;
	(xrf0) =	vadd.scan.msk.s32 $0xffff, v2;
	(v2sf) =	vpush v5, $0x0;
	v5 =	vadd.s32 $0xFFFFFFFF, v7;
	v7 =	vshra.s32 v10, $0x5  }
0x331: {  	vm3 =	veq.s32 v0, $0x1;
	(xrf0) =	vadd.scan.msk.s32 $0xffff, v0;
	v0 =	vld [tilespmem:s13+$0xFFFFFFE0];
	(v2sf) =	vpush v16, $0x0;
	v16 =	vshra.s32 v12, $0x5  }
0x332: {  	vm5 =	vmmov vm15;
	s2 =	rddreg [dreg:$0x19];
	v21 =	vshra.s32 v14, $0x5;
	v5 =	vbroadcast v5, $0x0;
	v11 =	vld.idx.msk [tilespmem:v11+s9+$0x0], $0xffff  }
0x333: {  	vm4 =	vmmov vm8;
	v29 =	vor.u32 s2, v30;
	v15 =	vshra.s32 v9, $0x5;
	v20, _, _ =	vpop (xrf0);
	v13 =	vld.idx.msk [tilespmem:v13+s6+$0x0], $0xffff  }
0x334: {  	v19 =	vmpcnt.ones.xlane vm3;
	v17 =	vshra.s32 v1, $0x5;
	v5 =	vadd.s32 v5, v20;
	v18 =	vld.idx.msk [tilespmem:v18+s9+$0x0], $0xffff  }
0x335: {  	vm7 =	vmmov vm0;
	vm0 =	vmmov vm2;
	vm4 =	vlt.s32 v5, $0x3FF;
	v7 =	vld.idx.msk [tilespmem:v7+s9+$0x0], $0xffff  }
0x336: {  	vm6 =	vmmov vm3;
	(v2sf) =	vpush v19, $0x0;
	v19 =	vnsel vm4, $0x3FF, v5;
	v5 =	vld.idx.msk [tilespmem:v16+s6+$0x0], $0xffff  }
0x337: {  	vm1 =	vmmov vm1;
	v6 =	vand.u32 $0x1F, v6;
	v8 =	vand.u32 $0x1F, v8;
	v16 =	vld.idx.msk [tilespmem:v21+s6+$0x0], $0xffff  }
0x338: {  	v14 =	vand.u32 $0x1F, v14;
	v3 =	vand.u32 $0x1F, v3;
	v9 =	vand.u32 $0x1F, v9;
	v15 =	vld.idx.msk [tilespmem:v15+s9+$0x0], $0xffff  }
0x339: {  	s29 =	sadd.s32 $0xFFFFFFD0, s2;
	v1 =	vand.u32 $0x1F, v1;
	v10 =	vand.u32 $0x1F, v10;
	v12 =	vand.u32 $0x1F, v12;
	v17 =	vld.idx.msk [tilespmem:v17+s6+$0x0], $0xffff  }
0x33a: {  	v20 =	vor.u32 s29, v30;
	v24 =	vshra.s32 v0, $0x5;
	v6 =	vshrl.u32 v11, v6  }
0x33b: {  	v8 =	vshrl.u32 v13, v8;
	v7 =	vshrl.u32 v7, v10;
	v5 =	vshrl.u32 v5, v12  }
0x33c: {  	s17 =	simm.s32 $0x33F0;
	v23 =	vld [tilespmem:s13+$0x0];
	v3 =	vshrl.u32 v18, v3;
	v5 =	vand.u32 v7, v5;
	v7 =	vshrl.u32 v16, v14  }
0x33d: {  	v25 =	vld [tilespmem:s17+$0x0];
	v9 =	vshrl.u32 v15, v9;
	v5 =	vand.u32 $0x1, v5;
	v3 =	vand.u32 v3, v7  }
0x33e: {  	v22 =	vld [tilespmem:s13+$0xFFFFFFF0];
	v1 =	vshrl.u32 v17, v1;
	vm4 =	veq.s32 v5, $0x1;
	v3 =	vand.u32 $0x1, v3  }
0x33f: {  	v21 =	vld [tilespmem:s17+$0x10];
	v1 =	vand.u32 v9, v1;
	v7 =	vmpcnt.ones.xlane vm4;
	vm12 =	veq.s32 v3, $0x1  }
0x340: {  	v13 =	vld [tilespmem:s13+$0x10];
	v6 =	vand.u32 v6, v8;
	v1 =	vand.u32 $0x1, v1;
	s30 =	spop (v2sf);
	v4 =	vmpcnt.ones.xlane vm12  }
0x341: {  	v6 =	vand.u32 $0x1, v6;
	v10 =	vld [tilespmem:s17+$0xFFFFFFF0];
	vm2 =	veq.s32 v1, $0x1;
	s21 =	spop (v2sf);
	(v2sf) =	vpush v7, $0x0  }
0x342: {  	vm3 =	veq.s32 v6, $0x1;
	v2 =	vmpcnt.ones.xlane vm2;
	s22 =	spop (v2sf);
	(v2sf) =	vpush v4, $0x0  }
0x343: {  	v17 =	vshra.s32 v22, $0x5;
	v22 =	vand.u32 $0x1F, v22;
	v8 =	vmpcnt.ones.xlane vm3;
	s8 =	sadd.s32 s8, s30  }
0x344: {  	[tilespmem:v19+s12+$0x0] =	vst.idx.msk vm7, v20;
	v19 =	vand.u32 $0x1F, v21;
	v14 =	vshra.s32 v23, $0x5;
	s20 =	sadd.s32 s8, s21;
	(v2sf) =	vpush v2, $0x0  }
0x345: {  	v16 =	vshra.s32 v25, $0x5;
	v9 =	vshra.s32 v13, $0x5;
	(xrf0) =	vadd.scan.msk.s32 $0xffff, v5;
	s21 =	sadd.s32 s20, s22;
	s23 =	spop (v2sf);
	(v2sf) =	vpush v8, $0x0  }
0x346: {  	v5 =	vshra.s32 v21, $0x5;
	v27 =	vshra.s32 v10, $0x5;
	v7 =	vld [tilespmem:s17+$0xFFFFFFE0];
	v4 =	vmov s21;
	s25 =	sadd.s32 s21, s23  }
0x347: {  	v12, _, _ =	vpop (xrf0);
	v2 =	vmov s20;
	v11 =	vmov s25;
	v4 =	vadd.s32 $0xFFFFFFFF, v4  }
0x348: {  	v15, _, _ =	vpop (xrf0);
	v8 =	vmov s8;
	v2 =	vadd.s32 $0xFFFFFFFF, v2;
	v4 =	vbroadcast v4, $0x0  }
0x349: {  	v18, _, _ =	vpop (xrf0);
	(xrf0) =	vadd.scan.msk.s32 $0xffff, v3;
	v11 =	vadd.s32 $0xFFFFFFFF, v11;
	v8 =	vadd.s32 $0xFFFFFFFF, v8;
	v2 =	vbroadcast v2, $0x0  }
0x34a: {  	(xrf0) =	vadd.scan.msk.s32 $0xffff, v1;
	v3 =	vbroadcast v11, $0x0;
	v11 =	vld.idx.msk [tilespmem:v9+s9+$0x0], $0xffff;
	v8 =	vbroadcast v8, $0x0;
	v4 =	vadd.s32 v4, v18  }
0x34b: {  	(xrf0) =	vadd.scan.msk.s32 $0xffff, v6;
	v1, _, _ =	vpop (xrf0);
	v26 =	vshra.s32 v7, $0x5;
	v18 =	vadd.s32 v2, v15;
	vm13 =	vlt.s32 v4, $0x3FF;
	v15 =	vld.idx.msk [tilespmem:v14+s9+$0x0], $0xffff  }
0x34c: {  	v1 =	vadd.s32 v3, v1;
	v14 =	vld.idx.msk [tilespmem:v16+s6+$0x0], $0xffff;
	v8 =	vadd.s32 v8, v12;
	v28 =	vnsel vm13, $0x3FF, v4  }
0x34d: {  	vm4 =	vmmov vm4;
	v16 =	vld.idx.msk [tilespmem:v17+s9+$0x0], $0xffff;
	vm5 =	vlt.s32 v18, $0x3FF;
	vm15 =	vlt.s32 v8, $0x3FF  }
0x34e: {  	s28 =	sadd.s32 $0xFFFFFFE0, s2;
	s8 =	sadd.s32 $0x40, s2;
	v17 =	vld.idx.msk [tilespmem:v24+s9+$0x0], $0xffff;
	vm14 =	vlt.s32 v1, $0x3FF;
	v9 =	vnsel vm15, $0x3FF, v8;
	v8 =	vnsel vm5, $0x3FF, v18  }
0x34f: {  	v6 =	vor.u32 s28, v30;
	s26 =	sadd.s32 $0xFFFFFFD0, s8;
	v24 =	vand.u32 $0x1F, v23;
	v12 =	vld.idx.msk [tilespmem:v5+s6+$0x0], $0xffff;
	v2 =	vnsel vm14, $0x3FF, v1;
	v1, _, _ =	vpop (xrf0)  }
0x350: {  	s29 =	sadd.s32 $0xFFFFFFF0, s2;
	s21 =	simm.s32 $0x8;
	v23 =	vand.u32 $0x1F, v25;
	v5 =	vor.u32 s26, v30;
	vm5 =	vmmov vm1;
	v3, _, _ =	vpop (xrf0);
	v20 =	vld.idx.msk [tilespmem:v26+s6+$0x0], $0xffff;
	s30 =	spop (v2sf)  }
0x351: {  	v21 =	vld.idx.msk [tilespmem:v27+s6+$0x0], $0xffff;
	s20 =	smov.u32 s8;
	vm1 =	vmmov vm12;
	v18 =	vand.u32 $0x1F, v13;
	v13 =	vor.u32 s29, v30;
	v4, _, _ =	vpop (xrf0);
	[tilespmem:v28+s12+$0x0] =	vst.idx.msk vm6, v29;
	s23 =	sadd.s32 s25, s30;
	s22 =	spop (v2sf)  }
.LBB2_20:
0x352: {  	v0 =	vand.u32 $0x1F, v0;
	v7 =	vand.u32 $0x1F, v7  }
0x353: {  	s21 =	sadd.s32 $0x4, s21;
	v10 =	vand.u32 $0x1F, v10;
	s28 =	sadd.s32 s23, s22;
	s22 =	spop (v2sf);
	[tilespmem:v8+s12+$0x0] =	vst.idx.msk vm0, v13;
	vm0 =	vmmov vm2;
	vm6 =	vmmov vm3  }
0x354: {  	v8 =	vshrl.u32 v15, v24;
	v11 =	vshrl.u32 v11, v18;
	v12 =	vshrl.u32 v12, v19;
	p0 =	slt.u32 s21, $0x26C;
	s29 =	sadd.s32 s28, s22;
	s22 =	spop (v2sf)  }
0x355: {  	v13 =	vshrl.u32 v14, v23;
	v0 =	vshrl.u32 v17, v0;
	v7 =	vshrl.u32 v20, v7;
	s22 =	sadd.s32 s29, s22  }
0x356: {  	v0 =	vand.u32 v0, v7;
	v7 =	vshrl.u32 v16, v22;
	v10 =	vshrl.u32 v21, v10  }
0x357: {  	s13 =	sadd.s32 $0x40, s13;
	v0 =	vand.u32 $0x1, v0;
	v7 =	vand.u32 v7, v10;
	v10 =	vand.u32 v11, v12;
	[tilespmem:v9+s12+$0x0] =	vst.idx.msk vm5, v6  }
0x358: {  	s17 =	sadd.s32 $0x40, s17;
	vm5 =	veq.s32 v0, $0x1;
	v6 =	vand.u32 $0x1, v7;
	v7 =	vand.u32 v8, v13;
	v18 =	vld [tilespmem:s13+$0x10];
	(xrf0) =	vadd.scan.msk.s32 $0xffff, v0  }
0x359: {  	v0 =	vmpcnt.ones.xlane vm5;
	vm7 =	veq.s32 v6, $0x1;
	v7 =	vand.u32 $0x1, v7;
	v13 =	vld [tilespmem:s17+$0x10];
	(xrf0) =	vadd.scan.msk.s32 $0xffff, v6  }
0x35a: {  	v8 =	vand.u32 $0x1, v10;
	v6 =	vmpcnt.ones.xlane vm7;
	vm2 =	veq.s32 v7, $0x1;
	v23 =	vld [tilespmem:s13+$0x0];
	(xrf0) =	vadd.scan.msk.s32 $0xffff, v7  }
0x35b: {  	vm3 =	veq.s32 v8, $0x1;
	v7 =	vmpcnt.ones.xlane vm2;
	v25 =	vld [tilespmem:s17+$0x0];
	(v2sf) =	vpush v0, $0x0;
	(xrf0) =	vadd.scan.msk.s32 $0xffff, v8  }
0x35c: {  	v8 =	vmpcnt.ones.xlane vm3;
	v22 =	vld [tilespmem:s13+$0xFFFFFFF0];
	(v2sf) =	vpush v6, $0x0;
	[tilespmem:v2+s12+$0x0] =	vst.idx.msk vm4, v5;
	v2 =	vmov s29  }
0x35d: {  	v6 =	vmov s28;
	v0 =	vld [tilespmem:s13+$0xFFFFFFE0];
	v5 =	vshra.s32 v18, $0x5;
	(v2sf) =	vpush v7, $0x0  }
0x35e: {  	v7 =	vld [tilespmem:s17+$0xFFFFFFE0];
	v9 =	vshra.s32 v13, $0x5;
	v16, _, _ =	vpop (xrf0);
	(v2sf) =	vpush v8, $0x0;
	v8 =	vmov s23  }
0x35f: {  	v11 =	vmov s22;
	v2 =	vadd.s32 $0xFFFFFFFF, v2;
	v10 =	vld [tilespmem:s17+$0xFFFFFFF0];
	v14 =	vshra.s32 v23, $0x5;
	v17, _, _ =	vpop (xrf0)  }
0x360: {  	v6 =	vadd.s32 $0xFFFFFFFF, v6;
	v8 =	vadd.s32 $0xFFFFFFFF, v8;
	v19 =	vshra.s32 v25, $0x5;
	v20, _, _ =	vpop (xrf0)  }
0x361: {  	v15 =	vadd.s32 $0xFFFFFFFF, v11;
	v2 =	vbroadcast v2, $0x0;
	v21 =	vshra.s32 v22, $0x5;
	v24, _, _ =	vpop (xrf0)  }
0x362: {  	v6 =	vbroadcast v6, $0x0;
	v26 =	vshra.s32 v0, $0x5;
	v11 =	vld.idx.msk [tilespmem:v5+s9+$0x0], $0xffff;
	v5 =	vbroadcast v8, $0x0  }
0x363: {  	v2 =	vadd.s32 v2, v4;
	v8 =	vbroadcast v15, $0x0;
	v4 =	vmovc v24;
	v27 =	vshra.s32 v7, $0x5;
	v12 =	vld.idx.msk [tilespmem:v9+s6+$0x0], $0xffff  }
0x364: {  	v6 =	vadd.s32 v6, v3;
	v24 =	vshra.s32 v10, $0x5;
	v15 =	vld.idx.msk [tilespmem:v14+s9+$0x0], $0xffff;
	v5 =	vadd.s32 v5, v1;
	v1 =	vmovc v17  }
0x365: {  	vm4 =	vlt.s32 v6, $0x3FF;
	vm8 =	vlt.s32 v2, $0x3FF;
	v3 =	vmovc v20;
	v8 =	vadd.s32 v8, v16;
	v14 =	vld.idx.msk [tilespmem:v19+s6+$0x0], $0xffff  }
0x366: {  	v28 =	vnsel vm8, $0x3FF, v2;
	vm9 =	vlt.s32 v8, $0x3FF;
	vm10 =	vlt.s32 v5, $0x3FF;
	v16 =	vld.idx.msk [tilespmem:v21+s9+$0x0], $0xffff  }
.Ltmp11:
0x367: {  	s8 =	sadd.s32 $0x40, s8;
	v2 =	vnsel vm9, $0x3FF, v8;
	v9 =	vnsel vm10, $0x3FF, v5;
	v8 =	vnsel vm4, $0x3FF, v6;
	v17 =	vld.idx.msk [tilespmem:v26+s9+$0x0], $0xffff;
	(pc) =	sbr.rel @p0 .LBB2_20-.Ltmp11, $4  }
0x368: {  	s28 =	sadd.s32 $0xFFFFFFE0, s20;
	s23 =	sadd.s32 $0xFFFFFFD0, s8;
	vm4 =	vmmov vm5;
	vm5 =	vmmov vm1;
	vm1 =	vmmov vm7;
	v20 =	vld.idx.msk [tilespmem:v27+s6+$0x0], $0xffff  }
0x369: {  	v5 =	vor.u32 s23, v30;
	v6 =	vor.u32 s28, v30;
	s23 =	sadd.s32 $0xFFFFFFF0, s20;
	v26 =	vor.u32 s20, v30;
	s20 =	smov.u32 s8;
	v21 =	vld.idx.msk [tilespmem:v24+s6+$0x0], $0xffff  }
0x36a: {  	v18 =	vand.u32 $0x1F, v18;
	v19 =	vand.u32 $0x1F, v13;
	v13 =	vor.u32 s23, v30;
	s28 =	spop (v2sf)  }
0x36b: {  	v22 =	vand.u32 $0x1F, v22;
	v24 =	vand.u32 $0x1F, v23;
	v23 =	vand.u32 $0x1F, v25;
	s23 =	sadd.s32 s22, s28;
	s22 =	spop (v2sf);
	[tilespmem:v28+s12+$0x0] =	vst.idx.msk vm6, v26  }
0x36c: {  	v0 =	vand.u32 $0x1F, v0;
	v7 =	vand.u32 $0x1F, v7;
	v10 =	vand.u32 $0x1F, v10  }
0x36d: {  	v15 =	vshrl.u32 v15, v24;
	v0 =	vshrl.u32 v17, v0;
	v7 =	vshrl.u32 v20, v7  }
0x36e: {  	v20 =	vshrl.u32 v16, v22;
	v0 =	vand.u32 v0, v7;
	v10 =	vshrl.u32 v21, v10  }
0x36f: {  	v14 =	vshrl.u32 v14, v23;
	v0 =	vand.u32 $0x1, v0;
	v7 =	vand.u32 v20, v10  }
0x370: {  	v21 =	vand.u32 v15, v14;
	vm8 =	veq.s32 v0, $0x1;
	v7 =	vand.u32 $0x1, v7  }
0x371: {  	v10 =	vand.u32 $0x1, v21;
	v22 =	vmpcnt.ones.xlane vm8;
	vm9 =	veq.s32 v7, $0x1  }
0x372: {  	vm6 =	veq.s32 v10, $0x1;
	v23 =	vmpcnt.ones.xlane vm9  }
0x373: {  	v24 =	vmpcnt.ones.xlane vm6;
	(v2sf) =	vpush v22, $0x0  }
0x374: {  	(v2sf) =	vpush v23, $0x0  }
0x375: {  	(v2sf) =	vpush v24, $0x0;
	_ =	sdelay $0x4  }
0x376: {  	s13 =	spop (v2sf);
	vm2 =	vmmov vm2;
	vm3 =	vmmov vm3;
	v25 =	vshrl.u32 v11, v18  }
0x377: {  	s17 =	sadd.s32 s23, s22;
	v26 =	vshrl.u32 v12, v19;
	v33 =	vmov s23;
	vm1 =	vmmov vm1;
	s28 =	sadd.s32 $0xFFFFFFF0, s20;
	s30 =	sadd.s32 $0xFFFFFFE0, s20  }
0x378: {  	s13 =	sadd.s32 s17, s13;
	s21 =	spop (v2sf);
	v32 =	vmov s17;
	v46 =	vor.u32 s28, v30;
	v51 =	vor.u32 s30, v30;
	(xrf0) =	vadd.scan.msk.s32 $0xffff, v0  }
0x379: {  	s21 =	sadd.s32 s13, s21;
	v27 =	vmov s13;
	v15 =	vadd.s32 $0xFFFFFFFF, v33;
	v14 =	vadd.s32 $0xFFFFFFFF, v32  }
0x37a: {  	v34 =	vmov s21;
	v12 =	vadd.s32 $0xFFFFFFFF, v27;
	v15 =	vbroadcast v15, $0x0  }
0x37b: {  	v35 =	vbroadcast v14, $0x0;
	v16 =	vadd.s32 $0xFFFFFFFF, v34;
	v0 =	vand.u32 v25, v26  }
0x37c: {  	v12 =	vbroadcast v12, $0x0;
	v36 =	vbroadcast v16, $0x0;
	v0 =	vand.u32 $0x1, v0  }
0x37d: {  	(xrf0) =	vadd.scan.msk.s32 $0xffff, v7;
	v1 =	vadd.s32 v15, v1;
	v3 =	vadd.s32 v35, v3;
	vm8 =	vmmov vm8  }
0x37e: {  	vm14 =	vmmov vm6;
	v4 =	vadd.s32 v12, v4;
	vm12 =	vlt.s32 v1, $0x3FF;
	v37, _, _ =	vpop (xrf0);
	(xrf0) =	vadd.scan.msk.s32 $0xffff, v10;
	s22 =	spop (v2sf)  }
0x37f: {  	vm13 =	vlt.s32 v3, $0x3FF;
	vm9 =	vmmov vm9;
	vm7 =	vlt.s32 v4, $0x3FF;
	(xrf0) =	vadd.scan.msk.s32 $0xffff, v0;
	s23 =	sadd.s32 s21, s22;
	s25 =	spop (v2sf)  }
0x380: {  	v1 =	vnsel vm12, $0x3FF, v1;
	v38 =	vnsel vm13, $0x3FF, v3;
	s21 =	sadd.s32 s23, s25;
	s26 =	spop (v2sf);
	v44 =	vmov s23  }
0x381: {  	v4 =	vnsel vm7, $0x3FF, v4;
	s13 =	sadd.s32 s21, s26;
	v42 =	vmov s21;
	v15 =	vadd.s32 $0xFFFFFFFF, v44  }
0x382: {  	v39 =	vmov s13;
	v12 =	vadd.s32 $0xFFFFFFFF, v42;
	v47 =	vbroadcast v15, $0x0  }
0x383: {  	v7 =	vadd.s32 v36, v37;
	v40, _, _ =	vpop (xrf0);
	v3 =	vadd.s32 $0xFFFFFFFF, v39;
	v12 =	vbroadcast v12, $0x0  }
0x384: {  	[tilespmem:v8+s12+$0x0] =	vst.idx.msk vm0, v13;
	vm10 =	vlt.s32 v7, $0x3FF;
	v43, _, _ =	vpop (xrf0);
	v3 =	vbroadcast v3, $0x0;
	v49 =	vadd.s32 v47, v40  }
0x385: {  	[tilespmem:v9+s12+$0x0] =	vst.idx.msk vm5, v6;
	v7 =	vnsel vm10, $0x3FF, v7;
	v45, _, _ =	vpop (xrf0);
	v48 =	vadd.s32 v12, v43;
	vm12 =	vlt.s32 v49, $0x3FF  }
0x386: {  	[tilespmem:v2+s12+$0x0] =	vst.idx.msk vm4, v5;
	v3 =	vadd.s32 v3, v45;
	vm11 =	vlt.s32 v48, $0x3FF;
	v52 =	vnsel vm12, $0x3FF, v49  }
0x387: {  	s8 =	sadd.s32 $0x40, s8;
	vm7 =	veq.s32 v0, $0x1;
	[tilespmem:v38+s12+$0x0] =	vst.idx.msk vm2, v46;
	vm10 =	vlt.s32 v3, $0x3FF;
	v50 =	vnsel vm11, $0x3FF, v48  }
0x388: {  	v41 =	vor.u32 s20, v30;
	s2 =	sadd.s32 $0xFFFFFFD0, s8;
	[tilespmem:v1+s12+$0x0] =	vst.idx.msk vm1, v51;
	v3 =	vnsel vm10, $0x3FF, v3  }
0x389: {  	v54 =	vor.u32 s8, v30;
	v53 =	vor.u32 s2, v30;
	[tilespmem:v4+s12+$0x0] =	vst.idx.msk vm3, v41;
	s21 =	sadd.s32 $0xFFFFFFF0, s8;
	s8 =	sadd.s32 $0xFFFFFFE0, s8  }
0x38a: {  	[tilespmem:v7+s12+$0x0] =	vst.idx.msk vm8, v53;
	v56 =	vor.u32 s8, v30  }
0x38b: {  	v55 =	vor.u32 s21, v30;
	[tilespmem:v52+s12+$0x0] =	vst.idx.msk vm9, v56  }
0x38c: {  	[tilespmem:v50+s12+$0x0] =	vst.idx.msk vm14, v55  }
0x38d: {  	[tilespmem:v3+s12+$0x0] =	vst.idx.msk vm7, v54  }
0x38e: {  	v0 =	vld [tilespmem:$0x3340]  }
0x38f: {  	v1 =	vld [tilespmem:$0x5A50];
	_ =	sdelay $0x3  }
0x390: {  	v57 =	vshra.s32 v0, $0x5  }
0x391: {  	v58 =	vshra.s32 v1, $0x5;
	_ =	sdelay $0x3  }
0x392: {  	v2 =	vld.idx.msk [tilespmem:v57+s9+$0x0], $0xffff  }
0x393: {  	v3 =	vld.idx.msk [tilespmem:v58+s6+$0x0], $0xffff;
	_ =	sdelay $0x3  }
0x394: {  	v0 =	vand.u32 $0x1F, v0;
	v1 =	vand.u32 $0x1F, v1  }
0x395: {  	v0 =	vshrl.u32 v2, v0;
	v1 =	vshrl.u32 v3, v1  }
0x396: {  	v0 =	vand.u32 v0, v1  }
0x397: {  	v0 =	vand.u32 $0x1, v0  }
0x398: {  	v59 =	vmpcnt.ones.xlane vm7;
	vm14 =	veq.s32 v0, $0x1  }
0x399: {  	v60 =	vmpcnt.ones.xlane vm14  }
0x39a: {  	(v2sf) =	vpush v59, $0x0  }
0x39b: {  	(v2sf) =	vpush v60, $0x0;
	_ =	sdelay $0xd  }
0x39c: {  	s22 =	spop (v2sf)  }
0x39d: {  	s8 =	sadd.s32 s13, s22;
	s23 =	spop (v2sf)  }
0x39e: {  	v61 =	vmov s8;
	s8 =	sadd.s32 s8, s23  }
0x39f: {  	(xrf0) =	vadd.scan.msk.s32 $0xffff, v0;
	p0 =	slt.s32 s8, $0x400  }
0x3a0: {  	p1 =	slt.s32 s8, $0xFFFFFF02;
	s8 =	simm.s32 @!p0 $0x400  }
0x3a1: {  	s25 =	sadd.s32 $0xFF, s8  }
0x3a2: {  	s26 =	sand.u32 $0xFF, s25  }
0x3a3: {  	v0 =	vadd.s32 $0xFFFFFFFF, v61;
	s28 =	sshra.s32 s25, $0x1F;
	p6 =	sne.s32 s26, $0x0  }
0x3a4: {  	v0 =	vbroadcast v0, $0x0;
	s30 =	sshrl.u32 s28, $0x18;
	p0 =	por !p1, !p6  }
0x3a5: {  	s17 =	simm.s32 $0x1;
	v62, _, _ =	vpop (xrf0);
	s13 =	sadd.s32 s30, s25;
	p0 =	por !p0, !p0  }
0x3a6: {  	vm15 =	vmmov vm7;
	v0 =	vadd.s32 v0, v62;
	s13 =	sshra.s32 s13, $0x8;
	s17 =	simm.s32 @!p0 $0x0  }
0x3a7: {  	vm15 =	vlt.s32 v0, $0x3FF;
	s29 =	ssub.s32 s13, s17  }
0x3a8: {  	v63 =	vld [tilespmem:$0x1FFF0];
	v0 =	vnsel vm15, $0x3FF, v0;
	p0 =	slt.s32 s29, $0x1  }
.Ltmp12:
0x3a9: {  	_ = 	snop;
	(pc) =	sbr.rel @p0 .LBB2_22-.Ltmp12, $2  }
0x3aa: {  	_ =	sdelay $0x2  }
0x3ab: {  	vm13 =	vmmov vm9;
	[tilespmem:v0+s12+$0x0] =	vst.idx.msk vm14, v63  }
0x3ac: {  	v0 =	vmov s8  }
0x3ad: {  	s20 =	simm.s32 $0x0;
	s13 =	simm.s32 $0x0;
	s28 =	simm.s32 $0x0;
	[tilespmem:$0x1FFA0] =	vst v0;
	v0 =	vimm.f32 $0.0e+00  }
.LBB2_24:
0x3ae: {  	s8 =	sshll.u32 s28, $0x8  }
0x3af: {  	s17 =	sadd.s32 $0xB080, s8  }
0x3b0: {  	[tilespmem:s15], [sflag:$0x3] =	stream.indirect.gather [hbm4b:s4+s14], $0x1, s17, s14, $0xb8;
	[tilespmem:$0xD990] =	vst v63  }
0x3b1: {  	_ = 	snop  }
0x3b2: {  	[tilespmem:s16], [sflag:$0x3] =	stream.indirect.gather [hbm4b:s5+s14], $0x1, s17, s14, $0xb8;
	[tilespmem:$0xD990] =	vst v63  }
0x3b3: {  	s2 =	simm.s32 $0xB680  }
0x3b4: {  	[tilespmem:s2], [sflag:$0x3] =	stream.indirect.gather [hbm4b:s3+s14], $0x1, s17, s14, $0xb8;
	[tilespmem:$0xD990] =	vst v63  }
0x3b5: {  	s8 =	sadd.s32 $0xB100, s8  }
0x3b6: {  	[tilespmem:s18], [sflag:$0x3] =	stream.indirect.gather [hbm4b:s4+s14], $0x1, s8, s14, $0xb8;
	[tilespmem:$0xD990] =	vst v63  }
0x3b7: {  	_ = 	snop  }
0x3b8: {  	[tilespmem:s19], [sflag:$0x3] =	stream.indirect.gather [hbm4b:s5+s14], $0x1, s8, s14, $0xb8;
	[tilespmem:$0xD990] =	vst v63  }
0x3b9: {  	[tilespmem:$0x1F9F0] =	vst v0;
	s26 =	simm.s32 $0xB700  }
0x3ba: {  	[tilespmem:s26], [sflag:$0x3] =	stream.indirect.gather [hbm4b:s3+s14], $0x1, s8, s14, $0xb8;
	[tilespmem:$0xD990] =	vst v63  }
0x3bb: {  	_ =	swait.ge [sflag:s31], $0x80  }
0x3bc: {  	[sflag:s31] =	ssyncset.done $0x0  }
0x3bd: {  	[sflag:s31] =	ssyncadd.s32 $0xFFFFFF80  }
0x3be: {  	_ =	swait.ge [sflag:s31], $0x80  }
0x3bf: {  	[sflag:s31] =	ssyncset.done $0x0  }
0x3c0: {  	[sflag:s31] =	ssyncadd.s32 $0xFFFFFF80  }
0x3c1: {  	_ =	swait.ge [sflag:s31], $0x80  }
0x3c2: {  	[sflag:s31] =	ssyncset.done $0x0  }
0x3c3: {  	[sflag:s31] =	ssyncadd.s32 $0xFFFFFF80  }
0x3c4: {  	_ =	swait.ge [sflag:s31], $0x80  }
0x3c5: {  	[sflag:s31] =	ssyncset.done $0x0  }
0x3c6: {  	[sflag:s31] =	ssyncadd.s32 $0xFFFFFF80  }
0x3c7: {  	_ =	swait.ge [sflag:s31], $0x80  }
0x3c8: {  	[sflag:s31] =	ssyncset.done $0x0  }
0x3c9: {  	[sflag:s31] =	ssyncadd.s32 $0xFFFFFF80  }
0x3ca: {  	_ =	swait.ge [sflag:s31], $0x80  }
0x3cb: {  	[sflag:s31] =	ssyncset.done $0x0  }
0x3cc: {  	s8 =	simm.s32 $0xB780;
	[sflag:s31] =	ssyncadd.s32 $0xFFFFFF80  }
0x3cd: {  	[tilespmem:s8], [sflag:$0x3] =	stream.indirect.gather [hbm4b:s0+s14], $0x1, s15, s14, $0xb8;
	[tilespmem:$0xD990] =	vst v63  }
0x3ce: {  	s17 =	simm.s32 $0xB880  }
0x3cf: {  	[tilespmem:s17], [sflag:$0x3] =	stream.indirect.gather [hbm4b:s1+s14], $0x1, s16, s14, $0xb8;
	[tilespmem:$0xD990] =	vst v63  }
0x3d0: {  	_ = 	snop  }
0x3d1: {  	[tilespmem:s24], [sflag:$0x3] =	stream.indirect.gather [hbm4b:s10+s14], $0x10, s15, s14, $0xb8;
	[tilespmem:$0xD990] =	vst v63  }
0x3d2: {  	_ = 	snop  }
0x3d3: {  	[tilespmem:s7], [sflag:$0x3] =	stream.indirect.gather [hbm4b:s11+s14], $0x10, s16, s14, $0xb8;
	[tilespmem:$0xD990] =	vst v63  }
0x3d4: {  	s21 =	simm.s32 $0xB800  }
0x3d5: {  	[tilespmem:s21], [sflag:$0x3] =	stream.indirect.gather [hbm4b:s0+s14], $0x1, s18, s14, $0xb8;
	[tilespmem:$0xD990] =	vst v63  }
0x3d6: {  	s22 =	simm.s32 $0xB900  }
0x3d7: {  	[tilespmem:s22], [sflag:$0x3] =	stream.indirect.gather [hbm4b:s1+s14], $0x1, s19, s14, $0xb8;
	[tilespmem:$0xD990] =	vst v63  }
0x3d8: {  	s23 =	simm.s32 $0xC180  }
0x3d9: {  	[tilespmem:s23], [sflag:$0x3] =	stream.indirect.gather [hbm4b:s10+s14], $0x10, s18, s14, $0xb8;
	[tilespmem:$0xD990] =	vst v63  }
0x3da: {  	s25 =	simm.s32 $0xD180  }
0x3db: {  	[tilespmem:s25], [sflag:$0x3] =	stream.indirect.gather [hbm4b:s11+s14], $0x10, s19, s14, $0xb8;
	[tilespmem:$0xD990] =	vst v63  }
0x3dc: {  	_ =	swait.ge [sflag:s31], $0x80  }
0x3dd: {  	[sflag:s31] =	ssyncset.done $0x0  }
0x3de: {  	[sflag:s31] =	ssyncadd.s32 $0xFFFFFF80  }
0x3df: {  	_ =	swait.ge [sflag:s31], $0x80  }
0x3e0: {  	[sflag:s31] =	ssyncset.done $0x0  }
0x3e1: {  	[sflag:s31] =	ssyncadd.s32 $0xFFFFFF80  }
0x3e2: {  	_ =	swait.ge [sflag:s31], $0x800  }
0x3e3: {  	[sflag:s31] =	ssyncset.done $0x0  }
0x3e4: {  	[sflag:s31] =	ssyncadd.s32 $0xFFFFF800  }
0x3e5: {  	_ =	swait.ge [sflag:s31], $0x800  }
0x3e6: {  	[sflag:s31] =	ssyncset.done $0x0  }
0x3e7: {  	[sflag:s31] =	ssyncadd.s32 $0xFFFFF800  }
0x3e8: {  	_ =	swait.ge [sflag:s31], $0x80  }
0x3e9: {  	[sflag:s31] =	ssyncset.done $0x0  }
0x3ea: {  	[sflag:s31] =	ssyncadd.s32 $0xFFFFFF80  }
0x3eb: {  	_ =	swait.ge [sflag:s31], $0x80  }
0x3ec: {  	[sflag:s31] =	ssyncset.done $0x0  }
0x3ed: {  	v26 =	vmul.u32 $0x10, v30;
	v0 =	vmov s20;
	[sflag:s31] =	ssyncadd.s32 $0xFFFFFF80  }
0x3ee: {  	v0 =	vshll.u32 v0, $0x4;
	_ =	swait.ge [sflag:s31], $0x800  }
0x3ef: {  	v0 =	vor.u32 v26, v0;
	[sflag:s31] =	ssyncset.done $0x0  }
0x3f0: {  	[sflag:s31] =	ssyncadd.s32 $0xFFFFF800  }
0x3f1: {  	v1 =	vor.u32 $0xF, v0;
	_ =	swait.ge [sflag:s31], $0x800  }
0x3f2: {  	[sflag:s31] =	ssyncset.done $0x0  }
0x3f3: {  	v2 =	vor.u32 $0xE, v0;
	[sflag:s31] =	ssyncadd.s32 $0xFFFFF800  }
0x3f4: {  	v7 =	vld.idx.msk [tilespmem:v0+s24+$0x0], $0xffff  }
0x3f5: {  	v9 =	vor.u32 $0xD, v0;
	v12 =	vld.idx.msk [tilespmem:v0+s7+$0x0], $0xffff  }
0x3f6: {  	v8 =	vld.idx.msk [tilespmem:v1+s24+$0x0], $0xffff  }
0x3f7: {  	v13 =	vld.idx.msk [tilespmem:v1+s7+$0x0], $0xffff;
	v1 =	vor.u32 $0xB, v0  }
0x3f8: {  	v15 =	vld.idx.msk [tilespmem:v2+s24+$0x0], $0xffff  }
0x3f9: {  	v20 =	vld.idx.msk [tilespmem:v2+s7+$0x0], $0xffff;
	v2 =	vor.u32 $0xA, v0  }
0x3fa: {  	v14 =	vld.idx.msk [tilespmem:v9+s24+$0x0], $0xffff  }
0x3fb: {  	v18 =	vor.u32 $0x8, v0;
	v16 =	vld.idx.msk [tilespmem:v9+s7+$0x0], $0xffff  }
0x3fc: {  	v19 =	vld.idx.msk [tilespmem:v1+s24+$0x0], $0xffff  }
0x3fd: {  	v22 =	vld.idx.msk [tilespmem:v1+s7+$0x0], $0xffff;
	v1 =	vor.u32 $0x7, v0  }
0x3fe: {  	v27 =	vld.idx.msk [tilespmem:v2+s24+$0x0], $0xffff  }
0x3ff: {  	v31 =	vld.idx.msk [tilespmem:v2+s7+$0x0], $0xffff;
	v2 =	vor.u32 $0x6, v0  }
0x400: {  	v10 =	vor.u32 $0xC, v0;
	v32 =	vld.idx.msk [tilespmem:v18+s24+$0x0], $0xffff  }
0x401: {  	v48 =	vld.idx.msk [tilespmem:v18+s7+$0x0], $0xffff  }
0x402: {  	v17 =	vor.u32 $0x9, v0;
	v18 =	vld.idx.msk [tilespmem:v1+s24+$0x0], $0xffff  }
0x403: {  	v33 =	vld.idx.msk [tilespmem:v1+s7+$0x0], $0xffff  }
0x404: {  	v1 =	vld.idx.msk [tilespmem:v2+s7+$0x0], $0xffff  }
0x405: {  	v28 =	vor.u32 $0x4, v0;
	v21 =	vld.idx.msk [tilespmem:v10+s24+$0x0], $0xffff  }
0x406: {  	v24 =	vld.idx.msk [tilespmem:v10+s7+$0x0], $0xffff  }
0x407: {  	v23 =	vld.idx.msk [tilespmem:v17+s24+$0x0], $0xffff  }
0x408: {  	v17 =	vld.idx.msk [tilespmem:v17+s7+$0x0], $0xffff  }
0x409: {  	v25 =	vor.u32 $0x5, v0;
	v58 =	vld.idx.msk [tilespmem:v2+s24+$0x0], $0xffff;
	[tilespmem:$0x1F570] =	vst v1  }
0x40a: {  	v3 =	vld.idx.msk [tilespmem:v28+s24+$0x0], $0xffff  }
0x40b: {  	v1 =	vor.u32 $0x3, v0;
	_ =	sdelay $0x2  }
0x40c: {  	v44 =	vld.idx.msk [tilespmem:v25+s24+$0x0], $0xffff  }
0x40d: {  	v25 =	vld.idx.msk [tilespmem:v25+s7+$0x0], $0xffff;
	[tilespmem:$0x1F580] =	vst v3  }
0x40e: {  	v34 =	vor.u32 $0x1, v0;
	v2 =	vor.u32 $0x2, v0;
	v0 =	vld.idx.msk [tilespmem:v1+s7+$0x0], $0xffff;
	_ =	sdelay $0x1  }
0x40f: {  	s26 =	simm.s32 $0x30  }
0x410: {  	v29 =	vmov s26  }
0x411: {  	v29 =	vshll.u32 v29, $0x4;
	v28 =	vld.idx.msk [tilespmem:v28+s7+$0x0], $0xffff  }
0x412: {  	v4 =	vor.u32 v26, v29;
	v29 =	vld.idx.msk [tilespmem:v1+s24+$0x0], $0xffff;
	[tilespmem:$0x1F590] =	vst v0  }
0x413: {  	v0 =	vld.idx.msk [tilespmem:v2+s7+$0x0], $0xffff;
	_ =	sdelay $0x1  }
0x414: {  	s2 =	simm.s32 $0x20  }
0x415: {  	v30 =	vmov s2  }
0x416: {  	v30 =	vshll.u32 v30, $0x4  }
0x417: {  	v6 =	vor.u32 v26, v30;
	v30 =	vld.idx.msk [tilespmem:v2+s24+$0x0], $0xffff;
	[tilespmem:$0x1F5A0] =	vst v0  }
0x418: {  	v0 =	vld.idx.msk [tilespmem:v34+s24+$0x0], $0xffff;
	_ =	sdelay $0x4  }
0x419: {  	[tilespmem:$0x1F5B0] =	vst v0  }
0x41a: {  	v0 =	vld.idx.msk [tilespmem:v34+s7+$0x0], $0xffff  }
0x41b: {  	v36 =	vor.u32 $0xF, v4;
	_ =	sdelay $0x3  }
0x41c: {  	[tilespmem:$0x1F5C0] =	vst v0  }
0x41d: {  	v0 =	vld.idx.msk [tilespmem:v36+s24+$0x0], $0xffff  }
0x41e: {  	v37 =	vor.u32 $0xF, v6;
	_ =	sdelay $0x3  }
0x41f: {  	[tilespmem:$0x1F5F0] =	vst v0  }
0x420: {  	v0 =	vld.idx.msk [tilespmem:v37+s24+$0x0], $0xffff;
	_ =	sdelay $0x4  }
0x421: {  	v36 =	vld.idx.msk [tilespmem:v36+s7+$0x0], $0xffff;
	[tilespmem:$0x1F5D0] =	vst v0  }
0x422: {  	v0 =	vld.idx.msk [tilespmem:v37+s7+$0x0], $0xffff  }
0x423: {  	v38 =	vor.u32 $0xE, v4;
	_ =	sdelay $0x3  }
0x424: {  	[tilespmem:$0x1F5E0] =	vst v0  }
0x425: {  	v0 =	vld.idx.msk [tilespmem:v38+s24+$0x0], $0xffff;
	_ =	sdelay $0x2  }
0x426: {  	s17 =	simm.s32 $0x10  }
0x427: {  	v2 =	vmov s17  }
0x428: {  	v2 =	vshll.u32 v2, $0x4;
	[tilespmem:$0x1F620] =	vst v0  }
0x429: {  	v5 =	vor.u32 v26, v2;
	v0 =	vld.idx.msk [tilespmem:v38+s7+$0x0], $0xffff  }
0x42a: {  	v39 =	vor.u32 $0xF, v5;
	_ =	sdelay $0x3  }
0x42b: {  	[tilespmem:$0x1F630] =	vst v0  }
0x42c: {  	v0 =	vld.idx.msk [tilespmem:v39+s24+$0x0], $0xffff;
	_ =	sdelay $0x4  }
0x42d: {  	[tilespmem:$0x1F600] =	vst v0  }
0x42e: {  	v0 =	vld.idx.msk [tilespmem:v39+s7+$0x0], $0xffff  }
0x42f: {  	v41 =	vor.u32 $0xE, v6;
	_ =	sdelay $0x3  }
0x430: {  	[tilespmem:$0x1F610] =	vst v0  }
0x431: {  	v0 =	vld.idx.msk [tilespmem:v41+s24+$0x0], $0xffff;
	_ =	sdelay $0x4  }
0x432: {  	[tilespmem:$0x1F640] =	vst v0  }
0x433: {  	v0 =	vld.idx.msk [tilespmem:v41+s7+$0x0], $0xffff  }
0x434: {  	v43 =	vor.u32 $0xD, v4;
	_ =	sdelay $0x3  }
0x435: {  	[tilespmem:$0x1F650] =	vst v0  }
0x436: {  	v0 =	vld.idx.msk [tilespmem:v43+s24+$0x0], $0xffff;
	_ =	sdelay $0x4  }
0x437: {  	[tilespmem:$0x1F660] =	vst v0  }
0x438: {  	v0 =	vld.idx.msk [tilespmem:v43+s7+$0x0], $0xffff  }
0x439: {  	v45 =	vor.u32 $0xE, v5;
	_ =	sdelay $0x3  }
0x43a: {  	[tilespmem:$0x1F670] =	vst v0  }
0x43b: {  	v0 =	vld.idx.msk [tilespmem:v45+s24+$0x0], $0xffff;
	_ =	sdelay $0x4  }
0x43c: {  	[tilespmem:$0x1F680] =	vst v0  }
0x43d: {  	v0 =	vld.idx.msk [tilespmem:v45+s7+$0x0], $0xffff  }
0x43e: {  	v47 =	vor.u32 $0xD, v6;
	_ =	sdelay $0x3  }
0x43f: {  	[tilespmem:$0x1F690] =	vst v0  }
0x440: {  	v0 =	vld.idx.msk [tilespmem:v47+s24+$0x0], $0xffff;
	_ =	sdelay $0x4  }
0x441: {  	[tilespmem:$0x1F6A0] =	vst v0  }
0x442: {  	v0 =	vld.idx.msk [tilespmem:v47+s7+$0x0], $0xffff  }
0x443: {  	v49 =	vor.u32 $0xC, v4;
	_ =	sdelay $0x3  }
0x444: {  	[tilespmem:$0x1F6B0] =	vst v0  }
0x445: {  	v0 =	vld.idx.msk [tilespmem:v49+s24+$0x0], $0xffff;
	_ =	sdelay $0x4  }
0x446: {  	[tilespmem:$0x1F6E0] =	vst v0  }
0x447: {  	v0 =	vld.idx.msk [tilespmem:v49+s7+$0x0], $0xffff  }
0x448: {  	v51 =	vor.u32 $0xD, v5;
	_ =	sdelay $0x3  }
0x449: {  	[tilespmem:$0x1F6F0] =	vst v0  }
0x44a: {  	v0 =	vld.idx.msk [tilespmem:v51+s24+$0x0], $0xffff;
	_ =	sdelay $0x4  }
0x44b: {  	[tilespmem:$0x1F6C0] =	vst v0  }
0x44c: {  	v0 =	vld.idx.msk [tilespmem:v51+s7+$0x0], $0xffff  }
0x44d: {  	v53 =	vor.u32 $0xC, v6;
	_ =	sdelay $0x3  }
0x44e: {  	[tilespmem:$0x1F6D0] =	vst v0  }
0x44f: {  	v0 =	vld.idx.msk [tilespmem:v53+s24+$0x0], $0xffff;
	_ =	sdelay $0x4  }
0x450: {  	[tilespmem:$0x1F700] =	vst v0  }
0x451: {  	v0 =	vld.idx.msk [tilespmem:v53+s7+$0x0], $0xffff  }
0x452: {  	v55 =	vor.u32 $0xB, v4;
	_ =	sdelay $0x3  }
0x453: {  	[tilespmem:$0x1F710] =	vst v0  }
0x454: {  	v0 =	vld.idx.msk [tilespmem:v55+s24+$0x0], $0xffff;
	_ =	sdelay $0x4  }
0x455: {  	[tilespmem:$0x1F720] =	vst v0  }
0x456: {  	v0 =	vld.idx.msk [tilespmem:v55+s7+$0x0], $0xffff  }
0x457: {  	v57 =	vor.u32 $0xC, v5;
	_ =	sdelay $0x3  }
0x458: {  	[tilespmem:$0x1F730] =	vst v0  }
0x459: {  	v0 =	vld.idx.msk [tilespmem:v57+s24+$0x0], $0xffff;
	_ =	sdelay $0x4  }
0x45a: {  	[tilespmem:$0x1F740] =	vst v0  }
0x45b: {  	v0 =	vld.idx.msk [tilespmem:v57+s7+$0x0], $0xffff  }
0x45c: {  	v59 =	vor.u32 $0xB, v6;
	_ =	sdelay $0x3  }
0x45d: {  	[tilespmem:$0x1F750] =	vst v0  }
0x45e: {  	v0 =	vld.idx.msk [tilespmem:v59+s24+$0x0], $0xffff;
	_ =	sdelay $0x4  }
0x45f: {  	[tilespmem:$0x1F760] =	vst v0  }
0x460: {  	v0 =	vld.idx.msk [tilespmem:v59+s7+$0x0], $0xffff  }
0x461: {  	v56 =	vor.u32 $0xA, v4;
	_ =	sdelay $0x3  }
0x462: {  	[tilespmem:$0x1F770] =	vst v0  }
0x463: {  	v0 =	vld.idx.msk [tilespmem:v56+s24+$0x0], $0xffff;
	_ =	sdelay $0x4  }
0x464: {  	[tilespmem:$0x1F7A0] =	vst v0  }
0x465: {  	v0 =	vld.idx.msk [tilespmem:v56+s7+$0x0], $0xffff  }
0x466: {  	v63 =	vor.u32 $0xB, v5;
	_ =	sdelay $0x3  }
0x467: {  	[tilespmem:$0x1F7B0] =	vst v0  }
0x468: {  	v0 =	vld.idx.msk [tilespmem:v63+s24+$0x0], $0xffff;
	_ =	sdelay $0x4  }
0x469: {  	[tilespmem:$0x1F780] =	vst v0  }
0x46a: {  	v0 =	vld.idx.msk [tilespmem:v63+s7+$0x0], $0xffff  }
0x46b: {  	v1 =	vor.u32 $0xA, v6;
	_ =	sdelay $0x3  }
0x46c: {  	[tilespmem:$0x1F790] =	vst v0  }
0x46d: {  	v0 =	vld.idx.msk [tilespmem:v1+s24+$0x0], $0xffff;
	_ =	sdelay $0x4  }
0x46e: {  	[tilespmem:$0x1F7C0] =	vst v0  }
0x46f: {  	v0 =	vld.idx.msk [tilespmem:v1+s7+$0x0], $0xffff  }
0x470: {  	v2 =	vor.u32 $0x9, v4;
	_ =	sdelay $0x3  }
0x471: {  	[tilespmem:$0x1F7D0] =	vst v0  }
0x472: {  	v0 =	vld.idx.msk [tilespmem:v2+s24+$0x0], $0xffff;
	_ =	sdelay $0x4  }
0x473: {  	[tilespmem:$0x1F7E0] =	vst v0  }
0x474: {  	v0 =	vld.idx.msk [tilespmem:v2+s7+$0x0], $0xffff  }
0x475: {  	v3 =	vor.u32 $0xA, v5;
	_ =	sdelay $0x3  }
0x476: {  	[tilespmem:$0x1F7F0] =	vst v0  }
0x477: {  	v0 =	vld.idx.msk [tilespmem:v3+s24+$0x0], $0xffff;
	_ =	sdelay $0x4  }
0x478: {  	[tilespmem:$0x1F800] =	vst v0  }
0x479: {  	v0 =	vld.idx.msk [tilespmem:v3+s7+$0x0], $0xffff  }
0x47a: {  	v1 =	vor.u32 $0x9, v6;
	_ =	sdelay $0x3  }
0x47b: {  	[tilespmem:$0x1F810] =	vst v0  }
0x47c: {  	v0 =	vld.idx.msk [tilespmem:v1+s24+$0x0], $0xffff;
	_ =	sdelay $0x4  }
0x47d: {  	[tilespmem:$0x1F820] =	vst v0  }
0x47e: {  	v0 =	vld.idx.msk [tilespmem:v1+s7+$0x0], $0xffff  }
0x47f: {  	v2 =	vor.u32 $0x8, v4;
	_ =	sdelay $0x3  }
0x480: {  	[tilespmem:$0x1F830] =	vst v0  }
0x481: {  	v0 =	vld.idx.msk [tilespmem:v2+s24+$0x0], $0xffff;
	_ =	sdelay $0x4  }
0x482: {  	[tilespmem:$0x1F840] =	vst v0  }
0x483: {  	v0 =	vld.idx.msk [tilespmem:v2+s7+$0x0], $0xffff  }
0x484: {  	v1 =	vor.u32 $0x8, v6;
	_ =	sdelay $0x3  }
0x485: {  	v3 =	vor.u32 $0x9, v5;
	[tilespmem:$0x1F850] =	vst v0  }
0x486: {  	v0 =	vld.idx.msk [tilespmem:v1+s24+$0x0], $0xffff;
	_ =	sdelay $0x3  }
0x487: {  	v61 =	vld.idx.msk [tilespmem:v3+s24+$0x0], $0xffff  }
0x488: {  	v60 =	vld.idx.msk [tilespmem:v3+s7+$0x0], $0xffff;
	[tilespmem:$0x1F860] =	vst v0  }
0x489: {  	v0 =	vld.idx.msk [tilespmem:v1+s7+$0x0], $0xffff  }
0x48a: {  	v2 =	vor.u32 $0x7, v4;
	_ =	sdelay $0x1  }
0x48b: {  	v3 =	vor.u32 $0x8, v5;
	_ =	sdelay $0x1  }
0x48c: {  	v1 =	vor.u32 $0x7, v6;
	[tilespmem:$0x1F870] =	vst v0  }
0x48d: {  	v62 =	vld.idx.msk [tilespmem:v2+s24+$0x0], $0xffff  }
0x48e: {  	v56 =	vld.idx.msk [tilespmem:v2+s7+$0x0], $0xffff  }
0x48f: {  	v59 =	vld.idx.msk [tilespmem:v3+s24+$0x0], $0xffff  }
0x490: {  	v54 =	vld.idx.msk [tilespmem:v3+s7+$0x0], $0xffff  }
0x491: {  	v0 =	vor.u32 $0x6, v6;
	v51 =	vld.idx.msk [tilespmem:v1+s24+$0x0], $0xffff  }
0x492: {  	v50 =	vld.idx.msk [tilespmem:v1+s7+$0x0], $0xffff  }
0x493: {  	v2 =	vor.u32 $0x6, v4;
	v11 =	vld.idx.msk [tilespmem:v4+s24+$0x0], $0xffff  }
0x494: {  	v9 =	vld.idx.msk [tilespmem:v4+s7+$0x0], $0xffff  }
0x495: {  	v3 =	vor.u32 $0x7, v5;
	v10 =	vld.idx.msk [tilespmem:v6+s24+$0x0], $0xffff  }
0x496: {  	v46 =	vld.idx.msk [tilespmem:v0+s24+$0x0], $0xffff  }
0x497: {  	v1 =	vor.u32 $0x6, v5;
	v42 =	vld.idx.msk [tilespmem:v0+s7+$0x0], $0xffff  }
0x498: {  	v52 =	vld.idx.msk [tilespmem:v2+s24+$0x0], $0xffff  }
0x499: {  	v0 =	vor.u32 $0x5, v6;
	v49 =	vld.idx.msk [tilespmem:v2+s7+$0x0], $0xffff  }
0x49a: {  	v43 =	vld.idx.msk [tilespmem:v3+s24+$0x0], $0xffff  }
0x49b: {  	v2 =	vor.u32 $0x5, v4;
	v41 =	vld.idx.msk [tilespmem:v3+s7+$0x0], $0xffff  }
0x49c: {  	v40 =	vld.idx.msk [tilespmem:v1+s24+$0x0], $0xffff  }
0x49d: {  	v37 =	vld.idx.msk [tilespmem:v1+s7+$0x0], $0xffff  }
0x49e: {  	v39 =	vld.idx.msk [tilespmem:v0+s24+$0x0], $0xffff  }
0x49f: {  	v1 =	vsub.f32 v15, v20;
	v34 =	vld.idx.msk [tilespmem:v0+s7+$0x0], $0xffff  }
0x4a0: {  	v38 =	vld.idx.msk [tilespmem:v2+s24+$0x0], $0xffff  }
0x4a1: {  	v35 =	vld.idx.msk [tilespmem:v2+s7+$0x0], $0xffff;
	[tilespmem:$0x1F880] =	vst v1;
	v1 =	vsub.f32 v8, v13  }
0x4a2: {  	v2 =	vsub.f32 v21, v24  }
0x4a3: {  	[tilespmem:$0x1F890] =	vst v1  }
0x4a4: {  	v8 =	vld.idx.msk [tilespmem:v6+s7+$0x0], $0xffff;
	[tilespmem:$0x1F8A0] =	vst v2;
	v2 =	vsub.f32 v14, v16;
	_ =	sdelay $0x1  }
0x4a5: {  	[tilespmem:$0x1F8B0] =	vst v2;
	v2 =	vsub.f32 v27, v31;
	_ =	sdelay $0x1  }
0x4a6: {  	v55 =	vsub.f32 v7, v12;
	v7 =	vld.idx.msk [tilespmem:v5+s24+$0x0], $0xffff;
	[tilespmem:$0x1F8C0] =	vst v2;
	v2 =	vsub.f32 v19, v22  }
0x4a7: {  	v12 =	vsub.f32 v32, v48  }
0x4a8: {  	[tilespmem:$0x1F8D0] =	vst v2  }
0x4a9: {  	v3 =	vld.idx.msk [tilespmem:v5+s7+$0x0], $0xffff;
	[tilespmem:$0x1F8E0] =	vst v12;
	v12 =	vsub.f32 v23, v17;
	_ =	sdelay $0x1  }
0x4aa: {  	[tilespmem:$0x1F8F0] =	vst v12;
	v12 =	vld [tilespmem:$0x1F570];
	_ =	sdelay $0x1  }
0x4ab: {  	v0 =	vor.u32 $0x4, v4;
	_ =	sdelay $0x2  }
0x4ac: {  	v12 =	vsub.f32 v58, v12;
	_ =	sdelay $0x1  }
0x4ad: {  	v22 =	vld.idx.msk [tilespmem:v0+s24+$0x0], $0xffff;
	[tilespmem:$0x1F900] =	vst v12;
	v12 =	vsub.f32 v18, v33;
	_ =	sdelay $0x1  }
0x4ae: {  	[tilespmem:$0x1F910] =	vst v12;
	v12 =	vld [tilespmem:$0x1F580];
	_ =	sdelay $0x4  }
0x4af: {  	v12 =	vsub.f32 v12, v28;
	_ =	sdelay $0x1  }
0x4b0: {  	v21 =	vld.idx.msk [tilespmem:v0+s7+$0x0], $0xffff;
	[tilespmem:$0x1F920] =	vst v12;
	v12 =	vsub.f32 v44, v25;
	_ =	sdelay $0x1  }
0x4b1: {  	[tilespmem:$0x1F930] =	vst v12;
	v12 =	vld [tilespmem:$0x1F590]  }
0x4b2: {  	v1 =	vor.u32 $0x5, v5;
	_ =	sdelay $0x2  }
0x4b3: {  	v9 =	vsub.f32 v11, v9  }
0x4b4: {  	v12 =	vsub.f32 v29, v12  }
0x4b5: {  	v19 =	vld.idx.msk [tilespmem:v1+s24+$0x0], $0xffff;
	[tilespmem:$0x1F950] =	vst v9  }
0x4b6: {  	[tilespmem:$0x1F940] =	vst v12  }
0x4b7: {  	v18 =	vld.idx.msk [tilespmem:v1+s7+$0x0], $0xffff  }
0x4b8: {  	v1 =	vld [tilespmem:$0x1F5A0];
	_ =	sdelay $0x3  }
0x4b9: {  	v2 =	vor.u32 $0x4, v6  }
0x4ba: {  	v23 =	vsub.f32 v30, v1;
	v1 =	vsub.f32 v10, v8  }
0x4bb: {  	v8 =	vld [tilespmem:$0x1F5C0]  }
0x4bc: {  	[tilespmem:$0x1F960] =	vst v1;
	v1 =	vld [tilespmem:$0x1F5B0];
	_ =	sdelay $0x1  }
0x4bd: {  	v17 =	vld.idx.msk [tilespmem:v2+s24+$0x0], $0xffff  }
0x4be: {  	v16 =	vld.idx.msk [tilespmem:v2+s7+$0x0], $0xffff  }
0x4bf: {  	v2 =	vld [tilespmem:$0x1F5E0]  }
0x4c0: {  	v20 =	vsub.f32 v1, v8;
	v1 =	vld [tilespmem:$0x1F5D0];
	_ =	sdelay $0x4  }
0x4c1: {  	v47 =	vsub.f32 v1, v2;
	v1 =	vld [tilespmem:$0x1F5F0];
	_ =	sdelay $0x3  }
0x4c2: {  	v2 =	vld [tilespmem:$0x1F610]  }
0x4c3: {  	v57 =	vsub.f32 v1, v36;
	v1 =	vld [tilespmem:$0x1F600];
	_ =	sdelay $0x2  }
0x4c4: {  	v0 =	vor.u32 $0x3, v4;
	_ =	sdelay $0x1  }
0x4c5: {  	v45 =	vsub.f32 v1, v2;
	v1 =	vld [tilespmem:$0x1F620]  }
0x4c6: {  	v2 =	vld [tilespmem:$0x1F630];
	_ =	sdelay $0x1  }
0x4c7: {  	v15 =	vld.idx.msk [tilespmem:v0+s24+$0x0], $0xffff  }
0x4c8: {  	v14 =	vld.idx.msk [tilespmem:v0+s7+$0x0], $0xffff  }
0x4c9: {  	v0 =	vld [tilespmem:$0x1F640]  }
0x4ca: {  	v48 =	vsub.f32 v1, v2;
	v2 =	vld [tilespmem:$0x1F650];
	_ =	sdelay $0x4  }
0x4cb: {  	v44 =	vsub.f32 v0, v2;
	v0 =	vld [tilespmem:$0x1F660]  }
0x4cc: {  	v2 =	vld [tilespmem:$0x1F670];
	_ =	sdelay $0x4  }
0x4cd: {  	v0 =	vsub.f32 v0, v2  }
0x4ce: {  	v2 =	vld [tilespmem:$0x1F690]  }
0x4cf: {  	v11 =	vor.u32 $0x4, v5;
	[tilespmem:$0x1F9D0] =	vst v0;
	v0 =	vld [tilespmem:$0x1F680];
	_ =	sdelay $0x4  }
0x4d0: {  	v13 =	vld.idx.msk [tilespmem:v11+s24+$0x0], $0xffff;
	v0 =	vsub.f32 v0, v2  }
0x4d1: {  	v2 =	vld [tilespmem:$0x1F6B0]  }
0x4d2: {  	[tilespmem:$0x1F9C0] =	vst v0;
	v0 =	vld [tilespmem:$0x1F6A0];
	_ =	sdelay $0x3  }
0x4d3: {  	v53 =	vsub.f32 v7, v3;
	v3 =	vld [tilespmem:$0x1F6D0]  }
0x4d4: {  	v36 =	vsub.f32 v0, v2;
	v2 =	vld [tilespmem:$0x1F6C0];
	_ =	sdelay $0x4  }
0x4d5: {  	v12 =	vld.idx.msk [tilespmem:v11+s7+$0x0], $0xffff;
	v2 =	vsub.f32 v2, v3  }
0x4d6: {  	v3 =	vld [tilespmem:$0x1F6F0]  }
0x4d7: {  	[tilespmem:$0x1F990] =	vst v2;
	v2 =	vld [tilespmem:$0x1F6E0];
	_ =	sdelay $0x4  }
0x4d8: {  	v2 =	vsub.f32 v2, v3  }
0x4d9: {  	v3 =	vld [tilespmem:$0x1F710]  }
0x4da: {  	[tilespmem:$0x1F9A0] =	vst v2;
	v2 =	vld [tilespmem:$0x1F700];
	_ =	sdelay $0x4  }
0x4db: {  	v33 =	vsub.f32 v2, v3;
	v2 =	vld [tilespmem:$0x1F720]  }
0x4dc: {  	v3 =	vld [tilespmem:$0x1F730]  }
0x4dd: {  	v7 =	vor.u32 $0x3, v6;
	_ =	sdelay $0x3  }
0x4de: {  	v2 =	vsub.f32 v2, v3  }
0x4df: {  	v11 =	vld.idx.msk [tilespmem:v7+s24+$0x0], $0xffff  }
0x4e0: {  	v3 =	vld [tilespmem:$0x1F740];
	[tilespmem:$0x1F980] =	vst v2  }
0x4e1: {  	v9 =	vld.idx.msk [tilespmem:v7+s7+$0x0], $0xffff  }
0x4e2: {  	v7 =	vld [tilespmem:$0x1F750];
	_ =	sdelay $0x4  }
0x4e3: {  	v32 =	vsub.f32 v3, v7;
	v3 =	vld [tilespmem:$0x1F760]  }
0x4e4: {  	v7 =	vld [tilespmem:$0x1F770];
	_ =	sdelay $0x4  }
0x4e5: {  	v31 =	vsub.f32 v3, v7;
	v3 =	vld [tilespmem:$0x1F780]  }
0x4e6: {  	v7 =	vld [tilespmem:$0x1F790];
	_ =	sdelay $0x2  }
0x4e7: {  	v1 =	vor.u32 $0x2, v4;
	_ =	sdelay $0x1  }
0x4e8: {  	v29 =	vsub.f32 v3, v7;
	v3 =	vld [tilespmem:$0x1F7A0]  }
0x4e9: {  	v7 =	vld [tilespmem:$0x1F7B0];
	_ =	sdelay $0x1  }
0x4ea: {  	v10 =	vld.idx.msk [tilespmem:v1+s24+$0x0], $0xffff  }
0x4eb: {  	v8 =	vld.idx.msk [tilespmem:v1+s7+$0x0], $0xffff  }
0x4ec: {  	v1 =	vld [tilespmem:$0x1F7C0]  }
0x4ed: {  	v30 =	vsub.f32 v3, v7;
	v3 =	vld [tilespmem:$0x1F7D0];
	_ =	sdelay $0x4  }
0x4ee: {  	v28 =	vsub.f32 v1, v3;
	v1 =	vld [tilespmem:$0x1F7E0]  }
0x4ef: {  	v3 =	vld [tilespmem:$0x1F7F0];
	_ =	sdelay $0x4  }
0x4f0: {  	v27 =	vsub.f32 v1, v3;
	v1 =	vld [tilespmem:$0x1F800]  }
0x4f1: {  	v3 =	vld [tilespmem:$0x1F810];
	_ =	sdelay $0x4  }
0x4f2: {  	v0 =	vor.u32 $0x3, v5;
	v24 =	vsub.f32 v1, v3;
	v1 =	vld [tilespmem:$0x1F820]  }
0x4f3: {  	v3 =	vld [tilespmem:$0x1F830];
	_ =	sdelay $0x3  }
0x4f4: {  	v7 =	vld.idx.msk [tilespmem:v0+s24+$0x0], $0xffff  }
0x4f5: {  	v25 =	vsub.f32 v1, v3;
	v1 =	vld.idx.msk [tilespmem:v0+s7+$0x0], $0xffff;
	v0 =	vor.u32 $0x2, v5;
	_ =	sdelay $0x2  }
0x4f6: {  	v54 =	vsub.f32 v59, v54;
	v42 =	vsub.f32 v46, v42  }
0x4f7: {  	v41 =	vsub.f32 v43, v41;
	v43 =	vsub.f32 v52, v49;
	v58 =	vld [tilespmem:$0x1F850]  }
0x4f8: {  	v37 =	vsub.f32 v40, v37;
	v2 =	vor.u32 $0x2, v6;
	v6 =	vor.u32 $0x1, v6;
	v59 =	vld.idx.msk [tilespmem:v0+s24+$0x0], $0xffff  }
0x4f9: {  	v40 =	vsub.f32 v13, v12;
	v12 =	vadd.f32 $9.999999970e-07, v20;
	v0 =	vld.idx.msk [tilespmem:v0+s7+$0x0], $0xffff  }
0x4fa: {  	v46 =	vsub.f32 v11, v9;
	v11 =	vadd.f32 $9.999999970e-07, v55;
	v3 =	vld [tilespmem:$0x1F840]  }
0x4fb: {  	v35 =	vsub.f32 v38, v35;
	v49 =	vsub.f32 v10, v8;
	v8 =	vmul.f32 v12, v12  }
0x4fc: {  	v63 =	vld [tilespmem:$0x1F860];
	v20 =	vsub.f32 v7, v1;
	v1 =	vadd.f32 $9.999999970e-07, v23;
	v7 =	vmul.f32 v11, v11  }
0x4fd: {  	v18 =	vsub.f32 v19, v18;
	v19 =	vsub.f32 v22, v21;
	v21 =	vld.idx.msk [tilespmem:v6+s24+$0x0], $0xffff;
	v5 =	vor.u32 $0x1, v5  }
0x4fe: {  	v6 =	vld.idx.msk [tilespmem:v6+s7+$0x0], $0xffff;
	v1 =	vmul.f32 v1, v1;
	v38 =	vsub.f32 v59, v0;
	v0 =	vadd.f32 v8, v7  }
0x4ff: {  	v61 =	vsub.f32 v61, v60;
	v60 =	vsub.f32 v3, v58;
	v58 =	vld [tilespmem:$0x1F870]  }
0x500: {  	v4 =	vor.u32 $0x1, v4;
	v52 =	vadd.f32 v1, v0;
	v0 =	vld [tilespmem:$0x1F880]  }
0x501: {  	v3 =	vld.idx.msk [tilespmem:v2+s24+$0x0], $0xffff  }
0x502: {  	v2 =	vld.idx.msk [tilespmem:v2+s7+$0x0], $0xffff  }
0x503: {  	v9 =	vld.idx.msk [tilespmem:v5+s24+$0x0], $0xffff  }
0x504: {  	v5 =	vld.idx.msk [tilespmem:v5+s7+$0x0], $0xffff  }
0x505: {  	v63 =	vsub.f32 v63, v58;
	v58 =	vld.idx.msk [tilespmem:v4+s24+$0x0], $0xffff;
	v0 =	vadd.f32 $9.999999970e-07, v0  }
0x506: {  	v4 =	vld.idx.msk [tilespmem:v4+s7+$0x0], $0xffff  }
0x507: {  	[tilespmem:$0x1F9B0] =	vst v0;
	v0 =	vld [tilespmem:$0x1F890];
	_ =	sdelay $0x4  }
0x508: {  	v56 =	vsub.f32 v62, v56;
	v62 =	vadd.f32 $9.999999970e-07, v0;
	v0 =	vld [tilespmem:$0x1F8A0];
	_ =	sdelay $0x4  }
0x509: {  	v55 =	vadd.f32 $9.999999970e-07, v0;
	v0 =	vld [tilespmem:$0x1F8B0];
	_ =	sdelay $0x4  }
0x50a: {  	v12 =	vadd.f32 $9.999999970e-07, v0;
	v0 =	vld [tilespmem:$0x1F8C0];
	_ =	sdelay $0x4  }
0x50b: {  	v7 =	vadd.f32 $9.999999970e-07, v0;
	v0 =	vld [tilespmem:$0x1F8D0];
	_ =	sdelay $0x4  }
0x50c: {  	v59 =	vadd.f32 $9.999999970e-07, v0;
	v0 =	vld [tilespmem:$0x1F8E0];
	_ =	sdelay $0x4  }
0x50d: {  	v23 =	vsub.f32 v3, v2;
	v2 =	vadd.f32 $9.999999970e-07, v0;
	v0 =	vld [tilespmem:$0x1F8F0];
	_ =	sdelay $0x4  }
0x50e: {  	v8 =	vsub.f32 v9, v5;
	v5 =	vadd.f32 $9.999999970e-07, v0;
	v0 =	vld [tilespmem:$0x1F900];
	_ =	sdelay $0x4  }
0x50f: {  	v13 =	vadd.f32 $9.999999970e-07, v0;
	v0 =	vld [tilespmem:$0x1F910];
	_ =	sdelay $0x2  }
0x510: {  	v50 =	vsub.f32 v51, v50  }
0x511: {  	v34 =	vsub.f32 v39, v34;
	v22 =	vsub.f32 v17, v16  }
0x512: {  	v39 =	vsub.f32 v15, v14;
	v14 =	vadd.f32 $9.999999970e-07, v0;
	v0 =	vld [tilespmem:$0x1F920]  }
0x513: {  	v53 =	vadd.f32 $9.999999970e-07, v53;
	v22 =	vadd.f32 $9.999999970e-07, v22  }
0x514: {  	v16 =	vadd.f32 $9.999999970e-07, v45;
	v17 =	vadd.f32 $9.999999970e-07, v48  }
0x515: {  	v48 =	vadd.f32 $9.999999970e-07, v50;
	v21 =	vsub.f32 v21, v6  }
0x516: {  	v45 =	vadd.f32 $9.999999970e-07, v32;
	v46 =	vadd.f32 $9.999999970e-07, v46  }
0x517: {  	v21 =	vadd.f32 $9.999999970e-07, v21;
	v15 =	vadd.f32 $9.999999970e-07, v0;
	v0 =	vld [tilespmem:$0x1F930]  }
0x518: {  	v22 =	vmul.f32 v22, v22;
	v32 =	vadd.f32 $9.999999970e-07, v27;
	v11 =	vadd.f32 $9.999999970e-07, v61;
	v3 =	vld [tilespmem:$0x1F960]  }
0x519: {  	v46 =	vmul.f32 v46, v46;
	v20 =	vadd.f32 $9.999999970e-07, v20;
	v8 =	vadd.f32 $9.999999970e-07, v8  }
0x51a: {  	v21 =	vmul.f32 v21, v21;
	v9 =	vadd.f32 $9.999999970e-07, v24;
	v24 =	vadd.f32 $9.999999970e-07, v25  }
0x51b: {  	v25 =	vmul.f32 v53, v53;
	v38 =	vadd.f32 $9.999999970e-07, v38;
	v8 =	vmul.f32 v8, v8  }
0x51c: {  	s30 =	simm.s32 $0x40;
	v20 =	vmul.f32 v20, v20;
	v51 =	vsub.f32 v58, v4;
	v6 =	vadd.f32 $9.999999970e-07, v0;
	v0 =	vld [tilespmem:$0x1F940]  }
0x51d: {  	v58 =	vadd.f32 $9.999999970e-07, v3;
	v25 =	vadd.f32 v8, v25;
	v8 =	vmov s30  }
0x51e: {  	v23 =	vadd.f32 $9.999999970e-07, v23;
	v38 =	vmul.f32 v38, v38;
	v61 =	vshll.u32 v8, $0x4  }
0x51f: {  	v27 =	vadd.f32 $9.999999970e-07, v63;
	v63 =	vmul.f32 v58, v58;
	v50 =	vor.u32 v26, v61  }
0x520: {  	v23 =	vmul.f32 v23, v23;
	v3 =	vadd.f32 $9.999999970e-07, v57;
	v25 =	vadd.f32 v38, v25  }
0x521: {  	v1 =	vld [tilespmem:$0x1F950];
	v21 =	vadd.f32 v21, v63;
	v53 =	vor.u32 $0xF, v50;
	v0 =	vadd.f32 $9.999999970e-07, v0  }
0x522: {  	[tilespmem:$0x1F9E0] =	vst v3;
	v3 =	vadd.f32 $9.999999970e-07, v33;
	v20 =	vadd.f32 v20, v25;
	v25 =	vor.u32 $0xC, v50  }
0x523: {  	v33 =	vadd.f32 $9.999999970e-07, v29;
	v21 =	vadd.f32 v23, v21;
	v0 =	vmul.f32 v0, v0  }
0x524: {  	v29 =	vadd.f32 $9.999999970e-07, v30;
	v30 =	vadd.f32 $9.999999970e-07, v54;
	v23 =	vor.u32 $0xD, v50;
	v54 =	vld.idx.msk [tilespmem:v50+s24+$0x0], $0xffff  }
0x525: {  	v58 =	vld.idx.msk [tilespmem:v50+s7+$0x0], $0xffff;
	v21 =	vadd.f32 v46, v21;
	v0 =	vadd.f32 v0, v52;
	v52 =	vor.u32 $0xE, v50  }
0x526: {  	v10 =	vadd.f32 $9.999999970e-07, v60;
	v1 =	vadd.f32 $9.999999970e-07, v1;
	v60 =	vld.idx.msk [tilespmem:v53+s24+$0x0], $0xffff  }
0x527: {  	v51 =	vadd.f32 $9.999999970e-07, v51;
	v21 =	vadd.f32 v22, v21;
	v22 =	vld.idx.msk [tilespmem:v25+s24+$0x0], $0xffff  }
0x528: {  	v49 =	vadd.f32 $9.999999970e-07, v49;
	v53 =	vld.idx.msk [tilespmem:v53+s7+$0x0], $0xffff  }
0x529: {  	v4 =	vadd.f32 $9.999999970e-07, v28;
	v1 =	vmul.f32 v1, v1;
	v51 =	vmul.f32 v51, v51;
	v63 =	vld.idx.msk [tilespmem:v23+s7+$0x0], $0xffff  }
0x52a: {  	v28 =	vadd.f32 $9.999999970e-07, v56;
	v56 =	vadd.f32 $9.999999970e-07, v40;
	v15 =	vmul.f32 v15, v15;
	v40 =	vld.idx.msk [tilespmem:v52+s24+$0x0], $0xffff  }
0x52b: {  	v1 =	vadd.f32 v51, v1;
	v61 =	vld.idx.msk [tilespmem:v52+s7+$0x0], $0xffff  }
0x52c: {  	v0 =	vadd.f32 v15, v0;
	v15 =	vmul.f32 v49, v49;
	v52 =	vld.idx.msk [tilespmem:v23+s24+$0x0], $0xffff;
	[tilespmem:$0x1FA10] =	vst v22  }
0x52d: {  	v22 =	vld.idx.msk [tilespmem:v25+s7+$0x0], $0xffff  }
0x52e: {  	v1 =	vadd.f32 v15, v1;
	v15 =	vor.u32 $0xB, v50;
	_ =	sdelay $0x3  }
0x52f: {  	[tilespmem:$0x1FA20] =	vst v22  }
0x530: {  	v22 =	vmul.f32 v7, v7;
	v7 =	vld.idx.msk [tilespmem:v15+s7+$0x0], $0xffff  }
0x531: {  	v38 =	vmul.f32 v56, v56;
	v56 =	vor.u32 $0xA, v50;
	_ =	sdelay $0x1  }
0x532: {  	v34 =	vadd.f32 $9.999999970e-07, v34;
	_ =	sdelay $0x1  }
0x533: {  	v23 =	vmul.f32 v34, v34;
	v34 =	vld.idx.msk [tilespmem:v15+s24+$0x0], $0xffff;
	[tilespmem:$0x1FA50] =	vst v7  }
0x534: {  	v7 =	vld.idx.msk [tilespmem:v56+s24+$0x0], $0xffff;
	_ =	sdelay $0x2  }
0x535: {  	v6 =	vmul.f32 v6, v6;
	_ =	sdelay $0x1  }
0x536: {  	v19 =	vadd.f32 $9.999999970e-07, v19;
	v13 =	vmul.f32 v13, v13;
	v0 =	vadd.f32 v6, v0;
	[tilespmem:$0x1FA30] =	vst v7  }
0x537: {  	v49 =	vadd.f32 $9.999999970e-07, v39;
	v7 =	vld.idx.msk [tilespmem:v56+s7+$0x0], $0xffff  }
0x538: {  	v0 =	vadd.f32 v13, v0;
	v13 =	vmul.f32 v19, v19;
	v19 =	vor.u32 $0x8, v50;
	_ =	sdelay $0x1  }
0x539: {  	v6 =	vmul.f32 v49, v49;
	_ =	sdelay $0x1  }
0x53a: {  	v1 =	vadd.f32 v6, v1;
	v6 =	vor.u32 $0x9, v50;
	[tilespmem:$0x1FA40] =	vst v7  }
0x53b: {  	v7 =	vld.idx.msk [tilespmem:v19+s24+$0x0], $0xffff;
	_ =	sdelay $0x2  }
0x53c: {  	v35 =	vadd.f32 $9.999999970e-07, v35;
	v14 =	vmul.f32 v14, v14  }
0x53d: {  	v57 =	vadd.f32 $9.999999970e-07, v44;
	v44 =	vadd.f32 $9.999999970e-07, v36;
	v36 =	vld.idx.msk [tilespmem:v6+s24+$0x0], $0xffff  }
0x53e: {  	v0 =	vadd.f32 v14, v0;
	v14 =	vmul.f32 v35, v35;
	v35 =	vld.idx.msk [tilespmem:v6+s7+$0x0], $0xffff;
	[tilespmem:$0x1FA60] =	vst v7  }
0x53f: {  	v18 =	vadd.f32 $9.999999970e-07, v18;
	v7 =	vld.idx.msk [tilespmem:v19+s7+$0x0], $0xffff  }
0x540: {  	v1 =	vadd.f32 v13, v1;
	v13 =	vor.u32 $0x7, v50  }
0x541: {  	v18 =	vmul.f32 v18, v18;
	v20 =	vadd.f32 v38, v20  }
0x542: {  	v42 =	vadd.f32 $9.999999970e-07, v42;
	v37 =	vadd.f32 $9.999999970e-07, v37  }
0x543: {  	v41 =	vadd.f32 $9.999999970e-07, v41;
	v18 =	vadd.f32 v18, v20;
	v2 =	vmul.f32 v2, v2  }
0x544: {  	v20 =	vadd.f32 v23, v21;
	v21 =	vmul.f32 v37, v37;
	v23 =	vmul.f32 v42, v42;
	[tilespmem:$0x1FA70] =	vst v7  }
0x545: {  	v0 =	vadd.f32 v2, v0;
	v2 =	vld.idx.msk [tilespmem:v13+s24+$0x0], $0xffff  }
0x546: {  	v18 =	vadd.f32 v21, v18;
	v20 =	vadd.f32 v23, v20;
	v23 =	vmul.f32 v41, v41  }
0x547: {  	v21 =	vor.u32 $0x6, v50  }
0x548: {  	v18 =	vadd.f32 v23, v18;
	v23 =	vor.u32 $0x4, v50  }
0x549: {  	v43 =	vadd.f32 $9.999999970e-07, v43  }
0x54a: {  	v6 =	vmul.f32 v24, v24;
	v24 =	vmul.f32 v48, v48;
	[tilespmem:$0x1FA80] =	vst v2  }
0x54b: {  	v2 =	vmul.f32 v43, v43;
	v43 =	vld.idx.msk [tilespmem:v13+s7+$0x0], $0xffff  }
0x54c: {  	v1 =	vadd.f32 v14, v1;
	v14 =	vor.u32 $0x5, v50;
	v20 =	vadd.f32 v24, v20;
	v24 =	vld.idx.msk [tilespmem:v21+s24+$0x0], $0xffff  }
0x54d: {  	v19 =	vmul.f32 v4, v4;
	v4 =	vld.idx.msk [tilespmem:v23+s24+$0x0], $0xffff  }
0x54e: {  	v13 =	vmul.f32 v27, v27;
	v27 =	vld.idx.msk [tilespmem:v21+s7+$0x0], $0xffff;
	v21 =	vor.u32 $0x3, v50  }
0x54f: {  	v5 =	vmul.f32 v5, v5;
	v25 =	vmul.f32 v30, v30;
	_ =	sdelay $0x1  }
0x550: {  	v0 =	vadd.f32 v5, v0;
	v5 =	vadd.f32 v25, v18;
	v18 =	vld.idx.msk [tilespmem:v14+s24+$0x0], $0xffff  }
0x551: {  	v25 =	vld.idx.msk [tilespmem:v14+s7+$0x0], $0xffff;
	[tilespmem:$0x1FA90] =	vst v4  }
0x552: {  	v4 =	vld.idx.msk [tilespmem:v21+s24+$0x0], $0xffff;
	_ =	sdelay $0x4  }
0x553: {  	v1 =	vadd.f32 v2, v1;
	v2 =	vmul.f32 v28, v28;
	v23 =	vld.idx.msk [tilespmem:v23+s7+$0x0], $0xffff;
	[tilespmem:$0x1FAA0] =	vst v4  }
0x554: {  	v4 =	vld.idx.msk [tilespmem:v21+s7+$0x0], $0xffff  }
0x555: {  	v1 =	vadd.f32 v2, v1;
	v2 =	vor.u32 $0x2, v50;
	_ =	sdelay $0x3  }
0x556: {  	[tilespmem:$0x1FAB0] =	vst v4  }
0x557: {  	s21 =	simm.s32 $0x70;
	v11 =	vmul.f32 v11, v11;
	v7 =	vmul.f32 v32, v32;
	v32 =	vld.idx.msk [tilespmem:v2+s24+$0x0], $0xffff  }
0x558: {  	v14 =	vmov s21;
	v2 =	vld.idx.msk [tilespmem:v2+s7+$0x0], $0xffff  }
0x559: {  	v5 =	vadd.f32 v11, v5;
	v11 =	vshll.u32 v14, $0x4;
	v14 =	vor.u32 $0x1, v50;
	_ =	sdelay $0x3  }
0x55a: {  	[tilespmem:$0x1FAC0] =	vst v2  }
0x55b: {  	v4 =	vld.idx.msk [tilespmem:v14+s24+$0x0], $0xffff;
	_ =	sdelay $0x4  }
0x55c: {  	v13 =	vadd.f32 v13, v20;
	[tilespmem:$0x1FAD0] =	vst v4  }
0x55d: {  	v30 =	vor.u32 v26, v11;
	v4 =	vld.idx.msk [tilespmem:v14+s7+$0x0], $0xffff  }
0x55e: {  	v6 =	vadd.f32 v6, v13;
	v13 =	vor.u32 $0xF, v30;
	_ =	sdelay $0x2  }
0x55f: {  	[tilespmem:$0x1F970] =	vst v26  }
0x560: {  	[tilespmem:$0x1FAE0] =	vst v4  }
0x561: {  	v4 =	vld.idx.msk [tilespmem:v13+s7+$0x0], $0xffff  }
0x562: {  	s22 =	simm.s32 $0x60  }
0x563: {  	v31 =	vadd.f32 $9.999999970e-07, v31;
	v11 =	vmov s22  }
0x564: {  	v11 =	vshll.u32 v11, $0x4  }
0x565: {  	v28 =	vor.u32 v26, v11;
	v11 =	vmul.f32 v31, v31;
	v31 =	vld.idx.msk [tilespmem:v13+s24+$0x0], $0xffff  }
0x566: {  	v2 =	vor.u32 $0xF, v28;
	[tilespmem:$0x1FB10] =	vst v4;
	v4 =	vld [tilespmem:$0x1F980]  }
0x567: {  	v9 =	vmul.f32 v9, v9;
	_ =	sdelay $0x1  }
0x568: {  	v5 =	vadd.f32 v9, v5;
	v9 =	vmul.f32 v33, v33;
	_ =	sdelay $0x1  }
0x569: {  	v5 =	vadd.f32 v9, v5;
	v9 =	vadd.f32 $9.999999970e-07, v4;
	v4 =	vld.idx.msk [tilespmem:v2+s24+$0x0], $0xffff;
	_ =	sdelay $0x2  }
0x56a: {  	v10 =	vmul.f32 v10, v10;
	_ =	sdelay $0x1  }
0x56b: {  	s23 =	simm.s32 $0x50;
	v1 =	vadd.f32 v10, v1;
	[tilespmem:$0x1FAF0] =	vst v4  }
0x56c: {  	v10 =	vmov s23;
	v2 =	vld.idx.msk [tilespmem:v2+s7+$0x0], $0xffff  }
0x56d: {  	v1 =	vadd.f32 v7, v1;
	v7 =	vshll.u32 v10, $0x4;
	v10 =	vor.u32 $0xE, v30;
	_ =	sdelay $0x3  }
0x56e: {  	[tilespmem:$0x1FB00] =	vst v2  }
0x56f: {  	v13 =	vmul.f32 v3, v3;
	v3 =	vld.idx.msk [tilespmem:v10+s24+$0x0], $0xffff;
	_ =	sdelay $0x4  }
0x570: {  	[tilespmem:$0x1FB40] =	vst v3  }
0x571: {  	v3 =	vld.idx.msk [tilespmem:v10+s7+$0x0], $0xffff;
	_ =	sdelay $0x4  }
0x572: {  	[tilespmem:$0x1FB50] =	vst v3;
	v3 =	vld [tilespmem:$0x1F9A0]  }
0x573: {  	v15 =	vmul.f32 v59, v59;
	v0 =	vadd.f32 v22, v0;
	_ =	sdelay $0x1  }
0x574: {  	v8 =	vmul.f32 v55, v55;
	v0 =	vadd.f32 v15, v0  }
0x575: {  	v33 =	vor.u32 v26, v7  }
0x576: {  	v0 =	vadd.f32 v8, v0;
	v8 =	vor.u32 $0xF, v33;
	v10 =	vadd.f32 $9.999999970e-07, v3;
	v3 =	vld [tilespmem:$0x1F9B0];
	_ =	sdelay $0x4  }
0x577: {  	v4 =	vmul.f32 v3, v3;
	v3 =	vld.idx.msk [tilespmem:v8+s24+$0x0], $0xffff;
	_ =	sdelay $0x4  }
0x578: {  	[tilespmem:$0x1FB20] =	vst v3  }
0x579: {  	v3 =	vld.idx.msk [tilespmem:v8+s7+$0x0], $0xffff;
	_ =	sdelay $0x2  }
0x57a: {  	v7 =	vmul.f32 v29, v29;
	_ =	sdelay $0x1  }
0x57b: {  	v1 =	vadd.f32 v7, v1;
	v7 =	vor.u32 $0xE, v28;
	[tilespmem:$0x1FB30] =	vst v3;
	v3 =	vld [tilespmem:$0x1F9C0];
	_ =	sdelay $0x4  }
0x57c: {  	v8 =	vadd.f32 $9.999999970e-07, v3;
	v3 =	vld.idx.msk [tilespmem:v7+s24+$0x0], $0xffff;
	_ =	sdelay $0x4  }
0x57d: {  	[tilespmem:$0x1FB60] =	vst v3  }
0x57e: {  	v3 =	vld.idx.msk [tilespmem:v7+s7+$0x0], $0xffff  }
0x57f: {  	v6 =	vadd.f32 v19, v6;
	_ =	sdelay $0x1  }
0x580: {  	v6 =	vadd.f32 v11, v6;
	v11 =	vmul.f32 v45, v45;
	_ =	sdelay $0x1  }
0x581: {  	v5 =	vadd.f32 v11, v5;
	v11 =	vor.u32 $0xD, v30;
	[tilespmem:$0x1FB70] =	vst v3;
	v3 =	vld [tilespmem:$0x1F9D0];
	_ =	sdelay $0x4  }
0x582: {  	v7 =	vadd.f32 $9.999999970e-07, v3;
	v3 =	vld.idx.msk [tilespmem:v11+s24+$0x0], $0xffff  }
0x583: {  	v2 =	vld [tilespmem:$0x1F990];
	_ =	sdelay $0x3  }
0x584: {  	v9 =	vmul.f32 v9, v9;
	[tilespmem:$0x1FB80] =	vst v3  }
0x585: {  	v2 =	vadd.f32 $9.999999970e-07, v2;
	v3 =	vld.idx.msk [tilespmem:v11+s7+$0x0], $0xffff  }
0x586: {  	v1 =	vadd.f32 v9, v1;
	v9 =	vor.u32 $0xE, v33  }
0x587: {  	v2 =	vmul.f32 v2, v2;
	_ =	sdelay $0x1  }
0x588: {  	v2 =	vadd.f32 v2, v5;
	v8 =	vmul.f32 v8, v8  }
0x589: {  	[tilespmem:$0x1FB90] =	vst v3  }
0x58a: {  	v12 =	vmul.f32 v12, v12;
	v2 =	vadd.f32 v8, v2;
	v8 =	vld.idx.msk [tilespmem:v9+s24+$0x0], $0xffff  }
0x58b: {  	v5 =	vor.u32 $0xD, v28  }
0x58c: {  	v0 =	vadd.f32 v12, v0  }
0x58d: {  	v12 =	vmul.f32 v44, v44;
	v6 =	vadd.f32 v13, v6  }
0x58e: {  	v0 =	vadd.f32 v4, v0;
	v4 =	vmul.f32 v10, v10;
	v10 =	vmul.f32 v62, v62  }
0x58f: {  	[tilespmem:$0x1FBA0] =	vst v8  }
0x590: {  	v6 =	vadd.f32 v12, v6;
	v12 =	vadd.f32 v10, v0;
	v0 =	vld.idx.msk [tilespmem:v5+s24+$0x0], $0xffff;
	_ =	sdelay $0x4  }
0x591: {  	v8 =	vmul.f32 v57, v57;
	v57 =	vld.idx.msk [tilespmem:v9+s7+$0x0], $0xffff;
	[tilespmem:$0x1FBB0] =	vst v0  }
0x592: {  	v0 =	vld.idx.msk [tilespmem:v5+s7+$0x0], $0xffff  }
0x593: {  	v1 =	vadd.f32 v4, v1;
	v4 =	vor.u32 $0xC, v30;
	_ =	sdelay $0x3  }
0x594: {  	[tilespmem:$0x1FBC0] =	vst v0  }
0x595: {  	v0 =	vld.idx.msk [tilespmem:v4+s24+$0x0], $0xffff;
	_ =	sdelay $0x4  }
0x596: {  	[tilespmem:$0x1FBF0] =	vst v0;
	v0 =	vld [tilespmem:$0x1F9E0];
	_ =	sdelay $0x2  }
0x597: {  	v3 =	vmul.f32 v16, v16;
	_ =	sdelay $0x1  }
0x598: {  	v13 =	vadd.f32 v3, v2;
	v3 =	vadd.f32 v8, v6;
	v8 =	vmul.f32 v0, v0;
	v0 =	vld.idx.msk [tilespmem:v4+s7+$0x0], $0xffff  }
0x599: {  	v10 =	vor.u32 $0xD, v33;
	_ =	sdelay $0x3  }
0x59a: {  	[tilespmem:$0x1FC00] =	vst v0  }
0x59b: {  	v0 =	vld.idx.msk [tilespmem:v10+s24+$0x0], $0xffff;
	_ =	sdelay $0x4  }
0x59c: {  	[tilespmem:$0x1FBD0] =	vst v0  }
0x59d: {  	v0 =	vld.idx.msk [tilespmem:v10+s7+$0x0], $0xffff  }
0x59e: {  	v6 =	vor.u32 $0xC, v28;
	_ =	sdelay $0x3  }
0x59f: {  	[tilespmem:$0x1FBE0] =	vst v0  }
0x5a0: {  	v0 =	vld.idx.msk [tilespmem:v6+s24+$0x0], $0xffff;
	_ =	sdelay $0x4  }
0x5a1: {  	[tilespmem:$0x1FC10] =	vst v0  }
0x5a2: {  	v0 =	vld.idx.msk [tilespmem:v6+s7+$0x0], $0xffff  }
0x5a3: {  	v4 =	vor.u32 $0xB, v30;
	_ =	sdelay $0x3  }
0x5a4: {  	[tilespmem:$0x1FC20] =	vst v0  }
0x5a5: {  	v0 =	vld.idx.msk [tilespmem:v4+s24+$0x0], $0xffff;
	_ =	sdelay $0x2  }
0x5a6: {  	v47 =	vadd.f32 $9.999999970e-07, v47;
	_ =	sdelay $0x1  }
0x5a7: {  	v5 =	vmul.f32 v47, v47;
	[tilespmem:$0x1FC30] =	vst v0  }
0x5a8: {  	v0 =	vld.idx.msk [tilespmem:v4+s7+$0x0], $0xffff  }
0x5a9: {  	v47 =	vadd.f32 v5, v3;
	v5 =	vor.u32 $0xC, v33;
	_ =	sdelay $0x3  }
0x5aa: {  	[tilespmem:$0x1FC40] =	vst v0  }
0x5ab: {  	v0 =	vld.idx.msk [tilespmem:v5+s24+$0x0], $0xffff  }
0x5ac: {  	v7 =	vmul.f32 v7, v7;
	_ =	sdelay $0x1  }
0x5ad: {  	v7 =	vadd.f32 v7, v1;
	v9 =	vmul.f32 v17, v17;
	_ =	sdelay $0x1  }
0x5ae: {  	v7 =	vadd.f32 v9, v7;
	[tilespmem:$0x1FC50] =	vst v0  }
0x5af: {  	v0 =	vld.idx.msk [tilespmem:v5+s7+$0x0], $0xffff  }
0x5b0: {  	v11 =	vadd.f32 v8, v7;
	v8 =	vor.u32 $0xB, v28;
	_ =	sdelay $0x3  }
0x5b1: {  	[tilespmem:$0x1FC60] =	vst v0  }
0x5b2: {  	v0 =	vld.idx.msk [tilespmem:v8+s24+$0x0], $0xffff;
	_ =	sdelay $0x4  }
0x5b3: {  	[tilespmem:$0x1FC70] =	vst v0  }
0x5b4: {  	v0 =	vld.idx.msk [tilespmem:v8+s7+$0x0], $0xffff  }
0x5b5: {  	v4 =	vor.u32 $0xA, v30;
	_ =	sdelay $0x3  }
0x5b6: {  	[tilespmem:$0x1FC80] =	vst v0  }
0x5b7: {  	v0 =	vld.idx.msk [tilespmem:v4+s24+$0x0], $0xffff;
	_ =	sdelay $0x4  }
0x5b8: {  	[tilespmem:$0x1FCB0] =	vst v0  }
0x5b9: {  	v0 =	vld.idx.msk [tilespmem:v4+s7+$0x0], $0xffff  }
0x5ba: {  	v5 =	vor.u32 $0xB, v33;
	_ =	sdelay $0x3  }
0x5bb: {  	[tilespmem:$0x1FCC0] =	vst v0  }
0x5bc: {  	v0 =	vld.idx.msk [tilespmem:v5+s24+$0x0], $0xffff;
	_ =	sdelay $0x4  }
0x5bd: {  	v2 =	vshra.s32 v12, $0x1;
	[tilespmem:$0x1FC90] =	vst v0  }
0x5be: {  	v2 =	vadd.s32 $0x1FBD1DF5, v2;
	v0 =	vld.idx.msk [tilespmem:v5+s7+$0x0], $0xffff  }
0x5bf: {  	(erf) = vrcp.f32 v2;
	v8 =	vor.u32 $0xA, v28;
	_ =	sdelay $0x3  }
0x5c0: {  	[tilespmem:$0x1FCA0] =	vst v0  }
0x5c1: {  	v0 =	vld.idx.msk [tilespmem:v8+s24+$0x0], $0xffff;
	_ =	sdelay $0x3  }
0x5c2: {  	v9 =	vpop (erf)  }
0x5c3: {  	v9 =	vmul.f32 v9, v12;
	[tilespmem:$0x1FCD0] =	vst v0  }
0x5c4: {  	v0 =	vld.idx.msk [tilespmem:v8+s7+$0x0], $0xffff  }
0x5c5: {  	v2 =	vadd.f32 v2, v9;
	v9 =	vor.u32 $0x9, v30;
	_ =	sdelay $0x3  }
0x5c6: {  	[tilespmem:$0x1FCE0] =	vst v0  }
0x5c7: {  	v0 =	vld.idx.msk [tilespmem:v9+s24+$0x0], $0xffff;
	_ =	sdelay $0x4  }
0x5c8: {  	[tilespmem:$0x1FCF0] =	vst v0  }
0x5c9: {  	v0 =	vld.idx.msk [tilespmem:v9+s7+$0x0], $0xffff  }
0x5ca: {  	v10 =	vor.u32 $0xA, v33;
	_ =	sdelay $0x3  }
0x5cb: {  	[tilespmem:$0x1FD00] =	vst v0  }
0x5cc: {  	v0 =	vld.idx.msk [tilespmem:v10+s24+$0x0], $0xffff;
	_ =	sdelay $0x1  }
0x5cd: {  	v3 =	vshra.s32 v13, $0x1  }
0x5ce: {  	v3 =	vadd.s32 $0x1FBD1DF5, v3  }
0x5cf: {  	(erf) = vrcp.f32 v3;
	v7 =	vshra.s32 v47, $0x1  }
0x5d0: {  	v7 =	vadd.s32 $0x1FBD1DF5, v7;
	v6 =	vshra.s32 v11, $0x1;
	[tilespmem:$0x1FD10] =	vst v0  }
0x5d1: {  	(erf) = vrcp.f32 v7;
	v6 =	vadd.s32 $0x1FBD1DF5, v6;
	v0 =	vld.idx.msk [tilespmem:v10+s7+$0x0], $0xffff  }
0x5d2: {  	(erf) = vrcp.f32 v6;
	v8 =	vor.u32 $0x9, v28;
	_ =	sdelay $0x3  }
0x5d3: {  	[tilespmem:$0x1FD20] =	vst v0  }
0x5d4: {  	v0 =	vld.idx.msk [tilespmem:v8+s24+$0x0], $0xffff  }
0x5d5: {  	v4 =	vpop (erf)  }
0x5d6: {  	v4 =	vmul.f32 v4, v13  }
0x5d7: {  	v5 =	vpop (erf)  }
0x5d8: {  	v3 =	vadd.f32 v3, v4;
	v4 =	vmul.f32 v5, v47;
	v5 =	vpop (erf)  }
0x5d9: {  	v5 =	vmul.f32 v5, v11;
	[tilespmem:$0x1FD30] =	vst v0  }
0x5da: {  	v0 =	vld.idx.msk [tilespmem:v8+s7+$0x0], $0xffff  }
0x5db: {  	v5 =	vadd.f32 v6, v5;
	v6 =	vor.u32 $0x8, v30;
	_ =	sdelay $0x3  }
0x5dc: {  	[tilespmem:$0x1FD40] =	vst v0  }
0x5dd: {  	v0 =	vld.idx.msk [tilespmem:v6+s24+$0x0], $0xffff;
	_ =	sdelay $0x4  }
0x5de: {  	v4 =	vadd.f32 v7, v4;
	[tilespmem:$0x1FD70] =	vst v0  }
0x5df: {  	v0 =	vld.idx.msk [tilespmem:v6+s7+$0x0], $0xffff  }
0x5e0: {  	v7 =	vmul.f32 $5.000000000e-01, v4;
	v4 =	vor.u32 $0x9, v33;
	_ =	sdelay $0x3  }
0x5e1: {  	[tilespmem:$0x1FD80] =	vst v0  }
0x5e2: {  	v0 =	vld.idx.msk [tilespmem:v4+s24+$0x0], $0xffff;
	_ =	sdelay $0x4  }
0x5e3: {  	[tilespmem:$0x1FD50] =	vst v0  }
0x5e4: {  	v0 =	vld.idx.msk [tilespmem:v4+s7+$0x0], $0xffff  }
0x5e5: {  	v9 =	vmul.f32 $5.000000000e-01, v5;
	v5 =	vor.u32 $0x8, v28;
	_ =	sdelay $0x3  }
0x5e6: {  	[tilespmem:$0x1FD60] =	vst v0  }
0x5e7: {  	v0 =	vld.idx.msk [tilespmem:v5+s24+$0x0], $0xffff  }
0x5e8: {  	v6 =	vor.u32 $0x7, v30;
	_ =	sdelay $0x1  }
0x5e9: {  	v2 =	vmul.f32 $5.000000000e-01, v2;
	_ =	sdelay $0x1  }
0x5ea: {  	(erf) = vrcp.f32 v2;
	[tilespmem:$0x1FD90] =	vst v0  }
0x5eb: {  	v0 =	vld.idx.msk [tilespmem:v6+s24+$0x0], $0xffff  }
0x5ec: {  	v10 =	vor.u32 $0x8, v33  }
0x5ed: {  	v3 =	vmul.f32 $5.000000000e-01, v3;
	_ =	sdelay $0x1  }
0x5ee: {  	(erf) = vrcp.f32 v3  }
0x5ef: {  	v22 =	vld.idx.msk [tilespmem:v5+s7+$0x0], $0xffff;
	[tilespmem:$0x1FDB0] =	vst v0  }
0x5f0: {  	(erf) = vrcp.f32 v7;
	v0 =	vld.idx.msk [tilespmem:v10+s24+$0x0], $0xffff;
	_ =	sdelay $0x1  }
0x5f1: {  	(erf) = vrcp.f32 v9;
	v8 =	vpop (erf)  }
0x5f2: {  	v8 =	vmul.f32 v8, v12;
	_ =	sdelay $0x1  }
0x5f3: {  	v2 =	vadd.f32 v8, v2;
	v20 =	vld.idx.msk [tilespmem:v6+s7+$0x0], $0xffff;
	[tilespmem:$0x1FDD0] =	vst v0  }
0x5f4: {  	v0 =	vld.idx.msk [tilespmem:v10+s7+$0x0], $0xffff  }
0x5f5: {  	v8 =	vor.u32 $0x7, v28;
	v4 =	vpop (erf);
	v5 =	vmul.f32 $5.000000000e-01, v2  }
0x5f6: {  	v4 =	vmul.f32 v4, v13  }
0x5f7: {  	v1 =	vor.u32 $0x6, v30;
	v2 =	vpop (erf);
	(erf) = vrcp.f32 v5  }
0x5f8: {  	v4 =	vadd.f32 v4, v3;
	v2 =	vmul.f32 v2, v47  }
0x5f9: {  	v6 =	vpop (erf);
	[tilespmem:$0x1FDE0] =	vst v0  }
0x5fa: {  	v2 =	vadd.f32 v2, v7;
	v3 =	vmul.f32 v6, v11;
	v6 =	vmul.f32 $5.000000000e-01, v4;
	v56 =	vld.idx.msk [tilespmem:v8+s24+$0x0], $0xffff  }
0x5fb: {  	v29 =	vld.idx.msk [tilespmem:v8+s7+$0x0], $0xffff  }
0x5fc: {  	v3 =	vadd.f32 v3, v9;
	v9 =	vmul.f32 $5.000000000e-01, v2;
	(erf) = vrcp.f32 v6;
	v15 =	vld.idx.msk [tilespmem:v1+s24+$0x0], $0xffff  }
0x5fd: {  	s17 =	simm.s32 $0xB7A0;
	v51 =	vld.idx.msk [tilespmem:v1+s7+$0x0], $0xffff  }
0x5fe: {  	(erf) = vrcp.f32 v9;
	v14 =	vld [tilespmem:s17+$0x10]  }
0x5ff: {  	s21 =	simm.s32 $0xB8A0;
	v0 =	vor.u32 $0x7, v33;
	v4 =	vld [tilespmem:s17+$0xFFFFFFE0]  }
0x600: {  	v46 =	vpop (erf);
	v8 =	vmul.f32 $5.000000000e-01, v3;
	v3 =	vld [tilespmem:s21+$0xFFFFFFE0]  }
0x601: {  	v12 =	vmul.f32 v46, v12;
	v50 =	vld [tilespmem:s17+$0xFFFFFFF0]  }
0x602: {  	v2 =	vor.u32 $0x6, v28;
	v7 =	vld [tilespmem:s21+$0xFFFFFFF0]  }
0x603: {  	v5 =	vadd.f32 v12, v5;
	v12 =	vld [tilespmem:s17+$0x0];
	(erf) = vrcp.f32 v8  }
0x604: {  	v49 =	vld.idx.msk [tilespmem:v0+s24+$0x0], $0xffff  }
0x605: {  	s22 =	simm.s32 $0xB6A0;
	v48 =	vld.idx.msk [tilespmem:v0+s7+$0x0], $0xffff;
	v0 =	vpop (erf)  }
0x606: {  	v10 =	vld [tilespmem:s22+$0xFFFFFFE0];
	v1 =	vmul.f32 v0, v13  }
0x607: {  	v55 =	vld.idx.msk [tilespmem:v2+s24+$0x0], $0xffff;
	v4 =	vadd.f32 v3, v4;
	v3 =	vmul.f32 $5.000000000e-01, v5;
	v0 =	vpop (erf)  }
0x608: {  	v13 =	vld [tilespmem:s21+$0x0];
	v5 =	vadd.f32 v1, v6;
	v1 =	vmul.f32 v0, v47;
	v0 =	vor.u32 $0x5, v30  }
0x609: {  	v3 =	vsub.f32 v4, v3;
	v4 =	vld [tilespmem:$0x1FFA0]  }
0x60a: {  	s25 =	sadd.s32 $0x0, s13;
	v16 =	vlaneseq.u32;
	v46 =	vld.idx.msk [tilespmem:v2+s7+$0x0], $0xffff;
	v2 =	vor.u32 $0x6, v33  }
0x60b: {  	s23 =	sadd.s32 $0x10, s25;
	v62 =	vld [tilespmem:s22+$0xFFFFFFF0];
	v7 =	vadd.f32 v7, v50;
	v9 =	vadd.f32 v1, v9;
	v5 =	vmul.f32 $5.000000000e-01, v5  }
0x60c: {  	v6 =	vld [tilespmem:s21+$0x10];
	v1 =	vor.u32 s25, v16;
	v3 =	vmul.f32 v3, v10;
	v10 =	vor.u32 s23, v16;
	v59 =	vpop (erf)  }
0x60d: {  	v12 =	vadd.f32 v13, v12;
	v9 =	vmul.f32 $5.000000000e-01, v9;
	v11 =	vmul.f32 v59, v11;
	v44 =	vld.idx.msk [tilespmem:v0+s24+$0x0], $0xffff  }
0x60e: {  	vm0 =	vlt.s32 v1, v4;
	vm1 =	vlt.s32 v10, v4;
	v42 =	vld.idx.msk [tilespmem:v0+s7+$0x0], $0xffff;
	v0 =	vimm.f32 $0.0e+00  }
0x60f: {  	v10 =	vsel vm0, $0x3F800000, v0;
	v9 =	vsub.f32 v12, v9;
	v12 =	vsel vm1, $0x3F800000, v0;
	v0 =	vld [tilespmem:$0x1F9F0]  }
0x610: {  	v5 =	vsub.f32 v7, v5;
	v7 =	vld [tilespmem:s22+$0x0];
	v8 =	vadd.f32 v11, v8;
	v11 =	vor.u32 $0x5, v28  }
0x611: {  	v13 =	vimm.f32 $0.0e+00  }
0x612: {  	v6 =	vadd.f32 v6, v14;
	v5 =	vmul.f32 v5, v62;
	v3 =	vmul.f32 v3, v10;
	v10 =	vld [tilespmem:s22+$0x10]  }
0x613: {  	s26 =	sadd.s32 $0x20, s25;
	v1 =	vlaneseq.u32;
	v14 =	vor.u32 $0x4, v30;
	v8 =	vmul.f32 $5.000000000e-01, v8  }
0x614: {  	v37 =	vld.idx.msk [tilespmem:v2+s7+$0x0], $0xffff;
	v5 =	vmul.f32 v5, v12;
	v12 =	vor.u32 s26, v1;
	v3 =	vadd.f32 v3, v0  }
0x615: {  	s8 =	sadd.s32 $0x30, s25;
	vm14 =	vlt.s32 v12, v4;
	v7 =	vmul.f32 v9, v7;
	v6 =	vsub.f32 v6, v8;
	v41 =	vld.idx.msk [tilespmem:v11+s24+$0x0], $0xffff  }
0x616: {  	v39 =	vld.idx.msk [tilespmem:v11+s7+$0x0], $0xffff;
	v11 =	vsel vm14, $0x3F800000, v13;
	v3 =	vadd.f32 v5, v3;
	v5 =	vor.u32 s8, v1  }
0x617: {  	v47 =	vld.idx.msk [tilespmem:v2+s24+$0x0], $0xffff;
	v6 =	vmul.f32 v6, v10;
	vm15 =	vlt.s32 v5, v4;
	v5 =	vmul.f32 v7, v11  }
0x618: {  	v2 =	vld [tilespmem:$0x1FA20];
	v11 =	vsel vm15, $0x3F800000, v13  }
0x619: {  	v38 =	vld.idx.msk [tilespmem:v14+s24+$0x0], $0xffff;
	v3 =	vadd.f32 v5, v3;
	v5 =	vmul.f32 v6, v11  }
0x61a: {  	v26 =	vld.idx.msk [tilespmem:v14+s7+$0x0], $0xffff  }
0x61b: {  	v1 =	vld [tilespmem:$0x1FA10];
	v0 =	vadd.f32 v5, v3  }
0x61c: {  	v7 =	vld.idx.msk [tilespmem:v30+s24+$0x0], $0xffff  }
0x61d: {  	v11 =	vld.idx.msk [tilespmem:v30+s7+$0x0], $0xffff;
	[tilespmem:$0x1FA00] =	vst v0;
	v0 =	vsub.f32 v40, v61;
	_ =	sdelay $0x1  }
0x61e: {  	v6 =	vld.idx.msk [tilespmem:v28+s24+$0x0], $0xffff;
	[tilespmem:$0x1FE00] =	vst v0;
	v0 =	vsub.f32 v60, v53;
	_ =	sdelay $0x1  }
0x61f: {  	v45 =	vsub.f32 v1, v2;
	v1 =	vsub.f32 v52, v63;
	v2 =	vld [tilespmem:$0x1FA40];
	[tilespmem:$0x1FE10] =	vst v0  }
0x620: {  	v5 =	vld.idx.msk [tilespmem:v28+s7+$0x0], $0xffff  }
0x621: {  	[tilespmem:$0x1FE20] =	vst v1;
	v1 =	vld [tilespmem:$0x1FA30];
	_ =	sdelay $0x3  }
0x622: {  	v8 =	vld [tilespmem:$0x1FA70]  }
0x623: {  	v40 =	vsub.f32 v1, v2;
	v2 =	vld [tilespmem:$0x1FA60];
	_ =	sdelay $0x2  }
0x624: {  	v12 =	vor.u32 $0x5, v33;
	_ =	sdelay $0x1  }
0x625: {  	v50 =	vsub.f32 v2, v8;
	v2 =	vsub.f32 v36, v35  }
0x626: {  	v4 =	vld.idx.msk [tilespmem:v33+s24+$0x0], $0xffff  }
0x627: {  	v3 =	vld.idx.msk [tilespmem:v33+s7+$0x0], $0xffff;
	[tilespmem:$0x1FE30] =	vst v2;
	v2 =	vsub.f32 v24, v27  }
0x628: {  	v14 =	vld.idx.msk [tilespmem:v12+s24+$0x0], $0xffff  }
0x629: {  	[tilespmem:$0x1FE40] =	vst v2;
	v2 =	vld [tilespmem:$0x1FA80]  }
0x62a: {  	v8 =	vld [tilespmem:$0x1FA90];
	_ =	sdelay $0x3  }
0x62b: {  	v2 =	vsub.f32 v2, v43  }
0x62c: {  	v0 =	vor.u32 $0x4, v28;
	v8 =	vsub.f32 v8, v23  }
0x62d: {  	[tilespmem:$0x1FE50] =	vst v2  }
0x62e: {  	v21 =	vld.idx.msk [tilespmem:v12+s7+$0x0], $0xffff;
	[tilespmem:$0x1FE60] =	vst v8;
	v8 =	vsub.f32 v18, v25;
	_ =	sdelay $0x1  }
0x62f: {  	v1 =	vld [tilespmem:$0x1FA50];
	[tilespmem:$0x1FE70] =	vst v8  }
0x630: {  	v27 =	vld.idx.msk [tilespmem:v0+s24+$0x0], $0xffff  }
0x631: {  	v19 =	vld.idx.msk [tilespmem:v0+s7+$0x0], $0xffff  }
0x632: {  	v0 =	vld [tilespmem:$0x1FAC0];
	_ =	sdelay $0x1  }
0x633: {  	v59 =	vsub.f32 v54, v58;
	v54 =	vsub.f32 v34, v1;
	v1 =	vor.u32 $0x3, v30;
	_ =	sdelay $0x1  }
0x634: {  	v63 =	vsub.f32 v6, v5;
	v5 =	vld [tilespmem:$0x1FAE0]  }
0x635: {  	v60 =	vsub.f32 v32, v0;
	v0 =	vld [tilespmem:$0x1FAD0];
	_ =	sdelay $0x1  }
0x636: {  	v18 =	vld.idx.msk [tilespmem:v1+s24+$0x0], $0xffff  }
0x637: {  	v17 =	vld.idx.msk [tilespmem:v1+s7+$0x0], $0xffff  }
0x638: {  	v1 =	vld [tilespmem:$0x1FB00]  }
0x639: {  	v61 =	vsub.f32 v0, v5;
	v0 =	vld [tilespmem:$0x1FAF0];
	_ =	sdelay $0x4  }
0x63a: {  	v0 =	vsub.f32 v0, v1;
	_ =	sdelay $0x1  }
0x63b: {  	[tilespmem:$0x1FE80] =	vst v0;
	v0 =	vld [tilespmem:$0x1FB10];
	_ =	sdelay $0x4  }
0x63c: {  	v0 =	vsub.f32 v31, v0  }
0x63d: {  	v1 =	vld [tilespmem:$0x1FB30]  }
0x63e: {  	[tilespmem:$0x1FE90] =	vst v0;
	v0 =	vld [tilespmem:$0x1FB20];
	_ =	sdelay $0x4  }
0x63f: {  	v35 =	vsub.f32 v0, v1;
	v0 =	vld [tilespmem:$0x1FB40]  }
0x640: {  	v2 =	vor.u32 $0x4, v33;
	v1 =	vld [tilespmem:$0x1FB50];
	_ =	sdelay $0x4  }
0x641: {  	v16 =	vld.idx.msk [tilespmem:v2+s24+$0x0], $0xffff;
	v0 =	vsub.f32 v0, v1  }
0x642: {  	v1 =	vld [tilespmem:$0x1FB70]  }
0x643: {  	[tilespmem:$0x1FEA0] =	vst v0;
	v0 =	vld [tilespmem:$0x1FB60];
	_ =	sdelay $0x4  }
0x644: {  	v53 =	vld.idx.msk [tilespmem:v2+s7+$0x0], $0xffff;
	v0 =	vsub.f32 v0, v1  }
0x645: {  	v1 =	vld [tilespmem:$0x1FB90]  }
0x646: {  	[tilespmem:$0x1FEC0] =	vst v0;
	v0 =	vld [tilespmem:$0x1FB80];
	_ =	sdelay $0x4  }
0x647: {  	v0 =	vsub.f32 v0, v1;
	_ =	sdelay $0x1  }
0x648: {  	[tilespmem:$0x1FEE0] =	vst v0;
	v0 =	vld [tilespmem:$0x1FBA0];
	_ =	sdelay $0x3  }
0x649: {  	v1 =	vld [tilespmem:$0x1FBC0]  }
0x64a: {  	v36 =	vsub.f32 v0, v57;
	v0 =	vld [tilespmem:$0x1FBB0];
	_ =	sdelay $0x3  }
0x64b: {  	v62 =	vsub.f32 v7, v11;
	v7 =	vor.u32 $0x3, v28;
	v2 =	vld [tilespmem:$0x1FBE0]  }
0x64c: {  	v0 =	vsub.f32 v0, v1;
	v1 =	vld [tilespmem:$0x1FBD0];
	_ =	sdelay $0x3  }
0x64d: {  	v24 =	vld.idx.msk [tilespmem:v7+s24+$0x0], $0xffff;
	[tilespmem:$0x1FF10] =	vst v0  }
0x64e: {  	v13 =	vld.idx.msk [tilespmem:v7+s7+$0x0], $0xffff;
	v1 =	vsub.f32 v1, v2  }
0x64f: {  	v2 =	vld [tilespmem:$0x1FC00]  }
0x650: {  	[tilespmem:$0x1FF20] =	vst v1;
	v1 =	vld [tilespmem:$0x1FBF0];
	_ =	sdelay $0x4  }
0x651: {  	v1 =	vsub.f32 v1, v2  }
0x652: {  	v2 =	vld [tilespmem:$0x1FC20]  }
0x653: {  	[tilespmem:$0x1FF40] =	vst v1;
	v1 =	vld [tilespmem:$0x1FC10];
	_ =	sdelay $0x4  }
0x654: {  	v43 =	vsub.f32 v1, v2;
	v1 =	vld [tilespmem:$0x1FC30]  }
0x655: {  	v32 =	vsub.f32 v4, v3;
	v3 =	vor.u32 $0x2, v30;
	v2 =	vld [tilespmem:$0x1FC40];
	_ =	sdelay $0x4  }
0x656: {  	v12 =	vld.idx.msk [tilespmem:v3+s24+$0x0], $0xffff;
	v1 =	vsub.f32 v1, v2  }
0x657: {  	v2 =	vld [tilespmem:$0x1FC60]  }
0x658: {  	[tilespmem:$0x1FF60] =	vst v1;
	v1 =	vld [tilespmem:$0x1FC50];
	_ =	sdelay $0x4  }
0x659: {  	v52 =	vsub.f32 v1, v2;
	v1 =	vld [tilespmem:$0x1FC70]  }
0x65a: {  	v2 =	vld [tilespmem:$0x1FC80];
	_ =	sdelay $0x4  }
0x65b: {  	v11 =	vld.idx.msk [tilespmem:v3+s7+$0x0], $0xffff;
	v1 =	vsub.f32 v1, v2  }
0x65c: {  	v2 =	vld [tilespmem:$0x1FCA0]  }
0x65d: {  	[tilespmem:$0x1FF70] =	vst v1;
	v1 =	vld [tilespmem:$0x1FC90];
	_ =	sdelay $0x4  }
0x65e: {  	v23 =	vsub.f32 v1, v2;
	v1 =	vld [tilespmem:$0x1FCB0]  }
0x65f: {  	v2 =	vld [tilespmem:$0x1FCC0];
	_ =	sdelay $0x1  }
0x660: {  	v9 =	vld [tilespmem:$0x1FAB0]  }
0x661: {  	v8 =	vld [tilespmem:$0x1FAA0];
	v5 =	vor.u32 $0x3, v33  }
0x662: {  	v3 =	vld [tilespmem:$0x1FCE0]  }
0x663: {  	v57 =	vsub.f32 v1, v2;
	v1 =	vld [tilespmem:$0x1FCD0];
	_ =	sdelay $0x2  }
0x664: {  	v10 =	vld.idx.msk [tilespmem:v5+s24+$0x0], $0xffff  }
0x665: {  	v58 =	vsub.f32 v8, v9;
	v9 =	vld.idx.msk [tilespmem:v5+s7+$0x0], $0xffff  }
0x666: {  	v5 =	vsub.f32 v1, v3;
	v1 =	vld [tilespmem:$0x1FCF0]  }
0x667: {  	v3 =	vld [tilespmem:$0x1FD00];
	_ =	sdelay $0x4  }
0x668: {  	v1 =	vsub.f32 v1, v3  }
0x669: {  	v3 =	vld [tilespmem:$0x1FD20]  }
0x66a: {  	[tilespmem:$0x1FF80] =	vst v1;
	v1 =	vld [tilespmem:$0x1FD10];
	_ =	sdelay $0x2  }
0x66b: {  	v0 =	vor.u32 $0x2, v28;
	_ =	sdelay $0x1  }
0x66c: {  	v25 =	vsub.f32 v1, v3;
	v1 =	vld [tilespmem:$0x1FD30]  }
0x66d: {  	v3 =	vld [tilespmem:$0x1FD40];
	_ =	sdelay $0x1  }
0x66e: {  	v8 =	vld.idx.msk [tilespmem:v0+s24+$0x0], $0xffff  }
0x66f: {  	v7 =	vld.idx.msk [tilespmem:v0+s7+$0x0], $0xffff  }
0x670: {  	v0 =	vld [tilespmem:$0x1FD50]  }
0x671: {  	v34 =	vsub.f32 v1, v3;
	v3 =	vld [tilespmem:$0x1FD60];
	_ =	sdelay $0x4  }
0x672: {  	v1 =	vor.u32 $0x1, v28;
	v28 =	vsub.f32 v0, v3;
	v0 =	vld [tilespmem:$0x1FD70]  }
0x673: {  	v3 =	vld [tilespmem:$0x1FD80];
	_ =	sdelay $0x4  }
0x674: {  	v0 =	vsub.f32 v0, v3;
	_ =	sdelay $0x1  }
0x675: {  	[tilespmem:$0x1FF90] =	vst v0;
	v0 =	vld [tilespmem:$0x1FD90]  }
0x676: {  	v30 =	vor.u32 $0x1, v30;
	_ =	sdelay $0x3  }
0x677: {  	v0 =	vsub.f32 v0, v22  }
0x678: {  	v6 =	vld.idx.msk [tilespmem:v30+s24+$0x0], $0xffff  }
0x679: {  	[tilespmem:$0x1FDA0] =	vst v0;
	v0 =	vld [tilespmem:$0x1FDB0];
	_ =	sdelay $0x3  }
0x67a: {  	v3 =	vld [tilespmem:$0x1FDD0]  }
0x67b: {  	v0 =	vsub.f32 v0, v20;
	v20 =	vld [tilespmem:$0x1FDE0];
	_ =	sdelay $0x1  }
0x67c: {  	v2 =	vor.u32 $0x2, v33  }
0x67d: {  	[tilespmem:$0x1FDC0] =	vst v0;
	v0 =	vor.u32 $0x1, v33;
	_ =	sdelay $0x1  }
0x67e: {  	v33 =	vsub.f32 v3, v20;
	v3 =	vsub.f32 v15, v51  }
0x67f: {  	v4 =	vld.idx.msk [tilespmem:v30+s7+$0x0], $0xffff  }
0x680: {  	v29 =	vsub.f32 v56, v29;
	v56 =	vld.idx.msk [tilespmem:v2+s24+$0x0], $0xffff;
	[tilespmem:$0x1FDF0] =	vst v3  }
0x681: {  	v39 =	vsub.f32 v41, v39;
	v41 =	vsub.f32 v14, v21;
	v21 =	vld.idx.msk [tilespmem:v0+s24+$0x0], $0xffff  }
0x682: {  	v0 =	vld.idx.msk [tilespmem:v0+s7+$0x0], $0xffff;
	_ =	sdelay $0x3  }
0x683: {  	v31 =	vsub.f32 v55, v46;
	v46 =	vsub.f32 v16, v53  }
0x684: {  	v53 =	vsub.f32 v8, v7;
	v7 =	vsub.f32 v21, v0;
	v0 =	vld [tilespmem:$0x1FE00];
	_ =	sdelay $0x2  }
0x685: {  	v55 =	vld.idx.msk [tilespmem:v1+s24+$0x0], $0xffff  }
0x686: {  	v1 =	vld.idx.msk [tilespmem:v1+s7+$0x0], $0xffff  }
0x687: {  	v20 =	vadd.f32 $9.999999970e-07, v0;
	v0 =	vld [tilespmem:$0x1FE10];
	_ =	sdelay $0x3  }
0x688: {  	v2 =	vld.idx.msk [tilespmem:v2+s7+$0x0], $0xffff  }
0x689: {  	v55 =	vsub.f32 v55, v1;
	v1 =	vadd.f32 $9.999999970e-07, v0;
	v0 =	vld [tilespmem:$0x1FE20];
	_ =	sdelay $0x4  }
0x68a: {  	v56 =	vsub.f32 v56, v2;
	v2 =	vadd.f32 $9.999999970e-07, v0;
	v0 =	vld [tilespmem:$0x1FE30];
	_ =	sdelay $0x1  }
0x68b: {  	v22 =	vsub.f32 v44, v42  }
0x68c: {  	v42 =	vsub.f32 v6, v4;
	v4 =	vadd.f32 $9.999999970e-07, v45  }
0x68d: {  	v45 =	vadd.f32 $9.999999970e-07, v40;
	v40 =	vadd.f32 $9.999999970e-07, v54  }
0x68e: {  	v54 =	vadd.f32 $9.999999970e-07, v50;
	v50 =	vadd.f32 $9.999999970e-07, v0;
	v0 =	vld [tilespmem:$0x1FE40];
	_ =	sdelay $0x4  }
0x68f: {  	v8 =	vadd.f32 $9.999999970e-07, v0;
	v0 =	vld [tilespmem:$0x1FE50];
	_ =	sdelay $0x4  }
0x690: {  	v6 =	vadd.f32 $9.999999970e-07, v0;
	v0 =	vld [tilespmem:$0x1FE60];
	_ =	sdelay $0x3  }
0x691: {  	v30 =	vsub.f32 v49, v48  }
0x692: {  	v49 =	vsub.f32 v12, v11;
	v11 =	vadd.f32 $9.999999970e-07, v0;
	v0 =	vld [tilespmem:$0x1FE70];
	_ =	sdelay $0x4  }
0x693: {  	v51 =	vsub.f32 v10, v9;
	v9 =	vadd.f32 $9.999999970e-07, v0;
	v0 =	vld [tilespmem:$0x1FE80];
	_ =	sdelay $0x2  }
0x694: {  	v10 =	vadd.f32 $9.999999970e-07, v62;
	v62 =	vadd.f32 $9.999999970e-07, v60  }
0x695: {  	v60 =	vadd.f32 $9.999999970e-07, v63;
	v63 =	vadd.f32 $9.999999970e-07, v61  }
0x696: {  	v61 =	vadd.f32 $9.999999970e-07, v32;
	v32 =	vadd.f32 $9.999999970e-07, v0;
	v0 =	vld [tilespmem:$0x1FE90];
	_ =	sdelay $0x4  }
0x697: {  	v38 =	vsub.f32 v38, v26;
	v26 =	vadd.f32 $9.999999970e-07, v0;
	v0 =	vld [tilespmem:$0x1FEA0];
	_ =	sdelay $0x4  }
0x698: {  	v0 =	vadd.f32 $9.999999970e-07, v0;
	_ =	sdelay $0x1  }
0x699: {  	[tilespmem:$0x1FEB0] =	vst v0;
	v0 =	vld [tilespmem:$0x1FEC0];
	_ =	sdelay $0x4  }
0x69a: {  	v0 =	vadd.f32 $9.999999970e-07, v0;
	_ =	sdelay $0x1  }
0x69b: {  	[tilespmem:$0x1FED0] =	vst v0;
	v0 =	vld [tilespmem:$0x1FEE0];
	_ =	sdelay $0x4  }
0x69c: {  	v0 =	vadd.f32 $9.999999970e-07, v0;
	_ =	sdelay $0x1  }
0x69d: {  	[tilespmem:$0x1FEF0] =	vst v0;
	v0 =	vadd.f32 $9.999999970e-07, v36;
	_ =	sdelay $0x1  }
0x69e: {  	[tilespmem:$0x1FF00] =	vst v0;
	v0 =	vld [tilespmem:$0x1FF10];
	_ =	sdelay $0x4  }
0x69f: {  	v36 =	vadd.f32 $9.999999970e-07, v0;
	v0 =	vld [tilespmem:$0x1FF20];
	_ =	sdelay $0x4  }
0x6a0: {  	v0 =	vadd.f32 $9.999999970e-07, v0;
	_ =	sdelay $0x1  }
0x6a1: {  	[tilespmem:$0x1FF30] =	vst v0;
	v0 =	vld [tilespmem:$0x1FF40];
	_ =	sdelay $0x4  }
0x6a2: {  	v0 =	vadd.f32 $9.999999970e-07, v0;
	_ =	sdelay $0x1  }
0x6a3: {  	[tilespmem:$0x1FF50] =	vst v0;
	v0 =	vld [tilespmem:$0x1FF60];
	_ =	sdelay $0x4  }
0x6a4: {  	v3 =	vadd.f32 $9.999999970e-07, v0;
	v0 =	vld [tilespmem:$0x1FF70];
	_ =	sdelay $0x2  }
0x6a5: {  	v37 =	vsub.f32 v47, v37;
	v44 =	vsub.f32 v18, v17  }
0x6a6: {  	v17 =	vadd.f32 $9.999999970e-07, v57;
	v57 =	vadd.f32 $9.999999970e-07, v5;
	v5 =	vld [tilespmem:$0x1FF90]  }
0x6a7: {  	v15 =	vadd.f32 $9.999999970e-07, v52;
	v52 =	vadd.f32 $9.999999970e-07, v0;
	v0 =	vld [tilespmem:$0x1FF80]  }
0x6a8: {  	v59 =	vadd.f32 $9.999999970e-07, v59;
	v47 =	vsub.f32 v27, v19  }
0x6a9: {  	v58 =	vadd.f32 $9.999999970e-07, v58;
	v35 =	vadd.f32 $9.999999970e-07, v35  }
0x6aa: {  	v43 =	vadd.f32 $9.999999970e-07, v43;
	v16 =	vadd.f32 $9.999999970e-07, v23  }
0x6ab: {  	v25 =	vadd.f32 $9.999999970e-07, v25;
	v19 =	vadd.f32 $9.999999970e-07, v5  }
0x6ac: {  	v48 =	vsub.f32 v24, v13;
	v24 =	vadd.f32 $9.999999970e-07, v0  }
0x6ad: {  	s23 =	simm.s32 $0x40;
	s8 =	simm.s32 $0x4;
	v0 =	vadd.f32 $9.999999970e-07, v34;
	v34 =	vadd.f32 $9.999999970e-07, v28  }
.LBB2_25:
0x6ae: {  	v5 =	vld [tilespmem:$0x1FDA0];
	v28 =	vadd.f32 $9.999999970e-07, v33;
	v29 =	vadd.f32 $9.999999970e-07, v29  }
0x6af: {  	v33 =	vadd.f32 $9.999999970e-07, v30;
	v13 =	vadd.f32 $9.999999970e-07, v31;
	v18 =	vmul.f32 v20, v20  }
0x6b0: {  	v20 =	vmovc v32;
	v32 =	vadd.f32 $9.999999970e-07, v37;
	v37 =	vadd.f32 $9.999999970e-07, v39;
	v39 =	vmul.f32 v45, v45  }
0x6b1: {  	v14 =	vadd.f32 $9.999999970e-07, v22;
	v40 =	vmul.f32 v40, v40;
	v45 =	vmul.f32 v54, v54  }
0x6b2: {  	v38 =	vadd.f32 $9.999999970e-07, v38;
	v50 =	vmul.f32 v50, v50;
	v8 =	vmul.f32 v8, v8  }
0x6b3: {  	v21 =	vmovc v26;
	v6 =	vmul.f32 v6, v6;
	v11 =	vmul.f32 v11, v11;
	v26 =	vadd.f32 $9.999999970e-07, v5;
	v5 =	vld [tilespmem:$0x1FDC0]  }
0x6b4: {  	v9 =	vmul.f32 v9, v9;
	v46 =	vadd.f32 $9.999999970e-07, v46;
	v48 =	vadd.f32 $9.999999970e-07, v48  }
0x6b5: {  	v10 =	vmul.f32 v10, v10;
	v49 =	vadd.f32 $9.999999970e-07, v49;
	v51 =	vadd.f32 $9.999999970e-07, v51  }
0x6b6: {  	v61 =	vmul.f32 v61, v61;
	v7 =	vadd.f32 $9.999999970e-07, v7;
	v55 =	vadd.f32 $9.999999970e-07, v55  }
0x6b7: {  	v42 =	vadd.f32 $9.999999970e-07, v42;
	v59 =	vmul.f32 v59, v59;
	v54 =	vmul.f32 v58, v58  }
0x6b8: {  	v58 =	vmul.f32 v62, v62;
	v60 =	vmul.f32 v60, v60;
	v27 =	vadd.f32 $9.999999970e-07, v5;
	v5 =	vld [tilespmem:$0x1FDF0]  }
0x6b9: {  	v41 =	vadd.f32 $9.999999970e-07, v41;
	v62 =	vmul.f32 v63, v63;
	v0 =	vmul.f32 v0, v0  }
0x6ba: {  	v47 =	vadd.f32 $9.999999970e-07, v47;
	v29 =	vmul.f32 v29, v29;
	v37 =	vmul.f32 v37, v37  }
0x6bb: {  	v44 =	vadd.f32 $9.999999970e-07, v44;
	v13 =	vmul.f32 v13, v13;
	v7 =	vmul.f32 v7, v7  }
0x6bc: {  	v55 =	vmul.f32 v55, v55;
	v48 =	vmul.f32 v48, v48;
	v63 =	vadd.f32 v62, v59  }
0x6bd: {  	v30 =	vadd.f32 $9.999999970e-07, v5;
	v5 =	vmul.f32 v4, v4;
	v4 =	vmul.f32 v35, v35  }
0x6be: {  	v35 =	vmul.f32 v36, v36;
	v36 =	vadd.f32 $9.999999970e-07, v53;
	v53 =	vadd.f32 $9.999999970e-07, v56  }
0x6bf: {  	v42 =	vmul.f32 v42, v42;
	v51 =	vmul.f32 v51, v51;
	v7 =	vadd.f32 v7, v61  }
0x6c0: {  	v56 =	vmul.f32 v57, v57;
	v57 =	vadd.f32 v58, v63;
	v53 =	vmul.f32 v53, v53  }
0x6c1: {  	v46 =	vmul.f32 v46, v46;
	v55 =	vadd.f32 v55, v60;
	v36 =	vmul.f32 v36, v36  }
0x6c2: {  	v38 =	vmul.f32 v38, v38;
	v54 =	vadd.f32 v54, v57;
	v7 =	vadd.f32 v53, v7  }
0x6c3: {  	v62 =	vmul.f32 v49, v49;
	v10 =	vadd.f32 v42, v10;
	v36 =	vadd.f32 v36, v55  }
0x6c4: {  	v47 =	vmul.f32 v47, v47;
	v11 =	vadd.f32 v11, v54;
	v7 =	vadd.f32 v51, v7  }
0x6c5: {  	v10 =	vadd.f32 v62, v10;
	v63 =	vmul.f32 v44, v44;
	v36 =	vadd.f32 v48, v36  }
0x6c6: {  	v9 =	vadd.f32 v9, v11;
	v11 =	vmul.f32 v41, v41;
	v7 =	vadd.f32 v46, v7  }
0x6c7: {  	v14 =	vmul.f32 v14, v14;
	v10 =	vadd.f32 v63, v10;
	v36 =	vadd.f32 v47, v36  }
0x6c8: {  	v8 =	vadd.f32 v8, v9;
	v9 =	vmul.f32 v32, v32;
	v7 =	vadd.f32 v11, v7  }
0x6c9: {  	v26 =	vmul.f32 v26, v26;
	v10 =	vadd.f32 v38, v10;
	v11 =	vadd.f32 v37, v36  }
0x6ca: {  	v6 =	vadd.f32 v6, v8;
	v8 =	vmul.f32 v33, v33;
	v7 =	vadd.f32 v9, v7  }
0x6cb: {  	v10 =	vadd.f32 v14, v10;
	v9 =	vadd.f32 v13, v11;
	v11 =	vmul.f32 v30, v30  }
0x6cc: {  	v6 =	vadd.f32 v45, v6;
	v7 =	vadd.f32 v8, v7;
	v8 =	vmul.f32 v28, v28  }
0x6cd: {  	v9 =	vadd.f32 v29, v9;
	v10 =	vadd.f32 v11, v10;
	v11 =	vmul.f32 v27, v27  }
0x6ce: {  	v6 =	vadd.f32 v50, v6;
	v7 =	vadd.f32 v8, v7;
	v8 =	vmul.f32 v34, v34  }
0x6cf: {  	v9 =	vadd.f32 v26, v9;
	v10 =	vadd.f32 v11, v10;
	v11 =	vmul.f32 v19, v19  }
0x6d0: {  	v6 =	vadd.f32 v39, v6;
	v7 =	vadd.f32 v8, v7;
	v8 =	vmul.f32 v25, v25  }
0x6d1: {  	v0 =	vadd.f32 v0, v9;
	v9 =	vadd.f32 v11, v10;
	v10 =	vmul.f32 v24, v24  }
0x6d2: {  	v6 =	vadd.f32 v40, v6;
	v7 =	vadd.f32 v8, v7  }
0x6d3: {  	v8 =	vmul.f32 v16, v16;
	v9 =	vadd.f32 v10, v9;
	v10 =	vmul.f32 v17, v17  }
0x6d4: {  	v5 =	vadd.f32 v5, v6  }
0x6d5: {  	v6 =	vadd.f32 v8, v7;
	v8 =	vadd.f32 v10, v9;
	v9 =	vmul.f32 v3, v3;
	v3 =	vld [tilespmem:$0x1FF30];
	_ =	sdelay $0x2  }
0x6d6: {  	v2 =	vmul.f32 v2, v2;
	v7 =	vmul.f32 v15, v15;
	_ =	sdelay $0x1  }
0x6d7: {  	v2 =	vadd.f32 v2, v5;
	v5 =	vadd.f32 v7, v6;
	v6 =	vmul.f32 v3, v3;
	v3 =	vld [tilespmem:$0x1FF50];
	_ =	sdelay $0x4  }
0x6d8: {  	v7 =	vadd.f32 v9, v8;
	v8 =	vmul.f32 v3, v3;
	v3 =	vadd.f32 v6, v5;
	v5 =	vld [tilespmem:$0x1FF00];
	_ =	sdelay $0x4  }
0x6d9: {  	v1 =	vmul.f32 v1, v1;
	v2 =	vadd.f32 v18, v2;
	v5 =	vmul.f32 v5, v5;
	_ =	sdelay $0x1  }
0x6da: {  	v1 =	vadd.f32 v1, v2;
	v2 =	vadd.f32 v5, v3;
	v3 =	vld [tilespmem:$0x1FED0]  }
0x6db: {  	v52 =	vmul.f32 v52, v52;
	v0 =	vadd.f32 v56, v0;
	_ =	sdelay $0x1  }
0x6dc: {  	v43 =	vmul.f32 v43, v43;
	v0 =	vadd.f32 v52, v0;
	v6 =	vadd.f32 v8, v7;
	v7 =	vld [tilespmem:$0x1FEF0];
	_ =	sdelay $0x1  }
0x6dd: {  	v0 =	vadd.f32 v43, v0;
	v5 =	vmul.f32 v3, v3;
	v3 =	vld [tilespmem:$0x1FEB0];
	_ =	sdelay $0x1  }
0x6de: {  	s30 =	sadd.s32 $0x40, s30;
	v0 =	vadd.f32 v35, v0  }
0x6df: {  	v12 =	vmov s30;
	v17 =	vld [tilespmem:$0x1F970];
	v9 =	vshra.s32 v1, $0x1;
	v7 =	vmul.f32 v7, v7  }
0x6e0: {  	v9 =	vadd.s32 $0x1FBD1DF5, v9;
	v8 =	vmul.f32 v20, v20;
	v0 =	vadd.f32 v5, v0  }
0x6e1: {  	v6 =	vadd.f32 v7, v6;
	v7 =	vmul.f32 v3, v3;
	v3 =	vadd.f32 v4, v2  }
0x6e2: {  	v12 =	vshll.u32 v12, $0x4;
	(erf) = vrcp.f32 v9;
	v4 =	vadd.f32 v8, v0  }
0x6e3: {  	v5 =	vadd.f32 v7, v6;
	v7 =	vmul.f32 v21, v21;
	v10 =	vshra.s32 v3, $0x1  }
0x6e4: {  	v6 =	vor.u32 v17, v12;
	v8 =	vadd.s32 $0x1FBD1DF5, v10  }
0x6e5: {  	v0 =	vshra.s32 v4, $0x1;
	v59 =	vadd.f32 v7, v5;
	(erf) = vrcp.f32 v8  }
0x6e6: {  	v10 =	vadd.s32 $0x1FBD1DF5, v0;
	v7 =	vor.u32 $0xF, v6  }
0x6e7: {  	(erf) = vrcp.f32 v10;
	v0 =	vshra.s32 v59, $0x1  }
0x6e8: {  	v12 =	vor.u32 $0xE, v6;
	v11 =	vadd.s32 $0x1FBD1DF5, v0  }
0x6e9: {  	(erf) = vrcp.f32 v11  }
0x6ea: {  	v13 =	vor.u32 $0xD, v6  }
0x6eb: {  	v19 =	vld.idx.msk [tilespmem:v7+s24+$0x0], $0xffff  }
0x6ec: {  	v23 =	vld.idx.msk [tilespmem:v7+s7+$0x0], $0xffff;
	v7 =	vpop (erf)  }
0x6ed: {  	v24 =	vld.idx.msk [tilespmem:v12+s24+$0x0], $0xffff;
	v7 =	vmul.f32 v7, v1  }
0x6ee: {  	v27 =	vld.idx.msk [tilespmem:v12+s7+$0x0], $0xffff;
	v12 =	vpop (erf)  }
0x6ef: {  	v14 =	vor.u32 $0xC, v6;
	v25 =	vld.idx.msk [tilespmem:v13+s24+$0x0], $0xffff;
	v7 =	vadd.f32 v9, v7;
	v9 =	vmul.f32 v12, v3  }
0x6f0: {  	v28 =	vld.idx.msk [tilespmem:v13+s7+$0x0], $0xffff;
	v13 =	vpop (erf)  }
0x6f1: {  	v12 =	vor.u32 $0xA, v6;
	v8 =	vadd.f32 v8, v9;
	v9 =	vmul.f32 v13, v4  }
0x6f2: {  	v13 =	vpop (erf)  }
0x6f3: {  	v13 =	vmul.f32 v13, v59;
	v9 =	vadd.f32 v10, v9;
	v10 =	vor.u32 $0x8, v6  }
0x6f4: {  	v29 =	vld.idx.msk [tilespmem:v14+s24+$0x0], $0xffff  }
0x6f5: {  	v33 =	vld.idx.msk [tilespmem:v14+s7+$0x0], $0xffff;
	v11 =	vadd.f32 v11, v13;
	v13 =	vor.u32 $0x7, v6  }
0x6f6: {  	v36 =	vld.idx.msk [tilespmem:v12+s24+$0x0], $0xffff  }
0x6f7: {  	v15 =	vor.u32 $0xB, v6;
	v50 =	vld.idx.msk [tilespmem:v12+s7+$0x0], $0xffff  }
0x6f8: {  	v16 =	vor.u32 $0x9, v6;
	v14 =	vld.idx.msk [tilespmem:v10+s24+$0x0], $0xffff  }
0x6f9: {  	v7 =	vmul.f32 $5.000000000e-01, v7;
	v10 =	vld.idx.msk [tilespmem:v10+s7+$0x0], $0xffff  }
0x6fa: {  	v12 =	vor.u32 $0x6, v6;
	v57 =	vld.idx.msk [tilespmem:v13+s24+$0x0], $0xffff  }
0x6fb: {  	(erf) = vrcp.f32 v7;
	v8 =	vmul.f32 $5.000000000e-01, v8;
	v13 =	vld.idx.msk [tilespmem:v13+s7+$0x0], $0xffff  }
0x6fc: {  	v30 =	vld.idx.msk [tilespmem:v15+s24+$0x0], $0xffff  }
0x6fd: {  	v43 =	vld.idx.msk [tilespmem:v16+s24+$0x0], $0xffff;
	v9 =	vmul.f32 $5.000000000e-01, v9;
	(erf) = vrcp.f32 v8;
	[tilespmem:$0x1F010] =	vst v14;
	v14 =	vor.u32 $0x5, v6  }
0x6fe: {  	v52 =	vld.idx.msk [tilespmem:v16+s7+$0x0], $0xffff;
	v11 =	vmul.f32 $5.000000000e-01, v11  }
0x6ff: {  	s2 =	sadd.s32 $0x30, s30;
	(erf) = vrcp.f32 v9;
	v16 =	vld.idx.msk [tilespmem:v12+s24+$0x0], $0xffff;
	[tilespmem:$0x1F020] =	vst v10;
	v10 =	vor.u32 $0x4, v6  }
0x700: {  	v34 =	vld.idx.msk [tilespmem:v15+s7+$0x0], $0xffff;
	(erf) = vrcp.f32 v11;
	[tilespmem:$0x1F050] =	vst v13;
	v13 =	vmov s2  }
0x701: {  	v12 =	vld.idx.msk [tilespmem:v12+s7+$0x0], $0xffff;
	v13 =	vshll.u32 v13, $0x4  }
0x702: {  	v20 =	vor.u32 v17, v13;
	v13 =	vld.idx.msk [tilespmem:v14+s24+$0x0], $0xffff  }
0x703: {  	v14 =	vld.idx.msk [tilespmem:v14+s7+$0x0], $0xffff  }
0x704: {  	v15 =	vpop (erf);
	[tilespmem:$0x1F030] =	vst v16;
	v16 =	vld.idx.msk [tilespmem:v10+s24+$0x0], $0xffff  }
0x705: {  	v15 =	vmul.f32 v15, v1;
	v10 =	vld.idx.msk [tilespmem:v10+s7+$0x0], $0xffff  }
0x706: {  	[tilespmem:$0x1F040] =	vst v12;
	v12 =	vpop (erf)  }
0x707: {  	v7 =	vadd.f32 v15, v7;
	v15 =	vor.u32 $0x3, v6;
	v12 =	vmul.f32 v12, v3  }
0x708: {  	s25 =	sadd.s32 $0x20, s30;
	[tilespmem:$0x1F090] =	vst v14;
	v14 =	vpop (erf)  }
0x709: {  	v8 =	vadd.f32 v12, v8;
	[tilespmem:$0x1F080] =	vst v13;
	v13 =	vmov s25;
	v12 =	vmul.f32 v14, v4;
	v14 =	vpop (erf)  }
0x70a: {  	[tilespmem:$0x1F070] =	vst v10;
	v13 =	vshll.u32 v13, $0x4;
	v10 =	vmul.f32 v14, v59  }
0x70b: {  	v22 =	vor.u32 v17, v13;
	v13 =	vld.idx.msk [tilespmem:v20+s24+$0x0], $0xffff  }
0x70c: {  	v10 =	vadd.f32 v10, v11;
	v11 =	vld.idx.msk [tilespmem:v15+s24+$0x0], $0xffff;
	_ =	sdelay $0x2  }
0x70d: {  	s26 =	sadd.s32 $0x10, s30  }
0x70e: {  	[tilespmem:$0x1F0C0] =	vst v13;
	v13 =	vmov s26  }
0x70f: {  	[tilespmem:$0x1F0A0] =	vst v11;
	v11 =	vshll.u32 v13, $0x4  }
0x710: {  	v26 =	vor.u32 v17, v11;
	v11 =	vld.idx.msk [tilespmem:v22+s24+$0x0], $0xffff;
	_ =	sdelay $0x4  }
0x711: {  	v9 =	vadd.f32 v12, v9;
	v12 =	vor.u32 $0x2, v6;
	[tilespmem:$0x1F100] =	vst v11;
	v11 =	vld.idx.msk [tilespmem:v22+s7+$0x0], $0xffff;
	_ =	sdelay $0x1  }
0x712: {  	s17 =	sadd.s32 $0x40, s17  }
0x713: {  	s21 =	sadd.s32 $0x40, s21;
	v60 =	vld [tilespmem:s17+$0x0];
	v7 =	vmul.f32 $5.000000000e-01, v7  }
0x714: {  	v61 =	vld [tilespmem:s21+$0x0]  }
0x715: {  	s22 =	sadd.s32 $0x40, s22;
	v8 =	vmul.f32 $5.000000000e-01, v8;
	(erf) = vrcp.f32 v7;
	[tilespmem:$0x1F110] =	vst v11;
	v11 =	vld.idx.msk [tilespmem:v12+s24+$0x0], $0xffff  }
0x716: {  	v58 =	vld [tilespmem:s22+$0xFFFFFFE0]  }
0x717: {  	v18 =	vld.idx.msk [tilespmem:v6+s24+$0x0], $0xffff;
	(erf) = vrcp.f32 v8;
	v9 =	vmul.f32 $5.000000000e-01, v9  }
0x718: {  	v21 =	vld.idx.msk [tilespmem:v6+s7+$0x0], $0xffff;
	v10 =	vmul.f32 $5.000000000e-01, v10  }
0x719: {  	(erf) = vrcp.f32 v9;
	v13 =	vld.idx.msk [tilespmem:v15+s7+$0x0], $0xffff  }
0x71a: {  	v6 =	vor.u32 $0x1, v6;
	(erf) = vrcp.f32 v10;
	[tilespmem:$0x1F0E0] =	vst v11;
	v11 =	vld.idx.msk [tilespmem:v12+s7+$0x0], $0xffff  }
0x71b: {  	v12 =	vld.idx.msk [tilespmem:v26+s24+$0x0], $0xffff  }
0x71c: {  	v5 =	vld [tilespmem:s17+$0xFFFFFFE0]  }
0x71d: {  	v0 =	vld [tilespmem:s21+$0xFFFFFFE0]  }
0x71e: {  	v53 =	vld [tilespmem:s22+$0xFFFFFFF0];
	v15 =	vpop (erf)  }
0x71f: {  	v17 =	vld.idx.msk [tilespmem:v6+s24+$0x0], $0xffff;
	v1 =	vmul.f32 v15, v1;
	[tilespmem:$0x1F0B0] =	vst v13  }
0x720: {  	v13 =	vpop (erf);
	[tilespmem:$0x1F140] =	vst v12;
	v12 =	vld.idx.msk [tilespmem:v26+s7+$0x0], $0xffff  }
0x721: {  	v56 =	vld [tilespmem:s17+$0x10];
	v1 =	vadd.f32 v1, v7;
	v7 =	vor.u32 $0xF, v26;
	v3 =	vmul.f32 v13, v3  }
0x722: {  	v2 =	vld [tilespmem:s21+$0x10];
	v0 =	vadd.f32 v0, v5;
	v5 =	vpop (erf)  }
0x723: {  	v14 =	vld.idx.msk [tilespmem:v20+s7+$0x0], $0xffff;
	v1 =	vmul.f32 $5.000000000e-01, v1;
	v3 =	vadd.f32 v3, v8;
	v4 =	vmul.f32 v5, v4;
	v5 =	vpop (erf)  }
0x724: {  	v6 =	vld.idx.msk [tilespmem:v6+s7+$0x0], $0xffff;
	[tilespmem:$0x1F120] =	vst v17;
	v5 =	vmul.f32 v5, v59  }
0x725: {  	v17 =	vld [tilespmem:$0x1FFA0];
	v0 =	vsub.f32 v0, v1;
	v1 =	vmul.f32 $5.000000000e-01, v3;
	[tilespmem:$0x1F150] =	vst v12;
	v12 =	vor.u32 $0xF, v22  }
0x726: {  	v3 =	vadd.f32 v4, v9;
	v4 =	vor.u32 $0xD, v20;
	v5 =	vadd.f32 v5, v10;
	v10 =	vld.idx.msk [tilespmem:v7+s24+$0x0], $0xffff  }
0x727: {  	s2 =	sadd.s32 s23, s13;
	[tilespmem:$0x1F060] =	vst v16;
	v8 =	vor.u32 $0xE, v22;
	v7 =	vld.idx.msk [tilespmem:v7+s7+$0x0], $0xffff  }
0x728: {  	v46 =	vld [tilespmem:s21+$0xFFFFFFF0];
	v16 =	vlaneseq.u32;
	s26 =	sadd.s32 $0x10, s2;
	[tilespmem:$0x1F0F0] =	vst v11;
	v11 =	vor.u32 $0xF, v20  }
0x729: {  	v45 =	vld [tilespmem:s17+$0xFFFFFFF0];
	v2 =	vadd.f32 v2, v56;
	v15 =	vor.u32 s26, v16;
	v5 =	vmul.f32 $5.000000000e-01, v5  }
0x72a: {  	[tilespmem:$0x1F130] =	vst v6;
	v6 =	vor.u32 $0xE, v20;
	vm1 =	vlt.s32 v15, v17;
	v15 =	vld.idx.msk [tilespmem:v12+s24+$0x0], $0xffff  }
0x72b: {  	s25 =	sadd.s32 $0x30, s2;
	v31 =	vor.u32 s2, v16;
	[tilespmem:$0x1F0D0] =	vst v14;
	s2 =	sadd.s32 $0x20, s2;
	v2 =	vsub.f32 v2, v5;
	v5 =	vld.idx.msk [tilespmem:v4+s24+$0x0], $0xffff  }
0x72c: {  	v14 =	vor.u32 s25, v16;
	v16 =	vor.u32 s2, v16;
	[tilespmem:$0x1F1A0] =	vst v7;
	v7 =	vld.idx.msk [tilespmem:v8+s24+$0x0], $0xffff  }
0x72d: {  	vm0 =	vlt.s32 v16, v17;
	v16 =	vld.idx.msk [tilespmem:v11+s24+$0x0], $0xffff  }
0x72e: {  	v12 =	vld.idx.msk [tilespmem:v12+s7+$0x0], $0xffff  }
0x72f: {  	[tilespmem:$0x1F160] =	vst v15;
	v15 =	vld.idx.msk [tilespmem:v6+s24+$0x0], $0xffff  }
0x730: {  	v6 =	vld.idx.msk [tilespmem:v6+s7+$0x0], $0xffff  }
0x731: {  	v11 =	vld.idx.msk [tilespmem:v11+s7+$0x0], $0xffff  }
0x732: {  	v47 =	vld [tilespmem:s22+$0x0];
	[tilespmem:$0x1F1D0] =	vst v7  }
0x733: {  	v7 =	vld.idx.msk [tilespmem:v8+s7+$0x0], $0xffff;
	[tilespmem:$0x1F170] =	vst v12;
	v12 =	vadd.f32 v46, v45  }
0x734: {  	v13 =	vimm.f32 $0.0e+00;
	v0 =	vmul.f32 v0, v58;
	vm2 =	vlt.s32 v31, v17;
	[tilespmem:$0x1F1F0] =	vst v5;
	v5 =	vld [tilespmem:$0x1FA00]  }
0x735: {  	v3 =	vmul.f32 $5.000000000e-01, v3;
	v1 =	vsub.f32 v12, v1;
	[tilespmem:$0x1F1C0] =	vst v6;
	v6 =	vadd.f32 v61, v60  }
0x736: {  	v9 =	vor.u32 $0xE, v26;
	[tilespmem:$0x1F190] =	vst v11;
	v11 =	vsel vm2, $0x3F800000, v13  }
0x737: {  	v0 =	vmul.f32 v0, v11;
	v1 =	vmul.f32 v1, v53;
	v3 =	vsub.f32 v6, v3  }
0x738: {  	[tilespmem:$0x1F1E0] =	vst v7;
	v7 =	vsel vm1, $0x3F800000, v13  }
0x739: {  	v42 =	vld [tilespmem:s22+$0x10];
	v0 =	vadd.f32 v0, v5;
	v1 =	vmul.f32 v1, v7;
	v3 =	vmul.f32 v3, v47  }
0x73a: {  	v7 =	vld.idx.msk [tilespmem:v4+s7+$0x0], $0xffff;
	v4 =	vsel vm0, $0x3F800000, v13  }
0x73b: {  	v0 =	vadd.f32 v1, v0;
	v1 =	vmul.f32 v3, v4;
	v4 =	vld.idx.msk [tilespmem:v9+s7+$0x0], $0xffff;
	_ =	sdelay $0x2  }
0x73c: {  	v3 =	vor.u32 $0xD, v26  }
0x73d: {  	vm15 =	vlt.s32 v14, v17;
	v2 =	vmul.f32 v2, v42  }
0x73e: {  	[tilespmem:$0x1F210] =	vst v4;
	v4 =	vsel vm15, $0x3F800000, v13  }
0x73f: {  	v0 =	vadd.f32 v1, v0;
	v1 =	vmul.f32 v2, v4;
	_ =	sdelay $0x1  }
0x740: {  	v0 =	vadd.f32 v1, v0;
	v1 =	vld.idx.msk [tilespmem:v3+s24+$0x0], $0xffff  }
0x741: {  	v2 =	vor.u32 $0xC, v22;
	v3 =	vld.idx.msk [tilespmem:v3+s7+$0x0], $0xffff;
	_ =	sdelay $0x4  }
0x742: {  	[tilespmem:$0x1F250] =	vst v3;
	v3 =	vld.idx.msk [tilespmem:v2+s24+$0x0], $0xffff  }
0x743: {  	[tilespmem:$0x1FA00] =	vst v0;
	v0 =	vor.u32 $0xB, v20;
	v2 =	vld.idx.msk [tilespmem:v2+s7+$0x0], $0xffff;
	_ =	sdelay $0x4  }
0x744: {  	[tilespmem:$0x1F280] =	vst v2;
	v2 =	vld.idx.msk [tilespmem:v0+s24+$0x0], $0xffff  }
0x745: {  	[tilespmem:$0x1F240] =	vst v1;
	v1 =	vor.u32 $0xC, v26;
	v0 =	vld.idx.msk [tilespmem:v0+s7+$0x0], $0xffff;
	_ =	sdelay $0x4  }
0x746: {  	[tilespmem:$0x1F2A0] =	vst v0;
	v0 =	vld.idx.msk [tilespmem:v1+s24+$0x0], $0xffff  }
0x747: {  	[tilespmem:$0x1F270] =	vst v3;
	v3 =	vor.u32 $0xB, v22;
	v1 =	vld.idx.msk [tilespmem:v1+s7+$0x0], $0xffff;
	_ =	sdelay $0x4  }
0x748: {  	[tilespmem:$0x1F2C0] =	vst v1;
	v1 =	vld.idx.msk [tilespmem:v3+s24+$0x0], $0xffff  }
0x749: {  	[tilespmem:$0x1F290] =	vst v2;
	v2 =	vor.u32 $0xA, v20;
	v3 =	vld.idx.msk [tilespmem:v3+s7+$0x0], $0xffff;
	_ =	sdelay $0x4  }
0x74a: {  	[tilespmem:$0x1F2E0] =	vst v3;
	v3 =	vld.idx.msk [tilespmem:v2+s24+$0x0], $0xffff  }
0x74b: {  	[tilespmem:$0x1F2B0] =	vst v0;
	v0 =	vor.u32 $0xB, v26;
	v2 =	vld.idx.msk [tilespmem:v2+s7+$0x0], $0xffff;
	_ =	sdelay $0x4  }
0x74c: {  	[tilespmem:$0x1F320] =	vst v2;
	v2 =	vld.idx.msk [tilespmem:v0+s24+$0x0], $0xffff  }
0x74d: {  	[tilespmem:$0x1F2D0] =	vst v1;
	v1 =	vor.u32 $0xA, v22;
	v0 =	vld.idx.msk [tilespmem:v0+s7+$0x0], $0xffff;
	_ =	sdelay $0x4  }
0x74e: {  	[tilespmem:$0x1F300] =	vst v0;
	v0 =	vld.idx.msk [tilespmem:v1+s24+$0x0], $0xffff  }
0x74f: {  	[tilespmem:$0x1F310] =	vst v3;
	v3 =	vor.u32 $0x9, v20;
	v1 =	vld.idx.msk [tilespmem:v1+s7+$0x0], $0xffff;
	_ =	sdelay $0x4  }
0x750: {  	[tilespmem:$0x1F340] =	vst v1;
	v1 =	vld.idx.msk [tilespmem:v3+s24+$0x0], $0xffff  }
0x751: {  	[tilespmem:$0x1F2F0] =	vst v2;
	v2 =	vor.u32 $0xA, v26;
	v3 =	vld.idx.msk [tilespmem:v3+s7+$0x0], $0xffff;
	_ =	sdelay $0x4  }
0x752: {  	[tilespmem:$0x1F360] =	vst v3;
	v3 =	vld.idx.msk [tilespmem:v2+s24+$0x0], $0xffff  }
0x753: {  	[tilespmem:$0x1F330] =	vst v0;
	v0 =	vor.u32 $0x9, v22;
	v2 =	vld.idx.msk [tilespmem:v2+s7+$0x0], $0xffff;
	_ =	sdelay $0x4  }
0x754: {  	v6 =	vor.u32 $0xD, v22;
	[tilespmem:$0x1F380] =	vst v2;
	v2 =	vld.idx.msk [tilespmem:v0+s24+$0x0], $0xffff  }
0x755: {  	[tilespmem:$0x1F350] =	vst v1;
	v1 =	vor.u32 $0x8, v20;
	v0 =	vld.idx.msk [tilespmem:v0+s7+$0x0], $0xffff;
	_ =	sdelay $0x3  }
0x756: {  	v4 =	vld.idx.msk [tilespmem:v6+s7+$0x0], $0xffff  }
0x757: {  	v5 =	vor.u32 $0xC, v20;
	[tilespmem:$0x1F3A0] =	vst v0;
	v0 =	vld.idx.msk [tilespmem:v1+s24+$0x0], $0xffff  }
0x758: {  	[tilespmem:$0x1F370] =	vst v3;
	v3 =	vor.u32 $0x9, v26;
	v1 =	vld.idx.msk [tilespmem:v1+s7+$0x0], $0xffff;
	_ =	sdelay $0x3  }
0x759: {  	[tilespmem:$0x1F230] =	vst v4;
	v4 =	vld.idx.msk [tilespmem:v5+s24+$0x0], $0xffff  }
0x75a: {  	[tilespmem:$0x1F3E0] =	vst v1;
	v1 =	vld.idx.msk [tilespmem:v3+s24+$0x0], $0xffff  }
0x75b: {  	[tilespmem:$0x1F390] =	vst v2;
	v2 =	vor.u32 $0x8, v22;
	v3 =	vld.idx.msk [tilespmem:v3+s7+$0x0], $0xffff  }
0x75c: {  	[tilespmem:$0x1F3D0] =	vst v0;
	v0 =	vor.u32 $0x7, v20;
	_ =	sdelay $0x2  }
0x75d: {  	[tilespmem:$0x1F260] =	vst v4  }
0x75e: {  	v4 =	vor.u32 $0x6, v22;
	[tilespmem:$0x1F3C0] =	vst v3;
	v3 =	vld.idx.msk [tilespmem:v2+s24+$0x0], $0xffff  }
0x75f: {  	v55 =	vld.idx.msk [tilespmem:v0+s24+$0x0], $0xffff  }
0x760: {  	v51 =	vld.idx.msk [tilespmem:v0+s7+$0x0], $0xffff;
	v0 =	vor.u32 $0x7, v26;
	_ =	sdelay $0x1  }
0x761: {  	[tilespmem:$0x1F3B0] =	vst v1;
	v1 =	vor.u32 $0x8, v26  }
0x762: {  	v44 =	vld.idx.msk [tilespmem:v4+s24+$0x0], $0xffff  }
0x763: {  	v42 =	vld.idx.msk [tilespmem:v4+s7+$0x0], $0xffff;
	[tilespmem:$0x1F3F0] =	vst v3;
	v3 =	vor.u32 $0x7, v22  }
0x764: {  	v32 =	vld.idx.msk [tilespmem:v0+s24+$0x0], $0xffff  }
0x765: {  	v31 =	vld.idx.msk [tilespmem:v0+s7+$0x0], $0xffff;
	v0 =	vor.u32 $0x4, v20  }
0x766: {  	v53 =	vld.idx.msk [tilespmem:v1+s24+$0x0], $0xffff  }
0x767: {  	v49 =	vld.idx.msk [tilespmem:v1+s7+$0x0], $0xffff  }
0x768: {  	v48 =	vld.idx.msk [tilespmem:v3+s24+$0x0], $0xffff  }
0x769: {  	v46 =	vld.idx.msk [tilespmem:v3+s7+$0x0], $0xffff  }
0x76a: {  	v1 =	vor.u32 $0x5, v26;
	v35 =	vld.idx.msk [tilespmem:v0+s24+$0x0], $0xffff  }
0x76b: {  	v3 =	vsub.f32 v24, v27;
	v24 =	vld.idx.msk [tilespmem:v0+s7+$0x0], $0xffff;
	v0 =	vsub.f32 v36, v50  }
0x76c: {  	v4 =	vld [tilespmem:$0x1F020]  }
0x76d: {  	[tilespmem:$0x1F450] =	vst v0;
	v0 =	vld [tilespmem:$0x1F010];
	_ =	sdelay $0x1  }
0x76e: {  	v59 =	vsub.f32 v18, v21;
	v18 =	vld.idx.msk [tilespmem:v1+s24+$0x0], $0xffff  }
0x76f: {  	v17 =	vld.idx.msk [tilespmem:v1+s7+$0x0], $0xffff  }
0x770: {  	v1 =	vld [tilespmem:$0x1F030]  }
0x771: {  	v50 =	vsub.f32 v0, v4;
	v4 =	vld [tilespmem:$0x1F040];
	_ =	sdelay $0x4  }
0x772: {  	v1 =	vsub.f32 v1, v4  }
0x773: {  	v2 =	vld.idx.msk [tilespmem:v2+s7+$0x0], $0xffff  }
0x774: {  	[tilespmem:$0x1F470] =	vst v1;
	v1 =	vld [tilespmem:$0x1F050];
	_ =	sdelay $0x4  }
0x775: {  	[tilespmem:$0x1F400] =	vst v2;
	v2 =	vor.u32 $0x6, v20;
	v1 =	vsub.f32 v57, v1  }
0x776: {  	v4 =	vld [tilespmem:$0x1F070]  }
0x777: {  	[tilespmem:$0x1F480] =	vst v1;
	v1 =	vld [tilespmem:$0x1F060];
	_ =	sdelay $0x2  }
0x778: {  	v47 =	vld.idx.msk [tilespmem:v2+s24+$0x0], $0xffff  }
0x779: {  	v45 =	vld.idx.msk [tilespmem:v2+s7+$0x0], $0xffff;
	v2 =	vor.u32 $0x4, v22  }
0x77a: {  	v1 =	vsub.f32 v1, v4  }
0x77b: {  	v4 =	vld [tilespmem:$0x1F090]  }
0x77c: {  	[tilespmem:$0x1F490] =	vst v1;
	v1 =	vld [tilespmem:$0x1F080];
	_ =	sdelay $0x1  }
0x77d: {  	[tilespmem:$0x1F180] =	vst v16;
	v16 =	vld.idx.msk [tilespmem:v2+s24+$0x0], $0xffff  }
0x77e: {  	[tilespmem:$0x1F1B0] =	vst v15;
	v15 =	vld.idx.msk [tilespmem:v2+s7+$0x0], $0xffff  }
0x77f: {  	v2 =	vld [tilespmem:$0x1F0A0]  }
0x780: {  	v1 =	vsub.f32 v1, v4;
	v4 =	vld [tilespmem:$0x1F0B0];
	_ =	sdelay $0x4  }
0x781: {  	v58 =	vsub.f32 v2, v4;
	v2 =	vld [tilespmem:$0x1F0C0]  }
0x782: {  	v4 =	vld [tilespmem:$0x1F0D0];
	_ =	sdelay $0x2  }
0x783: {  	[tilespmem:$0x1F410] =	vst v3;
	v3 =	vsub.f32 v19, v23;
	_ =	sdelay $0x1  }
0x784: {  	[tilespmem:$0x1F420] =	vst v3;
	v3 =	vsub.f32 v29, v33;
	v63 =	vsub.f32 v2, v4;
	v2 =	vld [tilespmem:$0x1F0E0]  }
0x785: {  	v4 =	vld [tilespmem:$0x1F0F0]  }
0x786: {  	[tilespmem:$0x1F430] =	vst v3;
	v3 =	vsub.f32 v25, v28;
	_ =	sdelay $0x1  }
0x787: {  	[tilespmem:$0x1F440] =	vst v3;
	v3 =	vor.u32 $0x3, v20;
	_ =	sdelay $0x1  }
0x788: {  	v62 =	vsub.f32 v2, v4;
	v2 =	vld [tilespmem:$0x1F100]  }
0x789: {  	v4 =	vld [tilespmem:$0x1F110];
	_ =	sdelay $0x1  }
0x78a: {  	v14 =	vld.idx.msk [tilespmem:v3+s24+$0x0], $0xffff  }
0x78b: {  	v13 =	vld.idx.msk [tilespmem:v3+s7+$0x0], $0xffff  }
0x78c: {  	v3 =	vld [tilespmem:$0x1F120]  }
0x78d: {  	v60 =	vsub.f32 v2, v4;
	v4 =	vld [tilespmem:$0x1F130]  }
0x78e: {  	v0 =	vsub.f32 v43, v52;
	_ =	sdelay $0x1  }
0x78f: {  	[tilespmem:$0x1F460] =	vst v0;
	v0 =	vor.u32 $0x4, v26;
	_ =	sdelay $0x1  }
0x790: {  	v61 =	vsub.f32 v3, v4;
	v3 =	vld [tilespmem:$0x1F140]  }
0x791: {  	v4 =	vld [tilespmem:$0x1F150];
	_ =	sdelay $0x1  }
0x792: {  	v12 =	vld.idx.msk [tilespmem:v0+s24+$0x0], $0xffff  }
0x793: {  	v11 =	vld.idx.msk [tilespmem:v0+s7+$0x0], $0xffff  }
0x794: {  	v0 =	vld [tilespmem:$0x1F160]  }
0x795: {  	v3 =	vsub.f32 v3, v4;
	v4 =	vld [tilespmem:$0x1F170];
	_ =	sdelay $0x4  }
0x796: {  	v0 =	vsub.f32 v0, v4  }
0x797: {  	v4 =	vld [tilespmem:$0x1F190]  }
0x798: {  	[tilespmem:$0x1F4C0] =	vst v0;
	v0 =	vld [tilespmem:$0x1F180];
	_ =	sdelay $0x4  }
0x799: {  	v0 =	vsub.f32 v0, v4;
	_ =	sdelay $0x1  }
0x79a: {  	[tilespmem:$0x1F4D0] =	vst v0;
	v0 =	vld [tilespmem:$0x1F1A0];
	_ =	sdelay $0x3  }
0x79b: {  	v8 =	vld.idx.msk [tilespmem:v9+s24+$0x0], $0xffff;
	v9 =	vor.u32 $0x5, v22  }
0x79c: {  	v0 =	vsub.f32 v10, v0  }
0x79d: {  	[tilespmem:$0x1F4A0] =	vst v1;
	v1 =	vor.u32 $0x3, v22;
	v4 =	vld [tilespmem:$0x1F1C0]  }
0x79e: {  	[tilespmem:$0x1F4E0] =	vst v0;
	v0 =	vld [tilespmem:$0x1F1B0];
	_ =	sdelay $0x1  }
0x79f: {  	v38 =	vld.idx.msk [tilespmem:v9+s24+$0x0], $0xffff  }
0x7a0: {  	v56 =	vld.idx.msk [tilespmem:v9+s7+$0x0], $0xffff  }
0x7a1: {  	v9 =	vld.idx.msk [tilespmem:v1+s7+$0x0], $0xffff  }
0x7a2: {  	v10 =	vld.idx.msk [tilespmem:v1+s24+$0x0], $0xffff;
	v0 =	vsub.f32 v0, v4  }
0x7a3: {  	v1 =	vld [tilespmem:$0x1F1E0]  }
0x7a4: {  	[tilespmem:$0x1F4F0] =	vst v0;
	v0 =	vld [tilespmem:$0x1F1D0];
	_ =	sdelay $0x4  }
0x7a5: {  	v36 =	vsub.f32 v0, v1;
	v0 =	vld [tilespmem:$0x1F1F0];
	_ =	sdelay $0x4  }
0x7a6: {  	v0 =	vsub.f32 v0, v7  }
0x7a7: {  	[tilespmem:$0x1F200] =	vst v8;
	v1 =	vld [tilespmem:$0x1F210]  }
0x7a8: {  	[tilespmem:$0x1F500] =	vst v0;
	v0 =	vld [tilespmem:$0x1F200]  }
0x7a9: {  	v8 =	vld.idx.msk [tilespmem:v6+s24+$0x0], $0xffff;
	_ =	sdelay $0x3  }
0x7aa: {  	v0 =	vsub.f32 v0, v1  }
0x7ab: {  	[tilespmem:$0x1F220] =	vst v8;
	v1 =	vld [tilespmem:$0x1F230]  }
0x7ac: {  	[tilespmem:$0x1F510] =	vst v0;
	v0 =	vld [tilespmem:$0x1F220];
	_ =	sdelay $0x4  }
0x7ad: {  	v0 =	vsub.f32 v0, v1  }
0x7ae: {  	v1 =	vld [tilespmem:$0x1F250]  }
0x7af: {  	[tilespmem:$0x1F520] =	vst v0;
	v0 =	vld [tilespmem:$0x1F240];
	_ =	sdelay $0x4  }
0x7b0: {  	v0 =	vsub.f32 v0, v1  }
0x7b1: {  	v5 =	vld.idx.msk [tilespmem:v5+s7+$0x0], $0xffff  }
0x7b2: {  	[tilespmem:$0x1F530] =	vst v0;
	v0 =	vld [tilespmem:$0x1F260];
	_ =	sdelay $0x4  }
0x7b3: {  	v0 =	vsub.f32 v0, v5  }
0x7b4: {  	v8 =	vor.u32 $0x6, v26;
	v1 =	vld [tilespmem:$0x1F280]  }
0x7b5: {  	[tilespmem:$0x1F540] =	vst v0;
	v0 =	vld [tilespmem:$0x1F270];
	_ =	sdelay $0x2  }
0x7b6: {  	v2 =	vor.u32 $0x2, v20  }
0x7b7: {  	v40 =	vld.idx.msk [tilespmem:v8+s24+$0x0], $0xffff  }
0x7b8: {  	v43 =	vsub.f32 v0, v1;
	v0 =	vld [tilespmem:$0x1F290]  }
0x7b9: {  	v1 =	vld [tilespmem:$0x1F2A0]  }
0x7ba: {  	v37 =	vld.idx.msk [tilespmem:v8+s7+$0x0], $0xffff  }
0x7bb: {  	v8 =	vld.idx.msk [tilespmem:v2+s24+$0x0], $0xffff  }
0x7bc: {  	v7 =	vld.idx.msk [tilespmem:v2+s7+$0x0], $0xffff  }
0x7bd: {  	v2 =	vld [tilespmem:$0x1F2C0]  }
0x7be: {  	v0 =	vsub.f32 v0, v1;
	v1 =	vld [tilespmem:$0x1F2B0];
	_ =	sdelay $0x4  }
0x7bf: {  	v57 =	vsub.f32 v1, v2;
	v1 =	vld [tilespmem:$0x1F2D0]  }
0x7c0: {  	v2 =	vld [tilespmem:$0x1F2E0];
	_ =	sdelay $0x4  }
0x7c1: {  	v52 =	vsub.f32 v1, v2;
	v1 =	vld [tilespmem:$0x1F2F0]  }
0x7c2: {  	v2 =	vld [tilespmem:$0x1F300];
	_ =	sdelay $0x4  }
0x7c3: {  	v1 =	vsub.f32 v1, v2  }
0x7c4: {  	v2 =	vld [tilespmem:$0x1F320]  }
0x7c5: {  	[tilespmem:$0x1F560] =	vst v1;
	v1 =	vld [tilespmem:$0x1F310];
	_ =	sdelay $0x4  }
0x7c6: {  	v54 =	vsub.f32 v30, v34;
	v34 =	vsub.f32 v1, v2;
	v1 =	vld [tilespmem:$0x1F330]  }
0x7c7: {  	v2 =	vld [tilespmem:$0x1F340];
	_ =	sdelay $0x4  }
0x7c8: {  	v25 =	vsub.f32 v1, v2;
	v1 =	vld [tilespmem:$0x1F350]  }
0x7c9: {  	v2 =	vld [tilespmem:$0x1F360];
	_ =	sdelay $0x4  }
0x7ca: {  	v27 =	vsub.f32 v1, v2;
	v1 =	vld [tilespmem:$0x1F370]  }
0x7cb: {  	v2 =	vld [tilespmem:$0x1F380];
	_ =	sdelay $0x4  }
0x7cc: {  	v28 =	vsub.f32 v1, v2;
	v1 =	vld [tilespmem:$0x1F390]  }
0x7cd: {  	v2 =	vld [tilespmem:$0x1F3A0];
	_ =	sdelay $0x3  }
0x7ce: {  	v19 =	vld [tilespmem:$0x1F3C0]  }
0x7cf: {  	v23 =	vsub.f32 v1, v2;
	v1 =	vld [tilespmem:$0x1F3B0];
	_ =	sdelay $0x2  }
0x7d0: {  	v30 =	vld [tilespmem:$0x1F400]  }
0x7d1: {  	v6 =	vor.u32 $0x5, v20;
	v29 =	vld [tilespmem:$0x1F3F0]  }
0x7d2: {  	v21 =	vsub.f32 v1, v19;
	v1 =	vld [tilespmem:$0x1F3D0]  }
0x7d3: {  	[tilespmem:$0x1F550] =	vst v0;
	v0 =	vor.u32 $0x2, v26;
	v19 =	vld [tilespmem:$0x1F3E0];
	_ =	sdelay $0x1  }
0x7d4: {  	v4 =	vor.u32 $0x2, v22;
	v22 =	vor.u32 $0x1, v22  }
0x7d5: {  	v41 =	vld.idx.msk [tilespmem:v6+s24+$0x0], $0xffff  }
0x7d6: {  	v39 =	vld.idx.msk [tilespmem:v6+s7+$0x0], $0xffff;
	v30 =	vsub.f32 v29, v30;
	v20 =	vor.u32 $0x1, v20  }
0x7d7: {  	v19 =	vsub.f32 v1, v19;
	v1 =	vld.idx.msk [tilespmem:v0+s24+$0x0], $0xffff  }
0x7d8: {  	[tilespmem:$0x1FDA0] =	vst v30;
	v30 =	vsub.f32 v55, v51;
	v0 =	vld.idx.msk [tilespmem:v0+s7+$0x0], $0xffff  }
0x7d9: {  	v55 =	vld.idx.msk [tilespmem:v22+s24+$0x0], $0xffff  }
0x7da: {  	[tilespmem:$0x1FDC0] =	vst v30;
	v30 =	vsub.f32 v32, v31;
	v31 =	vsub.f32 v47, v45;
	v45 =	vld.idx.msk [tilespmem:v22+s7+$0x0], $0xffff  }
0x7db: {  	v2 =	vld.idx.msk [tilespmem:v20+s24+$0x0], $0xffff  }
0x7dc: {  	v22 =	vsub.f32 v41, v39;
	v20 =	vld.idx.msk [tilespmem:v20+s7+$0x0], $0xffff  }
0x7dd: {  	v39 =	vsub.f32 v38, v56;
	v56 =	vsub.f32 v1, v0;
	v0 =	vld [tilespmem:$0x1F410]  }
0x7de: {  	[tilespmem:$0x1F4B0] =	vst v3;
	v3 =	vor.u32 $0x3, v26;
	_ =	sdelay $0x2  }
0x7df: {  	[tilespmem:$0x1FDF0] =	vst v31;
	v31 =	vsub.f32 v44, v42  }
0x7e0: {  	v42 =	vsub.f32 v2, v20;
	v20 =	vadd.f32 $9.999999970e-07, v0;
	v0 =	vld [tilespmem:$0x1F420]  }
0x7e1: {  	v6 =	vld.idx.msk [tilespmem:v3+s24+$0x0], $0xffff  }
0x7e2: {  	v5 =	vld.idx.msk [tilespmem:v3+s7+$0x0], $0xffff  }
0x7e3: {  	v3 =	vld.idx.msk [tilespmem:v4+s24+$0x0], $0xffff  }
0x7e4: {  	v4 =	vld.idx.msk [tilespmem:v4+s7+$0x0], $0xffff  }
0x7e5: {  	v1 =	vadd.f32 $9.999999970e-07, v0;
	v0 =	vld [tilespmem:$0x1F430];
	_ =	sdelay $0x3  }
0x7e6: {  	v33 =	vsub.f32 v53, v49  }
0x7e7: {  	v53 =	vsub.f32 v3, v4;
	v4 =	vadd.f32 $9.999999970e-07, v0;
	v0 =	vld [tilespmem:$0x1F440];
	_ =	sdelay $0x4  }
0x7e8: {  	v2 =	vadd.f32 $9.999999970e-07, v0;
	v0 =	vld [tilespmem:$0x1F450];
	_ =	sdelay $0x4  }
0x7e9: {  	v55 =	vsub.f32 v55, v45;
	v45 =	vadd.f32 $9.999999970e-07, v0;
	v0 =	vld [tilespmem:$0x1F460];
	_ =	sdelay $0x3  }
0x7ea: {  	v37 =	vsub.f32 v40, v37;
	v40 =	vadd.f32 $9.999999970e-07, v54  }
0x7eb: {  	v54 =	vadd.f32 $9.999999970e-07, v50;
	v50 =	vadd.f32 $9.999999970e-07, v0;
	v0 =	vld [tilespmem:$0x1F470];
	_ =	sdelay $0x4  }
0x7ec: {  	v49 =	vsub.f32 v8, v7;
	v8 =	vadd.f32 $9.999999970e-07, v0;
	v0 =	vld [tilespmem:$0x1F480];
	_ =	sdelay $0x4  }
0x7ed: {  	v51 =	vsub.f32 v6, v5;
	v6 =	vadd.f32 $9.999999970e-07, v0;
	v0 =	vld [tilespmem:$0x1F490];
	_ =	sdelay $0x3  }
0x7ee: {  	v29 =	vsub.f32 v48, v46  }
0x7ef: {  	v46 =	vsub.f32 v12, v11;
	v11 =	vadd.f32 $9.999999970e-07, v0;
	v0 =	vld [tilespmem:$0x1F4A0];
	_ =	sdelay $0x2  }
0x7f0: {  	v26 =	vor.u32 $0x1, v26;
	_ =	sdelay $0x1  }
0x7f1: {  	v48 =	vsub.f32 v10, v9;
	v9 =	vadd.f32 $9.999999970e-07, v0;
	v0 =	vld [tilespmem:$0x1F4B0];
	_ =	sdelay $0x2  }
0x7f2: {  	v32 =	vld.idx.msk [tilespmem:v26+s24+$0x0], $0xffff  }
0x7f3: {  	v10 =	vadd.f32 $9.999999970e-07, v63;
	v26 =	vld.idx.msk [tilespmem:v26+s7+$0x0], $0xffff  }
0x7f4: {  	v63 =	vadd.f32 $9.999999970e-07, v61;
	v61 =	vadd.f32 $9.999999970e-07, v0;
	v0 =	vld [tilespmem:$0x1F4C0];
	_ =	sdelay $0x4  }
0x7f5: {  	v7 =	vsub.f32 v32, v26;
	v32 =	vadd.f32 $9.999999970e-07, v0;
	v0 =	vld [tilespmem:$0x1F4D0];
	_ =	sdelay $0x4  }
0x7f6: {  	v26 =	vadd.f32 $9.999999970e-07, v0;
	v0 =	vld [tilespmem:$0x1F4E0];
	_ =	sdelay $0x4  }
0x7f7: {  	v38 =	vsub.f32 v35, v24;
	v35 =	vadd.f32 $9.999999970e-07, v0;
	v0 =	vld [tilespmem:$0x1F4F0];
	_ =	sdelay $0x4  }
0x7f8: {  	v0 =	vadd.f32 $9.999999970e-07, v0;
	_ =	sdelay $0x1  }
0x7f9: {  	[tilespmem:$0x1FEB0] =	vst v0;
	v0 =	vadd.f32 $9.999999970e-07, v36;
	_ =	sdelay $0x1  }
0x7fa: {  	[tilespmem:$0x1FED0] =	vst v0;
	v0 =	vld [tilespmem:$0x1F500];
	_ =	sdelay $0x4  }
0x7fb: {  	v0 =	vadd.f32 $9.999999970e-07, v0;
	_ =	sdelay $0x1  }
0x7fc: {  	[tilespmem:$0x1FEF0] =	vst v0;
	v0 =	vld [tilespmem:$0x1F510];
	_ =	sdelay $0x4  }
0x7fd: {  	v0 =	vadd.f32 $9.999999970e-07, v0;
	_ =	sdelay $0x1  }
0x7fe: {  	[tilespmem:$0x1FF00] =	vst v0;
	v0 =	vld [tilespmem:$0x1F520];
	_ =	sdelay $0x4  }
0x7ff: {  	v36 =	vadd.f32 $9.999999970e-07, v0;
	v0 =	vld [tilespmem:$0x1F530];
	_ =	sdelay $0x4  }
0x800: {  	v0 =	vadd.f32 $9.999999970e-07, v0;
	_ =	sdelay $0x1  }
0x801: {  	[tilespmem:$0x1FF30] =	vst v0;
	v0 =	vld [tilespmem:$0x1F540];
	_ =	sdelay $0x4  }
0x802: {  	v0 =	vadd.f32 $9.999999970e-07, v0;
	_ =	sdelay $0x1  }
0x803: {  	[tilespmem:$0x1FF50] =	vst v0;
	v0 =	vld [tilespmem:$0x1F550]  }
0x804: {  	v59 =	vadd.f32 $9.999999970e-07, v59  }
0x805: {  	v47 =	vsub.f32 v16, v15;
	v44 =	vsub.f32 v14, v13  }
0x806: {  	v58 =	vadd.f32 $9.999999970e-07, v58;
	v62 =	vadd.f32 $9.999999970e-07, v62  }
0x807: {  	s8 =	sadd.s32 $0x4, s8;
	v60 =	vadd.f32 $9.999999970e-07, v60;
	v41 =	vsub.f32 v18, v17  }
0x808: {  	p0 =	slt.u32 s8, $0xC;
	v43 =	vadd.f32 $9.999999970e-07, v43;
	v3 =	vadd.f32 $9.999999970e-07, v0;
	v0 =	vld [tilespmem:$0x1F560]  }
.Ltmp13:
0x809: {  	v15 =	vadd.f32 $9.999999970e-07, v57;
	v52 =	vadd.f32 $9.999999970e-07, v52;
	(pc) =	sbr.rel @p0 .LBB2_25-.Ltmp13, $4  }
0x80a: {  	v17 =	vadd.f32 $9.999999970e-07, v34;
	v57 =	vadd.f32 $9.999999970e-07, v25  }
0x80b: {  	v24 =	vadd.f32 $9.999999970e-07, v27;
	v25 =	vadd.f32 $9.999999970e-07, v28  }
0x80c: {  	v34 =	vadd.f32 $9.999999970e-07, v21;
	v19 =	vadd.f32 $9.999999970e-07, v19  }
0x80d: {  	s23 =	smov.u32 s30;
	v16 =	vadd.f32 $9.999999970e-07, v0;
	v0 =	vadd.f32 $9.999999970e-07, v23  }
0x80e: {  	v5 =	vmul.f32 v59, v59;
	v12 =	vmul.f32 v63, v63  }
0x80f: {  	v13 =	vmul.f32 v62, v62;
	v14 =	vadd.f32 $9.999999970e-07, v55;
	v55 =	vmul.f32 v60, v60  }
0x810: {  	v18 =	vmul.f32 v61, v61;
	v21 =	vadd.f32 $9.999999970e-07, v56;
	v56 =	vmul.f32 v58, v58  }
0x811: {  	v23 =	vadd.f32 $9.999999970e-07, v53;
	v59 =	vadd.f32 $9.999999970e-07, v42;
	v11 =	vmul.f32 v11, v11  }
0x812: {  	v10 =	vmul.f32 v10, v10;
	v62 =	vadd.f32 $9.999999970e-07, v48;
	v42 =	vadd.f32 $9.999999970e-07, v47  }
0x813: {  	v47 =	vadd.f32 $9.999999970e-07, v46;
	v9 =	vmul.f32 v9, v9;
	v8 =	vmul.f32 v8, v8  }
0x814: {  	v53 =	vadd.f32 $9.999999970e-07, v41;
	v6 =	vmul.f32 v6, v6;
	v41 =	vmul.f32 v19, v19  }
0x815: {  	v48 =	vadd.f32 $9.999999970e-07, v44;
	v44 =	vmul.f32 v25, v25;
	v46 =	vmul.f32 v24, v24  }
0x816: {  	v7 =	vadd.f32 $9.999999970e-07, v7;
	v4 =	vmul.f32 v4, v4;
	v2 =	vmul.f32 v2, v2  }
0x817: {  	v1 =	vmul.f32 v1, v1;
	v3 =	vmul.f32 v3, v3  }
0x818: {  	v61 =	vadd.f32 $9.999999970e-07, v51;
	v0 =	vmul.f32 v0, v0;
	v7 =	vmul.f32 v7, v7  }
0x819: {  	v63 =	vadd.f32 $9.999999970e-07, v49;
	v14 =	vmul.f32 v14, v14;
	v58 =	vmul.f32 v21, v21  }
0x81a: {  	v5 =	vadd.f32 v12, v5;
	v60 =	vmul.f32 v23, v23;
	v23 =	vmul.f32 v62, v62  }
0x81b: {  	v27 =	vmul.f32 v63, v63;
	v49 =	vmul.f32 v42, v42;
	v63 =	vadd.f32 $9.999999970e-07, v30  }
0x81c: {  	v51 =	vmul.f32 v47, v47;
	v21 =	vadd.f32 $9.999999970e-07, v33;
	v5 =	vadd.f32 v13, v5  }
0x81d: {  	v42 =	vmul.f32 v40, v40;
	v7 =	vadd.f32 v7, v18;
	v12 =	vadd.f32 v14, v55  }
0x81e: {  	v13 =	vmul.f32 v59, v59;
	v55 =	vadd.f32 $9.999999970e-07, v39;
	v59 =	vadd.f32 $9.999999970e-07, v31  }
0x81f: {  	v14 =	vmul.f32 v61, v61;
	v61 =	vadd.f32 $9.999999970e-07, v22;
	v5 =	vadd.f32 v56, v5  }
0x820: {  	v47 =	vmul.f32 v16, v16;
	v7 =	vadd.f32 v58, v7;
	v12 =	vadd.f32 v60, v12  }
0x821: {  	v39 =	vmul.f32 v34, v34;
	v10 =	vadd.f32 v13, v10;
	v56 =	vadd.f32 $9.999999970e-07, v38  }
0x822: {  	v58 =	vmul.f32 v55, v55;
	v60 =	vadd.f32 $9.999999970e-07, v37;
	v13 =	vmul.f32 v54, v54  }
0x823: {  	v38 =	vmul.f32 v45, v45;
	v5 =	vadd.f32 v11, v5;
	v7 =	vadd.f32 v14, v7  }
0x824: {  	v22 =	vld [tilespmem:$0x1FDA0];
	v11 =	vadd.f32 v23, v12;
	v10 =	vadd.f32 v27, v10;
	v12 =	vmul.f32 v48, v48  }
0x825: {  	v62 =	vmul.f32 v60, v60;
	v14 =	vadd.f32 $9.999999970e-07, v29;
	v5 =	vadd.f32 v9, v5  }
0x826: {  	v18 =	vld [tilespmem:$0x1FDF0];
	v7 =	vadd.f32 v51, v7;
	v11 =	vadd.f32 v49, v11;
	v9 =	vmul.f32 v53, v53  }
0x827: {  	v10 =	vadd.f32 v12, v10;
	v12 =	vmul.f32 v56, v56;
	v5 =	vadd.f32 v8, v5  }
0x828: {  	v23 =	vld [tilespmem:$0x1FDC0];
	v27 =	vmul.f32 v50, v50;
	v7 =	vadd.f32 v9, v7;
	v8 =	vadd.f32 v58, v11  }
0x829: {  	v10 =	vadd.f32 v12, v10;
	v9 =	vmul.f32 v59, v59;
	v12 =	vadd.f32 $9.999999970e-07, v22  }
0x82a: {  	v11 =	vmul.f32 v61, v61;
	v5 =	vadd.f32 v6, v5;
	v7 =	vadd.f32 v62, v7  }
0x82b: {  	v8 =	vadd.f32 v9, v8;
	v6 =	vmul.f32 v63, v63;
	v9 =	vadd.f32 $9.999999970e-07, v18  }
0x82c: {  	v10 =	vadd.f32 v11, v10;
	v11 =	vmul.f32 v14, v14;
	v33 =	vmul.f32 v12, v12  }
0x82d: {  	v5 =	vadd.f32 v13, v5;
	v13 =	vadd.f32 $9.999999970e-07, v23;
	v9 =	vmul.f32 v9, v9  }
0x82e: {  	v6 =	vadd.f32 v6, v7;
	v8 =	vadd.f32 v11, v8;
	v7 =	vmul.f32 v21, v21  }
0x82f: {  	v9 =	vadd.f32 v9, v10;
	v37 =	vmul.f32 v13, v13;
	v5 =	vadd.f32 v27, v5  }
0x830: {  	v45 =	vmul.f32 v57, v57;
	v6 =	vadd.f32 v7, v6;
	v8 =	vadd.f32 v33, v8  }
0x831: {  	v54 =	vmul.f32 v43, v43;
	v9 =	vadd.f32 v37, v9;
	v5 =	vadd.f32 v38, v5  }
0x832: {  	v57 =	vmul.f32 v36, v36;
	v56 =	vld [tilespmem:$0x1FF30];
	v6 =	vadd.f32 v39, v6;
	v0 =	vadd.f32 v0, v8  }
0x833: {  	v48 =	vmul.f32 v52, v52;
	v58 =	vld [tilespmem:$0x1FF50];
	v7 =	vadd.f32 v41, v9;
	v5 =	vadd.f32 v42, v5  }
0x834: {  	v52 =	vmul.f32 v15, v15;
	v61 =	vld [tilespmem:$0x1FEF0];
	v6 =	vadd.f32 v44, v6;
	v0 =	vadd.f32 v45, v0  }
0x835: {  	v60 =	vld [tilespmem:$0x1FF00];
	v49 =	vmul.f32 v17, v17;
	v7 =	vadd.f32 v46, v7;
	v4 =	vadd.f32 v4, v5  }
0x836: {  	v53 =	vmul.f32 v20, v20;
	v62 =	vld [tilespmem:$0x1FED0];
	v50 =	vadd.f32 v47, v6;
	v0 =	vadd.f32 v48, v0  }
0x837: {  	v8 =	vmul.f32 v56, v56;
	v51 =	vadd.f32 v49, v7;
	v2 =	vadd.f32 v2, v4  }
0x838: {  	v9 =	vmul.f32 v58, v58;
	v5 =	vadd.f32 v52, v50;
	v0 =	vadd.f32 v54, v0  }
0x839: {  	v12 =	vld [tilespmem:$0x1FEB0];
	v6 =	vmul.f32 v61, v61;
	v3 =	vadd.f32 v3, v51;
	v2 =	vadd.f32 v53, v2  }
0x83a: {  	v59 =	vadd.f32 v8, v5;
	v5 =	vmul.f32 v60, v60;
	v0 =	vadd.f32 v57, v0  }
0x83b: {  	v4 =	vmul.f32 v62, v62;
	v3 =	vadd.f32 v9, v3;
	v1 =	vadd.f32 v1, v2  }
0x83c: {  	v55 =	vmul.f32 v35, v35;
	v63 =	vmul.f32 v32, v32;
	v2 =	vadd.f32 v5, v59  }
0x83d: {  	v0 =	vadd.f32 v4, v0;
	v3 =	vadd.f32 v6, v3;
	v13 =	vshra.s32 v1, $0x1  }
0x83e: {  	v6 =	vmul.f32 v12, v12;
	v2 =	vadd.f32 v55, v2;
	v14 =	vadd.s32 $0x1FBD1DF5, v13  }
0x83f: {  	v0 =	vadd.f32 v63, v0;
	(erf) = vrcp.f32 v14  }
0x840: {  	v15 =	vmul.f32 v26, v26;
	v3 =	vadd.f32 v6, v3;
	v7 =	vshra.s32 v2, $0x1  }
0x841: {  	v17 =	vshra.s32 v0, $0x1;
	v16 =	vadd.s32 $0x1FBD1DF5, v7  }
0x842: {  	v6 =	vadd.s32 $0x1FBD1DF5, v17;
	v3 =	vadd.f32 v15, v3;
	(erf) = vrcp.f32 v16  }
0x843: {  	(erf) = vrcp.f32 v6  }
0x844: {  	v18 =	vshra.s32 v3, $0x1  }
0x845: {  	v7 =	vadd.s32 $0x1FBD1DF5, v18  }
0x846: {  	(erf) = vrcp.f32 v7;
	_ =	sdelay $0x1  }
0x847: {  	v19 =	vpop (erf)  }
0x848: {  	v8 =	vmul.f32 v19, v1;
	_ =	sdelay $0x1  }
0x849: {  	v20 =	vpop (erf);
	v4 =	vadd.f32 v14, v8  }
0x84a: {  	v21 =	vmul.f32 v20, v2;
	v22 =	vpop (erf)  }
0x84b: {  	v23 =	vmul.f32 v22, v0;
	v4 =	vmul.f32 $5.000000000e-01, v4  }
0x84c: {  	v5 =	vadd.f32 v16, v21  }
0x84d: {  	v24 =	vpop (erf);
	v6 =	vadd.f32 v6, v23;
	(erf) = vrcp.f32 v4  }
0x84e: {  	v9 =	vmul.f32 v24, v3;
	v5 =	vmul.f32 $5.000000000e-01, v5  }
0x84f: {  	v6 =	vmul.f32 $5.000000000e-01, v6  }
0x850: {  	v7 =	vadd.f32 v7, v9;
	(erf) = vrcp.f32 v5  }
0x851: {  	(erf) = vrcp.f32 v6  }
0x852: {  	v7 =	vmul.f32 $5.000000000e-01, v7;
	_ =	sdelay $0x1  }
0x853: {  	(erf) = vrcp.f32 v7;
	_ =	sdelay $0x1  }
0x854: {  	v25 =	vpop (erf)  }
0x855: {  	v8 =	vmul.f32 v25, v1;
	_ =	sdelay $0x1  }
0x856: {  	v26 =	vpop (erf);
	v4 =	vadd.f32 v8, v4  }
0x857: {  	v27 =	vmul.f32 v26, v2;
	v32 =	vpop (erf)  }
0x858: {  	v33 =	vmul.f32 v32, v0;
	v4 =	vmul.f32 $5.000000000e-01, v4  }
0x859: {  	v5 =	vadd.f32 v27, v5  }
0x85a: {  	v34 =	vpop (erf);
	v6 =	vadd.f32 v33, v6;
	(erf) = vrcp.f32 v4  }
0x85b: {  	v9 =	vmul.f32 v34, v3;
	v5 =	vmul.f32 $5.000000000e-01, v5  }
0x85c: {  	v6 =	vmul.f32 $5.000000000e-01, v6  }
0x85d: {  	v7 =	vadd.f32 v9, v7;
	(erf) = vrcp.f32 v5  }
0x85e: {  	s8 =	sadd.s32 $0x40, s21;
	(erf) = vrcp.f32 v6  }
0x85f: {  	v40 =	vld [tilespmem:s8+$0xFFFFFFF0];
	v7 =	vmul.f32 $5.000000000e-01, v7  }
0x860: {  	s2 =	sadd.s32 $0x40, s17;
	v43 =	vld [tilespmem:s8+$0x0]  }
0x861: {  	v37 =	vld [tilespmem:s2+$0xFFFFFFE0];
	(erf) = vrcp.f32 v7  }
0x862: {  	v38 =	vld [tilespmem:s8+$0xFFFFFFE0]  }
0x863: {  	v41 =	vld [tilespmem:s2+$0x0];
	v39 =	vpop (erf)  }
0x864: {  	v36 =	vld [tilespmem:s2+$0xFFFFFFF0];
	v1 =	vmul.f32 v39, v1;
	_ =	sdelay $0x1  }
0x865: {  	s23 =	sadd.s32 s23, s13;
	s25 =	sadd.s32 $0x40, s22;
	v56 =	vimm.f32 $0.0e+00;
	v44 =	vlaneseq.u32;
	v47 =	vld [tilespmem:$0x1FFA0];
	v42 =	vpop (erf);
	v1 =	vadd.f32 v1, v4  }
0x866: {  	v45 =	vor.u32 s23, v44;
	v46 =	vld [tilespmem:s25+$0xFFFFFFE0];
	v10 =	vadd.f32 v38, v37;
	v2 =	vmul.f32 v42, v2;
	v48 =	vpop (erf)  }
0x867: {  	v35 =	vld [tilespmem:s2+$0x10];
	s2 =	sadd.s32 $0x30, s23;
	v54 =	vadd.f32 v43, v41;
	v0 =	vmul.f32 v48, v0;
	v1 =	vmul.f32 $5.000000000e-01, v1  }
0x868: {  	s26 =	sadd.s32 $0x20, s23;
	v49 =	vld [tilespmem:s8+$0x10];
	v62 =	vor.u32 s2, v44;
	v51 =	vadd.f32 v40, v36;
	v2 =	vadd.f32 v2, v5  }
0x869: {  	v52 =	vld [tilespmem:s25+$0xFFFFFFF0];
	v53 =	vor.u32 s26, v44;
	v50 =	vpop (erf);
	v0 =	vadd.f32 v0, v6;
	v1 =	vsub.f32 v10, v1  }
0x86a: {  	vm0 =	vlt.s32 v45, v47;
	v55 =	vld [tilespmem:s25+$0x0];
	v3 =	vmul.f32 v50, v3;
	v2 =	vmul.f32 $5.000000000e-01, v2  }
0x86b: {  	s30 =	sadd.s32 $0x10, s23;
	v60 =	vld [tilespmem:$0x1FA00];
	v57 =	vsel vm0, $0x3F800000, v56;
	v0 =	vmul.f32 $5.000000000e-01, v0;
	v1 =	vmul.f32 v1, v46  }
0x86c: {  	v59 =	vor.u32 s30, v44;
	v3 =	vadd.f32 v3, v7;
	v2 =	vsub.f32 v51, v2  }
0x86d: {  	v58 =	vld [tilespmem:s25+$0x10];
	vm14 =	vlt.s32 v59, v47;
	v0 =	vsub.f32 v54, v0;
	v1 =	vmul.f32 v1, v57  }
0x86e: {  	v8 =	vadd.f32 v49, v35;
	v3 =	vmul.f32 $5.000000000e-01, v3;
	v2 =	vmul.f32 v2, v52  }
0x86f: {  	vm1 =	vlt.s32 v53, v47;
	v61 =	vsel vm14, $0x3F800000, v56;
	v0 =	vmul.f32 v0, v55  }
0x870: {  	s28 =	sadd.s32 $0x1, s28;
	v3 =	vsub.f32 v8, v3;
	v1 =	vadd.f32 v1, v60;
	v2 =	vmul.f32 v2, v61  }
0x871: {  	p0 =	sne.s32 s28, s29;
	vm15 =	vlt.s32 v62, v47;
	v63 =	vsel vm1, $0x3F800000, v56  }
.Ltmp14:
0x872: {  	v0 =	vmul.f32 v0, v63;
	v1 =	vadd.f32 v2, v1;
	v2 =	vmul.f32 v3, v58;
	(pc) =	sbr.rel @p0 .LBB2_24-.Ltmp14, $4  }
.Ltmp15:
0x873: {  	v3 =	vsel vm15, $0x3F800000, v56;
	(pc) =	sbr.rel @!p0 .LBB2_27-.Ltmp15, $4  }
0x874: {  	v0 =	vadd.f32 v0, v1;
	v1 =	vmul.f32 v2, v3  }
0x875: {  	_ = 	snop  }
0x876: {  	s13 =	sadd.s32 $0x100, s13;
	v30 =	vlaneseq.u32;
	v0 =	vadd.f32 v1, v0  }
0x877: {  	_ = 	snop  }
.LBB2_28:
0x878: {  	_ =	sfence.sel $0x180000  }
0x879: {  	[bflag:$0x0] =	sbarrier.arrive $0xFFFF  }
0x87a: {  	_ =	strace $0x90000047  }
0x87b: {  	s0 =	stileid.u32;
	[bflag:$0x2] =	sbarrier.arrive $0xFFFF  }
0x87c: {  	p0 =	sne.s32 s0, $0x0;
	s0 =	rddreg [dreg:$0x8]  }
0x87d: {  	s0 =	sadd.s32 @!p0 $0x100000, s0  }
0x87e: {  	[sflag:s0] =	ssyncadd.tile.s32 @!p0 $0x1;
	_ =	shalt  }
.Lfunc_end2:
_tile_overlayer_lowered:
.L_overlay_start_2:
0x87f: {  	(tag) =	ssettag $0x2  }
0x880: {  	s0 =	rddreg [dreg:$0x0];
	s2 =	stileid.u32  }
0x881: {  	s1 =	rddreg [dreg:$0x1];
	p0 =	sne.s32 s2, $0x0  }
0x882: {  	s3 =	rddreg [dreg:$0x2];
	[bflag:$0x3] =	sbarrier.arrive $0xFFFF;
	s2 =	simm.s32 @!p0 $0x1C04  }
0x883: {  	[timem:s3], [sflag:s2] =	dma.local @!p0 [hbm:s0], s1  }
0x884: {  	s0 =	simm.s32 @!p0 $0x4  }
0x885: {  	_ =	swait.ge @!p0 [sflag:s0], s1  }
0x886: {  	s1 =	ssub.s32 @!p0 $0x0, s1;
	[sflag:s0] =	ssyncset.done @!p0 $0x0  }
0x887: {  	[sflag:s0] =	ssyncadd.s32 @!p0 s1  }
0x888: {  	[bflag:$0x3] =	sbarrier.arrive $0xFFFF  }
0x889: {  	_ =	shalt  }

</sc_bundles>
